<compile_context>
chip_gen: v7x
topology: tpu7x:2x2x1
jax: 0.10.2.dev20260603
libtpu: 0.0.44.dev20260713+nightly
codegen_flags: <defaults>
</compile_context>

<pallas_src>
import functools
import jax
import jax.numpy as jnp
from jax import lax
from jax.experimental import pallas as pl
from jax.experimental.pallas import tpu as pltpu
from jax.experimental.pallas import tpu_sc as plsc

N_NODE = 100000
D = 100
B = 128
L = 20
N = B * L
K = 12
SB = 16
RB = SB * L
GRID_BC = B // SB
VB = 2048
GRID_D = (N_NODE + VB - 1) // VB


def _leaky(v, s):
    return jnp.where(v >= 0, v, s * v)


NIDX = N + N * K
NW = 32
IPW = NIDX // NW
_GCH = (128,) * 8 + (16,)


def _sc_gather_body(idx_hbm, emb_hbm, out_hbm, idx_v, rows_v, sem):
    wid = lax.axis_index("s") * 2 + lax.axis_index("c")
    base = wid * IPW
    pltpu.sync_copy(idx_hbm.at[pl.ds(base, IPW)], idx_v)
    copies = []
    off = 0
    for ch in _GCH:
        copies.append(pltpu.async_copy(
            emb_hbm.at[idx_v.at[pl.ds(off, ch)]],
            rows_v.at[pl.ds(off, ch)], sem))
        off += ch
    for c in copies:
        c.wait()
    pltpu.sync_copy(rows_v, out_hbm.at[pl.ds(base, IPW)])


def _run_sc_gather(idx, emb):
    f = pl.kernel(
        _sc_gather_body,
        out_type=jax.ShapeDtypeStruct((NIDX, D), jnp.float32),
        mesh=plsc.VectorSubcoreMesh(core_axis_name="c", subcore_axis_name="s"),
        scratch_types=[
            pltpu.VMEM((IPW,), jnp.int32),
            pltpu.VMEM((IPW, D), jnp.float32),
            pltpu.SemaphoreType.DMA,
        ],
        compiler_params=pltpu.CompilerParams(use_tc_tiling_on_sc=False),
    )
    return f(idx, emb)


E = 4 * N + N
EPT = E // 16
T2 = N * N
HALF = T2 // 2
_SELROWS = (2 * EPT + 127) // 128 + 1
_ZB = 8192
_ZPT = HALF // 16


def _sc_mask_body(e0_hbm, e1_hbm, out_hbm, u_v, v_v, sel_v, ones_v, zer_v,
                  zsem, ssem):
    c = lax.axis_index("c")
    s = lax.axis_index("s")
    zero16 = jnp.zeros((16,), jnp.float32)

    def _fill(j, _):
        zer_v[pl.ds(j * 16, 16)] = zero16
        return 0

    lax.fori_loop(0, _ZB // 16, _fill, 0)
    for j in range(128 // 16):
        ones_v[pl.ds(j * 16, 16)] = zero16 + 1.0

    zoff = c * HALF + s * _ZPT
    zcopies = [
        pltpu.async_copy(zer_v, out_hbm.at[pl.ds(zoff + k * _ZB, _ZB)], zsem)
        for k in range(_ZPT // _ZB)
    ]

    pltpu.sync_copy(e0_hbm.at[pl.ds(s * EPT, EPT)], u_v)
    pltpu.sync_copy(e1_hbm.at[pl.ds(s * EPT, EPT)], v_v)
    lo = c * HALF
    safe = c * (1280 * (N + 1))
    for t in range(EPT // 16):
        ul = u_v[pl.ds(t * 16, 16)]
        vl = v_v[pl.ds(t * 16, 16)]
        f0 = ul * N + vl
        f1 = vl * N + ul
        s0 = jnp.where((f0 >= lo) & (f0 < lo + HALF), f0, safe)
        s1 = jnp.where((f1 >= lo) & (f1 < lo + HALF), f1, safe)
        p0 = t * 16
        p1 = 2 * EPT + t * 16
        sel_v[p0 // 128, pl.ds(p0 % 128, 16)] = s0
        sel_v[p1 // 128, pl.ds(p1 % 128, 16)] = s1
    for t in range(2 * EPT // 16, _SELROWS * 8):
        p = t * 16
        sel_v[p // 128, pl.ds(p % 128, 16)] = jnp.zeros((16,), jnp.int32) + safe

    for zc in zcopies:
        zc.wait()
    plsc.subcore_barrier()

    scopies = [pltpu.async_copy(ones_v, out_hbm.at[sel_v.at[j]], ssem)
               for j in range(_SELROWS)]
    for sc_ in scopies:
        sc_.wait()


def _run_sc_mask(e0, e1):
    f = pl.kernel(
        _sc_mask_body,
        out_type=jax.ShapeDtypeStruct((T2,), jnp.float32),
        mesh=plsc.VectorSubcoreMesh(core_axis_name="c", subcore_axis_name="s"),
        scratch_types=[
            pltpu.VMEM((EPT,), jnp.int32),
            pltpu.VMEM((EPT,), jnp.int32),
            pltpu.VMEM((_SELROWS, 128), jnp.int32),
            pltpu.VMEM((128,), jnp.float32),
            pltpu.VMEM((_ZB,), jnp.float32),
            pltpu.SemaphoreType.DMA,
            pltpu.SemaphoreType.DMA,
        ],
    )
    return f(e0, e1)


def _global_body(x_ref, nw_ref, nb_ref, hid_ref, w1_ref, b1_ref, q1_ref,
                 w2_ref, b2_ref, out_ref):
    xb = x_ref[...].astype(jnp.float32)
    s_mean = jnp.mean(xb, axis=1)
    w_soft = jax.nn.softmax(nw_ref[...], axis=-1)
    nb = nb_ref[...].reshape(SB, L, K, D)
    sh = s_mean[:, None, None, None] * nb
    feat = jnp.concatenate([sh, w_soft[..., None]], axis=-1)
    a = jnp.dot(feat.reshape(SB * L * K, D + 1), w1_ref[...],
                preferred_element_type=jnp.float32) + b1_ref[...]
    a = _leaky(a, 0.01)
    a = jnp.dot(a, q1_ref[...], preferred_element_type=jnp.float32)
    a = a.reshape(SB, L, K)
    alpha = jax.nn.softmax(a, axis=-1)
    h_n = jnp.sum(alpha[..., None] * nb, axis=2)
    hcat = jnp.concatenate([hid_ref[...], h_n.reshape(RB, D)], axis=1)
    hg = jnp.dot(hcat, w2_ref[...], preferred_element_type=jnp.float32)
    out_ref[...] = jnp.maximum(hg + b2_ref[...], 0.0)


def _run_global(x2d, neighbor_w, nbflat, hidden, W1, b1, q1, W2, b2):
    full = lambda shp: pl.BlockSpec(shp, lambda i: (0,) * len(shp))
    return pl.pallas_call(
        _global_body,
        grid=(GRID_BC,),
        in_specs=[
            pl.BlockSpec((SB, L), lambda i: (i, 0)),
            pl.BlockSpec((SB, L, K), lambda i: (i, 0, 0)),
            pl.BlockSpec((RB * K, D), lambda i: (i, 0)),
            pl.BlockSpec((RB, D), lambda i: (i, 0)),
            full((D + 1, D + 1)),
            full((1, D + 1)),
            full((D + 1, 1)),
            full((2 * D, D)),
            full((1, D)),
        ],
        out_specs=pl.BlockSpec((RB, D), lambda i: (i, 0)),
        out_shape=jax.ShapeDtypeStruct((N, D), jnp.float32),
    )(x2d, neighbor_w, nbflat, hidden, W1, b1.reshape(1, D + 1),
      q1.reshape(D + 1, 1), W2, b2.reshape(1, D))


def _local_body(hid_ref, hblk_ref, hg_ref, mask_ref, av_ref, pos_ref,
                w3_ref, b3_ref, w4_ref, w5_ref, b5_ref, q2_ref, out_ref):
    hid = hid_ref[...]
    hblk = hblk_ref[...]
    q = hblk * av_ref[...]
    pre = lax.dot_general(q, hid, (((1,), (1,)), ((), ())),
                          preferred_element_type=jnp.float32)
    e = _leaky(pre, 0.2)
    m = mask_ref[...] > 0.0
    e = jnp.where(m, e, -1e30)
    emax = jnp.max(e, axis=1, keepdims=True)
    ex = jnp.exp(e - emax)
    ex = jnp.where(m, ex, 0.0)
    att = ex / jnp.sum(ex, axis=1, keepdims=True)
    h = jnp.dot(att, hid, preferred_element_type=jnp.float32) + hg_ref[...]
    pos_rep = jnp.broadcast_to(pos_ref[...][:, None, :], (SB, L, D))
    pos_rep = pos_rep.reshape(RB, D)
    z = jnp.tanh(
        jnp.dot(jnp.concatenate([h, pos_rep], axis=1), w3_ref[...],
                preferred_element_type=jnp.float32) + b3_ref[...])
    s_sess = jnp.mean(h.reshape(SB, L, D), axis=1)
    s_rep = jnp.broadcast_to(s_sess[:, None, :], (SB, L, D)).reshape(RB, D)
    gate = jax.nn.sigmoid(
        jnp.dot(z, w4_ref[...], preferred_element_type=jnp.float32)
        + jnp.dot(s_rep, w5_ref[...], preferred_element_type=jnp.float32)
        + b5_ref[...])
    beta = jnp.dot(gate, q2_ref[...], preferred_element_type=jnp.float32)
    out_ref[...] = jnp.sum((beta * h).reshape(SB, L, D), axis=1)


def _run_local(hidden, h_global, mask, a_vec, pos, W3, b3, W4, W5, b5, q2):
    full = lambda shp: pl.BlockSpec(shp, lambda i: (0,) * len(shp))
    return pl.pallas_call(
        _local_body,
        grid=(GRID_BC,),
        in_specs=[
            full((N, D)),
            pl.BlockSpec((RB, D), lambda i: (i, 0)),
            pl.BlockSpec((RB, D), lambda i: (i, 0)),
            pl.BlockSpec((RB, N), lambda i: (i, 0)),
            full((1, D)),
            pl.BlockSpec((SB, D), lambda i: (i, 0)),
            full((2 * D, D)),
            full((1, D)),
            full((D, D)),
            full((D, D)),
            full((1, D)),
            full((D, 1)),
        ],
        out_specs=pl.BlockSpec((SB, D), lambda i: (i, 0)),
        out_shape=jax.ShapeDtypeStruct((B, D), jnp.float32),
    )(hidden, hidden, h_global, mask, a_vec.reshape(1, D), pos[:B],
      W3, b3.reshape(1, D), W4, W5, b5.reshape(1, D), q2.reshape(D, 1))


def _scores_body(s_ref, emb_ref, out_ref):
    out_ref[...] = lax.dot_general(
        s_ref[...], emb_ref[...], (((1,), (1,)), ((), ())),
        preferred_element_type=jnp.float32)


def _run_scores(S, emb):
    return pl.pallas_call(
        _scores_body,
        grid=(GRID_D,),
        in_specs=[
            pl.BlockSpec((B, D), lambda i: (0, 0)),
            pl.BlockSpec((VB, D), lambda i: (i, 0)),
        ],
        out_specs=pl.BlockSpec((B, VB), lambda i: (0, i)),
        out_shape=jax.ShapeDtypeStruct((B, N_NODE), jnp.float32),
    )(S, emb)


def kernel(x, edge_index, neighbor_ids, neighbor_w, emb, pos, W1, b1, q1,
           W2, b2, W3, b3, q2, W4, W5, b5, a_vec):
    idx = jnp.concatenate([x.astype(jnp.int32),
                           neighbor_ids.reshape(-1).astype(jnp.int32)])
    rows = _run_sc_gather(idx, emb)
    hidden = rows[:N]
    nbflat = rows[N:]
    ei = edge_index.astype(jnp.int32)
    mask = _run_sc_mask(ei[0], ei[1]).reshape(N, N)

    h_global = _run_global(x.reshape(B, L), neighbor_w, nbflat, hidden,
                           W1, b1, q1, W2, b2)
    S = _run_local(hidden, h_global, mask, a_vec, pos, W3, b3, W4, W5, b5, q2)
    return _run_scores(S, emb)

# --- scband reference (transcript-rebuilt; emitter-appended) ---
"""Pipeline reference for scband-gce-gnn-26104811225296 (READ-ONLY COPY).

The authoritative reference and input builder live on the scoring server;
editing this copy changes nothing except your own understanding.
"""

import jax, jax.numpy as jnp
import numpy as np

N_NODE = 100000
D = 100
B = 128
L = 20
N = B * L
K = 12
LRELU_PAI = 0.01
LRELU_LOCAL = 0.2


def _leaky(v, s):
    return jnp.where(v >= 0, v, s * v)


def setup_inputs(seed: int = 0) -> dict:
    key = jax.random.key(seed)
    ks = jax.random.split(key, 20)
    x = jax.random.randint(ks[0], (N,), 0, N_NODE)
    e_rand = jax.random.randint(ks[1], (2, 4 * N), 0, N)
    loops = jnp.stack([jnp.arange(N), jnp.arange(N)]).astype(e_rand.dtype)
    edge_index = jnp.concatenate([e_rand, loops], axis=1)  # [2, 12800]
    neighbor_ids = jax.random.randint(ks[2], (B, L, K), 0, N_NODE)
    neighbor_w = jax.random.uniform(ks[3], (B, L, K), dtype=jnp.float32)
    stdv = 1.0 / np.sqrt(D)
    u = lambda k, shp: jax.random.uniform(k, shp, minval=-stdv, maxval=stdv, dtype=jnp.float32)
    return dict(
        x=x, edge_index=edge_index, neighbor_ids=neighbor_ids, neighbor_w=neighbor_w,
        emb=u(ks[4], (N_NODE, D)), pos=u(ks[5], (200, D)),
        W1=u(ks[6], (D + 1, D + 1)), b1=u(ks[7], (D + 1,)), q1=u(ks[8], (D + 1,)),
        W2=u(ks[9], (2 * D, D)), b2=u(ks[10], (D,)),
        W3=u(ks[11], (2 * D, D)), b3=u(ks[12], (D,)), q2=u(ks[13], (D,)),
        W4=u(ks[14], (D, D)), W5=u(ks[15], (D, D)), b5=u(ks[16], (D,)),
        a_vec=u(ks[17], (D,)),
    )


def reference(x, edge_index, neighbor_ids, neighbor_w, emb, pos, W1, b1, q1, W2, b2, W3, b3, q2, W4, W5, b5, a_vec):
    hidden = emb[x]  # [N, D] embedding lookup
    # ---- global aggregator (pai attention over 12 global neighbors per item) ----
    w_soft = jax.nn.softmax(neighbor_w, axis=-1)  # softmax over each item's neighbor weights
    nb = emb[neighbor_ids]  # [B, L, K, D]
    s_mean = jnp.mean(x.reshape(B, L).astype(jnp.float32), axis=1)  # session mean of item ids (as in torch code)
    sh = s_mean[:, None, None, None] * nb  # s * h broadcast
    feat = jnp.concatenate([sh, w_soft[..., None]], axis=-1)  # [B, L, K, D+1]
    a = _leaky(feat @ W1 + b1, LRELU_PAI) @ q1  # [B, L, K]
    alpha_g = jax.nn.softmax(a, axis=-1)  # per-item softmax over its K neighbors
    h_n = jnp.sum(alpha_g[..., None] * nb, axis=2).reshape(N, D)
    h_global = jax.nn.relu(jnp.concatenate([hidden, h_n], axis=1) @ W2 + b2)
    # ---- local session aggregator (union of in/out neighbors, GAT-like softmax) ----
    A = jnp.zeros((N, N), dtype=jnp.float32).at[edge_index[0], edge_index[1]].add(1.0)
    mask = (A + A.T) > 0  # unique union of out- and in-neighbors
    pre = (hidden * a_vec) @ hidden.T  # pre[i, j] = a(h_j * h_i)
    e = _leaky(pre, LRELU_LOCAL)
    e = jnp.where(mask, e, -jnp.inf)
    att = jax.nn.softmax(e, axis=1)
    att = jnp.where(mask, att, 0.0)
    h_local = att @ hidden
    h = h_local + h_global  # dropout is identity in eval mode
    # ---- compute_scores ----
    pos_rep = jnp.repeat(pos[:B], L, axis=0)  # session-level pos emb repeated per item
    z = jnp.tanh(jnp.concatenate([h, pos_rep], axis=1) @ W3 + b3)
    s_sess = jnp.mean(h.reshape(B, L, D), axis=1)
    s_rep = jnp.repeat(s_sess, L, axis=0)
    beta = (jax.nn.sigmoid(z @ W4 + (s_rep @ W5 + b5)) @ q2)[:, None]
    S = jnp.sum((beta * h).reshape(B, L, D), axis=1)  # [B, D]
    scores = S @ emb.T  # [B, N_NODE]
    return scores

if __name__ == "__main__":
    import jax
    _d = setup_inputs()
    print(jax.jit(kernel)(*tuple(_d.values())))

</pallas_src>

<mosaic_0001>
#map = affine_map<(d0, d1) -> (0)>
module attributes {stable_mosaic.version = 14 : i64} {
  func.func @_sc_mask_body(%arg0: i32, %arg1: i32, %arg2: memref<12800xi32, #tpu.memory_space<hbm>>, %arg3: memref<12800xi32, #tpu.memory_space<hbm>>, %arg4: memref<6553600xf32, #tpu.memory_space<hbm>>, %arg5: memref<800xi32, #tpu.memory_space<vmem>>, %arg6: memref<800xi32, #tpu.memory_space<vmem>>, %arg7: memref<14x128xi32, #tpu.memory_space<vmem>>, %arg8: memref<128xf32, #tpu.memory_space<vmem>>, %arg9: memref<8192xf32, #tpu.memory_space<vmem>>, %arg10: memref<!tpu.dma_semaphore, #tpu.memory_space<semaphore_mem>>, %arg11: memref<!tpu.dma_semaphore, #tpu.memory_space<semaphore_mem>>) attributes {dimension_semantics = [#tpu.dimension_semantics<core_parallel>, #tpu.dimension_semantics<subcore_parallel>], iteration_bounds = array<i64: 2, 16>, scalar_prefetch = 0 : i64, scratch_operands = 7 : i64, tpu.core_type = #tpu.core_type<sc_vector_subcore>, window_params = [{transform_indices = #map}, {transform_indices = #map}, {transform_indices = #map}]} {
    %broadcast_in_dim3A = arith.constant 0.000000e+00 : f32
    %broadcast_in_dim3A_0 = vector.broadcast %broadcast_in_dim3A : f32 to vector<16xf32>
    %scan3A = arith.constant 0 : i32
    %scan3A_1 = arith.constant 0 : i32
    %scan3A_2 = arith.constant 512 : i32
    %scan3A_3 = arith.addi %scan3A_1, %scan3A_2 : i32
    %scan3A_4 = arith.constant 1 : i32
    %scan3A_5 = scf.for %scan3A_2704 = %scan3A_1 to %scan3A_3 step %scan3A_4 iter_args(%scan3A_2705 = %scan3A) -> (i32)  : i32 {
      %mul3A_2706 = arith.constant 16 : i32
      %mul3A_2707 = arith.muli %scan3A_2704, %mul3A_2706 : i32
      %swap3A_2708 = arith.index_cast %mul3A_2707 : i32 to index
      %swap3A_2709 = tpu.vector_load %arg9[%swap3A_2708] {strides = array<i32>} : memref<8192xf32, #tpu.memory_space<vmem>>, vector<16xf32>,
      %swap3A_2710 = vector.shape_cast %swap3A_2709 : vector<16xf32> to vector<16xf32>
      %swap3A_2711 = vector.shape_cast %broadcast_in_dim3A_0 : vector<16xf32> to vector<16xf32>
      tpu.vector_store %arg9[%swap3A_2708], %swap3A_2711 {strides = array<i32>} : memref<8192xf32, #tpu.memory_space<vmem>>, vector<16xf32>,
      %scan3A_2712 = arith.constant 0 : i32
      scf.yield %scan3A_2712 : i32
    }
    %scan3A_6 = arith.constant 512 : i32
    %add3A = arith.constant 1.000000e+00 : f32
    %add3A_7 = vector.broadcast %add3A : f32 to vector<16xf32>
    %add3A_8 = arith.addf %broadcast_in_dim3A_0, %add3A_7 : vector<16xf32>
    %swap3A = arith.constant 0 : index
    %swap3A_9 = tpu.vector_load %arg8[%swap3A] {strides = array<i32>} : memref<128xf32, #tpu.memory_space<vmem>>, vector<16xf32>,
    %swap3A_10 = vector.shape_cast %swap3A_9 : vector<16xf32> to vector<16xf32>
    %swap3A_11 = vector.shape_cast %add3A_8 : vector<16xf32> to vector<16xf32>
    tpu.vector_store %arg8[%swap3A], %swap3A_11 {strides = array<i32>} : memref<128xf32, #tpu.memory_space<vmem>>, vector<16xf32>,
    %add3A_12 = arith.constant 1.000000e+00 : f32
    %add3A_13 = vector.broadcast %add3A_12 : f32 to vector<16xf32>
    %add3A_14 = arith.addf %broadcast_in_dim3A_0, %add3A_13 : vector<16xf32>
    %swap3A_15 = arith.constant 16 : index
    %swap3A_16 = tpu.vector_load %arg8[%swap3A_15] {strides = array<i32>} : memref<128xf32, #tpu.memory_space<vmem>>, vector<16xf32>,
    %swap3A_17 = vector.shape_cast %swap3A_16 : vector<16xf32> to vector<16xf32>
    %swap3A_18 = vector.shape_cast %add3A_14 : vector<16xf32> to vector<16xf32>
    tpu.vector_store %arg8[%swap3A_15], %swap3A_18 {strides = array<i32>} : memref<128xf32, #tpu.memory_space<vmem>>, vector<16xf32>,
    %add3A_19 = arith.constant 1.000000e+00 : f32
    %add3A_20 = vector.broadcast %add3A_19 : f32 to vector<16xf32>
    %add3A_21 = arith.addf %broadcast_in_dim3A_0, %add3A_20 : vector<16xf32>
    %swap3A_22 = arith.constant 32 : index
    %swap3A_23 = tpu.vector_load %arg8[%swap3A_22] {strides = array<i32>} : memref<128xf32, #tpu.memory_space<vmem>>, vector<16xf32>,
    %swap3A_24 = vector.shape_cast %swap3A_23 : vector<16xf32> to vector<16xf32>
    %swap3A_25 = vector.shape_cast %add3A_21 : vector<16xf32> to vector<16xf32>
    tpu.vector_store %arg8[%swap3A_22], %swap3A_25 {strides = array<i32>} : memref<128xf32, #tpu.memory_space<vmem>>, vector<16xf32>,
    %add3A_26 = arith.constant 1.000000e+00 : f32
    %add3A_27 = vector.broadcast %add3A_26 : f32 to vector<16xf32>
    %add3A_28 = arith.addf %broadcast_in_dim3A_0, %add3A_27 : vector<16xf32>
    %swap3A_29 = arith.constant 48 : index
    %swap3A_30 = tpu.vector_load %arg8[%swap3A_29] {strides = array<i32>} : memref<128xf32, #tpu.memory_space<vmem>>, vector<16xf32>,
    %swap3A_31 = vector.shape_cast %swap3A_30 : vector<16xf32> to vector<16xf32>
    %swap3A_32 = vector.shape_cast %add3A_28 : vector<16xf32> to vector<16xf32>
    tpu.vector_store %arg8[%swap3A_29], %swap3A_32 {strides = array<i32>} : memref<128xf32, #tpu.memory_space<vmem>>, vector<16xf32>,
    %add3A_33 = arith.constant 1.000000e+00 : f32
    %add3A_34 = vector.broadcast %add3A_33 : f32 to vector<16xf32>
    %add3A_35 = arith.addf %broadcast_in_dim3A_0, %add3A_34 : vector<16xf32>
    %swap3A_36 = arith.constant 64 : index
    %swap3A_37 = tpu.vector_load %arg8[%swap3A_36] {strides = array<i32>} : memref<128xf32, #tpu.memory_space<vmem>>, vector<16xf32>,
    %swap3A_38 = vector.shape_cast %swap3A_37 : vector<16xf32> to vector<16xf32>
    %swap3A_39 = vector.shape_cast %add3A_35 : vector<16xf32> to vector<16xf32>
    tpu.vector_store %arg8[%swap3A_36], %swap3A_39 {strides = array<i32>} : memref<128xf32, #tpu.memory_space<vmem>>, vector<16xf32>,
    %add3A_40 = arith.constant 1.000000e+00 : f32
    %add3A_41 = vector.broadcast %add3A_40 : f32 to vector<16xf32>
    %add3A_42 = arith.addf %broadcast_in_dim3A_0, %add3A_41 : vector<16xf32>
    %swap3A_43 = arith.constant 80 : index
    %swap3A_44 = tpu.vector_load %arg8[%swap3A_43] {strides = array<i32>} : memref<128xf32, #tpu.memory_space<vmem>>, vector<16xf32>,
    %swap3A_45 = vector.shape_cast %swap3A_44 : vector<16xf32> to vector<16xf32>
    %swap3A_46 = vector.shape_cast %add3A_42 : vector<16xf32> to vector<16xf32>
    tpu.vector_store %arg8[%swap3A_43], %swap3A_46 {strides = array<i32>} : memref<128xf32, #tpu.memory_space<vmem>>, vector<16xf32>,
    %add3A_47 = arith.constant 1.000000e+00 : f32
    %add3A_48 = vector.broadcast %add3A_47 : f32 to vector<16xf32>
    %add3A_49 = arith.addf %broadcast_in_dim3A_0, %add3A_48 : vector<16xf32>
    %swap3A_50 = arith.constant 96 : index
    %swap3A_51 = tpu.vector_load %arg8[%swap3A_50] {strides = array<i32>} : memref<128xf32, #tpu.memory_space<vmem>>, vector<16xf32>,
    %swap3A_52 = vector.shape_cast %swap3A_51 : vector<16xf32> to vector<16xf32>
    %swap3A_53 = vector.shape_cast %add3A_49 : vector<16xf32> to vector<16xf32>
    tpu.vector_store %arg8[%swap3A_50], %swap3A_53 {strides = array<i32>} : memref<128xf32, #tpu.memory_space<vmem>>, vector<16xf32>,
    %add3A_54 = arith.constant 1.000000e+00 : f32
    %add3A_55 = vector.broadcast %add3A_54 : f32 to vector<16xf32>
    %add3A_56 = arith.addf %broadcast_in_dim3A_0, %add3A_55 : vector<16xf32>
    %swap3A_57 = arith.constant 112 : index
    %swap3A_58 = tpu.vector_load %arg8[%swap3A_57] {strides = array<i32>} : memref<128xf32, #tpu.memory_space<vmem>>, vector<16xf32>,
    %swap3A_59 = vector.shape_cast %swap3A_58 : vector<16xf32> to vector<16xf32>
    %swap3A_60 = vector.shape_cast %add3A_56 : vector<16xf32> to vector<16xf32>
    tpu.vector_store %arg8[%swap3A_57], %swap3A_60 {strides = array<i32>} : memref<128xf32, #tpu.memory_space<vmem>>, vector<16xf32>,
    %mul3A = arith.constant 3276800 : i32
    %mul3A_61 = arith.muli %arg0, %mul3A : i32
    %mul3A_62 = arith.constant 204800 : i32
    %mul3A_63 = arith.muli %arg1, %mul3A_62 : i32
    %add3A_64 = arith.addi %mul3A_61, %mul3A_63 : i32
    %add3A_65 = arith.constant 0 : i32
    %add3A_66 = arith.addi %add3A_64, %add3A_65 : i32
    %dma_start3A = tpu.memref_slice %arg4[%add3A_66] : memref<6553600xf32, #tpu.memory_space<hbm>> -> memref<8192xf32, #tpu.memory_space<hbm>>
    %dma_start3A_67 = tpu.memref_slice %arg4[%add3A_66] : memref<6553600xf32, #tpu.memory_space<hbm>> -> memref<8192xf32, #tpu.memory_space<hbm>>
    tpu.enqueue_dma source(%arg9 : memref<8192xf32, #tpu.memory_space<vmem>>) target(%dma_start3A_67 : memref<8192xf32, #tpu.memory_space<hbm>>) target_semaphore(%arg10 : memref<!tpu.dma_semaphore, #tpu.memory_space<semaphore_mem>>)
    %add3A_68 = arith.constant 8192 : i32
    %add3A_69 = arith.addi %add3A_64, %add3A_68 : i32
    %dma_start3A_70 = tpu.memref_slice %arg4[%add3A_69] : memref<6553600xf32, #tpu.memory_space<hbm>> -> memref<8192xf32, #tpu.memory_space<hbm>>
    %dma_start3A_71 = tpu.memref_slice %arg4[%add3A_69] : memref<6553600xf32, #tpu.memory_space<hbm>> -> memref<8192xf32, #tpu.memory_space<hbm>>
    tpu.enqueue_dma source(%arg9 : memref<8192xf32, #tpu.memory_space<vmem>>) target(%dma_start3A_71 : memref<8192xf32, #tpu.memory_space<hbm>>) target_semaphore(%arg10 : memref<!tpu.dma_semaphore, #tpu.memory_space<semaphore_mem>>)
    %add3A_72 = arith.constant 16384 : i32
    %add3A_73 = arith.addi %add3A_64, %add3A_72 : i32
    %dma_start3A_74 = tpu.memref_slice %arg4[%add3A_73] : memref<6553600xf32, #tpu.memory_space<hbm>> -> memref<8192xf32, #tpu.memory_space<hbm>>
    %dma_start3A_75 = tpu.memref_slice %arg4[%add3A_73] : memref<6553600xf32, #tpu.memory_space<hbm>> -> memref<8192xf32, #tpu.memory_space<hbm>>
    tpu.enqueue_dma source(%arg9 : memref<8192xf32, #tpu.memory_space<vmem>>) target(%dma_start3A_75 : memref<8192xf32, #tpu.memory_space<hbm>>) target_semaphore(%arg10 : memref<!tpu.dma_semaphore, #tpu.memory_space<semaphore_mem>>)
    %add3A_76 = arith.constant 24576 : i32
    %add3A_77 = arith.addi %add3A_64, %add3A_76 : i32
    %dma_start3A_78 = tpu.memref_slice %arg4[%add3A_77] : memref<6553600xf32, #tpu.memory_space<hbm>> -> memref<8192xf32, #tpu.memory_space<hbm>>
    %dma_start3A_79 = tpu.memref_slice %arg4[%add3A_77] : memref<6553600xf32, #tpu.memory_space<hbm>> -> memref<8192xf32, #tpu.memory_space<hbm>>
    tpu.enqueue_dma source(%arg9 : memref<8192xf32, #tpu.memory_space<vmem>>) target(%dma_start3A_79 : memref<8192xf32, #tpu.memory_space<hbm>>) target_semaphore(%arg10 : memref<!tpu.dma_semaphore, #tpu.memory_space<semaphore_mem>>)
    %add3A_80 = arith.constant 32768 : i32
    %add3A_81 = arith.addi %add3A_64, %add3A_80 : i32
    %dma_start3A_82 = tpu.memref_slice %arg4[%add3A_81] : memref<6553600xf32, #tpu.memory_space<hbm>> -> memref<8192xf32, #tpu.memory_space<hbm>>
    %dma_start3A_83 = tpu.memref_slice %arg4[%add3A_81] : memref<6553600xf32, #tpu.memory_space<hbm>> -> memref<8192xf32, #tpu.memory_space<hbm>>
    tpu.enqueue_dma source(%arg9 : memref<8192xf32, #tpu.memory_space<vmem>>) target(%dma_start3A_83 : memref<8192xf32, #tpu.memory_space<hbm>>) target_semaphore(%arg10 : memref<!tpu.dma_semaphore, #tpu.memory_space<semaphore_mem>>)
    %add3A_84 = arith.constant 40960 : i32
    %add3A_85 = arith.addi %add3A_64, %add3A_84 : i32
    %dma_start3A_86 = tpu.memref_slice %arg4[%add3A_85] : memref<6553600xf32, #tpu.memory_space<hbm>> -> memref<8192xf32, #tpu.memory_space<hbm>>
    %dma_start3A_87 = tpu.memref_slice %arg4[%add3A_85] : memref<6553600xf32, #tpu.memory_space<hbm>> -> memref<8192xf32, #tpu.memory_space<hbm>>
    tpu.enqueue_dma source(%arg9 : memref<8192xf32, #tpu.memory_space<vmem>>) target(%dma_start3A_87 : memref<8192xf32, #tpu.memory_space<hbm>>) target_semaphore(%arg10 : memref<!tpu.dma_semaphore, #tpu.memory_space<semaphore_mem>>)
    %add3A_88 = arith.constant 49152 : i32
    %add3A_89 = arith.addi %add3A_64, %add3A_88 : i32
    %dma_start3A_90 = tpu.memref_slice %arg4[%add3A_89] : memref<6553600xf32, #tpu.memory_space<hbm>> -> memref<8192xf32, #tpu.memory_space<hbm>>
    %dma_start3A_91 = tpu.memref_slice %arg4[%add3A_89] : memref<6553600xf32, #tpu.memory_space<hbm>> -> memref<8192xf32, #tpu.memory_space<hbm>>
    tpu.enqueue_dma source(%arg9 : memref<8192xf32, #tpu.memory_space<vmem>>) target(%dma_start3A_91 : memref<8192xf32, #tpu.memory_space<hbm>>) target_semaphore(%arg10 : memref<!tpu.dma_semaphore, #tpu.memory_space<semaphore_mem>>)
    %add3A_92 = arith.constant 57344 : i32
    %add3A_93 = arith.addi %add3A_64, %add3A_92 : i32
    %dma_start3A_94 = tpu.memref_slice %arg4[%add3A_93] : memref<6553600xf32, #tpu.memory_space<hbm>> -> memref<8192xf32, #tpu.memory_space<hbm>>
    %dma_start3A_95 = tpu.memref_slice %arg4[%add3A_93] : memref<6553600xf32, #tpu.memory_space<hbm>> -> memref<8192xf32, #tpu.memory_space<hbm>>
    tpu.enqueue_dma source(%arg9 : memref<8192xf32, #tpu.memory_space<vmem>>) target(%dma_start3A_95 : memref<8192xf32, #tpu.memory_space<hbm>>) target_semaphore(%arg10 : memref<!tpu.dma_semaphore, #tpu.memory_space<semaphore_mem>>)
    %add3A_96 = arith.constant 65536 : i32
    %add3A_97 = arith.addi %add3A_64, %add3A_96 : i32
    %dma_start3A_98 = tpu.memref_slice %arg4[%add3A_97] : memref<6553600xf32, #tpu.memory_space<hbm>> -> memref<8192xf32, #tpu.memory_space<hbm>>
    %dma_start3A_99 = tpu.memref_slice %arg4[%add3A_97] : memref<6553600xf32, #tpu.memory_space<hbm>> -> memref<8192xf32, #tpu.memory_space<hbm>>
    tpu.enqueue_dma source(%arg9 : memref<8192xf32, #tpu.memory_space<vmem>>) target(%dma_start3A_99 : memref<8192xf32, #tpu.memory_space<hbm>>) target_semaphore(%arg10 : memref<!tpu.dma_semaphore, #tpu.memory_space<semaphore_mem>>)
    %add3A_100 = arith.constant 73728 : i32
    %add3A_101 = arith.addi %add3A_64, %add3A_100 : i32
    %dma_start3A_102 = tpu.memref_slice %arg4[%add3A_101] : memref<6553600xf32, #tpu.memory_space<hbm>> -> memref<8192xf32, #tpu.memory_space<hbm>>
    %dma_start3A_103 = tpu.memref_slice %arg4[%add3A_101] : memref<6553600xf32, #tpu.memory_space<hbm>> -> memref<8192xf32, #tpu.memory_space<hbm>>
    tpu.enqueue_dma source(%arg9 : memref<8192xf32, #tpu.memory_space<vmem>>) target(%dma_start3A_103 : memref<8192xf32, #tpu.memory_space<hbm>>) target_semaphore(%arg10 : memref<!tpu.dma_semaphore, #tpu.memory_space<semaphore_mem>>)
    %add3A_104 = arith.constant 81920 : i32
    %add3A_105 = arith.addi %add3A_64, %add3A_104 : i32
    %dma_start3A_106 = tpu.memref_slice %arg4[%add3A_105] : memref<6553600xf32, #tpu.memory_space<hbm>> -> memref<8192xf32, #tpu.memory_space<hbm>>
    %dma_start3A_107 = tpu.memref_slice %arg4[%add3A_105] : memref<6553600xf32, #tpu.memory_space<hbm>> -> memref<8192xf32, #tpu.memory_space<hbm>>
    tpu.enqueue_dma source(%arg9 : memref<8192xf32, #tpu.memory_space<vmem>>) target(%dma_start3A_107 : memref<8192xf32, #tpu.memory_space<hbm>>) target_semaphore(%arg10 : memref<!tpu.dma_semaphore, #tpu.memory_space<semaphore_mem>>)
    %add3A_108 = arith.constant 90112 : i32
    %add3A_109 = arith.addi %add3A_64, %add3A_108 : i32
    %dma_start3A_110 = tpu.memref_slice %arg4[%add3A_109] : memref<6553600xf32, #tpu.memory_space<hbm>> -> memref<8192xf32, #tpu.memory_space<hbm>>
    %dma_start3A_111 = tpu.memref_slice %arg4[%add3A_109] : memref<6553600xf32, #tpu.memory_space<hbm>> -> memref<8192xf32, #tpu.memory_space<hbm>>
    tpu.enqueue_dma source(%arg9 : memref<8192xf32, #tpu.memory_space<vmem>>) target(%dma_start3A_111 : memref<8192xf32, #tpu.memory_space<hbm>>) target_semaphore(%arg10 : memref<!tpu.dma_semaphore, #tpu.memory_space<semaphore_mem>>)
    %add3A_112 = arith.constant 98304 : i32
    %add3A_113 = arith.addi %add3A_64, %add3A_112 : i32
    %dma_start3A_114 = tpu.memref_slice %arg4[%add3A_113] : memref<6553600xf32, #tpu.memory_space<hbm>> -> memref<8192xf32, #tpu.memory_space<hbm>>
    %dma_start3A_115 = tpu.memref_slice %arg4[%add3A_113] : memref<6553600xf32, #tpu.memory_space<hbm>> -> memref<8192xf32, #tpu.memory_space<hbm>>
    tpu.enqueue_dma source(%arg9 : memref<8192xf32, #tpu.memory_space<vmem>>) target(%dma_start3A_115 : memref<8192xf32, #tpu.memory_space<hbm>>) target_semaphore(%arg10 : memref<!tpu.dma_semaphore, #tpu.memory_space<semaphore_mem>>)
    %add3A_116 = arith.constant 106496 : i32
    %add3A_117 = arith.addi %add3A_64, %add3A_116 : i32
    %dma_start3A_118 = tpu.memref_slice %arg4[%add3A_117] : memref<6553600xf32, #tpu.memory_space<hbm>> -> memref<8192xf32, #tpu.memory_space<hbm>>
    %dma_start3A_119 = tpu.memref_slice %arg4[%add3A_117] : memref<6553600xf32, #tpu.memory_space<hbm>> -> memref<8192xf32, #tpu.memory_space<hbm>>
    tpu.enqueue_dma source(%arg9 : memref<8192xf32, #tpu.memory_space<vmem>>) target(%dma_start3A_119 : memref<8192xf32, #tpu.memory_space<hbm>>) target_semaphore(%arg10 : memref<!tpu.dma_semaphore, #tpu.memory_space<semaphore_mem>>)
    %add3A_120 = arith.constant 114688 : i32
    %add3A_121 = arith.addi %add3A_64, %add3A_120 : i32
    %dma_start3A_122 = tpu.memref_slice %arg4[%add3A_121] : memref<6553600xf32, #tpu.memory_space<hbm>> -> memref<8192xf32, #tpu.memory_space<hbm>>
    %dma_start3A_123 = tpu.memref_slice %arg4[%add3A_121] : memref<6553600xf32, #tpu.memory_space<hbm>> -> memref<8192xf32, #tpu.memory_space<hbm>>
    tpu.enqueue_dma source(%arg9 : memref<8192xf32, #tpu.memory_space<vmem>>) target(%dma_start3A_123 : memref<8192xf32, #tpu.memory_space<hbm>>) target_semaphore(%arg10 : memref<!tpu.dma_semaphore, #tpu.memory_space<semaphore_mem>>)
    %add3A_124 = arith.constant 122880 : i32
    %add3A_125 = arith.addi %add3A_64, %add3A_124 : i32
    %dma_start3A_126 = tpu.memref_slice %arg4[%add3A_125] : memref<6553600xf32, #tpu.memory_space<hbm>> -> memref<8192xf32, #tpu.memory_space<hbm>>
    %dma_start3A_127 = tpu.memref_slice %arg4[%add3A_125] : memref<6553600xf32, #tpu.memory_space<hbm>> -> memref<8192xf32, #tpu.memory_space<hbm>>
    tpu.enqueue_dma source(%arg9 : memref<8192xf32, #tpu.memory_space<vmem>>) target(%dma_start3A_127 : memref<8192xf32, #tpu.memory_space<hbm>>) target_semaphore(%arg10 : memref<!tpu.dma_semaphore, #tpu.memory_space<semaphore_mem>>)
    %add3A_128 = arith.constant 131072 : i32
    %add3A_129 = arith.addi %add3A_64, %add3A_128 : i32
    %dma_start3A_130 = tpu.memref_slice %arg4[%add3A_129] : memref<6553600xf32, #tpu.memory_space<hbm>> -> memref<8192xf32, #tpu.memory_space<hbm>>
    %dma_start3A_131 = tpu.memref_slice %arg4[%add3A_129] : memref<6553600xf32, #tpu.memory_space<hbm>> -> memref<8192xf32, #tpu.memory_space<hbm>>
    tpu.enqueue_dma source(%arg9 : memref<8192xf32, #tpu.memory_space<vmem>>) target(%dma_start3A_131 : memref<8192xf32, #tpu.memory_space<hbm>>) target_semaphore(%arg10 : memref<!tpu.dma_semaphore, #tpu.memory_space<semaphore_mem>>)
    %add3A_132 = arith.constant 139264 : i32
    %add3A_133 = arith.addi %add3A_64, %add3A_132 : i32
    %dma_start3A_134 = tpu.memref_slice %arg4[%add3A_133] : memref<6553600xf32, #tpu.memory_space<hbm>> -> memref<8192xf32, #tpu.memory_space<hbm>>
    %dma_start3A_135 = tpu.memref_slice %arg4[%add3A_133] : memref<6553600xf32, #tpu.memory_space<hbm>> -> memref<8192xf32, #tpu.memory_space<hbm>>
    tpu.enqueue_dma source(%arg9 : memref<8192xf32, #tpu.memory_space<vmem>>) target(%dma_start3A_135 : memref<8192xf32, #tpu.memory_space<hbm>>) target_semaphore(%arg10 : memref<!tpu.dma_semaphore, #tpu.memory_space<semaphore_mem>>)
    %add3A_136 = arith.constant 147456 : i32
    %add3A_137 = arith.addi %add3A_64, %add3A_136 : i32
    %dma_start3A_138 = tpu.memref_slice %arg4[%add3A_137] : memref<6553600xf32, #tpu.memory_space<hbm>> -> memref<8192xf32, #tpu.memory_space<hbm>>
    %dma_start3A_139 = tpu.memref_slice %arg4[%add3A_137] : memref<6553600xf32, #tpu.memory_space<hbm>> -> memref<8192xf32, #tpu.memory_space<hbm>>
    tpu.enqueue_dma source(%arg9 : memref<8192xf32, #tpu.memory_space<vmem>>) target(%dma_start3A_139 : memref<8192xf32, #tpu.memory_space<hbm>>) target_semaphore(%arg10 : memref<!tpu.dma_semaphore, #tpu.memory_space<semaphore_mem>>)
    %add3A_140 = arith.constant 155648 : i32
    %add3A_141 = arith.addi %add3A_64, %add3A_140 : i32
    %dma_start3A_142 = tpu.memref_slice %arg4[%add3A_141] : memref<6553600xf32, #tpu.memory_space<hbm>> -> memref<8192xf32, #tpu.memory_space<hbm>>
    %dma_start3A_143 = tpu.memref_slice %arg4[%add3A_141] : memref<6553600xf32, #tpu.memory_space<hbm>> -> memref<8192xf32, #tpu.memory_space<hbm>>
    tpu.enqueue_dma source(%arg9 : memref<8192xf32, #tpu.memory_space<vmem>>) target(%dma_start3A_143 : memref<8192xf32, #tpu.memory_space<hbm>>) target_semaphore(%arg10 : memref<!tpu.dma_semaphore, #tpu.memory_space<semaphore_mem>>)
    %add3A_144 = arith.constant 163840 : i32
    %add3A_145 = arith.addi %add3A_64, %add3A_144 : i32
    %dma_start3A_146 = tpu.memref_slice %arg4[%add3A_145] : memref<6553600xf32, #tpu.memory_space<hbm>> -> memref<8192xf32, #tpu.memory_space<hbm>>
    %dma_start3A_147 = tpu.memref_slice %arg4[%add3A_145] : memref<6553600xf32, #tpu.memory_space<hbm>> -> memref<8192xf32, #tpu.memory_space<hbm>>
    tpu.enqueue_dma source(%arg9 : memref<8192xf32, #tpu.memory_space<vmem>>) target(%dma_start3A_147 : memref<8192xf32, #tpu.memory_space<hbm>>) target_semaphore(%arg10 : memref<!tpu.dma_semaphore, #tpu.memory_space<semaphore_mem>>)
    %add3A_148 = arith.constant 172032 : i32
    %add3A_149 = arith.addi %add3A_64, %add3A_148 : i32
    %dma_start3A_150 = tpu.memref_slice %arg4[%add3A_149] : memref<6553600xf32, #tpu.memory_space<hbm>> -> memref<8192xf32, #tpu.memory_space<hbm>>
    %dma_start3A_151 = tpu.memref_slice %arg4[%add3A_149] : memref<6553600xf32, #tpu.memory_space<hbm>> -> memref<8192xf32, #tpu.memory_space<hbm>>
    tpu.enqueue_dma source(%arg9 : memref<8192xf32, #tpu.memory_space<vmem>>) target(%dma_start3A_151 : memref<8192xf32, #tpu.memory_space<hbm>>) target_semaphore(%arg10 : memref<!tpu.dma_semaphore, #tpu.memory_space<semaphore_mem>>)
    %add3A_152 = arith.constant 180224 : i32
    %add3A_153 = arith.addi %add3A_64, %add3A_152 : i32
    %dma_start3A_154 = tpu.memref_slice %arg4[%add3A_153] : memref<6553600xf32, #tpu.memory_space<hbm>> -> memref<8192xf32, #tpu.memory_space<hbm>>
    %dma_start3A_155 = tpu.memref_slice %arg4[%add3A_153] : memref<6553600xf32, #tpu.memory_space<hbm>> -> memref<8192xf32, #tpu.memory_space<hbm>>
    tpu.enqueue_dma source(%arg9 : memref<8192xf32, #tpu.memory_space<vmem>>) target(%dma_start3A_155 : memref<8192xf32, #tpu.memory_space<hbm>>) target_semaphore(%arg10 : memref<!tpu.dma_semaphore, #tpu.memory_space<semaphore_mem>>)
    %add3A_156 = arith.constant 188416 : i32
    %add3A_157 = arith.addi %add3A_64, %add3A_156 : i32
    %dma_start3A_158 = tpu.memref_slice %arg4[%add3A_157] : memref<6553600xf32, #tpu.memory_space<hbm>> -> memref<8192xf32, #tpu.memory_space<hbm>>
    %dma_start3A_159 = tpu.memref_slice %arg4[%add3A_157] : memref<6553600xf32, #tpu.memory_space<hbm>> -> memref<8192xf32, #tpu.memory_space<hbm>>
    tpu.enqueue_dma source(%arg9 : memref<8192xf32, #tpu.memory_space<vmem>>) target(%dma_start3A_159 : memref<8192xf32, #tpu.memory_space<hbm>>) target_semaphore(%arg10 : memref<!tpu.dma_semaphore, #tpu.memory_space<semaphore_mem>>)
    %add3A_160 = arith.constant 196608 : i32
    %add3A_161 = arith.addi %add3A_64, %add3A_160 : i32
    %dma_start3A_162 = tpu.memref_slice %arg4[%add3A_161] : memref<6553600xf32, #tpu.memory_space<hbm>> -> memref<8192xf32, #tpu.memory_space<hbm>>
    %dma_start3A_163 = tpu.memref_slice %arg4[%add3A_161] : memref<6553600xf32, #tpu.memory_space<hbm>> -> memref<8192xf32, #tpu.memory_space<hbm>>
    tpu.enqueue_dma source(%arg9 : memref<8192xf32, #tpu.memory_space<vmem>>) target(%dma_start3A_163 : memref<8192xf32, #tpu.memory_space<hbm>>) target_semaphore(%arg10 : memref<!tpu.dma_semaphore, #tpu.memory_space<semaphore_mem>>)
    %mul3A_164 = arith.constant 800 : i32
    %mul3A_165 = arith.muli %arg1, %mul3A_164 : i32
    "tpu.region"() ({
      %run_scoped3A = tpu.sem_alloc : memref<!tpu.dma_semaphore, #tpu.memory_space<semaphore_mem>>
      %dma_start3A_2704 = tpu.memref_slice %arg2[%mul3A_165] : memref<12800xi32, #tpu.memory_space<hbm>> -> memref<800xi32, #tpu.memory_space<hbm>>
      %dma_start3A_2705 = tpu.memref_slice %arg2[%mul3A_165] : memref<12800xi32, #tpu.memory_space<hbm>> -> memref<800xi32, #tpu.memory_space<hbm>>
      tpu.enqueue_dma source(%dma_start3A_2705 : memref<800xi32, #tpu.memory_space<hbm>>) target(%arg5 : memref<800xi32, #tpu.memory_space<vmem>>) target_semaphore(%run_scoped3A : memref<!tpu.dma_semaphore, #tpu.memory_space<semaphore_mem>>)
      %dma_wait3A_2706 = tpu.memref_slice %arg2[%mul3A_165] : memref<12800xi32, #tpu.memory_space<hbm>> -> memref<800xi32, #tpu.memory_space<hbm>>
      %dma_wait3A_2707 = tpu.memref_slice %arg2[%mul3A_165] : memref<12800xi32, #tpu.memory_space<hbm>> -> memref<800xi32, #tpu.memory_space<hbm>>
      tpu.wait_dma2 semaphore(%run_scoped3A : memref<!tpu.dma_semaphore, #tpu.memory_space<semaphore_mem>>) src(%dma_wait3A_2707 : memref<800xi32, #tpu.memory_space<hbm>>) dst(%arg5 : memref<800xi32, #tpu.memory_space<vmem>>)
      tpu.yield
    }) : () -> ()
    %mul3A_166 = arith.constant 800 : i32
    %mul3A_167 = arith.muli %arg1, %mul3A_166 : i32
    "tpu.region"() ({
      %run_scoped3A = tpu.sem_alloc : memref<!tpu.dma_semaphore, #tpu.memory_space<semaphore_mem>>
      %dma_start3A_2704 = tpu.memref_slice %arg3[%mul3A_167] : memref<12800xi32, #tpu.memory_space<hbm>> -> memref<800xi32, #tpu.memory_space<hbm>>
      %dma_start3A_2705 = tpu.memref_slice %arg3[%mul3A_167] : memref<12800xi32, #tpu.memory_space<hbm>> -> memref<800xi32, #tpu.memory_space<hbm>>
      tpu.enqueue_dma source(%dma_start3A_2705 : memref<800xi32, #tpu.memory_space<hbm>>) target(%arg6 : memref<800xi32, #tpu.memory_space<vmem>>) target_semaphore(%run_scoped3A : memref<!tpu.dma_semaphore, #tpu.memory_space<semaphore_mem>>)
      %dma_wait3A_2706 = tpu.memref_slice %arg3[%mul3A_167] : memref<12800xi32, #tpu.memory_space<hbm>> -> memref<800xi32, #tpu.memory_space<hbm>>
      %dma_wait3A_2707 = tpu.memref_slice %arg3[%mul3A_167] : memref<12800xi32, #tpu.memory_space<hbm>> -> memref<800xi32, #tpu.memory_space<hbm>>
      tpu.wait_dma2 semaphore(%run_scoped3A : memref<!tpu.dma_semaphore, #tpu.memory_space<semaphore_mem>>) src(%dma_wait3A_2707 : memref<800xi32, #tpu.memory_space<hbm>>) dst(%arg6 : memref<800xi32, #tpu.memory_space<vmem>>)
      tpu.yield
    }) : () -> ()
    %mul3A_168 = arith.constant 3276800 : i32
    %mul3A_169 = arith.muli %arg0, %mul3A_168 : i32
    %mul3A_170 = arith.constant 3278080 : i32
    %mul3A_171 = arith.muli %arg0, %mul3A_170 : i32
    %get3A = arith.constant 0 : index
    %get3A_172 = tpu.vector_load %arg5[%get3A] {strides = array<i32>} : memref<800xi32, #tpu.memory_space<vmem>>, vector<16xi32>,
    %get3A_173 = vector.shape_cast %get3A_172 : vector<16xi32> to vector<16xi32>
    %get3A_174 = arith.constant 0 : index
    %get3A_175 = tpu.vector_load %arg6[%get3A_174] {strides = array<i32>} : memref<800xi32, #tpu.memory_space<vmem>>, vector<16xi32>,
    %get3A_176 = vector.shape_cast %get3A_175 : vector<16xi32> to vector<16xi32>
    %mul3A_177 = arith.constant 2560 : i32
    %mul3A_178 = vector.broadcast %mul3A_177 : i32 to vector<16xi32>
    %mul3A_179 = arith.muli %get3A_173, %mul3A_178 : vector<16xi32>
    %add3A_180 = arith.addi %mul3A_179, %get3A_176 : vector<16xi32>
    %mul3A_181 = arith.constant 2560 : i32
    %mul3A_182 = vector.broadcast %mul3A_181 : i32 to vector<16xi32>
    %mul3A_183 = arith.muli %get3A_176, %mul3A_182 : vector<16xi32>
    %add3A_184 = arith.addi %mul3A_183, %get3A_173 : vector<16xi32>
    %ge3A = vector.broadcast %mul3A_169 : i32 to vector<16xi32>
    %ge3A_185 = arith.cmpi sge, %add3A_180, %ge3A : vector<16xi32>
    %add3A_186 = arith.constant 3276800 : i32
    %add3A_187 = arith.addi %mul3A_169, %add3A_186 : i32
    %lt3A = vector.broadcast %add3A_187 : i32 to vector<16xi32>
    %lt3A_188 = arith.cmpi slt, %add3A_180, %lt3A : vector<16xi32>
    %and3A = arith.andi %ge3A_185, %lt3A_188 : vector<16xi1>
    %broadcast_in_dim3A_189 = vector.broadcast %mul3A_171 : i32 to vector<16xi32>
    %select_n3A = arith.select %and3A, %add3A_180, %broadcast_in_dim3A_189 : vector<16xi1>, vector<16xi32>
    %ge3A_190 = vector.broadcast %mul3A_169 : i32 to vector<16xi32>
    %ge3A_191 = arith.cmpi sge, %add3A_184, %ge3A_190 : vector<16xi32>
    %add3A_192 = arith.constant 3276800 : i32
    %add3A_193 = arith.addi %mul3A_169, %add3A_192 : i32
    %lt3A_194 = vector.broadcast %add3A_193 : i32 to vector<16xi32>
    %lt3A_195 = arith.cmpi slt, %add3A_184, %lt3A_194 : vector<16xi32>
    %and3A_196 = arith.andi %ge3A_191, %lt3A_195 : vector<16xi1>
    %broadcast_in_dim3A_197 = vector.broadcast %mul3A_171 : i32 to vector<16xi32>
    %select_n3A_198 = arith.select %and3A_196, %add3A_184, %broadcast_in_dim3A_197 : vector<16xi1>, vector<16xi32>
    %swap3A_199 = arith.constant 0 : i32
    %swap3A_200 = arith.index_cast %swap3A_199 : i32 to index
    %swap3A_201 = arith.constant 0 : index
    %swap3A_202 = tpu.vector_load %arg7[%swap3A_200, %swap3A_201] {strides = array<i32>} : memref<14x128xi32, #tpu.memory_space<vmem>>, vector<1x16xi32>,
    %swap3A_203 = vector.shape_cast %swap3A_202 : vector<1x16xi32> to vector<16xi32>
    %swap3A_204 = vector.shape_cast %select_n3A : vector<16xi32> to vector<1x16xi32>
    tpu.vector_store %arg7[%swap3A_200, %swap3A_201], %swap3A_204 {strides = array<i32>} : memref<14x128xi32, #tpu.memory_space<vmem>>, vector<1x16xi32>,
    %swap3A_205 = arith.constant 12 : i32
    %swap3A_206 = arith.index_cast %swap3A_205 : i32 to index
    %swap3A_207 = arith.constant 64 : index
    %swap3A_208 = tpu.vector_load %arg7[%swap3A_206, %swap3A_207] {strides = array<i32>} : memref<14x128xi32, #tpu.memory_space<vmem>>, vector<1x16xi32>,
    %swap3A_209 = vector.shape_cast %swap3A_208 : vector<1x16xi32> to vector<16xi32>
    %swap3A_210 = vector.shape_cast %select_n3A_198 : vector<16xi32> to vector<1x16xi32>
    tpu.vector_store %arg7[%swap3A_206, %swap3A_207], %swap3A_210 {strides = array<i32>} : memref<14x128xi32, #tpu.memory_space<vmem>>, vector<1x16xi32>,
    %get3A_211 = arith.constant 16 : index
    %get3A_212 = tpu.vector_load %arg5[%get3A_211] {strides = array<i32>} : memref<800xi32, #tpu.memory_space<vmem>>, vector<16xi32>,
    %get3A_213 = vector.shape_cast %get3A_212 : vector<16xi32> to vector<16xi32>
    %get3A_214 = arith.constant 16 : index
    %get3A_215 = tpu.vector_load %arg6[%get3A_214] {strides = array<i32>} : memref<800xi32, #tpu.memory_space<vmem>>, vector<16xi32>,
    %get3A_216 = vector.shape_cast %get3A_215 : vector<16xi32> to vector<16xi32>
    %mul3A_217 = arith.constant 2560 : i32
    %mul3A_218 = vector.broadcast %mul3A_217 : i32 to vector<16xi32>
    %mul3A_219 = arith.muli %get3A_213, %mul3A_218 : vector<16xi32>
    %add3A_220 = arith.addi %mul3A_219, %get3A_216 : vector<16xi32>
    %mul3A_221 = arith.constant 2560 : i32
    %mul3A_222 = vector.broadcast %mul3A_221 : i32 to vector<16xi32>
    %mul3A_223 = arith.muli %get3A_216, %mul3A_222 : vector<16xi32>
    %add3A_224 = arith.addi %mul3A_223, %get3A_213 : vector<16xi32>
    %ge3A_225 = vector.broadcast %mul3A_169 : i32 to vector<16xi32>
    %ge3A_226 = arith.cmpi sge, %add3A_220, %ge3A_225 : vector<16xi32>
    %add3A_227 = arith.constant 3276800 : i32
    %add3A_228 = arith.addi %mul3A_169, %add3A_227 : i32
    %lt3A_229 = vector.broadcast %add3A_228 : i32 to vector<16xi32>
    %lt3A_230 = arith.cmpi slt, %add3A_220, %lt3A_229 : vector<16xi32>
    %and3A_231 = arith.andi %ge3A_226, %lt3A_230 : vector<16xi1>
    %broadcast_in_dim3A_232 = vector.broadcast %mul3A_171 : i32 to vector<16xi32>
    %select_n3A_233 = arith.select %and3A_231, %add3A_220, %broadcast_in_dim3A_232 : vector<16xi1>, vector<16xi32>
    %ge3A_234 = vector.broadcast %mul3A_169 : i32 to vector<16xi32>
    %ge3A_235 = arith.cmpi sge, %add3A_224, %ge3A_234 : vector<16xi32>
    %add3A_236 = arith.constant 3276800 : i32
    %add3A_237 = arith.addi %mul3A_169, %add3A_236 : i32
    %lt3A_238 = vector.broadcast %add3A_237 : i32 to vector<16xi32>
    %lt3A_239 = arith.cmpi slt, %add3A_224, %lt3A_238 : vector<16xi32>
    %and3A_240 = arith.andi %ge3A_235, %lt3A_239 : vector<16xi1>
    %broadcast_in_dim3A_241 = vector.broadcast %mul3A_171 : i32 to vector<16xi32>
    %select_n3A_242 = arith.select %and3A_240, %add3A_224, %broadcast_in_dim3A_241 : vector<16xi1>, vector<16xi32>
    %swap3A_243 = arith.constant 0 : i32
    %swap3A_244 = arith.index_cast %swap3A_243 : i32 to index
    %swap3A_245 = arith.constant 16 : index
    %swap3A_246 = tpu.vector_load %arg7[%swap3A_244, %swap3A_245] {strides = array<i32>} : memref<14x128xi32, #tpu.memory_space<vmem>>, vector<1x16xi32>,
    %swap3A_247 = vector.shape_cast %swap3A_246 : vector<1x16xi32> to vector<16xi32>
    %swap3A_248 = vector.shape_cast %select_n3A_233 : vector<16xi32> to vector<1x16xi32>
    tpu.vector_store %arg7[%swap3A_244, %swap3A_245], %swap3A_248 {strides = array<i32>} : memref<14x128xi32, #tpu.memory_space<vmem>>, vector<1x16xi32>,
    %swap3A_249 = arith.constant 12 : i32
    %swap3A_250 = arith.index_cast %swap3A_249 : i32 to index
    %swap3A_251 = arith.constant 80 : index
    %swap3A_252 = tpu.vector_load %arg7[%swap3A_250, %swap3A_251] {strides = array<i32>} : memref<14x128xi32, #tpu.memory_space<vmem>>, vector<1x16xi32>,
    %swap3A_253 = vector.shape_cast %swap3A_252 : vector<1x16xi32> to vector<16xi32>
    %swap3A_254 = vector.shape_cast %select_n3A_242 : vector<16xi32> to vector<1x16xi32>
    tpu.vector_store %arg7[%swap3A_250, %swap3A_251], %swap3A_254 {strides = array<i32>} : memref<14x128xi32, #tpu.memory_space<vmem>>, vector<1x16xi32>,
    %get3A_255 = arith.constant 32 : index
    %get3A_256 = tpu.vector_load %arg5[%get3A_255] {strides = array<i32>} : memref<800xi32, #tpu.memory_space<vmem>>, vector<16xi32>,
    %get3A_257 = vector.shape_cast %get3A_256 : vector<16xi32> to vector<16xi32>
    %get3A_258 = arith.constant 32 : index
    %get3A_259 = tpu.vector_load %arg6[%get3A_258] {strides = array<i32>} : memref<800xi32, #tpu.memory_space<vmem>>, vector<16xi32>,
    %get3A_260 = vector.shape_cast %get3A_259 : vector<16xi32> to vector<16xi32>
    %mul3A_261 = arith.constant 2560 : i32
    %mul3A_262 = vector.broadcast %mul3A_261 : i32 to vector<16xi32>
    %mul3A_263 = arith.muli %get3A_257, %mul3A_262 : vector<16xi32>
    %add3A_264 = arith.addi %mul3A_263, %get3A_260 : vector<16xi32>
    %mul3A_265 = arith.constant 2560 : i32
    %mul3A_266 = vector.broadcast %mul3A_265 : i32 to vector<16xi32>
    %mul3A_267 = arith.muli %get3A_260, %mul3A_266 : vector<16xi32>
    %add3A_268 = arith.addi %mul3A_267, %get3A_257 : vector<16xi32>
    %ge3A_269 = vector.broadcast %mul3A_169 : i32 to vector<16xi32>
    %ge3A_270 = arith.cmpi sge, %add3A_264, %ge3A_269 : vector<16xi32>
    %add3A_271 = arith.constant 3276800 : i32
    %add3A_272 = arith.addi %mul3A_169, %add3A_271 : i32
    %lt3A_273 = vector.broadcast %add3A_272 : i32 to vector<16xi32>
    %lt3A_274 = arith.cmpi slt, %add3A_264, %lt3A_273 : vector<16xi32>
    %and3A_275 = arith.andi %ge3A_270, %lt3A_274 : vector<16xi1>
    %broadcast_in_dim3A_276 = vector.broadcast %mul3A_171 : i32 to vector<16xi32>
    %select_n3A_277 = arith.select %and3A_275, %add3A_264, %broadcast_in_dim3A_276 : vector<16xi1>, vector<16xi32>
    %ge3A_278 = vector.broadcast %mul3A_169 : i32 to vector<16xi32>
    %ge3A_279 = arith.cmpi sge, %add3A_268, %ge3A_278 : vector<16xi32>
    %add3A_280 = arith.constant 3276800 : i32
    %add3A_281 = arith.addi %mul3A_169, %add3A_280 : i32
    %lt3A_282 = vector.broadcast %add3A_281 : i32 to vector<16xi32>
    %lt3A_283 = arith.cmpi slt, %add3A_268, %lt3A_282 : vector<16xi32>
    %and3A_284 = arith.andi %ge3A_279, %lt3A_283 : vector<16xi1>
    %broadcast_in_dim3A_285 = vector.broadcast %mul3A_171 : i32 to vector<16xi32>
    %select_n3A_286 = arith.select %and3A_284, %add3A_268, %broadcast_in_dim3A_285 : vector<16xi1>, vector<16xi32>
    %swap3A_287 = arith.constant 0 : i32
    %swap3A_288 = arith.index_cast %swap3A_287 : i32 to index
    %swap3A_289 = arith.constant 32 : index
    %swap3A_290 = tpu.vector_load %arg7[%swap3A_288, %swap3A_289] {strides = array<i32>} : memref<14x128xi32, #tpu.memory_space<vmem>>, vector<1x16xi32>,
    %swap3A_291 = vector.shape_cast %swap3A_290 : vector<1x16xi32> to vector<16xi32>
    %swap3A_292 = vector.shape_cast %select_n3A_277 : vector<16xi32> to vector<1x16xi32>
    tpu.vector_store %arg7[%swap3A_288, %swap3A_289], %swap3A_292 {strides = array<i32>} : memref<14x128xi32, #tpu.memory_space<vmem>>, vector<1x16xi32>,
    %swap3A_293 = arith.constant 12 : i32
    %swap3A_294 = arith.index_cast %swap3A_293 : i32 to index
    %swap3A_295 = arith.constant 96 : index
    %swap3A_296 = tpu.vector_load %arg7[%swap3A_294, %swap3A_295] {strides = array<i32>} : memref<14x128xi32, #tpu.memory_space<vmem>>, vector<1x16xi32>,
    %swap3A_297 = vector.shape_cast %swap3A_296 : vector<1x16xi32> to vector<16xi32>
    %swap3A_298 = vector.shape_cast %select_n3A_286 : vector<16xi32> to vector<1x16xi32>
    tpu.vector_store %arg7[%swap3A_294, %swap3A_295], %swap3A_298 {strides = array<i32>} : memref<14x128xi32, #tpu.memory_space<vmem>>, vector<1x16xi32>,
    %get3A_299 = arith.constant 48 : index
    %get3A_300 = tpu.vector_load %arg5[%get3A_299] {strides = array<i32>} : memref<800xi32, #tpu.memory_space<vmem>>, vector<16xi32>,
    %get3A_301 = vector.shape_cast %get3A_300 : vector<16xi32> to vector<16xi32>
    %get3A_302 = arith.constant 48 : index
    %get3A_303 = tpu.vector_load %arg6[%get3A_302] {strides = array<i32>} : memref<800xi32, #tpu.memory_space<vmem>>, vector<16xi32>,
    %get3A_304 = vector.shape_cast %get3A_303 : vector<16xi32> to vector<16xi32>
    %mul3A_305 = arith.constant 2560 : i32
    %mul3A_306 = vector.broadcast %mul3A_305 : i32 to vector<16xi32>
    %mul3A_307 = arith.muli %get3A_301, %mul3A_306 : vector<16xi32>
    %add3A_308 = arith.addi %mul3A_307, %get3A_304 : vector<16xi32>
    %mul3A_309 = arith.constant 2560 : i32
    %mul3A_310 = vector.broadcast %mul3A_309 : i32 to vector<16xi32>
    %mul3A_311 = arith.muli %get3A_304, %mul3A_310 : vector<16xi32>
    %add3A_312 = arith.addi %mul3A_311, %get3A_301 : vector<16xi32>
    %ge3A_313 = vector.broadcast %mul3A_169 : i32 to vector<16xi32>
    %ge3A_314 = arith.cmpi sge, %add3A_308, %ge3A_313 : vector<16xi32>
    %add3A_315 = arith.constant 3276800 : i32
    %add3A_316 = arith.addi %mul3A_169, %add3A_315 : i32
    %lt3A_317 = vector.broadcast %add3A_316 : i32 to vector<16xi32>
    %lt3A_318 = arith.cmpi slt, %add3A_308, %lt3A_317 : vector<16xi32>
    %and3A_319 = arith.andi %ge3A_314, %lt3A_318 : vector<16xi1>
    %broadcast_in_dim3A_320 = vector.broadcast %mul3A_171 : i32 to vector<16xi32>
    %select_n3A_321 = arith.select %and3A_319, %add3A_308, %broadcast_in_dim3A_320 : vector<16xi1>, vector<16xi32>
    %ge3A_322 = vector.broadcast %mul3A_169 : i32 to vector<16xi32>
    %ge3A_323 = arith.cmpi sge, %add3A_312, %ge3A_322 : vector<16xi32>
    %add3A_324 = arith.constant 3276800 : i32
    %add3A_325 = arith.addi %mul3A_169, %add3A_324 : i32
    %lt3A_326 = vector.broadcast %add3A_325 : i32 to vector<16xi32>
    %lt3A_327 = arith.cmpi slt, %add3A_312, %lt3A_326 : vector<16xi32>
    %and3A_328 = arith.andi %ge3A_323, %lt3A_327 : vector<16xi1>
    %broadcast_in_dim3A_329 = vector.broadcast %mul3A_171 : i32 to vector<16xi32>
    %select_n3A_330 = arith.select %and3A_328, %add3A_312, %broadcast_in_dim3A_329 : vector<16xi1>, vector<16xi32>
    %swap3A_331 = arith.constant 0 : i32
    %swap3A_332 = arith.index_cast %swap3A_331 : i32 to index
    %swap3A_333 = arith.constant 48 : index
    %swap3A_334 = tpu.vector_load %arg7[%swap3A_332, %swap3A_333] {strides = array<i32>} : memref<14x128xi32, #tpu.memory_space<vmem>>, vector<1x16xi32>,
    %swap3A_335 = vector.shape_cast %swap3A_334 : vector<1x16xi32> to vector<16xi32>
    %swap3A_336 = vector.shape_cast %select_n3A_321 : vector<16xi32> to vector<1x16xi32>
    tpu.vector_store %arg7[%swap3A_332, %swap3A_333], %swap3A_336 {strides = array<i32>} : memref<14x128xi32, #tpu.memory_space<vmem>>, vector<1x16xi32>,
    %swap3A_337 = arith.constant 12 : i32
    %swap3A_338 = arith.index_cast %swap3A_337 : i32 to index
    %swap3A_339 = arith.constant 112 : index
    %swap3A_340 = tpu.vector_load %arg7[%swap3A_338, %swap3A_339] {strides = array<i32>} : memref<14x128xi32, #tpu.memory_space<vmem>>, vector<1x16xi32>,
    %swap3A_341 = vector.shape_cast %swap3A_340 : vector<1x16xi32> to vector<16xi32>
    %swap3A_342 = vector.shape_cast %select_n3A_330 : vector<16xi32> to vector<1x16xi32>
    tpu.vector_store %arg7[%swap3A_338, %swap3A_339], %swap3A_342 {strides = array<i32>} : memref<14x128xi32, #tpu.memory_space<vmem>>, vector<1x16xi32>,
    %get3A_343 = arith.constant 64 : index
    %get3A_344 = tpu.vector_load %arg5[%get3A_343] {strides = array<i32>} : memref<800xi32, #tpu.memory_space<vmem>>, vector<16xi32>,
    %get3A_345 = vector.shape_cast %get3A_344 : vector<16xi32> to vector<16xi32>
    %get3A_346 = arith.constant 64 : index
    %get3A_347 = tpu.vector_load %arg6[%get3A_346] {strides = array<i32>} : memref<800xi32, #tpu.memory_space<vmem>>, vector<16xi32>,
    %get3A_348 = vector.shape_cast %get3A_347 : vector<16xi32> to vector<16xi32>
    %mul3A_349 = arith.constant 2560 : i32
    %mul3A_350 = vector.broadcast %mul3A_349 : i32 to vector<16xi32>
    %mul3A_351 = arith.muli %get3A_345, %mul3A_350 : vector<16xi32>
    %add3A_352 = arith.addi %mul3A_351, %get3A_348 : vector<16xi32>
    %mul3A_353 = arith.constant 2560 : i32
    %mul3A_354 = vector.broadcast %mul3A_353 : i32 to vector<16xi32>
    %mul3A_355 = arith.muli %get3A_348, %mul3A_354 : vector<16xi32>
    %add3A_356 = arith.addi %mul3A_355, %get3A_345 : vector<16xi32>
    %ge3A_357 = vector.broadcast %mul3A_169 : i32 to vector<16xi32>
    %ge3A_358 = arith.cmpi sge, %add3A_352, %ge3A_357 : vector<16xi32>
    %add3A_359 = arith.constant 3276800 : i32
    %add3A_360 = arith.addi %mul3A_169, %add3A_359 : i32
    %lt3A_361 = vector.broadcast %add3A_360 : i32 to vector<16xi32>
    %lt3A_362 = arith.cmpi slt, %add3A_352, %lt3A_361 : vector<16xi32>
    %and3A_363 = arith.andi %ge3A_358, %lt3A_362 : vector<16xi1>
    %broadcast_in_dim3A_364 = vector.broadcast %mul3A_171 : i32 to vector<16xi32>
    %select_n3A_365 = arith.select %and3A_363, %add3A_352, %broadcast_in_dim3A_364 : vector<16xi1>, vector<16xi32>
    %ge3A_366 = vector.broadcast %mul3A_169 : i32 to vector<16xi32>
    %ge3A_367 = arith.cmpi sge, %add3A_356, %ge3A_366 : vector<16xi32>
    %add3A_368 = arith.constant 3276800 : i32
    %add3A_369 = arith.addi %mul3A_169, %add3A_368 : i32
    %lt3A_370 = vector.broadcast %add3A_369 : i32 to vector<16xi32>
    %lt3A_371 = arith.cmpi slt, %add3A_356, %lt3A_370 : vector<16xi32>
    %and3A_372 = arith.andi %ge3A_367, %lt3A_371 : vector<16xi1>
    %broadcast_in_dim3A_373 = vector.broadcast %mul3A_171 : i32 to vector<16xi32>
    %select_n3A_374 = arith.select %and3A_372, %add3A_356, %broadcast_in_dim3A_373 : vector<16xi1>, vector<16xi32>
    %swap3A_375 = arith.constant 0 : i32
    %swap3A_376 = arith.index_cast %swap3A_375 : i32 to index
    %swap3A_377 = arith.constant 64 : index
    %swap3A_378 = tpu.vector_load %arg7[%swap3A_376, %swap3A_377] {strides = array<i32>} : memref<14x128xi32, #tpu.memory_space<vmem>>, vector<1x16xi32>,
    %swap3A_379 = vector.shape_cast %swap3A_378 : vector<1x16xi32> to vector<16xi32>
    %swap3A_380 = vector.shape_cast %select_n3A_365 : vector<16xi32> to vector<1x16xi32>
    tpu.vector_store %arg7[%swap3A_376, %swap3A_377], %swap3A_380 {strides = array<i32>} : memref<14x128xi32, #tpu.memory_space<vmem>>, vector<1x16xi32>,
    %swap3A_381 = arith.constant 13 : i32
    %swap3A_382 = arith.index_cast %swap3A_381 : i32 to index
    %swap3A_383 = arith.constant 0 : index
    %swap3A_384 = tpu.vector_load %arg7[%swap3A_382, %swap3A_383] {strides = array<i32>} : memref<14x128xi32, #tpu.memory_space<vmem>>, vector<1x16xi32>,
    %swap3A_385 = vector.shape_cast %swap3A_384 : vector<1x16xi32> to vector<16xi32>
    %swap3A_386 = vector.shape_cast %select_n3A_374 : vector<16xi32> to vector<1x16xi32>
    tpu.vector_store %arg7[%swap3A_382, %swap3A_383], %swap3A_386 {strides = array<i32>} : memref<14x128xi32, #tpu.memory_space<vmem>>, vector<1x16xi32>,
    %get3A_387 = arith.constant 80 : index
    %get3A_388 = tpu.vector_load %arg5[%get3A_387] {strides = array<i32>} : memref<800xi32, #tpu.memory_space<vmem>>, vector<16xi32>,
    %get3A_389 = vector.shape_cast %get3A_388 : vector<16xi32> to vector<16xi32>
    %get3A_390 = arith.constant 80 : index
    %get3A_391 = tpu.vector_load %arg6[%get3A_390] {strides = array<i32>} : memref<800xi32, #tpu.memory_space<vmem>>, vector<16xi32>,
    %get3A_392 = vector.shape_cast %get3A_391 : vector<16xi32> to vector<16xi32>
    %mul3A_393 = arith.constant 2560 : i32
    %mul3A_394 = vector.broadcast %mul3A_393 : i32 to vector<16xi32>
    %mul3A_395 = arith.muli %get3A_389, %mul3A_394 : vector<16xi32>
    %add3A_396 = arith.addi %mul3A_395, %get3A_392 : vector<16xi32>
    %mul3A_397 = arith.constant 2560 : i32
    %mul3A_398 = vector.broadcast %mul3A_397 : i32 to vector<16xi32>
    %mul3A_399 = arith.muli %get3A_392, %mul3A_398 : vector<16xi32>
    %add3A_400 = arith.addi %mul3A_399, %get3A_389 : vector<16xi32>
    %ge3A_401 = vector.broadcast %mul3A_169 : i32 to vector<16xi32>
    %ge3A_402 = arith.cmpi sge, %add3A_396, %ge3A_401 : vector<16xi32>
    %add3A_403 = arith.constant 3276800 : i32
    %add3A_404 = arith.addi %mul3A_169, %add3A_403 : i32
    %lt3A_405 = vector.broadcast %add3A_404 : i32 to vector<16xi32>
    %lt3A_406 = arith.cmpi slt, %add3A_396, %lt3A_405 : vector<16xi32>
    %and3A_407 = arith.andi %ge3A_402, %lt3A_406 : vector<16xi1>
    %broadcast_in_dim3A_408 = vector.broadcast %mul3A_171 : i32 to vector<16xi32>
    %select_n3A_409 = arith.select %and3A_407, %add3A_396, %broadcast_in_dim3A_408 : vector<16xi1>, vector<16xi32>
    %ge3A_410 = vector.broadcast %mul3A_169 : i32 to vector<16xi32>
    %ge3A_411 = arith.cmpi sge, %add3A_400, %ge3A_410 : vector<16xi32>
    %add3A_412 = arith.constant 3276800 : i32
    %add3A_413 = arith.addi %mul3A_169, %add3A_412 : i32
    %lt3A_414 = vector.broadcast %add3A_413 : i32 to vector<16xi32>
    %lt3A_415 = arith.cmpi slt, %add3A_400, %lt3A_414 : vector<16xi32>
    %and3A_416 = arith.andi %ge3A_411, %lt3A_415 : vector<16xi1>
    %broadcast_in_dim3A_417 = vector.broadcast %mul3A_171 : i32 to vector<16xi32>
    %select_n3A_418 = arith.select %and3A_416, %add3A_400, %broadcast_in_dim3A_417 : vector<16xi1>, vector<16xi32>
    %swap3A_419 = arith.constant 0 : i32
    %swap3A_420 = arith.index_cast %swap3A_419 : i32 to index
    %swap3A_421 = arith.constant 80 : index
    %swap3A_422 = tpu.vector_load %arg7[%swap3A_420, %swap3A_421] {strides = array<i32>} : memref<14x128xi32, #tpu.memory_space<vmem>>, vector<1x16xi32>,
    %swap3A_423 = vector.shape_cast %swap3A_422 : vector<1x16xi32> to vector<16xi32>
    %swap3A_424 = vector.shape_cast %select_n3A_409 : vector<16xi32> to vector<1x16xi32>
    tpu.vector_store %arg7[%swap3A_420, %swap3A_421], %swap3A_424 {strides = array<i32>} : memref<14x128xi32, #tpu.memory_space<vmem>>, vector<1x16xi32>,
    %swap3A_425 = arith.constant 13 : i32
    %swap3A_426 = arith.index_cast %swap3A_425 : i32 to index
    %swap3A_427 = arith.constant 16 : index
    %swap3A_428 = tpu.vector_load %arg7[%swap3A_426, %swap3A_427] {strides = array<i32>} : memref<14x128xi32, #tpu.memory_space<vmem>>, vector<1x16xi32>,
    %swap3A_429 = vector.shape_cast %swap3A_428 : vector<1x16xi32> to vector<16xi32>
    %swap3A_430 = vector.shape_cast %select_n3A_418 : vector<16xi32> to vector<1x16xi32>
    tpu.vector_store %arg7[%swap3A_426, %swap3A_427], %swap3A_430 {strides = array<i32>} : memref<14x128xi32, #tpu.memory_space<vmem>>, vector<1x16xi32>,
    %get3A_431 = arith.constant 96 : index
    %get3A_432 = tpu.vector_load %arg5[%get3A_431] {strides = array<i32>} : memref<800xi32, #tpu.memory_space<vmem>>, vector<16xi32>,
    %get3A_433 = vector.shape_cast %get3A_432 : vector<16xi32> to vector<16xi32>
    %get3A_434 = arith.constant 96 : index
    %get3A_435 = tpu.vector_load %arg6[%get3A_434] {strides = array<i32>} : memref<800xi32, #tpu.memory_space<vmem>>, vector<16xi32>,
    %get3A_436 = vector.shape_cast %get3A_435 : vector<16xi32> to vector<16xi32>
    %mul3A_437 = arith.constant 2560 : i32
    %mul3A_438 = vector.broadcast %mul3A_437 : i32 to vector<16xi32>
    %mul3A_439 = arith.muli %get3A_433, %mul3A_438 : vector<16xi32>
    %add3A_440 = arith.addi %mul3A_439, %get3A_436 : vector<16xi32>
    %mul3A_441 = arith.constant 2560 : i32
    %mul3A_442 = vector.broadcast %mul3A_441 : i32 to vector<16xi32>
    %mul3A_443 = arith.muli %get3A_436, %mul3A_442 : vector<16xi32>
    %add3A_444 = arith.addi %mul3A_443, %get3A_433 : vector<16xi32>
    %ge3A_445 = vector.broadcast %mul3A_169 : i32 to vector<16xi32>
    %ge3A_446 = arith.cmpi sge, %add3A_440, %ge3A_445 : vector<16xi32>
    %add3A_447 = arith.constant 3276800 : i32
    %add3A_448 = arith.addi %mul3A_169, %add3A_447 : i32
    %lt3A_449 = vector.broadcast %add3A_448 : i32 to vector<16xi32>
    %lt3A_450 = arith.cmpi slt, %add3A_440, %lt3A_449 : vector<16xi32>
    %and3A_451 = arith.andi %ge3A_446, %lt3A_450 : vector<16xi1>
    %broadcast_in_dim3A_452 = vector.broadcast %mul3A_171 : i32 to vector<16xi32>
    %select_n3A_453 = arith.select %and3A_451, %add3A_440, %broadcast_in_dim3A_452 : vector<16xi1>, vector<16xi32>
    %ge3A_454 = vector.broadcast %mul3A_169 : i32 to vector<16xi32>
    %ge3A_455 = arith.cmpi sge, %add3A_444, %ge3A_454 : vector<16xi32>
    %add3A_456 = arith.constant 3276800 : i32
    %add3A_457 = arith.addi %mul3A_169, %add3A_456 : i32
    %lt3A_458 = vector.broadcast %add3A_457 : i32 to vector<16xi32>
    %lt3A_459 = arith.cmpi slt, %add3A_444, %lt3A_458 : vector<16xi32>
    %and3A_460 = arith.andi %ge3A_455, %lt3A_459 : vector<16xi1>
    %broadcast_in_dim3A_461 = vector.broadcast %mul3A_171 : i32 to vector<16xi32>
    %select_n3A_462 = arith.select %and3A_460, %add3A_444, %broadcast_in_dim3A_461 : vector<16xi1>, vector<16xi32>
    %swap3A_463 = arith.constant 0 : i32
    %swap3A_464 = arith.index_cast %swap3A_463 : i32 to index
    %swap3A_465 = arith.constant 96 : index
    %swap3A_466 = tpu.vector_load %arg7[%swap3A_464, %swap3A_465] {strides = array<i32>} : memref<14x128xi32, #tpu.memory_space<vmem>>, vector<1x16xi32>,
    %swap3A_467 = vector.shape_cast %swap3A_466 : vector<1x16xi32> to vector<16xi32>
    %swap3A_468 = vector.shape_cast %select_n3A_453 : vector<16xi32> to vector<1x16xi32>
    tpu.vector_store %arg7[%swap3A_464, %swap3A_465], %swap3A_468 {strides = array<i32>} : memref<14x128xi32, #tpu.memory_space<vmem>>, vector<1x16xi32>,
    %swap3A_469 = arith.constant 13 : i32
    %swap3A_470 = arith.index_cast %swap3A_469 : i32 to index
    %swap3A_471 = arith.constant 32 : index
    %swap3A_472 = tpu.vector_load %arg7[%swap3A_470, %swap3A_471] {strides = array<i32>} : memref<14x128xi32, #tpu.memory_space<vmem>>, vector<1x16xi32>,
    %swap3A_473 = vector.shape_cast %swap3A_472 : vector<1x16xi32> to vector<16xi32>
    %swap3A_474 = vector.shape_cast %select_n3A_462 : vector<16xi32> to vector<1x16xi32>
    tpu.vector_store %arg7[%swap3A_470, %swap3A_471], %swap3A_474 {strides = array<i32>} : memref<14x128xi32, #tpu.memory_space<vmem>>, vector<1x16xi32>,
    %get3A_475 = arith.constant 112 : index
    %get3A_476 = tpu.vector_load %arg5[%get3A_475] {strides = array<i32>} : memref<800xi32, #tpu.memory_space<vmem>>, vector<16xi32>,
    %get3A_477 = vector.shape_cast %get3A_476 : vector<16xi32> to vector<16xi32>
    %get3A_478 = arith.constant 112 : index
    %get3A_479 = tpu.vector_load %arg6[%get3A_478] {strides = array<i32>} : memref<800xi32, #tpu.memory_space<vmem>>, vector<16xi32>,
    %get3A_480 = vector.shape_cast %get3A_479 : vector<16xi32> to vector<16xi32>
    %mul3A_481 = arith.constant 2560 : i32
    %mul3A_482 = vector.broadcast %mul3A_481 : i32 to vector<16xi32>
    %mul3A_483 = arith.muli %get3A_477, %mul3A_482 : vector<16xi32>
    %add3A_484 = arith.addi %mul3A_483, %get3A_480 : vector<16xi32>
    %mul3A_485 = arith.constant 2560 : i32
    %mul3A_486 = vector.broadcast %mul3A_485 : i32 to vector<16xi32>
    %mul3A_487 = arith.muli %get3A_480, %mul3A_486 : vector<16xi32>
    %add3A_488 = arith.addi %mul3A_487, %get3A_477 : vector<16xi32>
    %ge3A_489 = vector.broadcast %mul3A_169 : i32 to vector<16xi32>
    %ge3A_490 = arith.cmpi sge, %add3A_484, %ge3A_489 : vector<16xi32>
    %add3A_491 = arith.constant 3276800 : i32
    %add3A_492 = arith.addi %mul3A_169, %add3A_491 : i32
    %lt3A_493 = vector.broadcast %add3A_492 : i32 to vector<16xi32>
    %lt3A_494 = arith.cmpi slt, %add3A_484, %lt3A_493 : vector<16xi32>
    %and3A_495 = arith.andi %ge3A_490, %lt3A_494 : vector<16xi1>
    %broadcast_in_dim3A_496 = vector.broadcast %mul3A_171 : i32 to vector<16xi32>
    %select_n3A_497 = arith.select %and3A_495, %add3A_484, %broadcast_in_dim3A_496 : vector<16xi1>, vector<16xi32>
    %ge3A_498 = vector.broadcast %mul3A_169 : i32 to vector<16xi32>
    %ge3A_499 = arith.cmpi sge, %add3A_488, %ge3A_498 : vector<16xi32>
    %add3A_500 = arith.constant 3276800 : i32
    %add3A_501 = arith.addi %mul3A_169, %add3A_500 : i32
    %lt3A_502 = vector.broadcast %add3A_501 : i32 to vector<16xi32>
    %lt3A_503 = arith.cmpi slt, %add3A_488, %lt3A_502 : vector<16xi32>
    %and3A_504 = arith.andi %ge3A_499, %lt3A_503 : vector<16xi1>
    %broadcast_in_dim3A_505 = vector.broadcast %mul3A_171 : i32 to vector<16xi32>
    %select_n3A_506 = arith.select %and3A_504, %add3A_488, %broadcast_in_dim3A_505 : vector<16xi1>, vector<16xi32>
    %swap3A_507 = arith.constant 0 : i32
    %swap3A_508 = arith.index_cast %swap3A_507 : i32 to index
    %swap3A_509 = arith.constant 112 : index
    %swap3A_510 = tpu.vector_load %arg7[%swap3A_508, %swap3A_509] {strides = array<i32>} : memref<14x128xi32, #tpu.memory_space<vmem>>, vector<1x16xi32>,
    %swap3A_511 = vector.shape_cast %swap3A_510 : vector<1x16xi32> to vector<16xi32>
    %swap3A_512 = vector.shape_cast %select_n3A_497 : vector<16xi32> to vector<1x16xi32>
    tpu.vector_store %arg7[%swap3A_508, %swap3A_509], %swap3A_512 {strides = array<i32>} : memref<14x128xi32, #tpu.memory_space<vmem>>, vector<1x16xi32>,
    %swap3A_513 = arith.constant 13 : i32
    %swap3A_514 = arith.index_cast %swap3A_513 : i32 to index
    %swap3A_515 = arith.constant 48 : index
    %swap3A_516 = tpu.vector_load %arg7[%swap3A_514, %swap3A_515] {strides = array<i32>} : memref<14x128xi32, #tpu.memory_space<vmem>>, vector<1x16xi32>,
    %swap3A_517 = vector.shape_cast %swap3A_516 : vector<1x16xi32> to vector<16xi32>
    %swap3A_518 = vector.shape_cast %select_n3A_506 : vector<16xi32> to vector<1x16xi32>
    tpu.vector_store %arg7[%swap3A_514, %swap3A_515], %swap3A_518 {strides = array<i32>} : memref<14x128xi32, #tpu.memory_space<vmem>>, vector<1x16xi32>,
    %get3A_519 = arith.constant 128 : index
    %get3A_520 = tpu.vector_load %arg5[%get3A_519] {strides = array<i32>} : memref<800xi32, #tpu.memory_space<vmem>>, vector<16xi32>,
    %get3A_521 = vector.shape_cast %get3A_520 : vector<16xi32> to vector<16xi32>
    %get3A_522 = arith.constant 128 : index
    %get3A_523 = tpu.vector_load %arg6[%get3A_522] {strides = array<i32>} : memref<800xi32, #tpu.memory_space<vmem>>, vector<16xi32>,
    %get3A_524 = vector.shape_cast %get3A_523 : vector<16xi32> to vector<16xi32>
    %mul3A_525 = arith.constant 2560 : i32
    %mul3A_526 = vector.broadcast %mul3A_525 : i32 to vector<16xi32>
    %mul3A_527 = arith.muli %get3A_521, %mul3A_526 : vector<16xi32>
    %add3A_528 = arith.addi %mul3A_527, %get3A_524 : vector<16xi32>
    %mul3A_529 = arith.constant 2560 : i32
    %mul3A_530 = vector.broadcast %mul3A_529 : i32 to vector<16xi32>
    %mul3A_531 = arith.muli %get3A_524, %mul3A_530 : vector<16xi32>
    %add3A_532 = arith.addi %mul3A_531, %get3A_521 : vector<16xi32>
    %ge3A_533 = vector.broadcast %mul3A_169 : i32 to vector<16xi32>
    %ge3A_534 = arith.cmpi sge, %add3A_528, %ge3A_533 : vector<16xi32>
    %add3A_535 = arith.constant 3276800 : i32
    %add3A_536 = arith.addi %mul3A_169, %add3A_535 : i32
    %lt3A_537 = vector.broadcast %add3A_536 : i32 to vector<16xi32>
    %lt3A_538 = arith.cmpi slt, %add3A_528, %lt3A_537 : vector<16xi32>
    %and3A_539 = arith.andi %ge3A_534, %lt3A_538 : vector<16xi1>
    %broadcast_in_dim3A_540 = vector.broadcast %mul3A_171 : i32 to vector<16xi32>
    %select_n3A_541 = arith.select %and3A_539, %add3A_528, %broadcast_in_dim3A_540 : vector<16xi1>, vector<16xi32>
    %ge3A_542 = vector.broadcast %mul3A_169 : i32 to vector<16xi32>
    %ge3A_543 = arith.cmpi sge, %add3A_532, %ge3A_542 : vector<16xi32>
    %add3A_544 = arith.constant 3276800 : i32
    %add3A_545 = arith.addi %mul3A_169, %add3A_544 : i32
    %lt3A_546 = vector.broadcast %add3A_545 : i32 to vector<16xi32>
    %lt3A_547 = arith.cmpi slt, %add3A_532, %lt3A_546 : vector<16xi32>
    %and3A_548 = arith.andi %ge3A_543, %lt3A_547 : vector<16xi1>
    %broadcast_in_dim3A_549 = vector.broadcast %mul3A_171 : i32 to vector<16xi32>
    %select_n3A_550 = arith.select %and3A_548, %add3A_532, %broadcast_in_dim3A_549 : vector<16xi1>, vector<16xi32>
    %swap3A_551 = arith.constant 1 : i32
    %swap3A_552 = arith.index_cast %swap3A_551 : i32 to index
    %swap3A_553 = arith.constant 0 : index
    %swap3A_554 = tpu.vector_load %arg7[%swap3A_552, %swap3A_553] {strides = array<i32>} : memref<14x128xi32, #tpu.memory_space<vmem>>, vector<1x16xi32>,
    %swap3A_555 = vector.shape_cast %swap3A_554 : vector<1x16xi32> to vector<16xi32>
    %swap3A_556 = vector.shape_cast %select_n3A_541 : vector<16xi32> to vector<1x16xi32>
    tpu.vector_store %arg7[%swap3A_552, %swap3A_553], %swap3A_556 {strides = array<i32>} : memref<14x128xi32, #tpu.memory_space<vmem>>, vector<1x16xi32>,
    %swap3A_557 = arith.constant 13 : i32
    %swap3A_558 = arith.index_cast %swap3A_557 : i32 to index
    %swap3A_559 = arith.constant 64 : index
    %swap3A_560 = tpu.vector_load %arg7[%swap3A_558, %swap3A_559] {strides = array<i32>} : memref<14x128xi32, #tpu.memory_space<vmem>>, vector<1x16xi32>,
    %swap3A_561 = vector.shape_cast %swap3A_560 : vector<1x16xi32> to vector<16xi32>
    %swap3A_562 = vector.shape_cast %select_n3A_550 : vector<16xi32> to vector<1x16xi32>
    tpu.vector_store %arg7[%swap3A_558, %swap3A_559], %swap3A_562 {strides = array<i32>} : memref<14x128xi32, #tpu.memory_space<vmem>>, vector<1x16xi32>,
    %get3A_563 = arith.constant 144 : index
    %get3A_564 = tpu.vector_load %arg5[%get3A_563] {strides = array<i32>} : memref<800xi32, #tpu.memory_space<vmem>>, vector<16xi32>,
    %get3A_565 = vector.shape_cast %get3A_564 : vector<16xi32> to vector<16xi32>
    %get3A_566 = arith.constant 144 : index
    %get3A_567 = tpu.vector_load %arg6[%get3A_566] {strides = array<i32>} : memref<800xi32, #tpu.memory_space<vmem>>, vector<16xi32>,
    %get3A_568 = vector.shape_cast %get3A_567 : vector<16xi32> to vector<16xi32>
    %mul3A_569 = arith.constant 2560 : i32
    %mul3A_570 = vector.broadcast %mul3A_569 : i32 to vector<16xi32>
    %mul3A_571 = arith.muli %get3A_565, %mul3A_570 : vector<16xi32>
    %add3A_572 = arith.addi %mul3A_571, %get3A_568 : vector<16xi32>
    %mul3A_573 = arith.constant 2560 : i32
    %mul3A_574 = vector.broadcast %mul3A_573 : i32 to vector<16xi32>
    %mul3A_575 = arith.muli %get3A_568, %mul3A_574 : vector<16xi32>
    %add3A_576 = arith.addi %mul3A_575, %get3A_565 : vector<16xi32>
    %ge3A_577 = vector.broadcast %mul3A_169 : i32 to vector<16xi32>
    %ge3A_578 = arith.cmpi sge, %add3A_572, %ge3A_577 : vector<16xi32>
    %add3A_579 = arith.constant 3276800 : i32
    %add3A_580 = arith.addi %mul3A_169, %add3A_579 : i32
    %lt3A_581 = vector.broadcast %add3A_580 : i32 to vector<16xi32>
    %lt3A_582 = arith.cmpi slt, %add3A_572, %lt3A_581 : vector<16xi32>
    %and3A_583 = arith.andi %ge3A_578, %lt3A_582 : vector<16xi1>
    %broadcast_in_dim3A_584 = vector.broadcast %mul3A_171 : i32 to vector<16xi32>
    %select_n3A_585 = arith.select %and3A_583, %add3A_572, %broadcast_in_dim3A_584 : vector<16xi1>, vector<16xi32>
    %ge3A_586 = vector.broadcast %mul3A_169 : i32 to vector<16xi32>
    %ge3A_587 = arith.cmpi sge, %add3A_576, %ge3A_586 : vector<16xi32>
    %add3A_588 = arith.constant 3276800 : i32
    %add3A_589 = arith.addi %mul3A_169, %add3A_588 : i32
    %lt3A_590 = vector.broadcast %add3A_589 : i32 to vector<16xi32>
    %lt3A_591 = arith.cmpi slt, %add3A_576, %lt3A_590 : vector<16xi32>
    %and3A_592 = arith.andi %ge3A_587, %lt3A_591 : vector<16xi1>
    %broadcast_in_dim3A_593 = vector.broadcast %mul3A_171 : i32 to vector<16xi32>
    %select_n3A_594 = arith.select %and3A_592, %add3A_576, %broadcast_in_dim3A_593 : vector<16xi1>, vector<16xi32>
    %swap3A_595 = arith.constant 1 : i32
    %swap3A_596 = arith.index_cast %swap3A_595 : i32 to index
    %swap3A_597 = arith.constant 16 : index
    %swap3A_598 = tpu.vector_load %arg7[%swap3A_596, %swap3A_597] {strides = array<i32>} : memref<14x128xi32, #tpu.memory_space<vmem>>, vector<1x16xi32>,
    %swap3A_599 = vector.shape_cast %swap3A_598 : vector<1x16xi32> to vector<16xi32>
    %swap3A_600 = vector.shape_cast %select_n3A_585 : vector<16xi32> to vector<1x16xi32>
    tpu.vector_store %arg7[%swap3A_596, %swap3A_597], %swap3A_600 {strides = array<i32>} : memref<14x128xi32, #tpu.memory_space<vmem>>, vector<1x16xi32>,
    %swap3A_601 = arith.constant 13 : i32
    %swap3A_602 = arith.index_cast %swap3A_601 : i32 to index
    %swap3A_603 = arith.constant 80 : index
    %swap3A_604 = tpu.vector_load %arg7[%swap3A_602, %swap3A_603] {strides = array<i32>} : memref<14x128xi32, #tpu.memory_space<vmem>>, vector<1x16xi32>,
    %swap3A_605 = vector.shape_cast %swap3A_604 : vector<1x16xi32> to vector<16xi32>
    %swap3A_606 = vector.shape_cast %select_n3A_594 : vector<16xi32> to vector<1x16xi32>
    tpu.vector_store %arg7[%swap3A_602, %swap3A_603], %swap3A_606 {strides = array<i32>} : memref<14x128xi32, #tpu.memory_space<vmem>>, vector<1x16xi32>,
    %get3A_607 = arith.constant 160 : index
    %get3A_608 = tpu.vector_load %arg5[%get3A_607] {strides = array<i32>} : memref<800xi32, #tpu.memory_space<vmem>>, vector<16xi32>,
    %get3A_609 = vector.shape_cast %get3A_608 : vector<16xi32> to vector<16xi32>
    %get3A_610 = arith.constant 160 : index
    %get3A_611 = tpu.vector_load %arg6[%get3A_610] {strides = array<i32>} : memref<800xi32, #tpu.memory_space<vmem>>, vector<16xi32>,
    %get3A_612 = vector.shape_cast %get3A_611 : vector<16xi32> to vector<16xi32>
    %mul3A_613 = arith.constant 2560 : i32
    %mul3A_614 = vector.broadcast %mul3A_613 : i32 to vector<16xi32>
    %mul3A_615 = arith.muli %get3A_609, %mul3A_614 : vector<16xi32>
    %add3A_616 = arith.addi %mul3A_615, %get3A_612 : vector<16xi32>
    %mul3A_617 = arith.constant 2560 : i32
    %mul3A_618 = vector.broadcast %mul3A_617 : i32 to vector<16xi32>
    %mul3A_619 = arith.muli %get3A_612, %mul3A_618 : vector<16xi32>
    %add3A_620 = arith.addi %mul3A_619, %get3A_609 : vector<16xi32>
    %ge3A_621 = vector.broadcast %mul3A_169 : i32 to vector<16xi32>
    %ge3A_622 = arith.cmpi sge, %add3A_616, %ge3A_621 : vector<16xi32>
    %add3A_623 = arith.constant 3276800 : i32
    %add3A_624 = arith.addi %mul3A_169, %add3A_623 : i32
    %lt3A_625 = vector.broadcast %add3A_624 : i32 to vector<16xi32>
    %lt3A_626 = arith.cmpi slt, %add3A_616, %lt3A_625 : vector<16xi32>
    %and3A_627 = arith.andi %ge3A_622, %lt3A_626 : vector<16xi1>
    %broadcast_in_dim3A_628 = vector.broadcast %mul3A_171 : i32 to vector<16xi32>
    %select_n3A_629 = arith.select %and3A_627, %add3A_616, %broadcast_in_dim3A_628 : vector<16xi1>, vector<16xi32>
    %ge3A_630 = vector.broadcast %mul3A_169 : i32 to vector<16xi32>
    %ge3A_631 = arith.cmpi sge, %add3A_620, %ge3A_630 : vector<16xi32>
    %add3A_632 = arith.constant 3276800 : i32
    %add3A_633 = arith.addi %mul3A_169, %add3A_632 : i32
    %lt3A_634 = vector.broadcast %add3A_633 : i32 to vector<16xi32>
    %lt3A_635 = arith.cmpi slt, %add3A_620, %lt3A_634 : vector<16xi32>
    %and3A_636 = arith.andi %ge3A_631, %lt3A_635 : vector<16xi1>
    %broadcast_in_dim3A_637 = vector.broadcast %mul3A_171 : i32 to vector<16xi32>
    %select_n3A_638 = arith.select %and3A_636, %add3A_620, %broadcast_in_dim3A_637 : vector<16xi1>, vector<16xi32>
    %swap3A_639 = arith.constant 1 : i32
    %swap3A_640 = arith.index_cast %swap3A_639 : i32 to index
    %swap3A_641 = arith.constant 32 : index
    %swap3A_642 = tpu.vector_load %arg7[%swap3A_640, %swap3A_641] {strides = array<i32>} : memref<14x128xi32, #tpu.memory_space<vmem>>, vector<1x16xi32>,
    %swap3A_643 = vector.shape_cast %swap3A_642 : vector<1x16xi32> to vector<16xi32>
    %swap3A_644 = vector.shape_cast %select_n3A_629 : vector<16xi32> to vector<1x16xi32>
    tpu.vector_store %arg7[%swap3A_640, %swap3A_641], %swap3A_644 {strides = array<i32>} : memref<14x128xi32, #tpu.memory_space<vmem>>, vector<1x16xi32>,
    %swap3A_645 = arith.constant 13 : i32
    %swap3A_646 = arith.index_cast %swap3A_645 : i32 to index
    %swap3A_647 = arith.constant 96 : index
    %swap3A_648 = tpu.vector_load %arg7[%swap3A_646, %swap3A_647] {strides = array<i32>} : memref<14x128xi32, #tpu.memory_space<vmem>>, vector<1x16xi32>,
    %swap3A_649 = vector.shape_cast %swap3A_648 : vector<1x16xi32> to vector<16xi32>
    %swap3A_650 = vector.shape_cast %select_n3A_638 : vector<16xi32> to vector<1x16xi32>
    tpu.vector_store %arg7[%swap3A_646, %swap3A_647], %swap3A_650 {strides = array<i32>} : memref<14x128xi32, #tpu.memory_space<vmem>>, vector<1x16xi32>,
    %get3A_651 = arith.constant 176 : index
    %get3A_652 = tpu.vector_load %arg5[%get3A_651] {strides = array<i32>} : memref<800xi32, #tpu.memory_space<vmem>>, vector<16xi32>,
    %get3A_653 = vector.shape_cast %get3A_652 : vector<16xi32> to vector<16xi32>
    %get3A_654 = arith.constant 176 : index
    %get3A_655 = tpu.vector_load %arg6[%get3A_654] {strides = array<i32>} : memref<800xi32, #tpu.memory_space<vmem>>, vector<16xi32>,
    %get3A_656 = vector.shape_cast %get3A_655 : vector<16xi32> to vector<16xi32>
    %mul3A_657 = arith.constant 2560 : i32
    %mul3A_658 = vector.broadcast %mul3A_657 : i32 to vector<16xi32>
    %mul3A_659 = arith.muli %get3A_653, %mul3A_658 : vector<16xi32>
    %add3A_660 = arith.addi %mul3A_659, %get3A_656 : vector<16xi32>
    %mul3A_661 = arith.constant 2560 : i32
    %mul3A_662 = vector.broadcast %mul3A_661 : i32 to vector<16xi32>
    %mul3A_663 = arith.muli %get3A_656, %mul3A_662 : vector<16xi32>
    %add3A_664 = arith.addi %mul3A_663, %get3A_653 : vector<16xi32>
    %ge3A_665 = vector.broadcast %mul3A_169 : i32 to vector<16xi32>
    %ge3A_666 = arith.cmpi sge, %add3A_660, %ge3A_665 : vector<16xi32>
    %add3A_667 = arith.constant 3276800 : i32
    %add3A_668 = arith.addi %mul3A_169, %add3A_667 : i32
    %lt3A_669 = vector.broadcast %add3A_668 : i32 to vector<16xi32>
    %lt3A_670 = arith.cmpi slt, %add3A_660, %lt3A_669 : vector<16xi32>
    %and3A_671 = arith.andi %ge3A_666, %lt3A_670 : vector<16xi1>
    %broadcast_in_dim3A_672 = vector.broadcast %mul3A_171 : i32 to vector<16xi32>
    %select_n3A_673 = arith.select %and3A_671, %add3A_660, %broadcast_in_dim3A_672 : vector<16xi1>, vector<16xi32>
    %ge3A_674 = vector.broadcast %mul3A_169 : i32 to vector<16xi32>
    %ge3A_675 = arith.cmpi sge, %add3A_664, %ge3A_674 : vector<16xi32>
    %add3A_676 = arith.constant 3276800 : i32
    %add3A_677 = arith.addi %mul3A_169, %add3A_676 : i32
    %lt3A_678 = vector.broadcast %add3A_677 : i32 to vector<16xi32>
    %lt3A_679 = arith.cmpi slt, %add3A_664, %lt3A_678 : vector<16xi32>
    %and3A_680 = arith.andi %ge3A_675, %lt3A_679 : vector<16xi1>
    %broadcast_in_dim3A_681 = vector.broadcast %mul3A_171 : i32 to vector<16xi32>
    %select_n3A_682 = arith.select %and3A_680, %add3A_664, %broadcast_in_dim3A_681 : vector<16xi1>, vector<16xi32>
    %swap3A_683 = arith.constant 1 : i32
    %swap3A_684 = arith.index_cast %swap3A_683 : i32 to index
    %swap3A_685 = arith.constant 48 : index
    %swap3A_686 = tpu.vector_load %arg7[%swap3A_684, %swap3A_685] {strides = array<i32>} : memref<14x128xi32, #tpu.memory_space<vmem>>, vector<1x16xi32>,
    %swap3A_687 = vector.shape_cast %swap3A_686 : vector<1x16xi32> to vector<16xi32>
    %swap3A_688 = vector.shape_cast %select_n3A_673 : vector<16xi32> to vector<1x16xi32>
    tpu.vector_store %arg7[%swap3A_684, %swap3A_685], %swap3A_688 {strides = array<i32>} : memref<14x128xi32, #tpu.memory_space<vmem>>, vector<1x16xi32>,
    %swap3A_689 = arith.constant 13 : i32
    %swap3A_690 = arith.index_cast %swap3A_689 : i32 to index
    %swap3A_691 = arith.constant 112 : index
    %swap3A_692 = tpu.vector_load %arg7[%swap3A_690, %swap3A_691] {strides = array<i32>} : memref<14x128xi32, #tpu.memory_space<vmem>>, vector<1x16xi32>,
    %swap3A_693 = vector.shape_cast %swap3A_692 : vector<1x16xi32> to vector<16xi32>
    %swap3A_694 = vector.shape_cast %select_n3A_682 : vector<16xi32> to vector<1x16xi32>
    tpu.vector_store %arg7[%swap3A_690, %swap3A_691], %swap3A_694 {strides = array<i32>} : memref<14x128xi32, #tpu.memory_space<vmem>>, vector<1x16xi32>,
    %get3A_695 = arith.constant 192 : index
    %get3A_696 = tpu.vector_load %arg5[%get3A_695] {strides = array<i32>} : memref<800xi32, #tpu.memory_space<vmem>>, vector<16xi32>,
    %get3A_697 = vector.shape_cast %get3A_696 : vector<16xi32> to vector<16xi32>
    %get3A_698 = arith.constant 192 : index
    %get3A_699 = tpu.vector_load %arg6[%get3A_698] {strides = array<i32>} : memref<800xi32, #tpu.memory_space<vmem>>, vector<16xi32>,
    %get3A_700 = vector.shape_cast %get3A_699 : vector<16xi32> to vector<16xi32>
    %mul3A_701 = arith.constant 2560 : i32
    %mul3A_702 = vector.broadcast %mul3A_701 : i32 to vector<16xi32>
    %mul3A_703 = arith.muli %get3A_697, %mul3A_702 : vector<16xi32>
    %add3A_704 = arith.addi %mul3A_703, %get3A_700 : vector<16xi32>
    %mul3A_705 = arith.constant 2560 : i32
    %mul3A_706 = vector.broadcast %mul3A_705 : i32 to vector<16xi32>
    %mul3A_707 = arith.muli %get3A_700, %mul3A_706 : vector<16xi32>
    %add3A_708 = arith.addi %mul3A_707, %get3A_697 : vector<16xi32>
    %ge3A_709 = vector.broadcast %mul3A_169 : i32 to vector<16xi32>
    %ge3A_710 = arith.cmpi sge, %add3A_704, %ge3A_709 : vector<16xi32>
    %add3A_711 = arith.constant 3276800 : i32
    %add3A_712 = arith.addi %mul3A_169, %add3A_711 : i32
    %lt3A_713 = vector.broadcast %add3A_712 : i32 to vector<16xi32>
    %lt3A_714 = arith.cmpi slt, %add3A_704, %lt3A_713 : vector<16xi32>
    %and3A_715 = arith.andi %ge3A_710, %lt3A_714 : vector<16xi1>
    %broadcast_in_dim3A_716 = vector.broadcast %mul3A_171 : i32 to vector<16xi32>
    %select_n3A_717 = arith.select %and3A_715, %add3A_704, %broadcast_in_dim3A_716 : vector<16xi1>, vector<16xi32>
    %ge3A_718 = vector.broadcast %mul3A_169 : i32 to vector<16xi32>
    %ge3A_719 = arith.cmpi sge, %add3A_708, %ge3A_718 : vector<16xi32>
    %add3A_720 = arith.constant 3276800 : i32
    %add3A_721 = arith.addi %mul3A_169, %add3A_720 : i32
    %lt3A_722 = vector.broadcast %add3A_721 : i32 to vector<16xi32>
    %lt3A_723 = arith.cmpi slt, %add3A_708, %lt3A_722 : vector<16xi32>
    %and3A_724 = arith.andi %ge3A_719, %lt3A_723 : vector<16xi1>
    %broadcast_in_dim3A_725 = vector.broadcast %mul3A_171 : i32 to vector<16xi32>
    %select_n3A_726 = arith.select %and3A_724, %add3A_708, %broadcast_in_dim3A_725 : vector<16xi1>, vector<16xi32>
    %swap3A_727 = arith.constant 1 : i32
    %swap3A_728 = arith.index_cast %swap3A_727 : i32 to index
    %swap3A_729 = arith.constant 64 : index
    %swap3A_730 = tpu.vector_load %arg7[%swap3A_728, %swap3A_729] {strides = array<i32>} : memref<14x128xi32, #tpu.memory_space<vmem>>, vector<1x16xi32>,
    %swap3A_731 = vector.shape_cast %swap3A_730 : vector<1x16xi32> to vector<16xi32>
    %swap3A_732 = vector.shape_cast %select_n3A_717 : vector<16xi32> to vector<1x16xi32>
    tpu.vector_store %arg7[%swap3A_728, %swap3A_729], %swap3A_732 {strides = array<i32>} : memref<14x128xi32, #tpu.memory_space<vmem>>, vector<1x16xi32>,
    %swap3A_733 = arith.constant 14 : i32
    %swap3A_734 = arith.index_cast %swap3A_733 : i32 to index
    %swap3A_735 = arith.constant 0 : index
    %swap3A_736 = tpu.vector_load %arg7[%swap3A_734, %swap3A_735] {strides = array<i32>} : memref<14x128xi32, #tpu.memory_space<vmem>>, vector<1x16xi32>,
    %swap3A_737 = vector.shape_cast %swap3A_736 : vector<1x16xi32> to vector<16xi32>
    %swap3A_738 = vector.shape_cast %select_n3A_726 : vector<16xi32> to vector<1x16xi32>
    tpu.vector_store %arg7[%swap3A_734, %swap3A_735], %swap3A_738 {strides = array<i32>} : memref<14x128xi32, #tpu.memory_space<vmem>>, vector<1x16xi32>,
    %get3A_739 = arith.constant 208 : index
    %get3A_740 = tpu.vector_load %arg5[%get3A_739] {strides = array<i32>} : memref<800xi32, #tpu.memory_space<vmem>>, vector<16xi32>,
    %get3A_741 = vector.shape_cast %get3A_740 : vector<16xi32> to vector<16xi32>
    %get3A_742 = arith.constant 208 : index
    %get3A_743 = tpu.vector_load %arg6[%get3A_742] {strides = array<i32>} : memref<800xi32, #tpu.memory_space<vmem>>, vector<16xi32>,
    %get3A_744 = vector.shape_cast %get3A_743 : vector<16xi32> to vector<16xi32>
    %mul3A_745 = arith.constant 2560 : i32
    %mul3A_746 = vector.broadcast %mul3A_745 : i32 to vector<16xi32>
    %mul3A_747 = arith.muli %get3A_741, %mul3A_746 : vector<16xi32>
    %add3A_748 = arith.addi %mul3A_747, %get3A_744 : vector<16xi32>
    %mul3A_749 = arith.constant 2560 : i32
    %mul3A_750 = vector.broadcast %mul3A_749 : i32 to vector<16xi32>
    %mul3A_751 = arith.muli %get3A_744, %mul3A_750 : vector<16xi32>
    %add3A_752 = arith.addi %mul3A_751, %get3A_741 : vector<16xi32>
    %ge3A_753 = vector.broadcast %mul3A_169 : i32 to vector<16xi32>
    %ge3A_754 = arith.cmpi sge, %add3A_748, %ge3A_753 : vector<16xi32>
    %add3A_755 = arith.constant 3276800 : i32
    %add3A_756 = arith.addi %mul3A_169, %add3A_755 : i32
    %lt3A_757 = vector.broadcast %add3A_756 : i32 to vector<16xi32>
    %lt3A_758 = arith.cmpi slt, %add3A_748, %lt3A_757 : vector<16xi32>
    %and3A_759 = arith.andi %ge3A_754, %lt3A_758 : vector<16xi1>
    %broadcast_in_dim3A_760 = vector.broadcast %mul3A_171 : i32 to vector<16xi32>
    %select_n3A_761 = arith.select %and3A_759, %add3A_748, %broadcast_in_dim3A_760 : vector<16xi1>, vector<16xi32>
    %ge3A_762 = vector.broadcast %mul3A_169 : i32 to vector<16xi32>
    %ge3A_763 = arith.cmpi sge, %add3A_752, %ge3A_762 : vector<16xi32>
    %add3A_764 = arith.constant 3276800 : i32
    %add3A_765 = arith.addi %mul3A_169, %add3A_764 : i32
    %lt3A_766 = vector.broadcast %add3A_765 : i32 to vector<16xi32>
    %lt3A_767 = arith.cmpi slt, %add3A_752, %lt3A_766 : vector<16xi32>
    %and3A_768 = arith.andi %ge3A_763, %lt3A_767 : vector<16xi1>
    %broadcast_in_dim3A_769 = vector.broadcast %mul3A_171 : i32 to vector<16xi32>
    %select_n3A_770 = arith.select %and3A_768, %add3A_752, %broadcast_in_dim3A_769 : vector<16xi1>, vector<16xi32>
    %swap3A_771 = arith.constant 1 : i32
    %swap3A_772 = arith.index_cast %swap3A_771 : i32 to index
    %swap3A_773 = arith.constant 80 : index
    %swap3A_774 = tpu.vector_load %arg7[%swap3A_772, %swap3A_773] {strides = array<i32>} : memref<14x128xi32, #tpu.memory_space<vmem>>, vector<1x16xi32>,
    %swap3A_775 = vector.shape_cast %swap3A_774 : vector<1x16xi32> to vector<16xi32>
    %swap3A_776 = vector.shape_cast %select_n3A_761 : vector<16xi32> to vector<1x16xi32>
    tpu.vector_store %arg7[%swap3A_772, %swap3A_773], %swap3A_776 {strides = array<i32>} : memref<14x128xi32, #tpu.memory_space<vmem>>, vector<1x16xi32>,
    %swap3A_777 = arith.constant 14 : i32
    %swap3A_778 = arith.index_cast %swap3A_777 : i32 to index
    %swap3A_779 = arith.constant 16 : index
    %swap3A_780 = tpu.vector_load %arg7[%swap3A_778, %swap3A_779] {strides = array<i32>} : memref<14x128xi32, #tpu.memory_space<vmem>>, vector<1x16xi32>,
    %swap3A_781 = vector.shape_cast %swap3A_780 : vector<1x16xi32> to vector<16xi32>
    %swap3A_782 = vector.shape_cast %select_n3A_770 : vector<16xi32> to vector<1x16xi32>
    tpu.vector_store %arg7[%swap3A_778, %swap3A_779], %swap3A_782 {strides = array<i32>} : memref<14x128xi32, #tpu.memory_space<vmem>>, vector<1x16xi32>,
    %get3A_783 = arith.constant 224 : index
    %get3A_784 = tpu.vector_load %arg5[%get3A_783] {strides = array<i32>} : memref<800xi32, #tpu.memory_space<vmem>>, vector<16xi32>,
    %get3A_785 = vector.shape_cast %get3A_784 : vector<16xi32> to vector<16xi32>
    %get3A_786 = arith.constant 224 : index
    %get3A_787 = tpu.vector_load %arg6[%get3A_786] {strides = array<i32>} : memref<800xi32, #tpu.memory_space<vmem>>, vector<16xi32>,
    %get3A_788 = vector.shape_cast %get3A_787 : vector<16xi32> to vector<16xi32>
    %mul3A_789 = arith.constant 2560 : i32
    %mul3A_790 = vector.broadcast %mul3A_789 : i32 to vector<16xi32>
    %mul3A_791 = arith.muli %get3A_785, %mul3A_790 : vector<16xi32>
    %add3A_792 = arith.addi %mul3A_791, %get3A_788 : vector<16xi32>
    %mul3A_793 = arith.constant 2560 : i32
    %mul3A_794 = vector.broadcast %mul3A_793 : i32 to vector<16xi32>
    %mul3A_795 = arith.muli %get3A_788, %mul3A_794 : vector<16xi32>
    %add3A_796 = arith.addi %mul3A_795, %get3A_785 : vector<16xi32>
    %ge3A_797 = vector.broadcast %mul3A_169 : i32 to vector<16xi32>
    %ge3A_798 = arith.cmpi sge, %add3A_792, %ge3A_797 : vector<16xi32>
    %add3A_799 = arith.constant 3276800 : i32
    %add3A_800 = arith.addi %mul3A_169, %add3A_799 : i32
    %lt3A_801 = vector.broadcast %add3A_800 : i32 to vector<16xi32>
    %lt3A_802 = arith.cmpi slt, %add3A_792, %lt3A_801 : vector<16xi32>
    %and3A_803 = arith.andi %ge3A_798, %lt3A_802 : vector<16xi1>
    %broadcast_in_dim3A_804 = vector.broadcast %mul3A_171 : i32 to vector<16xi32>
    %select_n3A_805 = arith.select %and3A_803, %add3A_792, %broadcast_in_dim3A_804 : vector<16xi1>, vector<16xi32>
    %ge3A_806 = vector.broadcast %mul3A_169 : i32 to vector<16xi32>
    %ge3A_807 = arith.cmpi sge, %add3A_796, %ge3A_806 : vector<16xi32>
    %add3A_808 = arith.constant 3276800 : i32
    %add3A_809 = arith.addi %mul3A_169, %add3A_808 : i32
    %lt3A_810 = vector.broadcast %add3A_809 : i32 to vector<16xi32>
    %lt3A_811 = arith.cmpi slt, %add3A_796, %lt3A_810 : vector<16xi32>
    %and3A_812 = arith.andi %ge3A_807, %lt3A_811 : vector<16xi1>
    %broadcast_in_dim3A_813 = vector.broadcast %mul3A_171 : i32 to vector<16xi32>
    %select_n3A_814 = arith.select %and3A_812, %add3A_796, %broadcast_in_dim3A_813 : vector<16xi1>, vector<16xi32>
    %swap3A_815 = arith.constant 1 : i32
    %swap3A_816 = arith.index_cast %swap3A_815 : i32 to index
    %swap3A_817 = arith.constant 96 : index
    %swap3A_818 = tpu.vector_load %arg7[%swap3A_816, %swap3A_817] {strides = array<i32>} : memref<14x128xi32, #tpu.memory_space<vmem>>, vector<1x16xi32>,
    %swap3A_819 = vector.shape_cast %swap3A_818 : vector<1x16xi32> to vector<16xi32>
    %swap3A_820 = vector.shape_cast %select_n3A_805 : vector<16xi32> to vector<1x16xi32>
    tpu.vector_store %arg7[%swap3A_816, %swap3A_817], %swap3A_820 {strides = array<i32>} : memref<14x128xi32, #tpu.memory_space<vmem>>, vector<1x16xi32>,
    %swap3A_821 = arith.constant 14 : i32
    %swap3A_822 = arith.index_cast %swap3A_821 : i32 to index
    %swap3A_823 = arith.constant 32 : index
    %swap3A_824 = tpu.vector_load %arg7[%swap3A_822, %swap3A_823] {strides = array<i32>} : memref<14x128xi32, #tpu.memory_space<vmem>>, vector<1x16xi32>,
    %swap3A_825 = vector.shape_cast %swap3A_824 : vector<1x16xi32> to vector<16xi32>
    %swap3A_826 = vector.shape_cast %select_n3A_814 : vector<16xi32> to vector<1x16xi32>
    tpu.vector_store %arg7[%swap3A_822, %swap3A_823], %swap3A_826 {strides = array<i32>} : memref<14x128xi32, #tpu.memory_space<vmem>>, vector<1x16xi32>,
    %get3A_827 = arith.constant 240 : index
    %get3A_828 = tpu.vector_load %arg5[%get3A_827] {strides = array<i32>} : memref<800xi32, #tpu.memory_space<vmem>>, vector<16xi32>,
    %get3A_829 = vector.shape_cast %get3A_828 : vector<16xi32> to vector<16xi32>
    %get3A_830 = arith.constant 240 : index
    %get3A_831 = tpu.vector_load %arg6[%get3A_830] {strides = array<i32>} : memref<800xi32, #tpu.memory_space<vmem>>, vector<16xi32>,
    %get3A_832 = vector.shape_cast %get3A_831 : vector<16xi32> to vector<16xi32>
    %mul3A_833 = arith.constant 2560 : i32
    %mul3A_834 = vector.broadcast %mul3A_833 : i32 to vector<16xi32>
    %mul3A_835 = arith.muli %get3A_829, %mul3A_834 : vector<16xi32>
    %add3A_836 = arith.addi %mul3A_835, %get3A_832 : vector<16xi32>
    %mul3A_837 = arith.constant 2560 : i32
    %mul3A_838 = vector.broadcast %mul3A_837 : i32 to vector<16xi32>
    %mul3A_839 = arith.muli %get3A_832, %mul3A_838 : vector<16xi32>
    %add3A_840 = arith.addi %mul3A_839, %get3A_829 : vector<16xi32>
    %ge3A_841 = vector.broadcast %mul3A_169 : i32 to vector<16xi32>
    %ge3A_842 = arith.cmpi sge, %add3A_836, %ge3A_841 : vector<16xi32>
    %add3A_843 = arith.constant 3276800 : i32
    %add3A_844 = arith.addi %mul3A_169, %add3A_843 : i32
    %lt3A_845 = vector.broadcast %add3A_844 : i32 to vector<16xi32>
    %lt3A_846 = arith.cmpi slt, %add3A_836, %lt3A_845 : vector<16xi32>
    %and3A_847 = arith.andi %ge3A_842, %lt3A_846 : vector<16xi1>
    %broadcast_in_dim3A_848 = vector.broadcast %mul3A_171 : i32 to vector<16xi32>
    %select_n3A_849 = arith.select %and3A_847, %add3A_836, %broadcast_in_dim3A_848 : vector<16xi1>, vector<16xi32>
    %ge3A_850 = vector.broadcast %mul3A_169 : i32 to vector<16xi32>
    %ge3A_851 = arith.cmpi sge, %add3A_840, %ge3A_850 : vector<16xi32>
    %add3A_852 = arith.constant 3276800 : i32
    %add3A_853 = arith.addi %mul3A_169, %add3A_852 : i32
    %lt3A_854 = vector.broadcast %add3A_853 : i32 to vector<16xi32>
    %lt3A_855 = arith.cmpi slt, %add3A_840, %lt3A_854 : vector<16xi32>
    %and3A_856 = arith.andi %ge3A_851, %lt3A_855 : vector<16xi1>
    %broadcast_in_dim3A_857 = vector.broadcast %mul3A_171 : i32 to vector<16xi32>
    %select_n3A_858 = arith.select %and3A_856, %add3A_840, %broadcast_in_dim3A_857 : vector<16xi1>, vector<16xi32>
    %swap3A_859 = arith.constant 1 : i32
    %swap3A_860 = arith.index_cast %swap3A_859 : i32 to index
    %swap3A_861 = arith.constant 112 : index
    %swap3A_862 = tpu.vector_load %arg7[%swap3A_860, %swap3A_861] {strides = array<i32>} : memref<14x128xi32, #tpu.memory_space<vmem>>, vector<1x16xi32>,
    %swap3A_863 = vector.shape_cast %swap3A_862 : vector<1x16xi32> to vector<16xi32>
    %swap3A_864 = vector.shape_cast %select_n3A_849 : vector<16xi32> to vector<1x16xi32>
    tpu.vector_store %arg7[%swap3A_860, %swap3A_861], %swap3A_864 {strides = array<i32>} : memref<14x128xi32, #tpu.memory_space<vmem>>, vector<1x16xi32>,
    %swap3A_865 = arith.constant 14 : i32
    %swap3A_866 = arith.index_cast %swap3A_865 : i32 to index
    %swap3A_867 = arith.constant 48 : index
    %swap3A_868 = tpu.vector_load %arg7[%swap3A_866, %swap3A_867] {strides = array<i32>} : memref<14x128xi32, #tpu.memory_space<vmem>>, vector<1x16xi32>,
    %swap3A_869 = vector.shape_cast %swap3A_868 : vector<1x16xi32> to vector<16xi32>
    %swap3A_870 = vector.shape_cast %select_n3A_858 : vector<16xi32> to vector<1x16xi32>
    tpu.vector_store %arg7[%swap3A_866, %swap3A_867], %swap3A_870 {strides = array<i32>} : memref<14x128xi32, #tpu.memory_space<vmem>>, vector<1x16xi32>,
    %get3A_871 = arith.constant 256 : index
    %get3A_872 = tpu.vector_load %arg5[%get3A_871] {strides = array<i32>} : memref<800xi32, #tpu.memory_space<vmem>>, vector<16xi32>,
    %get3A_873 = vector.shape_cast %get3A_872 : vector<16xi32> to vector<16xi32>
    %get3A_874 = arith.constant 256 : index
    %get3A_875 = tpu.vector_load %arg6[%get3A_874] {strides = array<i32>} : memref<800xi32, #tpu.memory_space<vmem>>, vector<16xi32>,
    %get3A_876 = vector.shape_cast %get3A_875 : vector<16xi32> to vector<16xi32>
    %mul3A_877 = arith.constant 2560 : i32
    %mul3A_878 = vector.broadcast %mul3A_877 : i32 to vector<16xi32>
    %mul3A_879 = arith.muli %get3A_873, %mul3A_878 : vector<16xi32>
    %add3A_880 = arith.addi %mul3A_879, %get3A_876 : vector<16xi32>
    %mul3A_881 = arith.constant 2560 : i32
    %mul3A_882 = vector.broadcast %mul3A_881 : i32 to vector<16xi32>
    %mul3A_883 = arith.muli %get3A_876, %mul3A_882 : vector<16xi32>
    %add3A_884 = arith.addi %mul3A_883, %get3A_873 : vector<16xi32>
    %ge3A_885 = vector.broadcast %mul3A_169 : i32 to vector<16xi32>
    %ge3A_886 = arith.cmpi sge, %add3A_880, %ge3A_885 : vector<16xi32>
    %add3A_887 = arith.constant 3276800 : i32
    %add3A_888 = arith.addi %mul3A_169, %add3A_887 : i32
    %lt3A_889 = vector.broadcast %add3A_888 : i32 to vector<16xi32>
    %lt3A_890 = arith.cmpi slt, %add3A_880, %lt3A_889 : vector<16xi32>
    %and3A_891 = arith.andi %ge3A_886, %lt3A_890 : vector<16xi1>
    %broadcast_in_dim3A_892 = vector.broadcast %mul3A_171 : i32 to vector<16xi32>
    %select_n3A_893 = arith.select %and3A_891, %add3A_880, %broadcast_in_dim3A_892 : vector<16xi1>, vector<16xi32>
    %ge3A_894 = vector.broadcast %mul3A_169 : i32 to vector<16xi32>
    %ge3A_895 = arith.cmpi sge, %add3A_884, %ge3A_894 : vector<16xi32>
    %add3A_896 = arith.constant 3276800 : i32
    %add3A_897 = arith.addi %mul3A_169, %add3A_896 : i32
    %lt3A_898 = vector.broadcast %add3A_897 : i32 to vector<16xi32>
    %lt3A_899 = arith.cmpi slt, %add3A_884, %lt3A_898 : vector<16xi32>
    %and3A_900 = arith.andi %ge3A_895, %lt3A_899 : vector<16xi1>
    %broadcast_in_dim3A_901 = vector.broadcast %mul3A_171 : i32 to vector<16xi32>
    %select_n3A_902 = arith.select %and3A_900, %add3A_884, %broadcast_in_dim3A_901 : vector<16xi1>, vector<16xi32>
    %swap3A_903 = arith.constant 2 : i32
    %swap3A_904 = arith.index_cast %swap3A_903 : i32 to index
    %swap3A_905 = arith.constant 0 : index
    %swap3A_906 = tpu.vector_load %arg7[%swap3A_904, %swap3A_905] {strides = array<i32>} : memref<14x128xi32, #tpu.memory_space<vmem>>, vector<1x16xi32>,
    %swap3A_907 = vector.shape_cast %swap3A_906 : vector<1x16xi32> to vector<16xi32>
    %swap3A_908 = vector.shape_cast %select_n3A_893 : vector<16xi32> to vector<1x16xi32>
    tpu.vector_store %arg7[%swap3A_904, %swap3A_905], %swap3A_908 {strides = array<i32>} : memref<14x128xi32, #tpu.memory_space<vmem>>, vector<1x16xi32>,
    %swap3A_909 = arith.constant 14 : i32
    %swap3A_910 = arith.index_cast %swap3A_909 : i32 to index
    %swap3A_911 = arith.constant 64 : index
    %swap3A_912 = tpu.vector_load %arg7[%swap3A_910, %swap3A_911] {strides = array<i32>} : memref<14x128xi32, #tpu.memory_space<vmem>>, vector<1x16xi32>,
    %swap3A_913 = vector.shape_cast %swap3A_912 : vector<1x16xi32> to vector<16xi32>
    %swap3A_914 = vector.shape_cast %select_n3A_902 : vector<16xi32> to vector<1x16xi32>
    tpu.vector_store %arg7[%swap3A_910, %swap3A_911], %swap3A_914 {strides = array<i32>} : memref<14x128xi32, #tpu.memory_space<vmem>>, vector<1x16xi32>,
    %get3A_915 = arith.constant 272 : index
    %get3A_916 = tpu.vector_load %arg5[%get3A_915] {strides = array<i32>} : memref<800xi32, #tpu.memory_space<vmem>>, vector<16xi32>,
    %get3A_917 = vector.shape_cast %get3A_916 : vector<16xi32> to vector<16xi32>
    %get3A_918 = arith.constant 272 : index
    %get3A_919 = tpu.vector_load %arg6[%get3A_918] {strides = array<i32>} : memref<800xi32, #tpu.memory_space<vmem>>, vector<16xi32>,
    %get3A_920 = vector.shape_cast %get3A_919 : vector<16xi32> to vector<16xi32>
    %mul3A_921 = arith.constant 2560 : i32
    %mul3A_922 = vector.broadcast %mul3A_921 : i32 to vector<16xi32>
    %mul3A_923 = arith.muli %get3A_917, %mul3A_922 : vector<16xi32>
    %add3A_924 = arith.addi %mul3A_923, %get3A_920 : vector<16xi32>
    %mul3A_925 = arith.constant 2560 : i32
    %mul3A_926 = vector.broadcast %mul3A_925 : i32 to vector<16xi32>
    %mul3A_927 = arith.muli %get3A_920, %mul3A_926 : vector<16xi32>
    %add3A_928 = arith.addi %mul3A_927, %get3A_917 : vector<16xi32>
    %ge3A_929 = vector.broadcast %mul3A_169 : i32 to vector<16xi32>
    %ge3A_930 = arith.cmpi sge, %add3A_924, %ge3A_929 : vector<16xi32>
    %add3A_931 = arith.constant 3276800 : i32
    %add3A_932 = arith.addi %mul3A_169, %add3A_931 : i32
    %lt3A_933 = vector.broadcast %add3A_932 : i32 to vector<16xi32>
    %lt3A_934 = arith.cmpi slt, %add3A_924, %lt3A_933 : vector<16xi32>
    %and3A_935 = arith.andi %ge3A_930, %lt3A_934 : vector<16xi1>
    %broadcast_in_dim3A_936 = vector.broadcast %mul3A_171 : i32 to vector<16xi32>
    %select_n3A_937 = arith.select %and3A_935, %add3A_924, %broadcast_in_dim3A_936 : vector<16xi1>, vector<16xi32>
    %ge3A_938 = vector.broadcast %mul3A_169 : i32 to vector<16xi32>
    %ge3A_939 = arith.cmpi sge, %add3A_928, %ge3A_938 : vector<16xi32>
    %add3A_940 = arith.constant 3276800 : i32
    %add3A_941 = arith.addi %mul3A_169, %add3A_940 : i32
    %lt3A_942 = vector.broadcast %add3A_941 : i32 to vector<16xi32>
    %lt3A_943 = arith.cmpi slt, %add3A_928, %lt3A_942 : vector<16xi32>
    %and3A_944 = arith.andi %ge3A_939, %lt3A_943 : vector<16xi1>
    %broadcast_in_dim3A_945 = vector.broadcast %mul3A_171 : i32 to vector<16xi32>
    %select_n3A_946 = arith.select %and3A_944, %add3A_928, %broadcast_in_dim3A_945 : vector<16xi1>, vector<16xi32>
    %swap3A_947 = arith.constant 2 : i32
    %swap3A_948 = arith.index_cast %swap3A_947 : i32 to index
    %swap3A_949 = arith.constant 16 : index
    %swap3A_950 = tpu.vector_load %arg7[%swap3A_948, %swap3A_949] {strides = array<i32>} : memref<14x128xi32, #tpu.memory_space<vmem>>, vector<1x16xi32>,
    %swap3A_951 = vector.shape_cast %swap3A_950 : vector<1x16xi32> to vector<16xi32>
    %swap3A_952 = vector.shape_cast %select_n3A_937 : vector<16xi32> to vector<1x16xi32>
    tpu.vector_store %arg7[%swap3A_948, %swap3A_949], %swap3A_952 {strides = array<i32>} : memref<14x128xi32, #tpu.memory_space<vmem>>, vector<1x16xi32>,
    %swap3A_953 = arith.constant 14 : i32
    %swap3A_954 = arith.index_cast %swap3A_953 : i32 to index
    %swap3A_955 = arith.constant 80 : index
    %swap3A_956 = tpu.vector_load %arg7[%swap3A_954, %swap3A_955] {strides = array<i32>} : memref<14x128xi32, #tpu.memory_space<vmem>>, vector<1x16xi32>,
    %swap3A_957 = vector.shape_cast %swap3A_956 : vector<1x16xi32> to vector<16xi32>
    %swap3A_958 = vector.shape_cast %select_n3A_946 : vector<16xi32> to vector<1x16xi32>
    tpu.vector_store %arg7[%swap3A_954, %swap3A_955], %swap3A_958 {strides = array<i32>} : memref<14x128xi32, #tpu.memory_space<vmem>>, vector<1x16xi32>,
    %get3A_959 = arith.constant 288 : index
    %get3A_960 = tpu.vector_load %arg5[%get3A_959] {strides = array<i32>} : memref<800xi32, #tpu.memory_space<vmem>>, vector<16xi32>,
    %get3A_961 = vector.shape_cast %get3A_960 : vector<16xi32> to vector<16xi32>
    %get3A_962 = arith.constant 288 : index
    %get3A_963 = tpu.vector_load %arg6[%get3A_962] {strides = array<i32>} : memref<800xi32, #tpu.memory_space<vmem>>, vector<16xi32>,
    %get3A_964 = vector.shape_cast %get3A_963 : vector<16xi32> to vector<16xi32>
    %mul3A_965 = arith.constant 2560 : i32
    %mul3A_966 = vector.broadcast %mul3A_965 : i32 to vector<16xi32>
    %mul3A_967 = arith.muli %get3A_961, %mul3A_966 : vector<16xi32>
    %add3A_968 = arith.addi %mul3A_967, %get3A_964 : vector<16xi32>
    %mul3A_969 = arith.constant 2560 : i32
    %mul3A_970 = vector.broadcast %mul3A_969 : i32 to vector<16xi32>
    %mul3A_971 = arith.muli %get3A_964, %mul3A_970 : vector<16xi32>
    %add3A_972 = arith.addi %mul3A_971, %get3A_961 : vector<16xi32>
    %ge3A_973 = vector.broadcast %mul3A_169 : i32 to vector<16xi32>
    %ge3A_974 = arith.cmpi sge, %add3A_968, %ge3A_973 : vector<16xi32>
    %add3A_975 = arith.constant 3276800 : i32
    %add3A_976 = arith.addi %mul3A_169, %add3A_975 : i32
    %lt3A_977 = vector.broadcast %add3A_976 : i32 to vector<16xi32>
    %lt3A_978 = arith.cmpi slt, %add3A_968, %lt3A_977 : vector<16xi32>
    %and3A_979 = arith.andi %ge3A_974, %lt3A_978 : vector<16xi1>
    %broadcast_in_dim3A_980 = vector.broadcast %mul3A_171 : i32 to vector<16xi32>
    %select_n3A_981 = arith.select %and3A_979, %add3A_968, %broadcast_in_dim3A_980 : vector<16xi1>, vector<16xi32>
    %ge3A_982 = vector.broadcast %mul3A_169 : i32 to vector<16xi32>
    %ge3A_983 = arith.cmpi sge, %add3A_972, %ge3A_982 : vector<16xi32>
    %add3A_984 = arith.constant 3276800 : i32
    %add3A_985 = arith.addi %mul3A_169, %add3A_984 : i32
    %lt3A_986 = vector.broadcast %add3A_985 : i32 to vector<16xi32>
    %lt3A_987 = arith.cmpi slt, %add3A_972, %lt3A_986 : vector<16xi32>
    %and3A_988 = arith.andi %ge3A_983, %lt3A_987 : vector<16xi1>
    %broadcast_in_dim3A_989 = vector.broadcast %mul3A_171 : i32 to vector<16xi32>
    %select_n3A_990 = arith.select %and3A_988, %add3A_972, %broadcast_in_dim3A_989 : vector<16xi1>, vector<16xi32>
    %swap3A_991 = arith.constant 2 : i32
    %swap3A_992 = arith.index_cast %swap3A_991 : i32 to index
    %swap3A_993 = arith.constant 32 : index
    %swap3A_994 = tpu.vector_load %arg7[%swap3A_992, %swap3A_993] {strides = array<i32>} : memref<14x128xi32, #tpu.memory_space<vmem>>, vector<1x16xi32>,
    %swap3A_995 = vector.shape_cast %swap3A_994 : vector<1x16xi32> to vector<16xi32>
    %swap3A_996 = vector.shape_cast %select_n3A_981 : vector<16xi32> to vector<1x16xi32>
    tpu.vector_store %arg7[%swap3A_992, %swap3A_993], %swap3A_996 {strides = array<i32>} : memref<14x128xi32, #tpu.memory_space<vmem>>, vector<1x16xi32>,
    %swap3A_997 = arith.constant 14 : i32
    %swap3A_998 = arith.index_cast %swap3A_997 : i32 to index
    %swap3A_999 = arith.constant 96 : index
    %swap3A_1000 = tpu.vector_load %arg7[%swap3A_998, %swap3A_999] {strides = array<i32>} : memref<14x128xi32, #tpu.memory_space<vmem>>, vector<1x16xi32>,
    %swap3A_1001 = vector.shape_cast %swap3A_1000 : vector<1x16xi32> to vector<16xi32>
    %swap3A_1002 = vector.shape_cast %select_n3A_990 : vector<16xi32> to vector<1x16xi32>
    tpu.vector_store %arg7[%swap3A_998, %swap3A_999], %swap3A_1002 {strides = array<i32>} : memref<14x128xi32, #tpu.memory_space<vmem>>, vector<1x16xi32>,
    %get3A_1003 = arith.constant 304 : index
    %get3A_1004 = tpu.vector_load %arg5[%get3A_1003] {strides = array<i32>} : memref<800xi32, #tpu.memory_space<vmem>>, vector<16xi32>,
    %get3A_1005 = vector.shape_cast %get3A_1004 : vector<16xi32> to vector<16xi32>
    %get3A_1006 = arith.constant 304 : index
    %get3A_1007 = tpu.vector_load %arg6[%get3A_1006] {strides = array<i32>} : memref<800xi32, #tpu.memory_space<vmem>>, vector<16xi32>,
    %get3A_1008 = vector.shape_cast %get3A_1007 : vector<16xi32> to vector<16xi32>
    %mul3A_1009 = arith.constant 2560 : i32
    %mul3A_1010 = vector.broadcast %mul3A_1009 : i32 to vector<16xi32>
    %mul3A_1011 = arith.muli %get3A_1005, %mul3A_1010 : vector<16xi32>
    %add3A_1012 = arith.addi %mul3A_1011, %get3A_1008 : vector<16xi32>
    %mul3A_1013 = arith.constant 2560 : i32
    %mul3A_1014 = vector.broadcast %mul3A_1013 : i32 to vector<16xi32>
    %mul3A_1015 = arith.muli %get3A_1008, %mul3A_1014 : vector<16xi32>
    %add3A_1016 = arith.addi %mul3A_1015, %get3A_1005 : vector<16xi32>
    %ge3A_1017 = vector.broadcast %mul3A_169 : i32 to vector<16xi32>
    %ge3A_1018 = arith.cmpi sge, %add3A_1012, %ge3A_1017 : vector<16xi32>
    %add3A_1019 = arith.constant 3276800 : i32
    %add3A_1020 = arith.addi %mul3A_169, %add3A_1019 : i32
    %lt3A_1021 = vector.broadcast %add3A_1020 : i32 to vector<16xi32>
    %lt3A_1022 = arith.cmpi slt, %add3A_1012, %lt3A_1021 : vector<16xi32>
    %and3A_1023 = arith.andi %ge3A_1018, %lt3A_1022 : vector<16xi1>
    %broadcast_in_dim3A_1024 = vector.broadcast %mul3A_171 : i32 to vector<16xi32>
    %select_n3A_1025 = arith.select %and3A_1023, %add3A_1012, %broadcast_in_dim3A_1024 : vector<16xi1>, vector<16xi32>
    %ge3A_1026 = vector.broadcast %mul3A_169 : i32 to vector<16xi32>
    %ge3A_1027 = arith.cmpi sge, %add3A_1016, %ge3A_1026 : vector<16xi32>
    %add3A_1028 = arith.constant 3276800 : i32
    %add3A_1029 = arith.addi %mul3A_169, %add3A_1028 : i32
    %lt3A_1030 = vector.broadcast %add3A_1029 : i32 to vector<16xi32>
    %lt3A_1031 = arith.cmpi slt, %add3A_1016, %lt3A_1030 : vector<16xi32>
    %and3A_1032 = arith.andi %ge3A_1027, %lt3A_1031 : vector<16xi1>
    %broadcast_in_dim3A_1033 = vector.broadcast %mul3A_171 : i32 to vector<16xi32>
    %select_n3A_1034 = arith.select %and3A_1032, %add3A_1016, %broadcast_in_dim3A_1033 : vector<16xi1>, vector<16xi32>
    %swap3A_1035 = arith.constant 2 : i32
    %swap3A_1036 = arith.index_cast %swap3A_1035 : i32 to index
    %swap3A_1037 = arith.constant 48 : index
    %swap3A_1038 = tpu.vector_load %arg7[%swap3A_1036, %swap3A_1037] {strides = array<i32>} : memref<14x128xi32, #tpu.memory_space<vmem>>, vector<1x16xi32>,
    %swap3A_1039 = vector.shape_cast %swap3A_1038 : vector<1x16xi32> to vector<16xi32>
    %swap3A_1040 = vector.shape_cast %select_n3A_1025 : vector<16xi32> to vector<1x16xi32>
    tpu.vector_store %arg7[%swap3A_1036, %swap3A_1037], %swap3A_1040 {strides = array<i32>} : memref<14x128xi32, #tpu.memory_space<vmem>>, vector<1x16xi32>,
    %swap3A_1041 = arith.constant 14 : i32
    %swap3A_1042 = arith.index_cast %swap3A_1041 : i32 to index
    %swap3A_1043 = arith.constant 112 : index
    %swap3A_1044 = tpu.vector_load %arg7[%swap3A_1042, %swap3A_1043] {strides = array<i32>} : memref<14x128xi32, #tpu.memory_space<vmem>>, vector<1x16xi32>,
    %swap3A_1045 = vector.shape_cast %swap3A_1044 : vector<1x16xi32> to vector<16xi32>
    %swap3A_1046 = vector.shape_cast %select_n3A_1034 : vector<16xi32> to vector<1x16xi32>
    tpu.vector_store %arg7[%swap3A_1042, %swap3A_1043], %swap3A_1046 {strides = array<i32>} : memref<14x128xi32, #tpu.memory_space<vmem>>, vector<1x16xi32>,
    %get3A_1047 = arith.constant 320 : index
    %get3A_1048 = tpu.vector_load %arg5[%get3A_1047] {strides = array<i32>} : memref<800xi32, #tpu.memory_space<vmem>>, vector<16xi32>,
    %get3A_1049 = vector.shape_cast %get3A_1048 : vector<16xi32> to vector<16xi32>
    %get3A_1050 = arith.constant 320 : index
    %get3A_1051 = tpu.vector_load %arg6[%get3A_1050] {strides = array<i32>} : memref<800xi32, #tpu.memory_space<vmem>>, vector<16xi32>,
    %get3A_1052 = vector.shape_cast %get3A_1051 : vector<16xi32> to vector<16xi32>
    %mul3A_1053 = arith.constant 2560 : i32
    %mul3A_1054 = vector.broadcast %mul3A_1053 : i32 to vector<16xi32>
    %mul3A_1055 = arith.muli %get3A_1049, %mul3A_1054 : vector<16xi32>
    %add3A_1056 = arith.addi %mul3A_1055, %get3A_1052 : vector<16xi32>
    %mul3A_1057 = arith.constant 2560 : i32
    %mul3A_1058 = vector.broadcast %mul3A_1057 : i32 to vector<16xi32>
    %mul3A_1059 = arith.muli %get3A_1052, %mul3A_1058 : vector<16xi32>
    %add3A_1060 = arith.addi %mul3A_1059, %get3A_1049 : vector<16xi32>
    %ge3A_1061 = vector.broadcast %mul3A_169 : i32 to vector<16xi32>
    %ge3A_1062 = arith.cmpi sge, %add3A_1056, %ge3A_1061 : vector<16xi32>
    %add3A_1063 = arith.constant 3276800 : i32
    %add3A_1064 = arith.addi %mul3A_169, %add3A_1063 : i32
    %lt3A_1065 = vector.broadcast %add3A_1064 : i32 to vector<16xi32>
    %lt3A_1066 = arith.cmpi slt, %add3A_1056, %lt3A_1065 : vector<16xi32>
    %and3A_1067 = arith.andi %ge3A_1062, %lt3A_1066 : vector<16xi1>
    %broadcast_in_dim3A_1068 = vector.broadcast %mul3A_171 : i32 to vector<16xi32>
    %select_n3A_1069 = arith.select %and3A_1067, %add3A_1056, %broadcast_in_dim3A_1068 : vector<16xi1>, vector<16xi32>
    %ge3A_1070 = vector.broadcast %mul3A_169 : i32 to vector<16xi32>
    %ge3A_1071 = arith.cmpi sge, %add3A_1060, %ge3A_1070 : vector<16xi32>
    %add3A_1072 = arith.constant 3276800 : i32
    %add3A_1073 = arith.addi %mul3A_169, %add3A_1072 : i32
    %lt3A_1074 = vector.broadcast %add3A_1073 : i32 to vector<16xi32>
    %lt3A_1075 = arith.cmpi slt, %add3A_1060, %lt3A_1074 : vector<16xi32>
    %and3A_1076 = arith.andi %ge3A_1071, %lt3A_1075 : vector<16xi1>
    %broadcast_in_dim3A_1077 = vector.broadcast %mul3A_171 : i32 to vector<16xi32>
    %select_n3A_1078 = arith.select %and3A_1076, %add3A_1060, %broadcast_in_dim3A_1077 : vector<16xi1>, vector<16xi32>
    %swap3A_1079 = arith.constant 2 : i32
    %swap3A_1080 = arith.index_cast %swap3A_1079 : i32 to index
    %swap3A_1081 = arith.constant 64 : index
    %swap3A_1082 = tpu.vector_load %arg7[%swap3A_1080, %swap3A_1081] {strides = array<i32>} : memref<14x128xi32, #tpu.memory_space<vmem>>, vector<1x16xi32>,
    %swap3A_1083 = vector.shape_cast %swap3A_1082 : vector<1x16xi32> to vector<16xi32>
    %swap3A_1084 = vector.shape_cast %select_n3A_1069 : vector<16xi32> to vector<1x16xi32>
    tpu.vector_store %arg7[%swap3A_1080, %swap3A_1081], %swap3A_1084 {strides = array<i32>} : memref<14x128xi32, #tpu.memory_space<vmem>>, vector<1x16xi32>,
    %swap3A_1085 = arith.constant 15 : i32
    %swap3A_1086 = arith.index_cast %swap3A_1085 : i32 to index
    %swap3A_1087 = arith.constant 0 : index
    %swap3A_1088 = tpu.vector_load %arg7[%swap3A_1086, %swap3A_1087] {strides = array<i32>} : memref<14x128xi32, #tpu.memory_space<vmem>>, vector<1x16xi32>,
    %swap3A_1089 = vector.shape_cast %swap3A_1088 : vector<1x16xi32> to vector<16xi32>
    %swap3A_1090 = vector.shape_cast %select_n3A_1078 : vector<16xi32> to vector<1x16xi32>
    tpu.vector_store %arg7[%swap3A_1086, %swap3A_1087], %swap3A_1090 {strides = array<i32>} : memref<14x128xi32, #tpu.memory_space<vmem>>, vector<1x16xi32>,
    %get3A_1091 = arith.constant 336 : index
    %get3A_1092 = tpu.vector_load %arg5[%get3A_1091] {strides = array<i32>} : memref<800xi32, #tpu.memory_space<vmem>>, vector<16xi32>,
    %get3A_1093 = vector.shape_cast %get3A_1092 : vector<16xi32> to vector<16xi32>
    %get3A_1094 = arith.constant 336 : index
    %get3A_1095 = tpu.vector_load %arg6[%get3A_1094] {strides = array<i32>} : memref<800xi32, #tpu.memory_space<vmem>>, vector<16xi32>,
    %get3A_1096 = vector.shape_cast %get3A_1095 : vector<16xi32> to vector<16xi32>
    %mul3A_1097 = arith.constant 2560 : i32
    %mul3A_1098 = vector.broadcast %mul3A_1097 : i32 to vector<16xi32>
    %mul3A_1099 = arith.muli %get3A_1093, %mul3A_1098 : vector<16xi32>
    %add3A_1100 = arith.addi %mul3A_1099, %get3A_1096 : vector<16xi32>
    %mul3A_1101 = arith.constant 2560 : i32
    %mul3A_1102 = vector.broadcast %mul3A_1101 : i32 to vector<16xi32>
    %mul3A_1103 = arith.muli %get3A_1096, %mul3A_1102 : vector<16xi32>
    %add3A_1104 = arith.addi %mul3A_1103, %get3A_1093 : vector<16xi32>
    %ge3A_1105 = vector.broadcast %mul3A_169 : i32 to vector<16xi32>
    %ge3A_1106 = arith.cmpi sge, %add3A_1100, %ge3A_1105 : vector<16xi32>
    %add3A_1107 = arith.constant 3276800 : i32
    %add3A_1108 = arith.addi %mul3A_169, %add3A_1107 : i32
    %lt3A_1109 = vector.broadcast %add3A_1108 : i32 to vector<16xi32>
    %lt3A_1110 = arith.cmpi slt, %add3A_1100, %lt3A_1109 : vector<16xi32>
    %and3A_1111 = arith.andi %ge3A_1106, %lt3A_1110 : vector<16xi1>
    %broadcast_in_dim3A_1112 = vector.broadcast %mul3A_171 : i32 to vector<16xi32>
    %select_n3A_1113 = arith.select %and3A_1111, %add3A_1100, %broadcast_in_dim3A_1112 : vector<16xi1>, vector<16xi32>
    %ge3A_1114 = vector.broadcast %mul3A_169 : i32 to vector<16xi32>
    %ge3A_1115 = arith.cmpi sge, %add3A_1104, %ge3A_1114 : vector<16xi32>
    %add3A_1116 = arith.constant 3276800 : i32
    %add3A_1117 = arith.addi %mul3A_169, %add3A_1116 : i32
    %lt3A_1118 = vector.broadcast %add3A_1117 : i32 to vector<16xi32>
    %lt3A_1119 = arith.cmpi slt, %add3A_1104, %lt3A_1118 : vector<16xi32>
    %and3A_1120 = arith.andi %ge3A_1115, %lt3A_1119 : vector<16xi1>
    %broadcast_in_dim3A_1121 = vector.broadcast %mul3A_171 : i32 to vector<16xi32>
    %select_n3A_1122 = arith.select %and3A_1120, %add3A_1104, %broadcast_in_dim3A_1121 : vector<16xi1>, vector<16xi32>
    %swap3A_1123 = arith.constant 2 : i32
    %swap3A_1124 = arith.index_cast %swap3A_1123 : i32 to index
    %swap3A_1125 = arith.constant 80 : index
    %swap3A_1126 = tpu.vector_load %arg7[%swap3A_1124, %swap3A_1125] {strides = array<i32>} : memref<14x128xi32, #tpu.memory_space<vmem>>, vector<1x16xi32>,
    %swap3A_1127 = vector.shape_cast %swap3A_1126 : vector<1x16xi32> to vector<16xi32>
    %swap3A_1128 = vector.shape_cast %select_n3A_1113 : vector<16xi32> to vector<1x16xi32>
    tpu.vector_store %arg7[%swap3A_1124, %swap3A_1125], %swap3A_1128 {strides = array<i32>} : memref<14x128xi32, #tpu.memory_space<vmem>>, vector<1x16xi32>,
    %swap3A_1129 = arith.constant 15 : i32
    %swap3A_1130 = arith.index_cast %swap3A_1129 : i32 to index
    %swap3A_1131 = arith.constant 16 : index
    %swap3A_1132 = tpu.vector_load %arg7[%swap3A_1130, %swap3A_1131] {strides = array<i32>} : memref<14x128xi32, #tpu.memory_space<vmem>>, vector<1x16xi32>,
    %swap3A_1133 = vector.shape_cast %swap3A_1132 : vector<1x16xi32> to vector<16xi32>
    %swap3A_1134 = vector.shape_cast %select_n3A_1122 : vector<16xi32> to vector<1x16xi32>
    tpu.vector_store %arg7[%swap3A_1130, %swap3A_1131], %swap3A_1134 {strides = array<i32>} : memref<14x128xi32, #tpu.memory_space<vmem>>, vector<1x16xi32>,
    %get3A_1135 = arith.constant 352 : index
    %get3A_1136 = tpu.vector_load %arg5[%get3A_1135] {strides = array<i32>} : memref<800xi32, #tpu.memory_space<vmem>>, vector<16xi32>,
    %get3A_1137 = vector.shape_cast %get3A_1136 : vector<16xi32> to vector<16xi32>
    %get3A_1138 = arith.constant 352 : index
    %get3A_1139 = tpu.vector_load %arg6[%get3A_1138] {strides = array<i32>} : memref<800xi32, #tpu.memory_space<vmem>>, vector<16xi32>,
    %get3A_1140 = vector.shape_cast %get3A_1139 : vector<16xi32> to vector<16xi32>
    %mul3A_1141 = arith.constant 2560 : i32
    %mul3A_1142 = vector.broadcast %mul3A_1141 : i32 to vector<16xi32>
    %mul3A_1143 = arith.muli %get3A_1137, %mul3A_1142 : vector<16xi32>
    %add3A_1144 = arith.addi %mul3A_1143, %get3A_1140 : vector<16xi32>
    %mul3A_1145 = arith.constant 2560 : i32
    %mul3A_1146 = vector.broadcast %mul3A_1145 : i32 to vector<16xi32>
    %mul3A_1147 = arith.muli %get3A_1140, %mul3A_1146 : vector<16xi32>
    %add3A_1148 = arith.addi %mul3A_1147, %get3A_1137 : vector<16xi32>
    %ge3A_1149 = vector.broadcast %mul3A_169 : i32 to vector<16xi32>
    %ge3A_1150 = arith.cmpi sge, %add3A_1144, %ge3A_1149 : vector<16xi32>
    %add3A_1151 = arith.constant 3276800 : i32
    %add3A_1152 = arith.addi %mul3A_169, %add3A_1151 : i32
    %lt3A_1153 = vector.broadcast %add3A_1152 : i32 to vector<16xi32>
    %lt3A_1154 = arith.cmpi slt, %add3A_1144, %lt3A_1153 : vector<16xi32>
    %and3A_1155 = arith.andi %ge3A_1150, %lt3A_1154 : vector<16xi1>
    %broadcast_in_dim3A_1156 = vector.broadcast %mul3A_171 : i32 to vector<16xi32>
    %select_n3A_1157 = arith.select %and3A_1155, %add3A_1144, %broadcast_in_dim3A_1156 : vector<16xi1>, vector<16xi32>
    %ge3A_1158 = vector.broadcast %mul3A_169 : i32 to vector<16xi32>
    %ge3A_1159 = arith.cmpi sge, %add3A_1148, %ge3A_1158 : vector<16xi32>
    %add3A_1160 = arith.constant 3276800 : i32
    %add3A_1161 = arith.addi %mul3A_169, %add3A_1160 : i32
    %lt3A_1162 = vector.broadcast %add3A_1161 : i32 to vector<16xi32>
    %lt3A_1163 = arith.cmpi slt, %add3A_1148, %lt3A_1162 : vector<16xi32>
    %and3A_1164 = arith.andi %ge3A_1159, %lt3A_1163 : vector<16xi1>
    %broadcast_in_dim3A_1165 = vector.broadcast %mul3A_171 : i32 to vector<16xi32>
    %select_n3A_1166 = arith.select %and3A_1164, %add3A_1148, %broadcast_in_dim3A_1165 : vector<16xi1>, vector<16xi32>
    %swap3A_1167 = arith.constant 2 : i32
    %swap3A_1168 = arith.index_cast %swap3A_1167 : i32 to index
    %swap3A_1169 = arith.constant 96 : index
    %swap3A_1170 = tpu.vector_load %arg7[%swap3A_1168, %swap3A_1169] {strides = array<i32>} : memref<14x128xi32, #tpu.memory_space<vmem>>, vector<1x16xi32>,
    %swap3A_1171 = vector.shape_cast %swap3A_1170 : vector<1x16xi32> to vector<16xi32>
    %swap3A_1172 = vector.shape_cast %select_n3A_1157 : vector<16xi32> to vector<1x16xi32>
    tpu.vector_store %arg7[%swap3A_1168, %swap3A_1169], %swap3A_1172 {strides = array<i32>} : memref<14x128xi32, #tpu.memory_space<vmem>>, vector<1x16xi32>,
    %swap3A_1173 = arith.constant 15 : i32
    %swap3A_1174 = arith.index_cast %swap3A_1173 : i32 to index
    %swap3A_1175 = arith.constant 32 : index
    %swap3A_1176 = tpu.vector_load %arg7[%swap3A_1174, %swap3A_1175] {strides = array<i32>} : memref<14x128xi32, #tpu.memory_space<vmem>>, vector<1x16xi32>,
    %swap3A_1177 = vector.shape_cast %swap3A_1176 : vector<1x16xi32> to vector<16xi32>
    %swap3A_1178 = vector.shape_cast %select_n3A_1166 : vector<16xi32> to vector<1x16xi32>
    tpu.vector_store %arg7[%swap3A_1174, %swap3A_1175], %swap3A_1178 {strides = array<i32>} : memref<14x128xi32, #tpu.memory_space<vmem>>, vector<1x16xi32>,
    %get3A_1179 = arith.constant 368 : index
    %get3A_1180 = tpu.vector_load %arg5[%get3A_1179] {strides = array<i32>} : memref<800xi32, #tpu.memory_space<vmem>>, vector<16xi32>,
    %get3A_1181 = vector.shape_cast %get3A_1180 : vector<16xi32> to vector<16xi32>
    %get3A_1182 = arith.constant 368 : index
    %get3A_1183 = tpu.vector_load %arg6[%get3A_1182] {strides = array<i32>} : memref<800xi32, #tpu.memory_space<vmem>>, vector<16xi32>,
    %get3A_1184 = vector.shape_cast %get3A_1183 : vector<16xi32> to vector<16xi32>
    %mul3A_1185 = arith.constant 2560 : i32
    %mul3A_1186 = vector.broadcast %mul3A_1185 : i32 to vector<16xi32>
    %mul3A_1187 = arith.muli %get3A_1181, %mul3A_1186 : vector<16xi32>
    %add3A_1188 = arith.addi %mul3A_1187, %get3A_1184 : vector<16xi32>
    %mul3A_1189 = arith.constant 2560 : i32
    %mul3A_1190 = vector.broadcast %mul3A_1189 : i32 to vector<16xi32>
    %mul3A_1191 = arith.muli %get3A_1184, %mul3A_1190 : vector<16xi32>
    %add3A_1192 = arith.addi %mul3A_1191, %get3A_1181 : vector<16xi32>
    %ge3A_1193 = vector.broadcast %mul3A_169 : i32 to vector<16xi32>
    %ge3A_1194 = arith.cmpi sge, %add3A_1188, %ge3A_1193 : vector<16xi32>
    %add3A_1195 = arith.constant 3276800 : i32
    %add3A_1196 = arith.addi %mul3A_169, %add3A_1195 : i32
    %lt3A_1197 = vector.broadcast %add3A_1196 : i32 to vector<16xi32>
    %lt3A_1198 = arith.cmpi slt, %add3A_1188, %lt3A_1197 : vector<16xi32>
    %and3A_1199 = arith.andi %ge3A_1194, %lt3A_1198 : vector<16xi1>
    %broadcast_in_dim3A_1200 = vector.broadcast %mul3A_171 : i32 to vector<16xi32>
    %select_n3A_1201 = arith.select %and3A_1199, %add3A_1188, %broadcast_in_dim3A_1200 : vector<16xi1>, vector<16xi32>
    %ge3A_1202 = vector.broadcast %mul3A_169 : i32 to vector<16xi32>
    %ge3A_1203 = arith.cmpi sge, %add3A_1192, %ge3A_1202 : vector<16xi32>
    %add3A_1204 = arith.constant 3276800 : i32
    %add3A_1205 = arith.addi %mul3A_169, %add3A_1204 : i32
    %lt3A_1206 = vector.broadcast %add3A_1205 : i32 to vector<16xi32>
    %lt3A_1207 = arith.cmpi slt, %add3A_1192, %lt3A_1206 : vector<16xi32>
    %and3A_1208 = arith.andi %ge3A_1203, %lt3A_1207 : vector<16xi1>
    %broadcast_in_dim3A_1209 = vector.broadcast %mul3A_171 : i32 to vector<16xi32>
    %select_n3A_1210 = arith.select %and3A_1208, %add3A_1192, %broadcast_in_dim3A_1209 : vector<16xi1>, vector<16xi32>
    %swap3A_1211 = arith.constant 2 : i32
    %swap3A_1212 = arith.index_cast %swap3A_1211 : i32 to index
    %swap3A_1213 = arith.constant 112 : index
    %swap3A_1214 = tpu.vector_load %arg7[%swap3A_1212, %swap3A_1213] {strides = array<i32>} : memref<14x128xi32, #tpu.memory_space<vmem>>, vector<1x16xi32>,
    %swap3A_1215 = vector.shape_cast %swap3A_1214 : vector<1x16xi32> to vector<16xi32>
    %swap3A_1216 = vector.shape_cast %select_n3A_1201 : vector<16xi32> to vector<1x16xi32>
    tpu.vector_store %arg7[%swap3A_1212, %swap3A_1213], %swap3A_1216 {strides = array<i32>} : memref<14x128xi32, #tpu.memory_space<vmem>>, vector<1x16xi32>,
    %swap3A_1217 = arith.constant 15 : i32
    %swap3A_1218 = arith.index_cast %swap3A_1217 : i32 to index
    %swap3A_1219 = arith.constant 48 : index
    %swap3A_1220 = tpu.vector_load %arg7[%swap3A_1218, %swap3A_1219] {strides = array<i32>} : memref<14x128xi32, #tpu.memory_space<vmem>>, vector<1x16xi32>,
    %swap3A_1221 = vector.shape_cast %swap3A_1220 : vector<1x16xi32> to vector<16xi32>
    %swap3A_1222 = vector.shape_cast %select_n3A_1210 : vector<16xi32> to vector<1x16xi32>
    tpu.vector_store %arg7[%swap3A_1218, %swap3A_1219], %swap3A_1222 {strides = array<i32>} : memref<14x128xi32, #tpu.memory_space<vmem>>, vector<1x16xi32>,
    %get3A_1223 = arith.constant 384 : index
    %get3A_1224 = tpu.vector_load %arg5[%get3A_1223] {strides = array<i32>} : memref<800xi32, #tpu.memory_space<vmem>>, vector<16xi32>,
    %get3A_1225 = vector.shape_cast %get3A_1224 : vector<16xi32> to vector<16xi32>
    %get3A_1226 = arith.constant 384 : index
    %get3A_1227 = tpu.vector_load %arg6[%get3A_1226] {strides = array<i32>} : memref<800xi32, #tpu.memory_space<vmem>>, vector<16xi32>,
    %get3A_1228 = vector.shape_cast %get3A_1227 : vector<16xi32> to vector<16xi32>
    %mul3A_1229 = arith.constant 2560 : i32
    %mul3A_1230 = vector.broadcast %mul3A_1229 : i32 to vector<16xi32>
    %mul3A_1231 = arith.muli %get3A_1225, %mul3A_1230 : vector<16xi32>
    %add3A_1232 = arith.addi %mul3A_1231, %get3A_1228 : vector<16xi32>
    %mul3A_1233 = arith.constant 2560 : i32
    %mul3A_1234 = vector.broadcast %mul3A_1233 : i32 to vector<16xi32>
    %mul3A_1235 = arith.muli %get3A_1228, %mul3A_1234 : vector<16xi32>
    %add3A_1236 = arith.addi %mul3A_1235, %get3A_1225 : vector<16xi32>
    %ge3A_1237 = vector.broadcast %mul3A_169 : i32 to vector<16xi32>
    %ge3A_1238 = arith.cmpi sge, %add3A_1232, %ge3A_1237 : vector<16xi32>
    %add3A_1239 = arith.constant 3276800 : i32
    %add3A_1240 = arith.addi %mul3A_169, %add3A_1239 : i32
    %lt3A_1241 = vector.broadcast %add3A_1240 : i32 to vector<16xi32>
    %lt3A_1242 = arith.cmpi slt, %add3A_1232, %lt3A_1241 : vector<16xi32>
    %and3A_1243 = arith.andi %ge3A_1238, %lt3A_1242 : vector<16xi1>
    %broadcast_in_dim3A_1244 = vector.broadcast %mul3A_171 : i32 to vector<16xi32>
    %select_n3A_1245 = arith.select %and3A_1243, %add3A_1232, %broadcast_in_dim3A_1244 : vector<16xi1>, vector<16xi32>
    %ge3A_1246 = vector.broadcast %mul3A_169 : i32 to vector<16xi32>
    %ge3A_1247 = arith.cmpi sge, %add3A_1236, %ge3A_1246 : vector<16xi32>
    %add3A_1248 = arith.constant 3276800 : i32
    %add3A_1249 = arith.addi %mul3A_169, %add3A_1248 : i32
    %lt3A_1250 = vector.broadcast %add3A_1249 : i32 to vector<16xi32>
    %lt3A_1251 = arith.cmpi slt, %add3A_1236, %lt3A_1250 : vector<16xi32>
    %and3A_1252 = arith.andi %ge3A_1247, %lt3A_1251 : vector<16xi1>
    %broadcast_in_dim3A_1253 = vector.broadcast %mul3A_171 : i32 to vector<16xi32>
    %select_n3A_1254 = arith.select %and3A_1252, %add3A_1236, %broadcast_in_dim3A_1253 : vector<16xi1>, vector<16xi32>
    %swap3A_1255 = arith.constant 3 : i32
    %swap3A_1256 = arith.index_cast %swap3A_1255 : i32 to index
    %swap3A_1257 = arith.constant 0 : index
    %swap3A_1258 = tpu.vector_load %arg7[%swap3A_1256, %swap3A_1257] {strides = array<i32>} : memref<14x128xi32, #tpu.memory_space<vmem>>, vector<1x16xi32>,
    %swap3A_1259 = vector.shape_cast %swap3A_1258 : vector<1x16xi32> to vector<16xi32>
    %swap3A_1260 = vector.shape_cast %select_n3A_1245 : vector<16xi32> to vector<1x16xi32>
    tpu.vector_store %arg7[%swap3A_1256, %swap3A_1257], %swap3A_1260 {strides = array<i32>} : memref<14x128xi32, #tpu.memory_space<vmem>>, vector<1x16xi32>,
    %swap3A_1261 = arith.constant 15 : i32
    %swap3A_1262 = arith.index_cast %swap3A_1261 : i32 to index
    %swap3A_1263 = arith.constant 64 : index
    %swap3A_1264 = tpu.vector_load %arg7[%swap3A_1262, %swap3A_1263] {strides = array<i32>} : memref<14x128xi32, #tpu.memory_space<vmem>>, vector<1x16xi32>,
    %swap3A_1265 = vector.shape_cast %swap3A_1264 : vector<1x16xi32> to vector<16xi32>
    %swap3A_1266 = vector.shape_cast %select_n3A_1254 : vector<16xi32> to vector<1x16xi32>
    tpu.vector_store %arg7[%swap3A_1262, %swap3A_1263], %swap3A_1266 {strides = array<i32>} : memref<14x128xi32, #tpu.memory_space<vmem>>, vector<1x16xi32>,
    %get3A_1267 = arith.constant 400 : index
    %get3A_1268 = tpu.vector_load %arg5[%get3A_1267] {strides = array<i32>} : memref<800xi32, #tpu.memory_space<vmem>>, vector<16xi32>,
    %get3A_1269 = vector.shape_cast %get3A_1268 : vector<16xi32> to vector<16xi32>
    %get3A_1270 = arith.constant 400 : index
    %get3A_1271 = tpu.vector_load %arg6[%get3A_1270] {strides = array<i32>} : memref<800xi32, #tpu.memory_space<vmem>>, vector<16xi32>,
    %get3A_1272 = vector.shape_cast %get3A_1271 : vector<16xi32> to vector<16xi32>
    %mul3A_1273 = arith.constant 2560 : i32
    %mul3A_1274 = vector.broadcast %mul3A_1273 : i32 to vector<16xi32>
    %mul3A_1275 = arith.muli %get3A_1269, %mul3A_1274 : vector<16xi32>
    %add3A_1276 = arith.addi %mul3A_1275, %get3A_1272 : vector<16xi32>
    %mul3A_1277 = arith.constant 2560 : i32
    %mul3A_1278 = vector.broadcast %mul3A_1277 : i32 to vector<16xi32>
    %mul3A_1279 = arith.muli %get3A_1272, %mul3A_1278 : vector<16xi32>
    %add3A_1280 = arith.addi %mul3A_1279, %get3A_1269 : vector<16xi32>
    %ge3A_1281 = vector.broadcast %mul3A_169 : i32 to vector<16xi32>
    %ge3A_1282 = arith.cmpi sge, %add3A_1276, %ge3A_1281 : vector<16xi32>
    %add3A_1283 = arith.constant 3276800 : i32
    %add3A_1284 = arith.addi %mul3A_169, %add3A_1283 : i32
    %lt3A_1285 = vector.broadcast %add3A_1284 : i32 to vector<16xi32>
    %lt3A_1286 = arith.cmpi slt, %add3A_1276, %lt3A_1285 : vector<16xi32>
    %and3A_1287 = arith.andi %ge3A_1282, %lt3A_1286 : vector<16xi1>
    %broadcast_in_dim3A_1288 = vector.broadcast %mul3A_171 : i32 to vector<16xi32>
    %select_n3A_1289 = arith.select %and3A_1287, %add3A_1276, %broadcast_in_dim3A_1288 : vector<16xi1>, vector<16xi32>
    %ge3A_1290 = vector.broadcast %mul3A_169 : i32 to vector<16xi32>
    %ge3A_1291 = arith.cmpi sge, %add3A_1280, %ge3A_1290 : vector<16xi32>
    %add3A_1292 = arith.constant 3276800 : i32
    %add3A_1293 = arith.addi %mul3A_169, %add3A_1292 : i32
    %lt3A_1294 = vector.broadcast %add3A_1293 : i32 to vector<16xi32>
    %lt3A_1295 = arith.cmpi slt, %add3A_1280, %lt3A_1294 : vector<16xi32>
    %and3A_1296 = arith.andi %ge3A_1291, %lt3A_1295 : vector<16xi1>
    %broadcast_in_dim3A_1297 = vector.broadcast %mul3A_171 : i32 to vector<16xi32>
    %select_n3A_1298 = arith.select %and3A_1296, %add3A_1280, %broadcast_in_dim3A_1297 : vector<16xi1>, vector<16xi32>
    %swap3A_1299 = arith.constant 3 : i32
    %swap3A_1300 = arith.index_cast %swap3A_1299 : i32 to index
    %swap3A_1301 = arith.constant 16 : index
    %swap3A_1302 = tpu.vector_load %arg7[%swap3A_1300, %swap3A_1301] {strides = array<i32>} : memref<14x128xi32, #tpu.memory_space<vmem>>, vector<1x16xi32>,
    %swap3A_1303 = vector.shape_cast %swap3A_1302 : vector<1x16xi32> to vector<16xi32>
    %swap3A_1304 = vector.shape_cast %select_n3A_1289 : vector<16xi32> to vector<1x16xi32>
    tpu.vector_store %arg7[%swap3A_1300, %swap3A_1301], %swap3A_1304 {strides = array<i32>} : memref<14x128xi32, #tpu.memory_space<vmem>>, vector<1x16xi32>,
    %swap3A_1305 = arith.constant 15 : i32
    %swap3A_1306 = arith.index_cast %swap3A_1305 : i32 to index
    %swap3A_1307 = arith.constant 80 : index
    %swap3A_1308 = tpu.vector_load %arg7[%swap3A_1306, %swap3A_1307] {strides = array<i32>} : memref<14x128xi32, #tpu.memory_space<vmem>>, vector<1x16xi32>,
    %swap3A_1309 = vector.shape_cast %swap3A_1308 : vector<1x16xi32> to vector<16xi32>
    %swap3A_1310 = vector.shape_cast %select_n3A_1298 : vector<16xi32> to vector<1x16xi32>
    tpu.vector_store %arg7[%swap3A_1306, %swap3A_1307], %swap3A_1310 {strides = array<i32>} : memref<14x128xi32, #tpu.memory_space<vmem>>, vector<1x16xi32>,
    %get3A_1311 = arith.constant 416 : index
    %get3A_1312 = tpu.vector_load %arg5[%get3A_1311] {strides = array<i32>} : memref<800xi32, #tpu.memory_space<vmem>>, vector<16xi32>,
    %get3A_1313 = vector.shape_cast %get3A_1312 : vector<16xi32> to vector<16xi32>
    %get3A_1314 = arith.constant 416 : index
    %get3A_1315 = tpu.vector_load %arg6[%get3A_1314] {strides = array<i32>} : memref<800xi32, #tpu.memory_space<vmem>>, vector<16xi32>,
    %get3A_1316 = vector.shape_cast %get3A_1315 : vector<16xi32> to vector<16xi32>
    %mul3A_1317 = arith.constant 2560 : i32
    %mul3A_1318 = vector.broadcast %mul3A_1317 : i32 to vector<16xi32>
    %mul3A_1319 = arith.muli %get3A_1313, %mul3A_1318 : vector<16xi32>
    %add3A_1320 = arith.addi %mul3A_1319, %get3A_1316 : vector<16xi32>
    %mul3A_1321 = arith.constant 2560 : i32
    %mul3A_1322 = vector.broadcast %mul3A_1321 : i32 to vector<16xi32>
    %mul3A_1323 = arith.muli %get3A_1316, %mul3A_1322 : vector<16xi32>
    %add3A_1324 = arith.addi %mul3A_1323, %get3A_1313 : vector<16xi32>
    %ge3A_1325 = vector.broadcast %mul3A_169 : i32 to vector<16xi32>
    %ge3A_1326 = arith.cmpi sge, %add3A_1320, %ge3A_1325 : vector<16xi32>
    %add3A_1327 = arith.constant 3276800 : i32
    %add3A_1328 = arith.addi %mul3A_169, %add3A_1327 : i32
    %lt3A_1329 = vector.broadcast %add3A_1328 : i32 to vector<16xi32>
    %lt3A_1330 = arith.cmpi slt, %add3A_1320, %lt3A_1329 : vector<16xi32>
    %and3A_1331 = arith.andi %ge3A_1326, %lt3A_1330 : vector<16xi1>
    %broadcast_in_dim3A_1332 = vector.broadcast %mul3A_171 : i32 to vector<16xi32>
    %select_n3A_1333 = arith.select %and3A_1331, %add3A_1320, %broadcast_in_dim3A_1332 : vector<16xi1>, vector<16xi32>
    %ge3A_1334 = vector.broadcast %mul3A_169 : i32 to vector<16xi32>
    %ge3A_1335 = arith.cmpi sge, %add3A_1324, %ge3A_1334 : vector<16xi32>
    %add3A_1336 = arith.constant 3276800 : i32
    %add3A_1337 = arith.addi %mul3A_169, %add3A_1336 : i32
    %lt3A_1338 = vector.broadcast %add3A_1337 : i32 to vector<16xi32>
    %lt3A_1339 = arith.cmpi slt, %add3A_1324, %lt3A_1338 : vector<16xi32>
    %and3A_1340 = arith.andi %ge3A_1335, %lt3A_1339 : vector<16xi1>
    %broadcast_in_dim3A_1341 = vector.broadcast %mul3A_171 : i32 to vector<16xi32>
    %select_n3A_1342 = arith.select %and3A_1340, %add3A_1324, %broadcast_in_dim3A_1341 : vector<16xi1>, vector<16xi32>
    %swap3A_1343 = arith.constant 3 : i32
    %swap3A_1344 = arith.index_cast %swap3A_1343 : i32 to index
    %swap3A_1345 = arith.constant 32 : index
    %swap3A_1346 = tpu.vector_load %arg7[%swap3A_1344, %swap3A_1345] {strides = array<i32>} : memref<14x128xi32, #tpu.memory_space<vmem>>, vector<1x16xi32>,
    %swap3A_1347 = vector.shape_cast %swap3A_1346 : vector<1x16xi32> to vector<16xi32>
    %swap3A_1348 = vector.shape_cast %select_n3A_1333 : vector<16xi32> to vector<1x16xi32>
    tpu.vector_store %arg7[%swap3A_1344, %swap3A_1345], %swap3A_1348 {strides = array<i32>} : memref<14x128xi32, #tpu.memory_space<vmem>>, vector<1x16xi32>,
    %swap3A_1349 = arith.constant 15 : i32
    %swap3A_1350 = arith.index_cast %swap3A_1349 : i32 to index
    %swap3A_1351 = arith.constant 96 : index
    %swap3A_1352 = tpu.vector_load %arg7[%swap3A_1350, %swap3A_1351] {strides = array<i32>} : memref<14x128xi32, #tpu.memory_space<vmem>>, vector<1x16xi32>,
    %swap3A_1353 = vector.shape_cast %swap3A_1352 : vector<1x16xi32> to vector<16xi32>
    %swap3A_1354 = vector.shape_cast %select_n3A_1342 : vector<16xi32> to vector<1x16xi32>
    tpu.vector_store %arg7[%swap3A_1350, %swap3A_1351], %swap3A_1354 {strides = array<i32>} : memref<14x128xi32, #tpu.memory_space<vmem>>, vector<1x16xi32>,
    %get3A_1355 = arith.constant 432 : index
    %get3A_1356 = tpu.vector_load %arg5[%get3A_1355] {strides = array<i32>} : memref<800xi32, #tpu.memory_space<vmem>>, vector<16xi32>,
    %get3A_1357 = vector.shape_cast %get3A_1356 : vector<16xi32> to vector<16xi32>
    %get3A_1358 = arith.constant 432 : index
    %get3A_1359 = tpu.vector_load %arg6[%get3A_1358] {strides = array<i32>} : memref<800xi32, #tpu.memory_space<vmem>>, vector<16xi32>,
    %get3A_1360 = vector.shape_cast %get3A_1359 : vector<16xi32> to vector<16xi32>
    %mul3A_1361 = arith.constant 2560 : i32
    %mul3A_1362 = vector.broadcast %mul3A_1361 : i32 to vector<16xi32>
    %mul3A_1363 = arith.muli %get3A_1357, %mul3A_1362 : vector<16xi32>
    %add3A_1364 = arith.addi %mul3A_1363, %get3A_1360 : vector<16xi32>
    %mul3A_1365 = arith.constant 2560 : i32
    %mul3A_1366 = vector.broadcast %mul3A_1365 : i32 to vector<16xi32>
    %mul3A_1367 = arith.muli %get3A_1360, %mul3A_1366 : vector<16xi32>
    %add3A_1368 = arith.addi %mul3A_1367, %get3A_1357 : vector<16xi32>
    %ge3A_1369 = vector.broadcast %mul3A_169 : i32 to vector<16xi32>
    %ge3A_1370 = arith.cmpi sge, %add3A_1364, %ge3A_1369 : vector<16xi32>
    %add3A_1371 = arith.constant 3276800 : i32
    %add3A_1372 = arith.addi %mul3A_169, %add3A_1371 : i32
    %lt3A_1373 = vector.broadcast %add3A_1372 : i32 to vector<16xi32>
    %lt3A_1374 = arith.cmpi slt, %add3A_1364, %lt3A_1373 : vector<16xi32>
    %and3A_1375 = arith.andi %ge3A_1370, %lt3A_1374 : vector<16xi1>
    %broadcast_in_dim3A_1376 = vector.broadcast %mul3A_171 : i32 to vector<16xi32>
    %select_n3A_1377 = arith.select %and3A_1375, %add3A_1364, %broadcast_in_dim3A_1376 : vector<16xi1>, vector<16xi32>
    %ge3A_1378 = vector.broadcast %mul3A_169 : i32 to vector<16xi32>
    %ge3A_1379 = arith.cmpi sge, %add3A_1368, %ge3A_1378 : vector<16xi32>
    %add3A_1380 = arith.constant 3276800 : i32
    %add3A_1381 = arith.addi %mul3A_169, %add3A_1380 : i32
    %lt3A_1382 = vector.broadcast %add3A_1381 : i32 to vector<16xi32>
    %lt3A_1383 = arith.cmpi slt, %add3A_1368, %lt3A_1382 : vector<16xi32>
    %and3A_1384 = arith.andi %ge3A_1379, %lt3A_1383 : vector<16xi1>
    %broadcast_in_dim3A_1385 = vector.broadcast %mul3A_171 : i32 to vector<16xi32>
    %select_n3A_1386 = arith.select %and3A_1384, %add3A_1368, %broadcast_in_dim3A_1385 : vector<16xi1>, vector<16xi32>
    %swap3A_1387 = arith.constant 3 : i32
    %swap3A_1388 = arith.index_cast %swap3A_1387 : i32 to index
    %swap3A_1389 = arith.constant 48 : index
    %swap3A_1390 = tpu.vector_load %arg7[%swap3A_1388, %swap3A_1389] {strides = array<i32>} : memref<14x128xi32, #tpu.memory_space<vmem>>, vector<1x16xi32>,
    %swap3A_1391 = vector.shape_cast %swap3A_1390 : vector<1x16xi32> to vector<16xi32>
    %swap3A_1392 = vector.shape_cast %select_n3A_1377 : vector<16xi32> to vector<1x16xi32>
    tpu.vector_store %arg7[%swap3A_1388, %swap3A_1389], %swap3A_1392 {strides = array<i32>} : memref<14x128xi32, #tpu.memory_space<vmem>>, vector<1x16xi32>,
    %swap3A_1393 = arith.constant 15 : i32
    %swap3A_1394 = arith.index_cast %swap3A_1393 : i32 to index
    %swap3A_1395 = arith.constant 112 : index
    %swap3A_1396 = tpu.vector_load %arg7[%swap3A_1394, %swap3A_1395] {strides = array<i32>} : memref<14x128xi32, #tpu.memory_space<vmem>>, vector<1x16xi32>,
    %swap3A_1397 = vector.shape_cast %swap3A_1396 : vector<1x16xi32> to vector<16xi32>
    %swap3A_1398 = vector.shape_cast %select_n3A_1386 : vector<16xi32> to vector<1x16xi32>
    tpu.vector_store %arg7[%swap3A_1394, %swap3A_1395], %swap3A_1398 {strides = array<i32>} : memref<14x128xi32, #tpu.memory_space<vmem>>, vector<1x16xi32>,
    %get3A_1399 = arith.constant 448 : index
    %get3A_1400 = tpu.vector_load %arg5[%get3A_1399] {strides = array<i32>} : memref<800xi32, #tpu.memory_space<vmem>>, vector<16xi32>,
    %get3A_1401 = vector.shape_cast %get3A_1400 : vector<16xi32> to vector<16xi32>
    %get3A_1402 = arith.constant 448 : index
    %get3A_1403 = tpu.vector_load %arg6[%get3A_1402] {strides = array<i32>} : memref<800xi32, #tpu.memory_space<vmem>>, vector<16xi32>,
    %get3A_1404 = vector.shape_cast %get3A_1403 : vector<16xi32> to vector<16xi32>
    %mul3A_1405 = arith.constant 2560 : i32
    %mul3A_1406 = vector.broadcast %mul3A_1405 : i32 to vector<16xi32>
    %mul3A_1407 = arith.muli %get3A_1401, %mul3A_1406 : vector<16xi32>
    %add3A_1408 = arith.addi %mul3A_1407, %get3A_1404 : vector<16xi32>
    %mul3A_1409 = arith.constant 2560 : i32
    %mul3A_1410 = vector.broadcast %mul3A_1409 : i32 to vector<16xi32>
    %mul3A_1411 = arith.muli %get3A_1404, %mul3A_1410 : vector<16xi32>
    %add3A_1412 = arith.addi %mul3A_1411, %get3A_1401 : vector<16xi32>
    %ge3A_1413 = vector.broadcast %mul3A_169 : i32 to vector<16xi32>
    %ge3A_1414 = arith.cmpi sge, %add3A_1408, %ge3A_1413 : vector<16xi32>
    %add3A_1415 = arith.constant 3276800 : i32
    %add3A_1416 = arith.addi %mul3A_169, %add3A_1415 : i32
    %lt3A_1417 = vector.broadcast %add3A_1416 : i32 to vector<16xi32>
    %lt3A_1418 = arith.cmpi slt, %add3A_1408, %lt3A_1417 : vector<16xi32>
    %and3A_1419 = arith.andi %ge3A_1414, %lt3A_1418 : vector<16xi1>
    %broadcast_in_dim3A_1420 = vector.broadcast %mul3A_171 : i32 to vector<16xi32>
    %select_n3A_1421 = arith.select %and3A_1419, %add3A_1408, %broadcast_in_dim3A_1420 : vector<16xi1>, vector<16xi32>
    %ge3A_1422 = vector.broadcast %mul3A_169 : i32 to vector<16xi32>
    %ge3A_1423 = arith.cmpi sge, %add3A_1412, %ge3A_1422 : vector<16xi32>
    %add3A_1424 = arith.constant 3276800 : i32
    %add3A_1425 = arith.addi %mul3A_169, %add3A_1424 : i32
    %lt3A_1426 = vector.broadcast %add3A_1425 : i32 to vector<16xi32>
    %lt3A_1427 = arith.cmpi slt, %add3A_1412, %lt3A_1426 : vector<16xi32>
    %and3A_1428 = arith.andi %ge3A_1423, %lt3A_1427 : vector<16xi1>
    %broadcast_in_dim3A_1429 = vector.broadcast %mul3A_171 : i32 to vector<16xi32>
    %select_n3A_1430 = arith.select %and3A_1428, %add3A_1412, %broadcast_in_dim3A_1429 : vector<16xi1>, vector<16xi32>
    %swap3A_1431 = arith.constant 3 : i32
    %swap3A_1432 = arith.index_cast %swap3A_1431 : i32 to index
    %swap3A_1433 = arith.constant 64 : index
    %swap3A_1434 = tpu.vector_load %arg7[%swap3A_1432, %swap3A_1433] {strides = array<i32>} : memref<14x128xi32, #tpu.memory_space<vmem>>, vector<1x16xi32>,
    %swap3A_1435 = vector.shape_cast %swap3A_1434 : vector<1x16xi32> to vector<16xi32>
    %swap3A_1436 = vector.shape_cast %select_n3A_1421 : vector<16xi32> to vector<1x16xi32>
    tpu.vector_store %arg7[%swap3A_1432, %swap3A_1433], %swap3A_1436 {strides = array<i32>} : memref<14x128xi32, #tpu.memory_space<vmem>>, vector<1x16xi32>,
    %swap3A_1437 = arith.constant 16 : i32
    %swap3A_1438 = arith.index_cast %swap3A_1437 : i32 to index
    %swap3A_1439 = arith.constant 0 : index
    %swap3A_1440 = tpu.vector_load %arg7[%swap3A_1438, %swap3A_1439] {strides = array<i32>} : memref<14x128xi32, #tpu.memory_space<vmem>>, vector<1x16xi32>,
    %swap3A_1441 = vector.shape_cast %swap3A_1440 : vector<1x16xi32> to vector<16xi32>
    %swap3A_1442 = vector.shape_cast %select_n3A_1430 : vector<16xi32> to vector<1x16xi32>
    tpu.vector_store %arg7[%swap3A_1438, %swap3A_1439], %swap3A_1442 {strides = array<i32>} : memref<14x128xi32, #tpu.memory_space<vmem>>, vector<1x16xi32>,
    %get3A_1443 = arith.constant 464 : index
    %get3A_1444 = tpu.vector_load %arg5[%get3A_1443] {strides = array<i32>} : memref<800xi32, #tpu.memory_space<vmem>>, vector<16xi32>,
    %get3A_1445 = vector.shape_cast %get3A_1444 : vector<16xi32> to vector<16xi32>
    %get3A_1446 = arith.constant 464 : index
    %get3A_1447 = tpu.vector_load %arg6[%get3A_1446] {strides = array<i32>} : memref<800xi32, #tpu.memory_space<vmem>>, vector<16xi32>,
    %get3A_1448 = vector.shape_cast %get3A_1447 : vector<16xi32> to vector<16xi32>
    %mul3A_1449 = arith.constant 2560 : i32
    %mul3A_1450 = vector.broadcast %mul3A_1449 : i32 to vector<16xi32>
    %mul3A_1451 = arith.muli %get3A_1445, %mul3A_1450 : vector<16xi32>
    %add3A_1452 = arith.addi %mul3A_1451, %get3A_1448 : vector<16xi32>
    %mul3A_1453 = arith.constant 2560 : i32
    %mul3A_1454 = vector.broadcast %mul3A_1453 : i32 to vector<16xi32>
    %mul3A_1455 = arith.muli %get3A_1448, %mul3A_1454 : vector<16xi32>
    %add3A_1456 = arith.addi %mul3A_1455, %get3A_1445 : vector<16xi32>
    %ge3A_1457 = vector.broadcast %mul3A_169 : i32 to vector<16xi32>
    %ge3A_1458 = arith.cmpi sge, %add3A_1452, %ge3A_1457 : vector<16xi32>
    %add3A_1459 = arith.constant 3276800 : i32
    %add3A_1460 = arith.addi %mul3A_169, %add3A_1459 : i32
    %lt3A_1461 = vector.broadcast %add3A_1460 : i32 to vector<16xi32>
    %lt3A_1462 = arith.cmpi slt, %add3A_1452, %lt3A_1461 : vector<16xi32>
    %and3A_1463 = arith.andi %ge3A_1458, %lt3A_1462 : vector<16xi1>
    %broadcast_in_dim3A_1464 = vector.broadcast %mul3A_171 : i32 to vector<16xi32>
    %select_n3A_1465 = arith.select %and3A_1463, %add3A_1452, %broadcast_in_dim3A_1464 : vector<16xi1>, vector<16xi32>
    %ge3A_1466 = vector.broadcast %mul3A_169 : i32 to vector<16xi32>
    %ge3A_1467 = arith.cmpi sge, %add3A_1456, %ge3A_1466 : vector<16xi32>
    %add3A_1468 = arith.constant 3276800 : i32
    %add3A_1469 = arith.addi %mul3A_169, %add3A_1468 : i32
    %lt3A_1470 = vector.broadcast %add3A_1469 : i32 to vector<16xi32>
    %lt3A_1471 = arith.cmpi slt, %add3A_1456, %lt3A_1470 : vector<16xi32>
    %and3A_1472 = arith.andi %ge3A_1467, %lt3A_1471 : vector<16xi1>
    %broadcast_in_dim3A_1473 = vector.broadcast %mul3A_171 : i32 to vector<16xi32>
    %select_n3A_1474 = arith.select %and3A_1472, %add3A_1456, %broadcast_in_dim3A_1473 : vector<16xi1>, vector<16xi32>
    %swap3A_1475 = arith.constant 3 : i32
    %swap3A_1476 = arith.index_cast %swap3A_1475 : i32 to index
    %swap3A_1477 = arith.constant 80 : index
    %swap3A_1478 = tpu.vector_load %arg7[%swap3A_1476, %swap3A_1477] {strides = array<i32>} : memref<14x128xi32, #tpu.memory_space<vmem>>, vector<1x16xi32>,
    %swap3A_1479 = vector.shape_cast %swap3A_1478 : vector<1x16xi32> to vector<16xi32>
    %swap3A_1480 = vector.shape_cast %select_n3A_1465 : vector<16xi32> to vector<1x16xi32>
    tpu.vector_store %arg7[%swap3A_1476, %swap3A_1477], %swap3A_1480 {strides = array<i32>} : memref<14x128xi32, #tpu.memory_space<vmem>>, vector<1x16xi32>,
    %swap3A_1481 = arith.constant 16 : i32
    %swap3A_1482 = arith.index_cast %swap3A_1481 : i32 to index
    %swap3A_1483 = arith.constant 16 : index
    %swap3A_1484 = tpu.vector_load %arg7[%swap3A_1482, %swap3A_1483] {strides = array<i32>} : memref<14x128xi32, #tpu.memory_space<vmem>>, vector<1x16xi32>,
    %swap3A_1485 = vector.shape_cast %swap3A_1484 : vector<1x16xi32> to vector<16xi32>
    %swap3A_1486 = vector.shape_cast %select_n3A_1474 : vector<16xi32> to vector<1x16xi32>
    tpu.vector_store %arg7[%swap3A_1482, %swap3A_1483], %swap3A_1486 {strides = array<i32>} : memref<14x128xi32, #tpu.memory_space<vmem>>, vector<1x16xi32>,
    %get3A_1487 = arith.constant 480 : index
    %get3A_1488 = tpu.vector_load %arg5[%get3A_1487] {strides = array<i32>} : memref<800xi32, #tpu.memory_space<vmem>>, vector<16xi32>,
    %get3A_1489 = vector.shape_cast %get3A_1488 : vector<16xi32> to vector<16xi32>
    %get3A_1490 = arith.constant 480 : index
    %get3A_1491 = tpu.vector_load %arg6[%get3A_1490] {strides = array<i32>} : memref<800xi32, #tpu.memory_space<vmem>>, vector<16xi32>,
    %get3A_1492 = vector.shape_cast %get3A_1491 : vector<16xi32> to vector<16xi32>
    %mul3A_1493 = arith.constant 2560 : i32
    %mul3A_1494 = vector.broadcast %mul3A_1493 : i32 to vector<16xi32>
    %mul3A_1495 = arith.muli %get3A_1489, %mul3A_1494 : vector<16xi32>
    %add3A_1496 = arith.addi %mul3A_1495, %get3A_1492 : vector<16xi32>
    %mul3A_1497 = arith.constant 2560 : i32
    %mul3A_1498 = vector.broadcast %mul3A_1497 : i32 to vector<16xi32>
    %mul3A_1499 = arith.muli %get3A_1492, %mul3A_1498 : vector<16xi32>
    %add3A_1500 = arith.addi %mul3A_1499, %get3A_1489 : vector<16xi32>
    %ge3A_1501 = vector.broadcast %mul3A_169 : i32 to vector<16xi32>
    %ge3A_1502 = arith.cmpi sge, %add3A_1496, %ge3A_1501 : vector<16xi32>
    %add3A_1503 = arith.constant 3276800 : i32
    %add3A_1504 = arith.addi %mul3A_169, %add3A_1503 : i32
    %lt3A_1505 = vector.broadcast %add3A_1504 : i32 to vector<16xi32>
    %lt3A_1506 = arith.cmpi slt, %add3A_1496, %lt3A_1505 : vector<16xi32>
    %and3A_1507 = arith.andi %ge3A_1502, %lt3A_1506 : vector<16xi1>
    %broadcast_in_dim3A_1508 = vector.broadcast %mul3A_171 : i32 to vector<16xi32>
    %select_n3A_1509 = arith.select %and3A_1507, %add3A_1496, %broadcast_in_dim3A_1508 : vector<16xi1>, vector<16xi32>
    %ge3A_1510 = vector.broadcast %mul3A_169 : i32 to vector<16xi32>
    %ge3A_1511 = arith.cmpi sge, %add3A_1500, %ge3A_1510 : vector<16xi32>
    %add3A_1512 = arith.constant 3276800 : i32
    %add3A_1513 = arith.addi %mul3A_169, %add3A_1512 : i32
    %lt3A_1514 = vector.broadcast %add3A_1513 : i32 to vector<16xi32>
    %lt3A_1515 = arith.cmpi slt, %add3A_1500, %lt3A_1514 : vector<16xi32>
    %and3A_1516 = arith.andi %ge3A_1511, %lt3A_1515 : vector<16xi1>
    %broadcast_in_dim3A_1517 = vector.broadcast %mul3A_171 : i32 to vector<16xi32>
    %select_n3A_1518 = arith.select %and3A_1516, %add3A_1500, %broadcast_in_dim3A_1517 : vector<16xi1>, vector<16xi32>
    %swap3A_1519 = arith.constant 3 : i32
    %swap3A_1520 = arith.index_cast %swap3A_1519 : i32 to index
    %swap3A_1521 = arith.constant 96 : index
    %swap3A_1522 = tpu.vector_load %arg7[%swap3A_1520, %swap3A_1521] {strides = array<i32>} : memref<14x128xi32, #tpu.memory_space<vmem>>, vector<1x16xi32>,
    %swap3A_1523 = vector.shape_cast %swap3A_1522 : vector<1x16xi32> to vector<16xi32>
    %swap3A_1524 = vector.shape_cast %select_n3A_1509 : vector<16xi32> to vector<1x16xi32>
    tpu.vector_store %arg7[%swap3A_1520, %swap3A_1521], %swap3A_1524 {strides = array<i32>} : memref<14x128xi32, #tpu.memory_space<vmem>>, vector<1x16xi32>,
    %swap3A_1525 = arith.constant 16 : i32
    %swap3A_1526 = arith.index_cast %swap3A_1525 : i32 to index
    %swap3A_1527 = arith.constant 32 : index
    %swap3A_1528 = tpu.vector_load %arg7[%swap3A_1526, %swap3A_1527] {strides = array<i32>} : memref<14x128xi32, #tpu.memory_space<vmem>>, vector<1x16xi32>,
    %swap3A_1529 = vector.shape_cast %swap3A_1528 : vector<1x16xi32> to vector<16xi32>
    %swap3A_1530 = vector.shape_cast %select_n3A_1518 : vector<16xi32> to vector<1x16xi32>
    tpu.vector_store %arg7[%swap3A_1526, %swap3A_1527], %swap3A_1530 {strides = array<i32>} : memref<14x128xi32, #tpu.memory_space<vmem>>, vector<1x16xi32>,
    %get3A_1531 = arith.constant 496 : index
    %get3A_1532 = tpu.vector_load %arg5[%get3A_1531] {strides = array<i32>} : memref<800xi32, #tpu.memory_space<vmem>>, vector<16xi32>,
    %get3A_1533 = vector.shape_cast %get3A_1532 : vector<16xi32> to vector<16xi32>
    %get3A_1534 = arith.constant 496 : index
    %get3A_1535 = tpu.vector_load %arg6[%get3A_1534] {strides = array<i32>} : memref<800xi32, #tpu.memory_space<vmem>>, vector<16xi32>,
    %get3A_1536 = vector.shape_cast %get3A_1535 : vector<16xi32> to vector<16xi32>
    %mul3A_1537 = arith.constant 2560 : i32
    %mul3A_1538 = vector.broadcast %mul3A_1537 : i32 to vector<16xi32>
    %mul3A_1539 = arith.muli %get3A_1533, %mul3A_1538 : vector<16xi32>
    %add3A_1540 = arith.addi %mul3A_1539, %get3A_1536 : vector<16xi32>
    %mul3A_1541 = arith.constant 2560 : i32
    %mul3A_1542 = vector.broadcast %mul3A_1541 : i32 to vector<16xi32>
    %mul3A_1543 = arith.muli %get3A_1536, %mul3A_1542 : vector<16xi32>
    %add3A_1544 = arith.addi %mul3A_1543, %get3A_1533 : vector<16xi32>
    %ge3A_1545 = vector.broadcast %mul3A_169 : i32 to vector<16xi32>
    %ge3A_1546 = arith.cmpi sge, %add3A_1540, %ge3A_1545 : vector<16xi32>
    %add3A_1547 = arith.constant 3276800 : i32
    %add3A_1548 = arith.addi %mul3A_169, %add3A_1547 : i32
    %lt3A_1549 = vector.broadcast %add3A_1548 : i32 to vector<16xi32>
    %lt3A_1550 = arith.cmpi slt, %add3A_1540, %lt3A_1549 : vector<16xi32>
    %and3A_1551 = arith.andi %ge3A_1546, %lt3A_1550 : vector<16xi1>
    %broadcast_in_dim3A_1552 = vector.broadcast %mul3A_171 : i32 to vector<16xi32>
    %select_n3A_1553 = arith.select %and3A_1551, %add3A_1540, %broadcast_in_dim3A_1552 : vector<16xi1>, vector<16xi32>
    %ge3A_1554 = vector.broadcast %mul3A_169 : i32 to vector<16xi32>
    %ge3A_1555 = arith.cmpi sge, %add3A_1544, %ge3A_1554 : vector<16xi32>
    %add3A_1556 = arith.constant 3276800 : i32
    %add3A_1557 = arith.addi %mul3A_169, %add3A_1556 : i32
    %lt3A_1558 = vector.broadcast %add3A_1557 : i32 to vector<16xi32>
    %lt3A_1559 = arith.cmpi slt, %add3A_1544, %lt3A_1558 : vector<16xi32>
    %and3A_1560 = arith.andi %ge3A_1555, %lt3A_1559 : vector<16xi1>
    %broadcast_in_dim3A_1561 = vector.broadcast %mul3A_171 : i32 to vector<16xi32>
    %select_n3A_1562 = arith.select %and3A_1560, %add3A_1544, %broadcast_in_dim3A_1561 : vector<16xi1>, vector<16xi32>
    %swap3A_1563 = arith.constant 3 : i32
    %swap3A_1564 = arith.index_cast %swap3A_1563 : i32 to index
    %swap3A_1565 = arith.constant 112 : index
    %swap3A_1566 = tpu.vector_load %arg7[%swap3A_1564, %swap3A_1565] {strides = array<i32>} : memref<14x128xi32, #tpu.memory_space<vmem>>, vector<1x16xi32>,
    %swap3A_1567 = vector.shape_cast %swap3A_1566 : vector<1x16xi32> to vector<16xi32>
    %swap3A_1568 = vector.shape_cast %select_n3A_1553 : vector<16xi32> to vector<1x16xi32>
    tpu.vector_store %arg7[%swap3A_1564, %swap3A_1565], %swap3A_1568 {strides = array<i32>} : memref<14x128xi32, #tpu.memory_space<vmem>>, vector<1x16xi32>,
    %swap3A_1569 = arith.constant 16 : i32
    %swap3A_1570 = arith.index_cast %swap3A_1569 : i32 to index
    %swap3A_1571 = arith.constant 48 : index
    %swap3A_1572 = tpu.vector_load %arg7[%swap3A_1570, %swap3A_1571] {strides = array<i32>} : memref<14x128xi32, #tpu.memory_space<vmem>>, vector<1x16xi32>,
    %swap3A_1573 = vector.shape_cast %swap3A_1572 : vector<1x16xi32> to vector<16xi32>
    %swap3A_1574 = vector.shape_cast %select_n3A_1562 : vector<16xi32> to vector<1x16xi32>
    tpu.vector_store %arg7[%swap3A_1570, %swap3A_1571], %swap3A_1574 {strides = array<i32>} : memref<14x128xi32, #tpu.memory_space<vmem>>, vector<1x16xi32>,
    %get3A_1575 = arith.constant 512 : index
    %get3A_1576 = tpu.vector_load %arg5[%get3A_1575] {strides = array<i32>} : memref<800xi32, #tpu.memory_space<vmem>>, vector<16xi32>,
    %get3A_1577 = vector.shape_cast %get3A_1576 : vector<16xi32> to vector<16xi32>
    %get3A_1578 = arith.constant 512 : index
    %get3A_1579 = tpu.vector_load %arg6[%get3A_1578] {strides = array<i32>} : memref<800xi32, #tpu.memory_space<vmem>>, vector<16xi32>,
    %get3A_1580 = vector.shape_cast %get3A_1579 : vector<16xi32> to vector<16xi32>
    %mul3A_1581 = arith.constant 2560 : i32
    %mul3A_1582 = vector.broadcast %mul3A_1581 : i32 to vector<16xi32>
    %mul3A_1583 = arith.muli %get3A_1577, %mul3A_1582 : vector<16xi32>
    %add3A_1584 = arith.addi %mul3A_1583, %get3A_1580 : vector<16xi32>
    %mul3A_1585 = arith.constant 2560 : i32
    %mul3A_1586 = vector.broadcast %mul3A_1585 : i32 to vector<16xi32>
    %mul3A_1587 = arith.muli %get3A_1580, %mul3A_1586 : vector<16xi32>
    %add3A_1588 = arith.addi %mul3A_1587, %get3A_1577 : vector<16xi32>
    %ge3A_1589 = vector.broadcast %mul3A_169 : i32 to vector<16xi32>
    %ge3A_1590 = arith.cmpi sge, %add3A_1584, %ge3A_1589 : vector<16xi32>
    %add3A_1591 = arith.constant 3276800 : i32
    %add3A_1592 = arith.addi %mul3A_169, %add3A_1591 : i32
    %lt3A_1593 = vector.broadcast %add3A_1592 : i32 to vector<16xi32>
    %lt3A_1594 = arith.cmpi slt, %add3A_1584, %lt3A_1593 : vector<16xi32>
    %and3A_1595 = arith.andi %ge3A_1590, %lt3A_1594 : vector<16xi1>
    %broadcast_in_dim3A_1596 = vector.broadcast %mul3A_171 : i32 to vector<16xi32>
    %select_n3A_1597 = arith.select %and3A_1595, %add3A_1584, %broadcast_in_dim3A_1596 : vector<16xi1>, vector<16xi32>
    %ge3A_1598 = vector.broadcast %mul3A_169 : i32 to vector<16xi32>
    %ge3A_1599 = arith.cmpi sge, %add3A_1588, %ge3A_1598 : vector<16xi32>
    %add3A_1600 = arith.constant 3276800 : i32
    %add3A_1601 = arith.addi %mul3A_169, %add3A_1600 : i32
    %lt3A_1602 = vector.broadcast %add3A_1601 : i32 to vector<16xi32>
    %lt3A_1603 = arith.cmpi slt, %add3A_1588, %lt3A_1602 : vector<16xi32>
    %and3A_1604 = arith.andi %ge3A_1599, %lt3A_1603 : vector<16xi1>
    %broadcast_in_dim3A_1605 = vector.broadcast %mul3A_171 : i32 to vector<16xi32>
    %select_n3A_1606 = arith.select %and3A_1604, %add3A_1588, %broadcast_in_dim3A_1605 : vector<16xi1>, vector<16xi32>
    %swap3A_1607 = arith.constant 4 : i32
    %swap3A_1608 = arith.index_cast %swap3A_1607 : i32 to index
    %swap3A_1609 = arith.constant 0 : index
    %swap3A_1610 = tpu.vector_load %arg7[%swap3A_1608, %swap3A_1609] {strides = array<i32>} : memref<14x128xi32, #tpu.memory_space<vmem>>, vector<1x16xi32>,
    %swap3A_1611 = vector.shape_cast %swap3A_1610 : vector<1x16xi32> to vector<16xi32>
    %swap3A_1612 = vector.shape_cast %select_n3A_1597 : vector<16xi32> to vector<1x16xi32>
    tpu.vector_store %arg7[%swap3A_1608, %swap3A_1609], %swap3A_1612 {strides = array<i32>} : memref<14x128xi32, #tpu.memory_space<vmem>>, vector<1x16xi32>,
    %swap3A_1613 = arith.constant 16 : i32
    %swap3A_1614 = arith.index_cast %swap3A_1613 : i32 to index
    %swap3A_1615 = arith.constant 64 : index
    %swap3A_1616 = tpu.vector_load %arg7[%swap3A_1614, %swap3A_1615] {strides = array<i32>} : memref<14x128xi32, #tpu.memory_space<vmem>>, vector<1x16xi32>,
    %swap3A_1617 = vector.shape_cast %swap3A_1616 : vector<1x16xi32> to vector<16xi32>
    %swap3A_1618 = vector.shape_cast %select_n3A_1606 : vector<16xi32> to vector<1x16xi32>
    tpu.vector_store %arg7[%swap3A_1614, %swap3A_1615], %swap3A_1618 {strides = array<i32>} : memref<14x128xi32, #tpu.memory_space<vmem>>, vector<1x16xi32>,
    %get3A_1619 = arith.constant 528 : index
    %get3A_1620 = tpu.vector_load %arg5[%get3A_1619] {strides = array<i32>} : memref<800xi32, #tpu.memory_space<vmem>>, vector<16xi32>,
    %get3A_1621 = vector.shape_cast %get3A_1620 : vector<16xi32> to vector<16xi32>
    %get3A_1622 = arith.constant 528 : index
    %get3A_1623 = tpu.vector_load %arg6[%get3A_1622] {strides = array<i32>} : memref<800xi32, #tpu.memory_space<vmem>>, vector<16xi32>,
    %get3A_1624 = vector.shape_cast %get3A_1623 : vector<16xi32> to vector<16xi32>
    %mul3A_1625 = arith.constant 2560 : i32
    %mul3A_1626 = vector.broadcast %mul3A_1625 : i32 to vector<16xi32>
    %mul3A_1627 = arith.muli %get3A_1621, %mul3A_1626 : vector<16xi32>
    %add3A_1628 = arith.addi %mul3A_1627, %get3A_1624 : vector<16xi32>
    %mul3A_1629 = arith.constant 2560 : i32
    %mul3A_1630 = vector.broadcast %mul3A_1629 : i32 to vector<16xi32>
    %mul3A_1631 = arith.muli %get3A_1624, %mul3A_1630 : vector<16xi32>
    %add3A_1632 = arith.addi %mul3A_1631, %get3A_1621 : vector<16xi32>
    %ge3A_1633 = vector.broadcast %mul3A_169 : i32 to vector<16xi32>
    %ge3A_1634 = arith.cmpi sge, %add3A_1628, %ge3A_1633 : vector<16xi32>
    %add3A_1635 = arith.constant 3276800 : i32
    %add3A_1636 = arith.addi %mul3A_169, %add3A_1635 : i32
    %lt3A_1637 = vector.broadcast %add3A_1636 : i32 to vector<16xi32>
    %lt3A_1638 = arith.cmpi slt, %add3A_1628, %lt3A_1637 : vector<16xi32>
    %and3A_1639 = arith.andi %ge3A_1634, %lt3A_1638 : vector<16xi1>
    %broadcast_in_dim3A_1640 = vector.broadcast %mul3A_171 : i32 to vector<16xi32>
    %select_n3A_1641 = arith.select %and3A_1639, %add3A_1628, %broadcast_in_dim3A_1640 : vector<16xi1>, vector<16xi32>
    %ge3A_1642 = vector.broadcast %mul3A_169 : i32 to vector<16xi32>
    %ge3A_1643 = arith.cmpi sge, %add3A_1632, %ge3A_1642 : vector<16xi32>
    %add3A_1644 = arith.constant 3276800 : i32
    %add3A_1645 = arith.addi %mul3A_169, %add3A_1644 : i32
    %lt3A_1646 = vector.broadcast %add3A_1645 : i32 to vector<16xi32>
    %lt3A_1647 = arith.cmpi slt, %add3A_1632, %lt3A_1646 : vector<16xi32>
    %and3A_1648 = arith.andi %ge3A_1643, %lt3A_1647 : vector<16xi1>
    %broadcast_in_dim3A_1649 = vector.broadcast %mul3A_171 : i32 to vector<16xi32>
    %select_n3A_1650 = arith.select %and3A_1648, %add3A_1632, %broadcast_in_dim3A_1649 : vector<16xi1>, vector<16xi32>
    %swap3A_1651 = arith.constant 4 : i32
    %swap3A_1652 = arith.index_cast %swap3A_1651 : i32 to index
    %swap3A_1653 = arith.constant 16 : index
    %swap3A_1654 = tpu.vector_load %arg7[%swap3A_1652, %swap3A_1653] {strides = array<i32>} : memref<14x128xi32, #tpu.memory_space<vmem>>, vector<1x16xi32>,
    %swap3A_1655 = vector.shape_cast %swap3A_1654 : vector<1x16xi32> to vector<16xi32>
    %swap3A_1656 = vector.shape_cast %select_n3A_1641 : vector<16xi32> to vector<1x16xi32>
    tpu.vector_store %arg7[%swap3A_1652, %swap3A_1653], %swap3A_1656 {strides = array<i32>} : memref<14x128xi32, #tpu.memory_space<vmem>>, vector<1x16xi32>,
    %swap3A_1657 = arith.constant 16 : i32
    %swap3A_1658 = arith.index_cast %swap3A_1657 : i32 to index
    %swap3A_1659 = arith.constant 80 : index
    %swap3A_1660 = tpu.vector_load %arg7[%swap3A_1658, %swap3A_1659] {strides = array<i32>} : memref<14x128xi32, #tpu.memory_space<vmem>>, vector<1x16xi32>,
    %swap3A_1661 = vector.shape_cast %swap3A_1660 : vector<1x16xi32> to vector<16xi32>
    %swap3A_1662 = vector.shape_cast %select_n3A_1650 : vector<16xi32> to vector<1x16xi32>
    tpu.vector_store %arg7[%swap3A_1658, %swap3A_1659], %swap3A_1662 {strides = array<i32>} : memref<14x128xi32, #tpu.memory_space<vmem>>, vector<1x16xi32>,
    %get3A_1663 = arith.constant 544 : index
    %get3A_1664 = tpu.vector_load %arg5[%get3A_1663] {strides = array<i32>} : memref<800xi32, #tpu.memory_space<vmem>>, vector<16xi32>,
    %get3A_1665 = vector.shape_cast %get3A_1664 : vector<16xi32> to vector<16xi32>
    %get3A_1666 = arith.constant 544 : index
    %get3A_1667 = tpu.vector_load %arg6[%get3A_1666] {strides = array<i32>} : memref<800xi32, #tpu.memory_space<vmem>>, vector<16xi32>,
    %get3A_1668 = vector.shape_cast %get3A_1667 : vector<16xi32> to vector<16xi32>
    %mul3A_1669 = arith.constant 2560 : i32
    %mul3A_1670 = vector.broadcast %mul3A_1669 : i32 to vector<16xi32>
    %mul3A_1671 = arith.muli %get3A_1665, %mul3A_1670 : vector<16xi32>
    %add3A_1672 = arith.addi %mul3A_1671, %get3A_1668 : vector<16xi32>
    %mul3A_1673 = arith.constant 2560 : i32
    %mul3A_1674 = vector.broadcast %mul3A_1673 : i32 to vector<16xi32>
    %mul3A_1675 = arith.muli %get3A_1668, %mul3A_1674 : vector<16xi32>
    %add3A_1676 = arith.addi %mul3A_1675, %get3A_1665 : vector<16xi32>
    %ge3A_1677 = vector.broadcast %mul3A_169 : i32 to vector<16xi32>
    %ge3A_1678 = arith.cmpi sge, %add3A_1672, %ge3A_1677 : vector<16xi32>
    %add3A_1679 = arith.constant 3276800 : i32
    %add3A_1680 = arith.addi %mul3A_169, %add3A_1679 : i32
    %lt3A_1681 = vector.broadcast %add3A_1680 : i32 to vector<16xi32>
    %lt3A_1682 = arith.cmpi slt, %add3A_1672, %lt3A_1681 : vector<16xi32>
    %and3A_1683 = arith.andi %ge3A_1678, %lt3A_1682 : vector<16xi1>
    %broadcast_in_dim3A_1684 = vector.broadcast %mul3A_171 : i32 to vector<16xi32>
    %select_n3A_1685 = arith.select %and3A_1683, %add3A_1672, %broadcast_in_dim3A_1684 : vector<16xi1>, vector<16xi32>
    %ge3A_1686 = vector.broadcast %mul3A_169 : i32 to vector<16xi32>
    %ge3A_1687 = arith.cmpi sge, %add3A_1676, %ge3A_1686 : vector<16xi32>
    %add3A_1688 = arith.constant 3276800 : i32
    %add3A_1689 = arith.addi %mul3A_169, %add3A_1688 : i32
    %lt3A_1690 = vector.broadcast %add3A_1689 : i32 to vector<16xi32>
    %lt3A_1691 = arith.cmpi slt, %add3A_1676, %lt3A_1690 : vector<16xi32>
    %and3A_1692 = arith.andi %ge3A_1687, %lt3A_1691 : vector<16xi1>
    %broadcast_in_dim3A_1693 = vector.broadcast %mul3A_171 : i32 to vector<16xi32>
    %select_n3A_1694 = arith.select %and3A_1692, %add3A_1676, %broadcast_in_dim3A_1693 : vector<16xi1>, vector<16xi32>
    %swap3A_1695 = arith.constant 4 : i32
    %swap3A_1696 = arith.index_cast %swap3A_1695 : i32 to index
    %swap3A_1697 = arith.constant 32 : index
    %swap3A_1698 = tpu.vector_load %arg7[%swap3A_1696, %swap3A_1697] {strides = array<i32>} : memref<14x128xi32, #tpu.memory_space<vmem>>, vector<1x16xi32>,
    %swap3A_1699 = vector.shape_cast %swap3A_1698 : vector<1x16xi32> to vector<16xi32>
    %swap3A_1700 = vector.shape_cast %select_n3A_1685 : vector<16xi32> to vector<1x16xi32>
    tpu.vector_store %arg7[%swap3A_1696, %swap3A_1697], %swap3A_1700 {strides = array<i32>} : memref<14x128xi32, #tpu.memory_space<vmem>>, vector<1x16xi32>,
    %swap3A_1701 = arith.constant 16 : i32
    %swap3A_1702 = arith.index_cast %swap3A_1701 : i32 to index
    %swap3A_1703 = arith.constant 96 : index
    %swap3A_1704 = tpu.vector_load %arg7[%swap3A_1702, %swap3A_1703] {strides = array<i32>} : memref<14x128xi32, #tpu.memory_space<vmem>>, vector<1x16xi32>,
    %swap3A_1705 = vector.shape_cast %swap3A_1704 : vector<1x16xi32> to vector<16xi32>
    %swap3A_1706 = vector.shape_cast %select_n3A_1694 : vector<16xi32> to vector<1x16xi32>
    tpu.vector_store %arg7[%swap3A_1702, %swap3A_1703], %swap3A_1706 {strides = array<i32>} : memref<14x128xi32, #tpu.memory_space<vmem>>, vector<1x16xi32>,
    %get3A_1707 = arith.constant 560 : index
    %get3A_1708 = tpu.vector_load %arg5[%get3A_1707] {strides = array<i32>} : memref<800xi32, #tpu.memory_space<vmem>>, vector<16xi32>,
    %get3A_1709 = vector.shape_cast %get3A_1708 : vector<16xi32> to vector<16xi32>
    %get3A_1710 = arith.constant 560 : index
    %get3A_1711 = tpu.vector_load %arg6[%get3A_1710] {strides = array<i32>} : memref<800xi32, #tpu.memory_space<vmem>>, vector<16xi32>,
    %get3A_1712 = vector.shape_cast %get3A_1711 : vector<16xi32> to vector<16xi32>
    %mul3A_1713 = arith.constant 2560 : i32
    %mul3A_1714 = vector.broadcast %mul3A_1713 : i32 to vector<16xi32>
    %mul3A_1715 = arith.muli %get3A_1709, %mul3A_1714 : vector<16xi32>
    %add3A_1716 = arith.addi %mul3A_1715, %get3A_1712 : vector<16xi32>
    %mul3A_1717 = arith.constant 2560 : i32
    %mul3A_1718 = vector.broadcast %mul3A_1717 : i32 to vector<16xi32>
    %mul3A_1719 = arith.muli %get3A_1712, %mul3A_1718 : vector<16xi32>
    %add3A_1720 = arith.addi %mul3A_1719, %get3A_1709 : vector<16xi32>
    %ge3A_1721 = vector.broadcast %mul3A_169 : i32 to vector<16xi32>
    %ge3A_1722 = arith.cmpi sge, %add3A_1716, %ge3A_1721 : vector<16xi32>
    %add3A_1723 = arith.constant 3276800 : i32
    %add3A_1724 = arith.addi %mul3A_169, %add3A_1723 : i32
    %lt3A_1725 = vector.broadcast %add3A_1724 : i32 to vector<16xi32>
    %lt3A_1726 = arith.cmpi slt, %add3A_1716, %lt3A_1725 : vector<16xi32>
    %and3A_1727 = arith.andi %ge3A_1722, %lt3A_1726 : vector<16xi1>
    %broadcast_in_dim3A_1728 = vector.broadcast %mul3A_171 : i32 to vector<16xi32>
    %select_n3A_1729 = arith.select %and3A_1727, %add3A_1716, %broadcast_in_dim3A_1728 : vector<16xi1>, vector<16xi32>
    %ge3A_1730 = vector.broadcast %mul3A_169 : i32 to vector<16xi32>
    %ge3A_1731 = arith.cmpi sge, %add3A_1720, %ge3A_1730 : vector<16xi32>
    %add3A_1732 = arith.constant 3276800 : i32
    %add3A_1733 = arith.addi %mul3A_169, %add3A_1732 : i32
    %lt3A_1734 = vector.broadcast %add3A_1733 : i32 to vector<16xi32>
    %lt3A_1735 = arith.cmpi slt, %add3A_1720, %lt3A_1734 : vector<16xi32>
    %and3A_1736 = arith.andi %ge3A_1731, %lt3A_1735 : vector<16xi1>
    %broadcast_in_dim3A_1737 = vector.broadcast %mul3A_171 : i32 to vector<16xi32>
    %select_n3A_1738 = arith.select %and3A_1736, %add3A_1720, %broadcast_in_dim3A_1737 : vector<16xi1>, vector<16xi32>
    %swap3A_1739 = arith.constant 4 : i32
    %swap3A_1740 = arith.index_cast %swap3A_1739 : i32 to index
    %swap3A_1741 = arith.constant 48 : index
    %swap3A_1742 = tpu.vector_load %arg7[%swap3A_1740, %swap3A_1741] {strides = array<i32>} : memref<14x128xi32, #tpu.memory_space<vmem>>, vector<1x16xi32>,
    %swap3A_1743 = vector.shape_cast %swap3A_1742 : vector<1x16xi32> to vector<16xi32>
    %swap3A_1744 = vector.shape_cast %select_n3A_1729 : vector<16xi32> to vector<1x16xi32>
    tpu.vector_store %arg7[%swap3A_1740, %swap3A_1741], %swap3A_1744 {strides = array<i32>} : memref<14x128xi32, #tpu.memory_space<vmem>>, vector<1x16xi32>,
    %swap3A_1745 = arith.constant 16 : i32
    %swap3A_1746 = arith.index_cast %swap3A_1745 : i32 to index
    %swap3A_1747 = arith.constant 112 : index
    %swap3A_1748 = tpu.vector_load %arg7[%swap3A_1746, %swap3A_1747] {strides = array<i32>} : memref<14x128xi32, #tpu.memory_space<vmem>>, vector<1x16xi32>,
    %swap3A_1749 = vector.shape_cast %swap3A_1748 : vector<1x16xi32> to vector<16xi32>
    %swap3A_1750 = vector.shape_cast %select_n3A_1738 : vector<16xi32> to vector<1x16xi32>
    tpu.vector_store %arg7[%swap3A_1746, %swap3A_1747], %swap3A_1750 {strides = array<i32>} : memref<14x128xi32, #tpu.memory_space<vmem>>, vector<1x16xi32>,
    %get3A_1751 = arith.constant 576 : index
    %get3A_1752 = tpu.vector_load %arg5[%get3A_1751] {strides = array<i32>} : memref<800xi32, #tpu.memory_space<vmem>>, vector<16xi32>,
    %get3A_1753 = vector.shape_cast %get3A_1752 : vector<16xi32> to vector<16xi32>
    %get3A_1754 = arith.constant 576 : index
    %get3A_1755 = tpu.vector_load %arg6[%get3A_1754] {strides = array<i32>} : memref<800xi32, #tpu.memory_space<vmem>>, vector<16xi32>,
    %get3A_1756 = vector.shape_cast %get3A_1755 : vector<16xi32> to vector<16xi32>
    %mul3A_1757 = arith.constant 2560 : i32
    %mul3A_1758 = vector.broadcast %mul3A_1757 : i32 to vector<16xi32>
    %mul3A_1759 = arith.muli %get3A_1753, %mul3A_1758 : vector<16xi32>
    %add3A_1760 = arith.addi %mul3A_1759, %get3A_1756 : vector<16xi32>
    %mul3A_1761 = arith.constant 2560 : i32
    %mul3A_1762 = vector.broadcast %mul3A_1761 : i32 to vector<16xi32>
    %mul3A_1763 = arith.muli %get3A_1756, %mul3A_1762 : vector<16xi32>
    %add3A_1764 = arith.addi %mul3A_1763, %get3A_1753 : vector<16xi32>
    %ge3A_1765 = vector.broadcast %mul3A_169 : i32 to vector<16xi32>
    %ge3A_1766 = arith.cmpi sge, %add3A_1760, %ge3A_1765 : vector<16xi32>
    %add3A_1767 = arith.constant 3276800 : i32
    %add3A_1768 = arith.addi %mul3A_169, %add3A_1767 : i32
    %lt3A_1769 = vector.broadcast %add3A_1768 : i32 to vector<16xi32>
    %lt3A_1770 = arith.cmpi slt, %add3A_1760, %lt3A_1769 : vector<16xi32>
    %and3A_1771 = arith.andi %ge3A_1766, %lt3A_1770 : vector<16xi1>
    %broadcast_in_dim3A_1772 = vector.broadcast %mul3A_171 : i32 to vector<16xi32>
    %select_n3A_1773 = arith.select %and3A_1771, %add3A_1760, %broadcast_in_dim3A_1772 : vector<16xi1>, vector<16xi32>
    %ge3A_1774 = vector.broadcast %mul3A_169 : i32 to vector<16xi32>
    %ge3A_1775 = arith.cmpi sge, %add3A_1764, %ge3A_1774 : vector<16xi32>
    %add3A_1776 = arith.constant 3276800 : i32
    %add3A_1777 = arith.addi %mul3A_169, %add3A_1776 : i32
    %lt3A_1778 = vector.broadcast %add3A_1777 : i32 to vector<16xi32>
    %lt3A_1779 = arith.cmpi slt, %add3A_1764, %lt3A_1778 : vector<16xi32>
    %and3A_1780 = arith.andi %ge3A_1775, %lt3A_1779 : vector<16xi1>
    %broadcast_in_dim3A_1781 = vector.broadcast %mul3A_171 : i32 to vector<16xi32>
    %select_n3A_1782 = arith.select %and3A_1780, %add3A_1764, %broadcast_in_dim3A_1781 : vector<16xi1>, vector<16xi32>
    %swap3A_1783 = arith.constant 4 : i32
    %swap3A_1784 = arith.index_cast %swap3A_1783 : i32 to index
    %swap3A_1785 = arith.constant 64 : index
    %swap3A_1786 = tpu.vector_load %arg7[%swap3A_1784, %swap3A_1785] {strides = array<i32>} : memref<14x128xi32, #tpu.memory_space<vmem>>, vector<1x16xi32>,
    %swap3A_1787 = vector.shape_cast %swap3A_1786 : vector<1x16xi32> to vector<16xi32>
    %swap3A_1788 = vector.shape_cast %select_n3A_1773 : vector<16xi32> to vector<1x16xi32>
    tpu.vector_store %arg7[%swap3A_1784, %swap3A_1785], %swap3A_1788 {strides = array<i32>} : memref<14x128xi32, #tpu.memory_space<vmem>>, vector<1x16xi32>,
    %swap3A_1789 = arith.constant 17 : i32
    %swap3A_1790 = arith.index_cast %swap3A_1789 : i32 to index
    %swap3A_1791 = arith.constant 0 : index
    %swap3A_1792 = tpu.vector_load %arg7[%swap3A_1790, %swap3A_1791] {strides = array<i32>} : memref<14x128xi32, #tpu.memory_space<vmem>>, vector<1x16xi32>,
    %swap3A_1793 = vector.shape_cast %swap3A_1792 : vector<1x16xi32> to vector<16xi32>
    %swap3A_1794 = vector.shape_cast %select_n3A_1782 : vector<16xi32> to vector<1x16xi32>
    tpu.vector_store %arg7[%swap3A_1790, %swap3A_1791], %swap3A_1794 {strides = array<i32>} : memref<14x128xi32, #tpu.memory_space<vmem>>, vector<1x16xi32>,
    %get3A_1795 = arith.constant 592 : index
    %get3A_1796 = tpu.vector_load %arg5[%get3A_1795] {strides = array<i32>} : memref<800xi32, #tpu.memory_space<vmem>>, vector<16xi32>,
    %get3A_1797 = vector.shape_cast %get3A_1796 : vector<16xi32> to vector<16xi32>
    %get3A_1798 = arith.constant 592 : index
    %get3A_1799 = tpu.vector_load %arg6[%get3A_1798] {strides = array<i32>} : memref<800xi32, #tpu.memory_space<vmem>>, vector<16xi32>,
    %get3A_1800 = vector.shape_cast %get3A_1799 : vector<16xi32> to vector<16xi32>
    %mul3A_1801 = arith.constant 2560 : i32
    %mul3A_1802 = vector.broadcast %mul3A_1801 : i32 to vector<16xi32>
    %mul3A_1803 = arith.muli %get3A_1797, %mul3A_1802 : vector<16xi32>
    %add3A_1804 = arith.addi %mul3A_1803, %get3A_1800 : vector<16xi32>
    %mul3A_1805 = arith.constant 2560 : i32
    %mul3A_1806 = vector.broadcast %mul3A_1805 : i32 to vector<16xi32>
    %mul3A_1807 = arith.muli %get3A_1800, %mul3A_1806 : vector<16xi32>
    %add3A_1808 = arith.addi %mul3A_1807, %get3A_1797 : vector<16xi32>
    %ge3A_1809 = vector.broadcast %mul3A_169 : i32 to vector<16xi32>
    %ge3A_1810 = arith.cmpi sge, %add3A_1804, %ge3A_1809 : vector<16xi32>
    %add3A_1811 = arith.constant 3276800 : i32
    %add3A_1812 = arith.addi %mul3A_169, %add3A_1811 : i32
    %lt3A_1813 = vector.broadcast %add3A_1812 : i32 to vector<16xi32>
    %lt3A_1814 = arith.cmpi slt, %add3A_1804, %lt3A_1813 : vector<16xi32>
    %and3A_1815 = arith.andi %ge3A_1810, %lt3A_1814 : vector<16xi1>
    %broadcast_in_dim3A_1816 = vector.broadcast %mul3A_171 : i32 to vector<16xi32>
    %select_n3A_1817 = arith.select %and3A_1815, %add3A_1804, %broadcast_in_dim3A_1816 : vector<16xi1>, vector<16xi32>
    %ge3A_1818 = vector.broadcast %mul3A_169 : i32 to vector<16xi32>
    %ge3A_1819 = arith.cmpi sge, %add3A_1808, %ge3A_1818 : vector<16xi32>
    %add3A_1820 = arith.constant 3276800 : i32
    %add3A_1821 = arith.addi %mul3A_169, %add3A_1820 : i32
    %lt3A_1822 = vector.broadcast %add3A_1821 : i32 to vector<16xi32>
    %lt3A_1823 = arith.cmpi slt, %add3A_1808, %lt3A_1822 : vector<16xi32>
    %and3A_1824 = arith.andi %ge3A_1819, %lt3A_1823 : vector<16xi1>
    %broadcast_in_dim3A_1825 = vector.broadcast %mul3A_171 : i32 to vector<16xi32>
    %select_n3A_1826 = arith.select %and3A_1824, %add3A_1808, %broadcast_in_dim3A_1825 : vector<16xi1>, vector<16xi32>
    %swap3A_1827 = arith.constant 4 : i32
    %swap3A_1828 = arith.index_cast %swap3A_1827 : i32 to index
    %swap3A_1829 = arith.constant 80 : index
    %swap3A_1830 = tpu.vector_load %arg7[%swap3A_1828, %swap3A_1829] {strides = array<i32>} : memref<14x128xi32, #tpu.memory_space<vmem>>, vector<1x16xi32>,
    %swap3A_1831 = vector.shape_cast %swap3A_1830 : vector<1x16xi32> to vector<16xi32>
    %swap3A_1832 = vector.shape_cast %select_n3A_1817 : vector<16xi32> to vector<1x16xi32>
    tpu.vector_store %arg7[%swap3A_1828, %swap3A_1829], %swap3A_1832 {strides = array<i32>} : memref<14x128xi32, #tpu.memory_space<vmem>>, vector<1x16xi32>,
    %swap3A_1833 = arith.constant 17 : i32
    %swap3A_1834 = arith.index_cast %swap3A_1833 : i32 to index
    %swap3A_1835 = arith.constant 16 : index
    %swap3A_1836 = tpu.vector_load %arg7[%swap3A_1834, %swap3A_1835] {strides = array<i32>} : memref<14x128xi32, #tpu.memory_space<vmem>>, vector<1x16xi32>,
    %swap3A_1837 = vector.shape_cast %swap3A_1836 : vector<1x16xi32> to vector<16xi32>
    %swap3A_1838 = vector.shape_cast %select_n3A_1826 : vector<16xi32> to vector<1x16xi32>
    tpu.vector_store %arg7[%swap3A_1834, %swap3A_1835], %swap3A_1838 {strides = array<i32>} : memref<14x128xi32, #tpu.memory_space<vmem>>, vector<1x16xi32>,
    %get3A_1839 = arith.constant 608 : index
    %get3A_1840 = tpu.vector_load %arg5[%get3A_1839] {strides = array<i32>} : memref<800xi32, #tpu.memory_space<vmem>>, vector<16xi32>,
    %get3A_1841 = vector.shape_cast %get3A_1840 : vector<16xi32> to vector<16xi32>
    %get3A_1842 = arith.constant 608 : index
    %get3A_1843 = tpu.vector_load %arg6[%get3A_1842] {strides = array<i32>} : memref<800xi32, #tpu.memory_space<vmem>>, vector<16xi32>,
    %get3A_1844 = vector.shape_cast %get3A_1843 : vector<16xi32> to vector<16xi32>
    %mul3A_1845 = arith.constant 2560 : i32
    %mul3A_1846 = vector.broadcast %mul3A_1845 : i32 to vector<16xi32>
    %mul3A_1847 = arith.muli %get3A_1841, %mul3A_1846 : vector<16xi32>
    %add3A_1848 = arith.addi %mul3A_1847, %get3A_1844 : vector<16xi32>
    %mul3A_1849 = arith.constant 2560 : i32
    %mul3A_1850 = vector.broadcast %mul3A_1849 : i32 to vector<16xi32>
    %mul3A_1851 = arith.muli %get3A_1844, %mul3A_1850 : vector<16xi32>
    %add3A_1852 = arith.addi %mul3A_1851, %get3A_1841 : vector<16xi32>
    %ge3A_1853 = vector.broadcast %mul3A_169 : i32 to vector<16xi32>
    %ge3A_1854 = arith.cmpi sge, %add3A_1848, %ge3A_1853 : vector<16xi32>
    %add3A_1855 = arith.constant 3276800 : i32
    %add3A_1856 = arith.addi %mul3A_169, %add3A_1855 : i32
    %lt3A_1857 = vector.broadcast %add3A_1856 : i32 to vector<16xi32>
    %lt3A_1858 = arith.cmpi slt, %add3A_1848, %lt3A_1857 : vector<16xi32>
    %and3A_1859 = arith.andi %ge3A_1854, %lt3A_1858 : vector<16xi1>
    %broadcast_in_dim3A_1860 = vector.broadcast %mul3A_171 : i32 to vector<16xi32>
    %select_n3A_1861 = arith.select %and3A_1859, %add3A_1848, %broadcast_in_dim3A_1860 : vector<16xi1>, vector<16xi32>
    %ge3A_1862 = vector.broadcast %mul3A_169 : i32 to vector<16xi32>
    %ge3A_1863 = arith.cmpi sge, %add3A_1852, %ge3A_1862 : vector<16xi32>
    %add3A_1864 = arith.constant 3276800 : i32
    %add3A_1865 = arith.addi %mul3A_169, %add3A_1864 : i32
    %lt3A_1866 = vector.broadcast %add3A_1865 : i32 to vector<16xi32>
    %lt3A_1867 = arith.cmpi slt, %add3A_1852, %lt3A_1866 : vector<16xi32>
    %and3A_1868 = arith.andi %ge3A_1863, %lt3A_1867 : vector<16xi1>
    %broadcast_in_dim3A_1869 = vector.broadcast %mul3A_171 : i32 to vector<16xi32>
    %select_n3A_1870 = arith.select %and3A_1868, %add3A_1852, %broadcast_in_dim3A_1869 : vector<16xi1>, vector<16xi32>
    %swap3A_1871 = arith.constant 4 : i32
    %swap3A_1872 = arith.index_cast %swap3A_1871 : i32 to index
    %swap3A_1873 = arith.constant 96 : index
    %swap3A_1874 = tpu.vector_load %arg7[%swap3A_1872, %swap3A_1873] {strides = array<i32>} : memref<14x128xi32, #tpu.memory_space<vmem>>, vector<1x16xi32>,
    %swap3A_1875 = vector.shape_cast %swap3A_1874 : vector<1x16xi32> to vector<16xi32>
    %swap3A_1876 = vector.shape_cast %select_n3A_1861 : vector<16xi32> to vector<1x16xi32>
    tpu.vector_store %arg7[%swap3A_1872, %swap3A_1873], %swap3A_1876 {strides = array<i32>} : memref<14x128xi32, #tpu.memory_space<vmem>>, vector<1x16xi32>,
    %swap3A_1877 = arith.constant 17 : i32
    %swap3A_1878 = arith.index_cast %swap3A_1877 : i32 to index
    %swap3A_1879 = arith.constant 32 : index
    %swap3A_1880 = tpu.vector_load %arg7[%swap3A_1878, %swap3A_1879] {strides = array<i32>} : memref<14x128xi32, #tpu.memory_space<vmem>>, vector<1x16xi32>,
    %swap3A_1881 = vector.shape_cast %swap3A_1880 : vector<1x16xi32> to vector<16xi32>
    %swap3A_1882 = vector.shape_cast %select_n3A_1870 : vector<16xi32> to vector<1x16xi32>
    tpu.vector_store %arg7[%swap3A_1878, %swap3A_1879], %swap3A_1882 {strides = array<i32>} : memref<14x128xi32, #tpu.memory_space<vmem>>, vector<1x16xi32>,
    %get3A_1883 = arith.constant 624 : index
    %get3A_1884 = tpu.vector_load %arg5[%get3A_1883] {strides = array<i32>} : memref<800xi32, #tpu.memory_space<vmem>>, vector<16xi32>,
    %get3A_1885 = vector.shape_cast %get3A_1884 : vector<16xi32> to vector<16xi32>
    %get3A_1886 = arith.constant 624 : index
    %get3A_1887 = tpu.vector_load %arg6[%get3A_1886] {strides = array<i32>} : memref<800xi32, #tpu.memory_space<vmem>>, vector<16xi32>,
    %get3A_1888 = vector.shape_cast %get3A_1887 : vector<16xi32> to vector<16xi32>
    %mul3A_1889 = arith.constant 2560 : i32
    %mul3A_1890 = vector.broadcast %mul3A_1889 : i32 to vector<16xi32>
    %mul3A_1891 = arith.muli %get3A_1885, %mul3A_1890 : vector<16xi32>
    %add3A_1892 = arith.addi %mul3A_1891, %get3A_1888 : vector<16xi32>
    %mul3A_1893 = arith.constant 2560 : i32
    %mul3A_1894 = vector.broadcast %mul3A_1893 : i32 to vector<16xi32>
    %mul3A_1895 = arith.muli %get3A_1888, %mul3A_1894 : vector<16xi32>
    %add3A_1896 = arith.addi %mul3A_1895, %get3A_1885 : vector<16xi32>
    %ge3A_1897 = vector.broadcast %mul3A_169 : i32 to vector<16xi32>
    %ge3A_1898 = arith.cmpi sge, %add3A_1892, %ge3A_1897 : vector<16xi32>
    %add3A_1899 = arith.constant 3276800 : i32
    %add3A_1900 = arith.addi %mul3A_169, %add3A_1899 : i32
    %lt3A_1901 = vector.broadcast %add3A_1900 : i32 to vector<16xi32>
    %lt3A_1902 = arith.cmpi slt, %add3A_1892, %lt3A_1901 : vector<16xi32>
    %and3A_1903 = arith.andi %ge3A_1898, %lt3A_1902 : vector<16xi1>
    %broadcast_in_dim3A_1904 = vector.broadcast %mul3A_171 : i32 to vector<16xi32>
    %select_n3A_1905 = arith.select %and3A_1903, %add3A_1892, %broadcast_in_dim3A_1904 : vector<16xi1>, vector<16xi32>
    %ge3A_1906 = vector.broadcast %mul3A_169 : i32 to vector<16xi32>
    %ge3A_1907 = arith.cmpi sge, %add3A_1896, %ge3A_1906 : vector<16xi32>
    %add3A_1908 = arith.constant 3276800 : i32
    %add3A_1909 = arith.addi %mul3A_169, %add3A_1908 : i32
    %lt3A_1910 = vector.broadcast %add3A_1909 : i32 to vector<16xi32>
    %lt3A_1911 = arith.cmpi slt, %add3A_1896, %lt3A_1910 : vector<16xi32>
    %and3A_1912 = arith.andi %ge3A_1907, %lt3A_1911 : vector<16xi1>
    %broadcast_in_dim3A_1913 = vector.broadcast %mul3A_171 : i32 to vector<16xi32>
    %select_n3A_1914 = arith.select %and3A_1912, %add3A_1896, %broadcast_in_dim3A_1913 : vector<16xi1>, vector<16xi32>
    %swap3A_1915 = arith.constant 4 : i32
    %swap3A_1916 = arith.index_cast %swap3A_1915 : i32 to index
    %swap3A_1917 = arith.constant 112 : index
    %swap3A_1918 = tpu.vector_load %arg7[%swap3A_1916, %swap3A_1917] {strides = array<i32>} : memref<14x128xi32, #tpu.memory_space<vmem>>, vector<1x16xi32>,
    %swap3A_1919 = vector.shape_cast %swap3A_1918 : vector<1x16xi32> to vector<16xi32>
    %swap3A_1920 = vector.shape_cast %select_n3A_1905 : vector<16xi32> to vector<1x16xi32>
    tpu.vector_store %arg7[%swap3A_1916, %swap3A_1917], %swap3A_1920 {strides = array<i32>} : memref<14x128xi32, #tpu.memory_space<vmem>>, vector<1x16xi32>,
    %swap3A_1921 = arith.constant 17 : i32
    %swap3A_1922 = arith.index_cast %swap3A_1921 : i32 to index
    %swap3A_1923 = arith.constant 48 : index
    %swap3A_1924 = tpu.vector_load %arg7[%swap3A_1922, %swap3A_1923] {strides = array<i32>} : memref<14x128xi32, #tpu.memory_space<vmem>>, vector<1x16xi32>,
    %swap3A_1925 = vector.shape_cast %swap3A_1924 : vector<1x16xi32> to vector<16xi32>
    %swap3A_1926 = vector.shape_cast %select_n3A_1914 : vector<16xi32> to vector<1x16xi32>
    tpu.vector_store %arg7[%swap3A_1922, %swap3A_1923], %swap3A_1926 {strides = array<i32>} : memref<14x128xi32, #tpu.memory_space<vmem>>, vector<1x16xi32>,
    %get3A_1927 = arith.constant 640 : index
    %get3A_1928 = tpu.vector_load %arg5[%get3A_1927] {strides = array<i32>} : memref<800xi32, #tpu.memory_space<vmem>>, vector<16xi32>,
    %get3A_1929 = vector.shape_cast %get3A_1928 : vector<16xi32> to vector<16xi32>
    %get3A_1930 = arith.constant 640 : index
    %get3A_1931 = tpu.vector_load %arg6[%get3A_1930] {strides = array<i32>} : memref<800xi32, #tpu.memory_space<vmem>>, vector<16xi32>,
    %get3A_1932 = vector.shape_cast %get3A_1931 : vector<16xi32> to vector<16xi32>
    %mul3A_1933 = arith.constant 2560 : i32
    %mul3A_1934 = vector.broadcast %mul3A_1933 : i32 to vector<16xi32>
    %mul3A_1935 = arith.muli %get3A_1929, %mul3A_1934 : vector<16xi32>
    %add3A_1936 = arith.addi %mul3A_1935, %get3A_1932 : vector<16xi32>
    %mul3A_1937 = arith.constant 2560 : i32
    %mul3A_1938 = vector.broadcast %mul3A_1937 : i32 to vector<16xi32>
    %mul3A_1939 = arith.muli %get3A_1932, %mul3A_1938 : vector<16xi32>
    %add3A_1940 = arith.addi %mul3A_1939, %get3A_1929 : vector<16xi32>
    %ge3A_1941 = vector.broadcast %mul3A_169 : i32 to vector<16xi32>
    %ge3A_1942 = arith.cmpi sge, %add3A_1936, %ge3A_1941 : vector<16xi32>
    %add3A_1943 = arith.constant 3276800 : i32
    %add3A_1944 = arith.addi %mul3A_169, %add3A_1943 : i32
    %lt3A_1945 = vector.broadcast %add3A_1944 : i32 to vector<16xi32>
    %lt3A_1946 = arith.cmpi slt, %add3A_1936, %lt3A_1945 : vector<16xi32>
    %and3A_1947 = arith.andi %ge3A_1942, %lt3A_1946 : vector<16xi1>
    %broadcast_in_dim3A_1948 = vector.broadcast %mul3A_171 : i32 to vector<16xi32>
    %select_n3A_1949 = arith.select %and3A_1947, %add3A_1936, %broadcast_in_dim3A_1948 : vector<16xi1>, vector<16xi32>
    %ge3A_1950 = vector.broadcast %mul3A_169 : i32 to vector<16xi32>
    %ge3A_1951 = arith.cmpi sge, %add3A_1940, %ge3A_1950 : vector<16xi32>
    %add3A_1952 = arith.constant 3276800 : i32
    %add3A_1953 = arith.addi %mul3A_169, %add3A_1952 : i32
    %lt3A_1954 = vector.broadcast %add3A_1953 : i32 to vector<16xi32>
    %lt3A_1955 = arith.cmpi slt, %add3A_1940, %lt3A_1954 : vector<16xi32>
    %and3A_1956 = arith.andi %ge3A_1951, %lt3A_1955 : vector<16xi1>
    %broadcast_in_dim3A_1957 = vector.broadcast %mul3A_171 : i32 to vector<16xi32>
    %select_n3A_1958 = arith.select %and3A_1956, %add3A_1940, %broadcast_in_dim3A_1957 : vector<16xi1>, vector<16xi32>
    %swap3A_1959 = arith.constant 5 : i32
    %swap3A_1960 = arith.index_cast %swap3A_1959 : i32 to index
    %swap3A_1961 = arith.constant 0 : index
    %swap3A_1962 = tpu.vector_load %arg7[%swap3A_1960, %swap3A_1961] {strides = array<i32>} : memref<14x128xi32, #tpu.memory_space<vmem>>, vector<1x16xi32>,
    %swap3A_1963 = vector.shape_cast %swap3A_1962 : vector<1x16xi32> to vector<16xi32>
    %swap3A_1964 = vector.shape_cast %select_n3A_1949 : vector<16xi32> to vector<1x16xi32>
    tpu.vector_store %arg7[%swap3A_1960, %swap3A_1961], %swap3A_1964 {strides = array<i32>} : memref<14x128xi32, #tpu.memory_space<vmem>>, vector<1x16xi32>,
    %swap3A_1965 = arith.constant 17 : i32
    %swap3A_1966 = arith.index_cast %swap3A_1965 : i32 to index
    %swap3A_1967 = arith.constant 64 : index
    %swap3A_1968 = tpu.vector_load %arg7[%swap3A_1966, %swap3A_1967] {strides = array<i32>} : memref<14x128xi32, #tpu.memory_space<vmem>>, vector<1x16xi32>,
    %swap3A_1969 = vector.shape_cast %swap3A_1968 : vector<1x16xi32> to vector<16xi32>
    %swap3A_1970 = vector.shape_cast %select_n3A_1958 : vector<16xi32> to vector<1x16xi32>
    tpu.vector_store %arg7[%swap3A_1966, %swap3A_1967], %swap3A_1970 {strides = array<i32>} : memref<14x128xi32, #tpu.memory_space<vmem>>, vector<1x16xi32>,
    %get3A_1971 = arith.constant 656 : index
    %get3A_1972 = tpu.vector_load %arg5[%get3A_1971] {strides = array<i32>} : memref<800xi32, #tpu.memory_space<vmem>>, vector<16xi32>,
    %get3A_1973 = vector.shape_cast %get3A_1972 : vector<16xi32> to vector<16xi32>
    %get3A_1974 = arith.constant 656 : index
    %get3A_1975 = tpu.vector_load %arg6[%get3A_1974] {strides = array<i32>} : memref<800xi32, #tpu.memory_space<vmem>>, vector<16xi32>,
    %get3A_1976 = vector.shape_cast %get3A_1975 : vector<16xi32> to vector<16xi32>
    %mul3A_1977 = arith.constant 2560 : i32
    %mul3A_1978 = vector.broadcast %mul3A_1977 : i32 to vector<16xi32>
    %mul3A_1979 = arith.muli %get3A_1973, %mul3A_1978 : vector<16xi32>
    %add3A_1980 = arith.addi %mul3A_1979, %get3A_1976 : vector<16xi32>
    %mul3A_1981 = arith.constant 2560 : i32
    %mul3A_1982 = vector.broadcast %mul3A_1981 : i32 to vector<16xi32>
    %mul3A_1983 = arith.muli %get3A_1976, %mul3A_1982 : vector<16xi32>
    %add3A_1984 = arith.addi %mul3A_1983, %get3A_1973 : vector<16xi32>
    %ge3A_1985 = vector.broadcast %mul3A_169 : i32 to vector<16xi32>
    %ge3A_1986 = arith.cmpi sge, %add3A_1980, %ge3A_1985 : vector<16xi32>
    %add3A_1987 = arith.constant 3276800 : i32
    %add3A_1988 = arith.addi %mul3A_169, %add3A_1987 : i32
    %lt3A_1989 = vector.broadcast %add3A_1988 : i32 to vector<16xi32>
    %lt3A_1990 = arith.cmpi slt, %add3A_1980, %lt3A_1989 : vector<16xi32>
    %and3A_1991 = arith.andi %ge3A_1986, %lt3A_1990 : vector<16xi1>
    %broadcast_in_dim3A_1992 = vector.broadcast %mul3A_171 : i32 to vector<16xi32>
    %select_n3A_1993 = arith.select %and3A_1991, %add3A_1980, %broadcast_in_dim3A_1992 : vector<16xi1>, vector<16xi32>
    %ge3A_1994 = vector.broadcast %mul3A_169 : i32 to vector<16xi32>
    %ge3A_1995 = arith.cmpi sge, %add3A_1984, %ge3A_1994 : vector<16xi32>
    %add3A_1996 = arith.constant 3276800 : i32
    %add3A_1997 = arith.addi %mul3A_169, %add3A_1996 : i32
    %lt3A_1998 = vector.broadcast %add3A_1997 : i32 to vector<16xi32>
    %lt3A_1999 = arith.cmpi slt, %add3A_1984, %lt3A_1998 : vector<16xi32>
    %and3A_2000 = arith.andi %ge3A_1995, %lt3A_1999 : vector<16xi1>
    %broadcast_in_dim3A_2001 = vector.broadcast %mul3A_171 : i32 to vector<16xi32>
    %select_n3A_2002 = arith.select %and3A_2000, %add3A_1984, %broadcast_in_dim3A_2001 : vector<16xi1>, vector<16xi32>
    %swap3A_2003 = arith.constant 5 : i32
    %swap3A_2004 = arith.index_cast %swap3A_2003 : i32 to index
    %swap3A_2005 = arith.constant 16 : index
    %swap3A_2006 = tpu.vector_load %arg7[%swap3A_2004, %swap3A_2005] {strides = array<i32>} : memref<14x128xi32, #tpu.memory_space<vmem>>, vector<1x16xi32>,
    %swap3A_2007 = vector.shape_cast %swap3A_2006 : vector<1x16xi32> to vector<16xi32>
    %swap3A_2008 = vector.shape_cast %select_n3A_1993 : vector<16xi32> to vector<1x16xi32>
    tpu.vector_store %arg7[%swap3A_2004, %swap3A_2005], %swap3A_2008 {strides = array<i32>} : memref<14x128xi32, #tpu.memory_space<vmem>>, vector<1x16xi32>,
    %swap3A_2009 = arith.constant 17 : i32
    %swap3A_2010 = arith.index_cast %swap3A_2009 : i32 to index
    %swap3A_2011 = arith.constant 80 : index
    %swap3A_2012 = tpu.vector_load %arg7[%swap3A_2010, %swap3A_2011] {strides = array<i32>} : memref<14x128xi32, #tpu.memory_space<vmem>>, vector<1x16xi32>,
    %swap3A_2013 = vector.shape_cast %swap3A_2012 : vector<1x16xi32> to vector<16xi32>
    %swap3A_2014 = vector.shape_cast %select_n3A_2002 : vector<16xi32> to vector<1x16xi32>
    tpu.vector_store %arg7[%swap3A_2010, %swap3A_2011], %swap3A_2014 {strides = array<i32>} : memref<14x128xi32, #tpu.memory_space<vmem>>, vector<1x16xi32>,
    %get3A_2015 = arith.constant 672 : index
    %get3A_2016 = tpu.vector_load %arg5[%get3A_2015] {strides = array<i32>} : memref<800xi32, #tpu.memory_space<vmem>>, vector<16xi32>,
    %get3A_2017 = vector.shape_cast %get3A_2016 : vector<16xi32> to vector<16xi32>
    %get3A_2018 = arith.constant 672 : index
    %get3A_2019 = tpu.vector_load %arg6[%get3A_2018] {strides = array<i32>} : memref<800xi32, #tpu.memory_space<vmem>>, vector<16xi32>,
    %get3A_2020 = vector.shape_cast %get3A_2019 : vector<16xi32> to vector<16xi32>
    %mul3A_2021 = arith.constant 2560 : i32
    %mul3A_2022 = vector.broadcast %mul3A_2021 : i32 to vector<16xi32>
    %mul3A_2023 = arith.muli %get3A_2017, %mul3A_2022 : vector<16xi32>
    %add3A_2024 = arith.addi %mul3A_2023, %get3A_2020 : vector<16xi32>
    %mul3A_2025 = arith.constant 2560 : i32
    %mul3A_2026 = vector.broadcast %mul3A_2025 : i32 to vector<16xi32>
    %mul3A_2027 = arith.muli %get3A_2020, %mul3A_2026 : vector<16xi32>
    %add3A_2028 = arith.addi %mul3A_2027, %get3A_2017 : vector<16xi32>
    %ge3A_2029 = vector.broadcast %mul3A_169 : i32 to vector<16xi32>
    %ge3A_2030 = arith.cmpi sge, %add3A_2024, %ge3A_2029 : vector<16xi32>
    %add3A_2031 = arith.constant 3276800 : i32
    %add3A_2032 = arith.addi %mul3A_169, %add3A_2031 : i32
    %lt3A_2033 = vector.broadcast %add3A_2032 : i32 to vector<16xi32>
    %lt3A_2034 = arith.cmpi slt, %add3A_2024, %lt3A_2033 : vector<16xi32>
    %and3A_2035 = arith.andi %ge3A_2030, %lt3A_2034 : vector<16xi1>
    %broadcast_in_dim3A_2036 = vector.broadcast %mul3A_171 : i32 to vector<16xi32>
    %select_n3A_2037 = arith.select %and3A_2035, %add3A_2024, %broadcast_in_dim3A_2036 : vector<16xi1>, vector<16xi32>
    %ge3A_2038 = vector.broadcast %mul3A_169 : i32 to vector<16xi32>
    %ge3A_2039 = arith.cmpi sge, %add3A_2028, %ge3A_2038 : vector<16xi32>
    %add3A_2040 = arith.constant 3276800 : i32
    %add3A_2041 = arith.addi %mul3A_169, %add3A_2040 : i32
    %lt3A_2042 = vector.broadcast %add3A_2041 : i32 to vector<16xi32>
    %lt3A_2043 = arith.cmpi slt, %add3A_2028, %lt3A_2042 : vector<16xi32>
    %and3A_2044 = arith.andi %ge3A_2039, %lt3A_2043 : vector<16xi1>
    %broadcast_in_dim3A_2045 = vector.broadcast %mul3A_171 : i32 to vector<16xi32>
    %select_n3A_2046 = arith.select %and3A_2044, %add3A_2028, %broadcast_in_dim3A_2045 : vector<16xi1>, vector<16xi32>
    %swap3A_2047 = arith.constant 5 : i32
    %swap3A_2048 = arith.index_cast %swap3A_2047 : i32 to index
    %swap3A_2049 = arith.constant 32 : index
    %swap3A_2050 = tpu.vector_load %arg7[%swap3A_2048, %swap3A_2049] {strides = array<i32>} : memref<14x128xi32, #tpu.memory_space<vmem>>, vector<1x16xi32>,
    %swap3A_2051 = vector.shape_cast %swap3A_2050 : vector<1x16xi32> to vector<16xi32>
    %swap3A_2052 = vector.shape_cast %select_n3A_2037 : vector<16xi32> to vector<1x16xi32>
    tpu.vector_store %arg7[%swap3A_2048, %swap3A_2049], %swap3A_2052 {strides = array<i32>} : memref<14x128xi32, #tpu.memory_space<vmem>>, vector<1x16xi32>,
    %swap3A_2053 = arith.constant 17 : i32
    %swap3A_2054 = arith.index_cast %swap3A_2053 : i32 to index
    %swap3A_2055 = arith.constant 96 : index
    %swap3A_2056 = tpu.vector_load %arg7[%swap3A_2054, %swap3A_2055] {strides = array<i32>} : memref<14x128xi32, #tpu.memory_space<vmem>>, vector<1x16xi32>,
    %swap3A_2057 = vector.shape_cast %swap3A_2056 : vector<1x16xi32> to vector<16xi32>
    %swap3A_2058 = vector.shape_cast %select_n3A_2046 : vector<16xi32> to vector<1x16xi32>
    tpu.vector_store %arg7[%swap3A_2054, %swap3A_2055], %swap3A_2058 {strides = array<i32>} : memref<14x128xi32, #tpu.memory_space<vmem>>, vector<1x16xi32>,
    %get3A_2059 = arith.constant 688 : index
    %get3A_2060 = tpu.vector_load %arg5[%get3A_2059] {strides = array<i32>} : memref<800xi32, #tpu.memory_space<vmem>>, vector<16xi32>,
    %get3A_2061 = vector.shape_cast %get3A_2060 : vector<16xi32> to vector<16xi32>
    %get3A_2062 = arith.constant 688 : index
    %get3A_2063 = tpu.vector_load %arg6[%get3A_2062] {strides = array<i32>} : memref<800xi32, #tpu.memory_space<vmem>>, vector<16xi32>,
    %get3A_2064 = vector.shape_cast %get3A_2063 : vector<16xi32> to vector<16xi32>
    %mul3A_2065 = arith.constant 2560 : i32
    %mul3A_2066 = vector.broadcast %mul3A_2065 : i32 to vector<16xi32>
    %mul3A_2067 = arith.muli %get3A_2061, %mul3A_2066 : vector<16xi32>
    %add3A_2068 = arith.addi %mul3A_2067, %get3A_2064 : vector<16xi32>
    %mul3A_2069 = arith.constant 2560 : i32
    %mul3A_2070 = vector.broadcast %mul3A_2069 : i32 to vector<16xi32>
    %mul3A_2071 = arith.muli %get3A_2064, %mul3A_2070 : vector<16xi32>
    %add3A_2072 = arith.addi %mul3A_2071, %get3A_2061 : vector<16xi32>
    %ge3A_2073 = vector.broadcast %mul3A_169 : i32 to vector<16xi32>
    %ge3A_2074 = arith.cmpi sge, %add3A_2068, %ge3A_2073 : vector<16xi32>
    %add3A_2075 = arith.constant 3276800 : i32
    %add3A_2076 = arith.addi %mul3A_169, %add3A_2075 : i32
    %lt3A_2077 = vector.broadcast %add3A_2076 : i32 to vector<16xi32>
    %lt3A_2078 = arith.cmpi slt, %add3A_2068, %lt3A_2077 : vector<16xi32>
    %and3A_2079 = arith.andi %ge3A_2074, %lt3A_2078 : vector<16xi1>
    %broadcast_in_dim3A_2080 = vector.broadcast %mul3A_171 : i32 to vector<16xi32>
    %select_n3A_2081 = arith.select %and3A_2079, %add3A_2068, %broadcast_in_dim3A_2080 : vector<16xi1>, vector<16xi32>
    %ge3A_2082 = vector.broadcast %mul3A_169 : i32 to vector<16xi32>
    %ge3A_2083 = arith.cmpi sge, %add3A_2072, %ge3A_2082 : vector<16xi32>
    %add3A_2084 = arith.constant 3276800 : i32
    %add3A_2085 = arith.addi %mul3A_169, %add3A_2084 : i32
    %lt3A_2086 = vector.broadcast %add3A_2085 : i32 to vector<16xi32>
    %lt3A_2087 = arith.cmpi slt, %add3A_2072, %lt3A_2086 : vector<16xi32>
    %and3A_2088 = arith.andi %ge3A_2083, %lt3A_2087 : vector<16xi1>
    %broadcast_in_dim3A_2089 = vector.broadcast %mul3A_171 : i32 to vector<16xi32>
    %select_n3A_2090 = arith.select %and3A_2088, %add3A_2072, %broadcast_in_dim3A_2089 : vector<16xi1>, vector<16xi32>
    %swap3A_2091 = arith.constant 5 : i32
    %swap3A_2092 = arith.index_cast %swap3A_2091 : i32 to index
    %swap3A_2093 = arith.constant 48 : index
    %swap3A_2094 = tpu.vector_load %arg7[%swap3A_2092, %swap3A_2093] {strides = array<i32>} : memref<14x128xi32, #tpu.memory_space<vmem>>, vector<1x16xi32>,
    %swap3A_2095 = vector.shape_cast %swap3A_2094 : vector<1x16xi32> to vector<16xi32>
    %swap3A_2096 = vector.shape_cast %select_n3A_2081 : vector<16xi32> to vector<1x16xi32>
    tpu.vector_store %arg7[%swap3A_2092, %swap3A_2093], %swap3A_2096 {strides = array<i32>} : memref<14x128xi32, #tpu.memory_space<vmem>>, vector<1x16xi32>,
    %swap3A_2097 = arith.constant 17 : i32
    %swap3A_2098 = arith.index_cast %swap3A_2097 : i32 to index
    %swap3A_2099 = arith.constant 112 : index
    %swap3A_2100 = tpu.vector_load %arg7[%swap3A_2098, %swap3A_2099] {strides = array<i32>} : memref<14x128xi32, #tpu.memory_space<vmem>>, vector<1x16xi32>,
    %swap3A_2101 = vector.shape_cast %swap3A_2100 : vector<1x16xi32> to vector<16xi32>
    %swap3A_2102 = vector.shape_cast %select_n3A_2090 : vector<16xi32> to vector<1x16xi32>
    tpu.vector_store %arg7[%swap3A_2098, %swap3A_2099], %swap3A_2102 {strides = array<i32>} : memref<14x128xi32, #tpu.memory_space<vmem>>, vector<1x16xi32>,
    %get3A_2103 = arith.constant 704 : index
    %get3A_2104 = tpu.vector_load %arg5[%get3A_2103] {strides = array<i32>} : memref<800xi32, #tpu.memory_space<vmem>>, vector<16xi32>,
    %get3A_2105 = vector.shape_cast %get3A_2104 : vector<16xi32> to vector<16xi32>
    %get3A_2106 = arith.constant 704 : index
    %get3A_2107 = tpu.vector_load %arg6[%get3A_2106] {strides = array<i32>} : memref<800xi32, #tpu.memory_space<vmem>>, vector<16xi32>,
    %get3A_2108 = vector.shape_cast %get3A_2107 : vector<16xi32> to vector<16xi32>
    %mul3A_2109 = arith.constant 2560 : i32
    %mul3A_2110 = vector.broadcast %mul3A_2109 : i32 to vector<16xi32>
    %mul3A_2111 = arith.muli %get3A_2105, %mul3A_2110 : vector<16xi32>
    %add3A_2112 = arith.addi %mul3A_2111, %get3A_2108 : vector<16xi32>
    %mul3A_2113 = arith.constant 2560 : i32
    %mul3A_2114 = vector.broadcast %mul3A_2113 : i32 to vector<16xi32>
    %mul3A_2115 = arith.muli %get3A_2108, %mul3A_2114 : vector<16xi32>
    %add3A_2116 = arith.addi %mul3A_2115, %get3A_2105 : vector<16xi32>
    %ge3A_2117 = vector.broadcast %mul3A_169 : i32 to vector<16xi32>
    %ge3A_2118 = arith.cmpi sge, %add3A_2112, %ge3A_2117 : vector<16xi32>
    %add3A_2119 = arith.constant 3276800 : i32
    %add3A_2120 = arith.addi %mul3A_169, %add3A_2119 : i32
    %lt3A_2121 = vector.broadcast %add3A_2120 : i32 to vector<16xi32>
    %lt3A_2122 = arith.cmpi slt, %add3A_2112, %lt3A_2121 : vector<16xi32>
    %and3A_2123 = arith.andi %ge3A_2118, %lt3A_2122 : vector<16xi1>
    %broadcast_in_dim3A_2124 = vector.broadcast %mul3A_171 : i32 to vector<16xi32>
    %select_n3A_2125 = arith.select %and3A_2123, %add3A_2112, %broadcast_in_dim3A_2124 : vector<16xi1>, vector<16xi32>
    %ge3A_2126 = vector.broadcast %mul3A_169 : i32 to vector<16xi32>
    %ge3A_2127 = arith.cmpi sge, %add3A_2116, %ge3A_2126 : vector<16xi32>
    %add3A_2128 = arith.constant 3276800 : i32
    %add3A_2129 = arith.addi %mul3A_169, %add3A_2128 : i32
    %lt3A_2130 = vector.broadcast %add3A_2129 : i32 to vector<16xi32>
    %lt3A_2131 = arith.cmpi slt, %add3A_2116, %lt3A_2130 : vector<16xi32>
    %and3A_2132 = arith.andi %ge3A_2127, %lt3A_2131 : vector<16xi1>
    %broadcast_in_dim3A_2133 = vector.broadcast %mul3A_171 : i32 to vector<16xi32>
    %select_n3A_2134 = arith.select %and3A_2132, %add3A_2116, %broadcast_in_dim3A_2133 : vector<16xi1>, vector<16xi32>
    %swap3A_2135 = arith.constant 5 : i32
    %swap3A_2136 = arith.index_cast %swap3A_2135 : i32 to index
    %swap3A_2137 = arith.constant 64 : index
    %swap3A_2138 = tpu.vector_load %arg7[%swap3A_2136, %swap3A_2137] {strides = array<i32>} : memref<14x128xi32, #tpu.memory_space<vmem>>, vector<1x16xi32>,
    %swap3A_2139 = vector.shape_cast %swap3A_2138 : vector<1x16xi32> to vector<16xi32>
    %swap3A_2140 = vector.shape_cast %select_n3A_2125 : vector<16xi32> to vector<1x16xi32>
    tpu.vector_store %arg7[%swap3A_2136, %swap3A_2137], %swap3A_2140 {strides = array<i32>} : memref<14x128xi32, #tpu.memory_space<vmem>>, vector<1x16xi32>,
    %swap3A_2141 = arith.constant 18 : i32
    %swap3A_2142 = arith.index_cast %swap3A_2141 : i32 to index
    %swap3A_2143 = arith.constant 0 : index
    %swap3A_2144 = tpu.vector_load %arg7[%swap3A_2142, %swap3A_2143] {strides = array<i32>} : memref<14x128xi32, #tpu.memory_space<vmem>>, vector<1x16xi32>,
    %swap3A_2145 = vector.shape_cast %swap3A_2144 : vector<1x16xi32> to vector<16xi32>
    %swap3A_2146 = vector.shape_cast %select_n3A_2134 : vector<16xi32> to vector<1x16xi32>
    tpu.vector_store %arg7[%swap3A_2142, %swap3A_2143], %swap3A_2146 {strides = array<i32>} : memref<14x128xi32, #tpu.memory_space<vmem>>, vector<1x16xi32>,
    %get3A_2147 = arith.constant 720 : index
    %get3A_2148 = tpu.vector_load %arg5[%get3A_2147] {strides = array<i32>} : memref<800xi32, #tpu.memory_space<vmem>>, vector<16xi32>,
    %get3A_2149 = vector.shape_cast %get3A_2148 : vector<16xi32> to vector<16xi32>
    %get3A_2150 = arith.constant 720 : index
    %get3A_2151 = tpu.vector_load %arg6[%get3A_2150] {strides = array<i32>} : memref<800xi32, #tpu.memory_space<vmem>>, vector<16xi32>,
    %get3A_2152 = vector.shape_cast %get3A_2151 : vector<16xi32> to vector<16xi32>
    %mul3A_2153 = arith.constant 2560 : i32
    %mul3A_2154 = vector.broadcast %mul3A_2153 : i32 to vector<16xi32>
    %mul3A_2155 = arith.muli %get3A_2149, %mul3A_2154 : vector<16xi32>
    %add3A_2156 = arith.addi %mul3A_2155, %get3A_2152 : vector<16xi32>
    %mul3A_2157 = arith.constant 2560 : i32
    %mul3A_2158 = vector.broadcast %mul3A_2157 : i32 to vector<16xi32>
    %mul3A_2159 = arith.muli %get3A_2152, %mul3A_2158 : vector<16xi32>
    %add3A_2160 = arith.addi %mul3A_2159, %get3A_2149 : vector<16xi32>
    %ge3A_2161 = vector.broadcast %mul3A_169 : i32 to vector<16xi32>
    %ge3A_2162 = arith.cmpi sge, %add3A_2156, %ge3A_2161 : vector<16xi32>
    %add3A_2163 = arith.constant 3276800 : i32
    %add3A_2164 = arith.addi %mul3A_169, %add3A_2163 : i32
    %lt3A_2165 = vector.broadcast %add3A_2164 : i32 to vector<16xi32>
    %lt3A_2166 = arith.cmpi slt, %add3A_2156, %lt3A_2165 : vector<16xi32>
    %and3A_2167 = arith.andi %ge3A_2162, %lt3A_2166 : vector<16xi1>
    %broadcast_in_dim3A_2168 = vector.broadcast %mul3A_171 : i32 to vector<16xi32>
    %select_n3A_2169 = arith.select %and3A_2167, %add3A_2156, %broadcast_in_dim3A_2168 : vector<16xi1>, vector<16xi32>
    %ge3A_2170 = vector.broadcast %mul3A_169 : i32 to vector<16xi32>
    %ge3A_2171 = arith.cmpi sge, %add3A_2160, %ge3A_2170 : vector<16xi32>
    %add3A_2172 = arith.constant 3276800 : i32
    %add3A_2173 = arith.addi %mul3A_169, %add3A_2172 : i32
    %lt3A_2174 = vector.broadcast %add3A_2173 : i32 to vector<16xi32>
    %lt3A_2175 = arith.cmpi slt, %add3A_2160, %lt3A_2174 : vector<16xi32>
    %and3A_2176 = arith.andi %ge3A_2171, %lt3A_2175 : vector<16xi1>
    %broadcast_in_dim3A_2177 = vector.broadcast %mul3A_171 : i32 to vector<16xi32>
    %select_n3A_2178 = arith.select %and3A_2176, %add3A_2160, %broadcast_in_dim3A_2177 : vector<16xi1>, vector<16xi32>
    %swap3A_2179 = arith.constant 5 : i32
    %swap3A_2180 = arith.index_cast %swap3A_2179 : i32 to index
    %swap3A_2181 = arith.constant 80 : index
    %swap3A_2182 = tpu.vector_load %arg7[%swap3A_2180, %swap3A_2181] {strides = array<i32>} : memref<14x128xi32, #tpu.memory_space<vmem>>, vector<1x16xi32>,
    %swap3A_2183 = vector.shape_cast %swap3A_2182 : vector<1x16xi32> to vector<16xi32>
    %swap3A_2184 = vector.shape_cast %select_n3A_2169 : vector<16xi32> to vector<1x16xi32>
    tpu.vector_store %arg7[%swap3A_2180, %swap3A_2181], %swap3A_2184 {strides = array<i32>} : memref<14x128xi32, #tpu.memory_space<vmem>>, vector<1x16xi32>,
    %swap3A_2185 = arith.constant 18 : i32
    %swap3A_2186 = arith.index_cast %swap3A_2185 : i32 to index
    %swap3A_2187 = arith.constant 16 : index
    %swap3A_2188 = tpu.vector_load %arg7[%swap3A_2186, %swap3A_2187] {strides = array<i32>} : memref<14x128xi32, #tpu.memory_space<vmem>>, vector<1x16xi32>,
    %swap3A_2189 = vector.shape_cast %swap3A_2188 : vector<1x16xi32> to vector<16xi32>
    %swap3A_2190 = vector.shape_cast %select_n3A_2178 : vector<16xi32> to vector<1x16xi32>
    tpu.vector_store %arg7[%swap3A_2186, %swap3A_2187], %swap3A_2190 {strides = array<i32>} : memref<14x128xi32, #tpu.memory_space<vmem>>, vector<1x16xi32>,
    %get3A_2191 = arith.constant 736 : index
    %get3A_2192 = tpu.vector_load %arg5[%get3A_2191] {strides = array<i32>} : memref<800xi32, #tpu.memory_space<vmem>>, vector<16xi32>,
    %get3A_2193 = vector.shape_cast %get3A_2192 : vector<16xi32> to vector<16xi32>
    %get3A_2194 = arith.constant 736 : index
    %get3A_2195 = tpu.vector_load %arg6[%get3A_2194] {strides = array<i32>} : memref<800xi32, #tpu.memory_space<vmem>>, vector<16xi32>,
    %get3A_2196 = vector.shape_cast %get3A_2195 : vector<16xi32> to vector<16xi32>
    %mul3A_2197 = arith.constant 2560 : i32
    %mul3A_2198 = vector.broadcast %mul3A_2197 : i32 to vector<16xi32>
    %mul3A_2199 = arith.muli %get3A_2193, %mul3A_2198 : vector<16xi32>
    %add3A_2200 = arith.addi %mul3A_2199, %get3A_2196 : vector<16xi32>
    %mul3A_2201 = arith.constant 2560 : i32
    %mul3A_2202 = vector.broadcast %mul3A_2201 : i32 to vector<16xi32>
    %mul3A_2203 = arith.muli %get3A_2196, %mul3A_2202 : vector<16xi32>
    %add3A_2204 = arith.addi %mul3A_2203, %get3A_2193 : vector<16xi32>
    %ge3A_2205 = vector.broadcast %mul3A_169 : i32 to vector<16xi32>
    %ge3A_2206 = arith.cmpi sge, %add3A_2200, %ge3A_2205 : vector<16xi32>
    %add3A_2207 = arith.constant 3276800 : i32
    %add3A_2208 = arith.addi %mul3A_169, %add3A_2207 : i32
    %lt3A_2209 = vector.broadcast %add3A_2208 : i32 to vector<16xi32>
    %lt3A_2210 = arith.cmpi slt, %add3A_2200, %lt3A_2209 : vector<16xi32>
    %and3A_2211 = arith.andi %ge3A_2206, %lt3A_2210 : vector<16xi1>
    %broadcast_in_dim3A_2212 = vector.broadcast %mul3A_171 : i32 to vector<16xi32>
    %select_n3A_2213 = arith.select %and3A_2211, %add3A_2200, %broadcast_in_dim3A_2212 : vector<16xi1>, vector<16xi32>
    %ge3A_2214 = vector.broadcast %mul3A_169 : i32 to vector<16xi32>
    %ge3A_2215 = arith.cmpi sge, %add3A_2204, %ge3A_2214 : vector<16xi32>
    %add3A_2216 = arith.constant 3276800 : i32
    %add3A_2217 = arith.addi %mul3A_169, %add3A_2216 : i32
    %lt3A_2218 = vector.broadcast %add3A_2217 : i32 to vector<16xi32>
    %lt3A_2219 = arith.cmpi slt, %add3A_2204, %lt3A_2218 : vector<16xi32>
    %and3A_2220 = arith.andi %ge3A_2215, %lt3A_2219 : vector<16xi1>
    %broadcast_in_dim3A_2221 = vector.broadcast %mul3A_171 : i32 to vector<16xi32>
    %select_n3A_2222 = arith.select %and3A_2220, %add3A_2204, %broadcast_in_dim3A_2221 : vector<16xi1>, vector<16xi32>
    %swap3A_2223 = arith.constant 5 : i32
    %swap3A_2224 = arith.index_cast %swap3A_2223 : i32 to index
    %swap3A_2225 = arith.constant 96 : index
    %swap3A_2226 = tpu.vector_load %arg7[%swap3A_2224, %swap3A_2225] {strides = array<i32>} : memref<14x128xi32, #tpu.memory_space<vmem>>, vector<1x16xi32>,
    %swap3A_2227 = vector.shape_cast %swap3A_2226 : vector<1x16xi32> to vector<16xi32>
    %swap3A_2228 = vector.shape_cast %select_n3A_2213 : vector<16xi32> to vector<1x16xi32>
    tpu.vector_store %arg7[%swap3A_2224, %swap3A_2225], %swap3A_2228 {strides = array<i32>} : memref<14x128xi32, #tpu.memory_space<vmem>>, vector<1x16xi32>,
    %swap3A_2229 = arith.constant 18 : i32
    %swap3A_2230 = arith.index_cast %swap3A_2229 : i32 to index
    %swap3A_2231 = arith.constant 32 : index
    %swap3A_2232 = tpu.vector_load %arg7[%swap3A_2230, %swap3A_2231] {strides = array<i32>} : memref<14x128xi32, #tpu.memory_space<vmem>>, vector<1x16xi32>,
    %swap3A_2233 = vector.shape_cast %swap3A_2232 : vector<1x16xi32> to vector<16xi32>
    %swap3A_2234 = vector.shape_cast %select_n3A_2222 : vector<16xi32> to vector<1x16xi32>
    tpu.vector_store %arg7[%swap3A_2230, %swap3A_2231], %swap3A_2234 {strides = array<i32>} : memref<14x128xi32, #tpu.memory_space<vmem>>, vector<1x16xi32>,
    %get3A_2235 = arith.constant 752 : index
    %get3A_2236 = tpu.vector_load %arg5[%get3A_2235] {strides = array<i32>} : memref<800xi32, #tpu.memory_space<vmem>>, vector<16xi32>,
    %get3A_2237 = vector.shape_cast %get3A_2236 : vector<16xi32> to vector<16xi32>
    %get3A_2238 = arith.constant 752 : index
    %get3A_2239 = tpu.vector_load %arg6[%get3A_2238] {strides = array<i32>} : memref<800xi32, #tpu.memory_space<vmem>>, vector<16xi32>,
    %get3A_2240 = vector.shape_cast %get3A_2239 : vector<16xi32> to vector<16xi32>
    %mul3A_2241 = arith.constant 2560 : i32
    %mul3A_2242 = vector.broadcast %mul3A_2241 : i32 to vector<16xi32>
    %mul3A_2243 = arith.muli %get3A_2237, %mul3A_2242 : vector<16xi32>
    %add3A_2244 = arith.addi %mul3A_2243, %get3A_2240 : vector<16xi32>
    %mul3A_2245 = arith.constant 2560 : i32
    %mul3A_2246 = vector.broadcast %mul3A_2245 : i32 to vector<16xi32>
    %mul3A_2247 = arith.muli %get3A_2240, %mul3A_2246 : vector<16xi32>
    %add3A_2248 = arith.addi %mul3A_2247, %get3A_2237 : vector<16xi32>
    %ge3A_2249 = vector.broadcast %mul3A_169 : i32 to vector<16xi32>
    %ge3A_2250 = arith.cmpi sge, %add3A_2244, %ge3A_2249 : vector<16xi32>
    %add3A_2251 = arith.constant 3276800 : i32
    %add3A_2252 = arith.addi %mul3A_169, %add3A_2251 : i32
    %lt3A_2253 = vector.broadcast %add3A_2252 : i32 to vector<16xi32>
    %lt3A_2254 = arith.cmpi slt, %add3A_2244, %lt3A_2253 : vector<16xi32>
    %and3A_2255 = arith.andi %ge3A_2250, %lt3A_2254 : vector<16xi1>
    %broadcast_in_dim3A_2256 = vector.broadcast %mul3A_171 : i32 to vector<16xi32>
    %select_n3A_2257 = arith.select %and3A_2255, %add3A_2244, %broadcast_in_dim3A_2256 : vector<16xi1>, vector<16xi32>
    %ge3A_2258 = vector.broadcast %mul3A_169 : i32 to vector<16xi32>
    %ge3A_2259 = arith.cmpi sge, %add3A_2248, %ge3A_2258 : vector<16xi32>
    %add3A_2260 = arith.constant 3276800 : i32
    %add3A_2261 = arith.addi %mul3A_169, %add3A_2260 : i32
    %lt3A_2262 = vector.broadcast %add3A_2261 : i32 to vector<16xi32>
    %lt3A_2263 = arith.cmpi slt, %add3A_2248, %lt3A_2262 : vector<16xi32>
    %and3A_2264 = arith.andi %ge3A_2259, %lt3A_2263 : vector<16xi1>
    %broadcast_in_dim3A_2265 = vector.broadcast %mul3A_171 : i32 to vector<16xi32>
    %select_n3A_2266 = arith.select %and3A_2264, %add3A_2248, %broadcast_in_dim3A_2265 : vector<16xi1>, vector<16xi32>
    %swap3A_2267 = arith.constant 5 : i32
    %swap3A_2268 = arith.index_cast %swap3A_2267 : i32 to index
    %swap3A_2269 = arith.constant 112 : index
    %swap3A_2270 = tpu.vector_load %arg7[%swap3A_2268, %swap3A_2269] {strides = array<i32>} : memref<14x128xi32, #tpu.memory_space<vmem>>, vector<1x16xi32>,
    %swap3A_2271 = vector.shape_cast %swap3A_2270 : vector<1x16xi32> to vector<16xi32>
    %swap3A_2272 = vector.shape_cast %select_n3A_2257 : vector<16xi32> to vector<1x16xi32>
    tpu.vector_store %arg7[%swap3A_2268, %swap3A_2269], %swap3A_2272 {strides = array<i32>} : memref<14x128xi32, #tpu.memory_space<vmem>>, vector<1x16xi32>,
    %swap3A_2273 = arith.constant 18 : i32
    %swap3A_2274 = arith.index_cast %swap3A_2273 : i32 to index
    %swap3A_2275 = arith.constant 48 : index
    %swap3A_2276 = tpu.vector_load %arg7[%swap3A_2274, %swap3A_2275] {strides = array<i32>} : memref<14x128xi32, #tpu.memory_space<vmem>>, vector<1x16xi32>,
    %swap3A_2277 = vector.shape_cast %swap3A_2276 : vector<1x16xi32> to vector<16xi32>
    %swap3A_2278 = vector.shape_cast %select_n3A_2266 : vector<16xi32> to vector<1x16xi32>
    tpu.vector_store %arg7[%swap3A_2274, %swap3A_2275], %swap3A_2278 {strides = array<i32>} : memref<14x128xi32, #tpu.memory_space<vmem>>, vector<1x16xi32>,
    %get3A_2279 = arith.constant 768 : index
    %get3A_2280 = tpu.vector_load %arg5[%get3A_2279] {strides = array<i32>} : memref<800xi32, #tpu.memory_space<vmem>>, vector<16xi32>,
    %get3A_2281 = vector.shape_cast %get3A_2280 : vector<16xi32> to vector<16xi32>
    %get3A_2282 = arith.constant 768 : index
    %get3A_2283 = tpu.vector_load %arg6[%get3A_2282] {strides = array<i32>} : memref<800xi32, #tpu.memory_space<vmem>>, vector<16xi32>,
    %get3A_2284 = vector.shape_cast %get3A_2283 : vector<16xi32> to vector<16xi32>
    %mul3A_2285 = arith.constant 2560 : i32
    %mul3A_2286 = vector.broadcast %mul3A_2285 : i32 to vector<16xi32>
    %mul3A_2287 = arith.muli %get3A_2281, %mul3A_2286 : vector<16xi32>
    %add3A_2288 = arith.addi %mul3A_2287, %get3A_2284 : vector<16xi32>
    %mul3A_2289 = arith.constant 2560 : i32
    %mul3A_2290 = vector.broadcast %mul3A_2289 : i32 to vector<16xi32>
    %mul3A_2291 = arith.muli %get3A_2284, %mul3A_2290 : vector<16xi32>
    %add3A_2292 = arith.addi %mul3A_2291, %get3A_2281 : vector<16xi32>
    %ge3A_2293 = vector.broadcast %mul3A_169 : i32 to vector<16xi32>
    %ge3A_2294 = arith.cmpi sge, %add3A_2288, %ge3A_2293 : vector<16xi32>
    %add3A_2295 = arith.constant 3276800 : i32
    %add3A_2296 = arith.addi %mul3A_169, %add3A_2295 : i32
    %lt3A_2297 = vector.broadcast %add3A_2296 : i32 to vector<16xi32>
    %lt3A_2298 = arith.cmpi slt, %add3A_2288, %lt3A_2297 : vector<16xi32>
    %and3A_2299 = arith.andi %ge3A_2294, %lt3A_2298 : vector<16xi1>
    %broadcast_in_dim3A_2300 = vector.broadcast %mul3A_171 : i32 to vector<16xi32>
    %select_n3A_2301 = arith.select %and3A_2299, %add3A_2288, %broadcast_in_dim3A_2300 : vector<16xi1>, vector<16xi32>
    %ge3A_2302 = vector.broadcast %mul3A_169 : i32 to vector<16xi32>
    %ge3A_2303 = arith.cmpi sge, %add3A_2292, %ge3A_2302 : vector<16xi32>
    %add3A_2304 = arith.constant 3276800 : i32
    %add3A_2305 = arith.addi %mul3A_169, %add3A_2304 : i32
    %lt3A_2306 = vector.broadcast %add3A_2305 : i32 to vector<16xi32>
    %lt3A_2307 = arith.cmpi slt, %add3A_2292, %lt3A_2306 : vector<16xi32>
    %and3A_2308 = arith.andi %ge3A_2303, %lt3A_2307 : vector<16xi1>
    %broadcast_in_dim3A_2309 = vector.broadcast %mul3A_171 : i32 to vector<16xi32>
    %select_n3A_2310 = arith.select %and3A_2308, %add3A_2292, %broadcast_in_dim3A_2309 : vector<16xi1>, vector<16xi32>
    %swap3A_2311 = arith.constant 6 : i32
    %swap3A_2312 = arith.index_cast %swap3A_2311 : i32 to index
    %swap3A_2313 = arith.constant 0 : index
    %swap3A_2314 = tpu.vector_load %arg7[%swap3A_2312, %swap3A_2313] {strides = array<i32>} : memref<14x128xi32, #tpu.memory_space<vmem>>, vector<1x16xi32>,
    %swap3A_2315 = vector.shape_cast %swap3A_2314 : vector<1x16xi32> to vector<16xi32>
    %swap3A_2316 = vector.shape_cast %select_n3A_2301 : vector<16xi32> to vector<1x16xi32>
    tpu.vector_store %arg7[%swap3A_2312, %swap3A_2313], %swap3A_2316 {strides = array<i32>} : memref<14x128xi32, #tpu.memory_space<vmem>>, vector<1x16xi32>,
    %swap3A_2317 = arith.constant 18 : i32
    %swap3A_2318 = arith.index_cast %swap3A_2317 : i32 to index
    %swap3A_2319 = arith.constant 64 : index
    %swap3A_2320 = tpu.vector_load %arg7[%swap3A_2318, %swap3A_2319] {strides = array<i32>} : memref<14x128xi32, #tpu.memory_space<vmem>>, vector<1x16xi32>,
    %swap3A_2321 = vector.shape_cast %swap3A_2320 : vector<1x16xi32> to vector<16xi32>
    %swap3A_2322 = vector.shape_cast %select_n3A_2310 : vector<16xi32> to vector<1x16xi32>
    tpu.vector_store %arg7[%swap3A_2318, %swap3A_2319], %swap3A_2322 {strides = array<i32>} : memref<14x128xi32, #tpu.memory_space<vmem>>, vector<1x16xi32>,
    %get3A_2323 = arith.constant 784 : index
    %get3A_2324 = tpu.vector_load %arg5[%get3A_2323] {strides = array<i32>} : memref<800xi32, #tpu.memory_space<vmem>>, vector<16xi32>,
    %get3A_2325 = vector.shape_cast %get3A_2324 : vector<16xi32> to vector<16xi32>
    %get3A_2326 = arith.constant 784 : index
    %get3A_2327 = tpu.vector_load %arg6[%get3A_2326] {strides = array<i32>} : memref<800xi32, #tpu.memory_space<vmem>>, vector<16xi32>,
    %get3A_2328 = vector.shape_cast %get3A_2327 : vector<16xi32> to vector<16xi32>
    %mul3A_2329 = arith.constant 2560 : i32
    %mul3A_2330 = vector.broadcast %mul3A_2329 : i32 to vector<16xi32>
    %mul3A_2331 = arith.muli %get3A_2325, %mul3A_2330 : vector<16xi32>
    %add3A_2332 = arith.addi %mul3A_2331, %get3A_2328 : vector<16xi32>
    %mul3A_2333 = arith.constant 2560 : i32
    %mul3A_2334 = vector.broadcast %mul3A_2333 : i32 to vector<16xi32>
    %mul3A_2335 = arith.muli %get3A_2328, %mul3A_2334 : vector<16xi32>
    %add3A_2336 = arith.addi %mul3A_2335, %get3A_2325 : vector<16xi32>
    %ge3A_2337 = vector.broadcast %mul3A_169 : i32 to vector<16xi32>
    %ge3A_2338 = arith.cmpi sge, %add3A_2332, %ge3A_2337 : vector<16xi32>
    %add3A_2339 = arith.constant 3276800 : i32
    %add3A_2340 = arith.addi %mul3A_169, %add3A_2339 : i32
    %lt3A_2341 = vector.broadcast %add3A_2340 : i32 to vector<16xi32>
    %lt3A_2342 = arith.cmpi slt, %add3A_2332, %lt3A_2341 : vector<16xi32>
    %and3A_2343 = arith.andi %ge3A_2338, %lt3A_2342 : vector<16xi1>
    %broadcast_in_dim3A_2344 = vector.broadcast %mul3A_171 : i32 to vector<16xi32>
    %select_n3A_2345 = arith.select %and3A_2343, %add3A_2332, %broadcast_in_dim3A_2344 : vector<16xi1>, vector<16xi32>
    %ge3A_2346 = vector.broadcast %mul3A_169 : i32 to vector<16xi32>
    %ge3A_2347 = arith.cmpi sge, %add3A_2336, %ge3A_2346 : vector<16xi32>
    %add3A_2348 = arith.constant 3276800 : i32
    %add3A_2349 = arith.addi %mul3A_169, %add3A_2348 : i32
    %lt3A_2350 = vector.broadcast %add3A_2349 : i32 to vector<16xi32>
    %lt3A_2351 = arith.cmpi slt, %add3A_2336, %lt3A_2350 : vector<16xi32>
    %and3A_2352 = arith.andi %ge3A_2347, %lt3A_2351 : vector<16xi1>
    %broadcast_in_dim3A_2353 = vector.broadcast %mul3A_171 : i32 to vector<16xi32>
    %select_n3A_2354 = arith.select %and3A_2352, %add3A_2336, %broadcast_in_dim3A_2353 : vector<16xi1>, vector<16xi32>
    %swap3A_2355 = arith.constant 6 : i32
    %swap3A_2356 = arith.index_cast %swap3A_2355 : i32 to index
    %swap3A_2357 = arith.constant 16 : index
    %swap3A_2358 = tpu.vector_load %arg7[%swap3A_2356, %swap3A_2357] {strides = array<i32>} : memref<14x128xi32, #tpu.memory_space<vmem>>, vector<1x16xi32>,
    %swap3A_2359 = vector.shape_cast %swap3A_2358 : vector<1x16xi32> to vector<16xi32>
    %swap3A_2360 = vector.shape_cast %select_n3A_2345 : vector<16xi32> to vector<1x16xi32>
    tpu.vector_store %arg7[%swap3A_2356, %swap3A_2357], %swap3A_2360 {strides = array<i32>} : memref<14x128xi32, #tpu.memory_space<vmem>>, vector<1x16xi32>,
    %swap3A_2361 = arith.constant 18 : i32
    %swap3A_2362 = arith.index_cast %swap3A_2361 : i32 to index
    %swap3A_2363 = arith.constant 80 : index
    %swap3A_2364 = tpu.vector_load %arg7[%swap3A_2362, %swap3A_2363] {strides = array<i32>} : memref<14x128xi32, #tpu.memory_space<vmem>>, vector<1x16xi32>,
    %swap3A_2365 = vector.shape_cast %swap3A_2364 : vector<1x16xi32> to vector<16xi32>
    %swap3A_2366 = vector.shape_cast %select_n3A_2354 : vector<16xi32> to vector<1x16xi32>
    tpu.vector_store %arg7[%swap3A_2362, %swap3A_2363], %swap3A_2366 {strides = array<i32>} : memref<14x128xi32, #tpu.memory_space<vmem>>, vector<1x16xi32>,
    %broadcast_in_dim3A_2367 = arith.constant 0 : i32
    %broadcast_in_dim3A_2368 = vector.broadcast %broadcast_in_dim3A_2367 : i32 to vector<16xi32>
    %add3A_2369 = vector.broadcast %mul3A_171 : i32 to vector<16xi32>
    %add3A_2370 = arith.addi %broadcast_in_dim3A_2368, %add3A_2369 : vector<16xi32>
    %swap3A_2371 = arith.constant 12 : i32
    %swap3A_2372 = arith.index_cast %swap3A_2371 : i32 to index
    %swap3A_2373 = arith.constant 64 : index
    %swap3A_2374 = tpu.vector_load %arg7[%swap3A_2372, %swap3A_2373] {strides = array<i32>} : memref<14x128xi32, #tpu.memory_space<vmem>>, vector<1x16xi32>,
    %swap3A_2375 = vector.shape_cast %swap3A_2374 : vector<1x16xi32> to vector<16xi32>
    %swap3A_2376 = vector.shape_cast %add3A_2370 : vector<16xi32> to vector<1x16xi32>
    tpu.vector_store %arg7[%swap3A_2372, %swap3A_2373], %swap3A_2376 {strides = array<i32>} : memref<14x128xi32, #tpu.memory_space<vmem>>, vector<1x16xi32>,
    %broadcast_in_dim3A_2377 = arith.constant 0 : i32
    %broadcast_in_dim3A_2378 = vector.broadcast %broadcast_in_dim3A_2377 : i32 to vector<16xi32>
    %add3A_2379 = vector.broadcast %mul3A_171 : i32 to vector<16xi32>
    %add3A_2380 = arith.addi %broadcast_in_dim3A_2378, %add3A_2379 : vector<16xi32>
    %swap3A_2381 = arith.constant 12 : i32
    %swap3A_2382 = arith.index_cast %swap3A_2381 : i32 to index
    %swap3A_2383 = arith.constant 80 : index
    %swap3A_2384 = tpu.vector_load %arg7[%swap3A_2382, %swap3A_2383] {strides = array<i32>} : memref<14x128xi32, #tpu.memory_space<vmem>>, vector<1x16xi32>,
    %swap3A_2385 = vector.shape_cast %swap3A_2384 : vector<1x16xi32> to vector<16xi32>
    %swap3A_2386 = vector.shape_cast %add3A_2380 : vector<16xi32> to vector<1x16xi32>
    tpu.vector_store %arg7[%swap3A_2382, %swap3A_2383], %swap3A_2386 {strides = array<i32>} : memref<14x128xi32, #tpu.memory_space<vmem>>, vector<1x16xi32>,
    %broadcast_in_dim3A_2387 = arith.constant 0 : i32
    %broadcast_in_dim3A_2388 = vector.broadcast %broadcast_in_dim3A_2387 : i32 to vector<16xi32>
    %add3A_2389 = vector.broadcast %mul3A_171 : i32 to vector<16xi32>
    %add3A_2390 = arith.addi %broadcast_in_dim3A_2388, %add3A_2389 : vector<16xi32>
    %swap3A_2391 = arith.constant 12 : i32
    %swap3A_2392 = arith.index_cast %swap3A_2391 : i32 to index
    %swap3A_2393 = arith.constant 96 : index
    %swap3A_2394 = tpu.vector_load %arg7[%swap3A_2392, %swap3A_2393] {strides = array<i32>} : memref<14x128xi32, #tpu.memory_space<vmem>>, vector<1x16xi32>,
    %swap3A_2395 = vector.shape_cast %swap3A_2394 : vector<1x16xi32> to vector<16xi32>
    %swap3A_2396 = vector.shape_cast %add3A_2390 : vector<16xi32> to vector<1x16xi32>
    tpu.vector_store %arg7[%swap3A_2392, %swap3A_2393], %swap3A_2396 {strides = array<i32>} : memref<14x128xi32, #tpu.memory_space<vmem>>, vector<1x16xi32>,
    %broadcast_in_dim3A_2397 = arith.constant 0 : i32
    %broadcast_in_dim3A_2398 = vector.broadcast %broadcast_in_dim3A_2397 : i32 to vector<16xi32>
    %add3A_2399 = vector.broadcast %mul3A_171 : i32 to vector<16xi32>
    %add3A_2400 = arith.addi %broadcast_in_dim3A_2398, %add3A_2399 : vector<16xi32>
    %swap3A_2401 = arith.constant 12 : i32
    %swap3A_2402 = arith.index_cast %swap3A_2401 : i32 to index
    %swap3A_2403 = arith.constant 112 : index
    %swap3A_2404 = tpu.vector_load %arg7[%swap3A_2402, %swap3A_2403] {strides = array<i32>} : memref<14x128xi32, #tpu.memory_space<vmem>>, vector<1x16xi32>,
    %swap3A_2405 = vector.shape_cast %swap3A_2404 : vector<1x16xi32> to vector<16xi32>
    %swap3A_2406 = vector.shape_cast %add3A_2400 : vector<16xi32> to vector<1x16xi32>
    tpu.vector_store %arg7[%swap3A_2402, %swap3A_2403], %swap3A_2406 {strides = array<i32>} : memref<14x128xi32, #tpu.memory_space<vmem>>, vector<1x16xi32>,
    %broadcast_in_dim3A_2407 = arith.constant 0 : i32
    %broadcast_in_dim3A_2408 = vector.broadcast %broadcast_in_dim3A_2407 : i32 to vector<16xi32>
    %add3A_2409 = vector.broadcast %mul3A_171 : i32 to vector<16xi32>
    %add3A_2410 = arith.addi %broadcast_in_dim3A_2408, %add3A_2409 : vector<16xi32>
    %swap3A_2411 = arith.constant 13 : i32
    %swap3A_2412 = arith.index_cast %swap3A_2411 : i32 to index
    %swap3A_2413 = arith.constant 0 : index
    %swap3A_2414 = tpu.vector_load %arg7[%swap3A_2412, %swap3A_2413] {strides = array<i32>} : memref<14x128xi32, #tpu.memory_space<vmem>>, vector<1x16xi32>,
    %swap3A_2415 = vector.shape_cast %swap3A_2414 : vector<1x16xi32> to vector<16xi32>
    %swap3A_2416 = vector.shape_cast %add3A_2410 : vector<16xi32> to vector<1x16xi32>
    tpu.vector_store %arg7[%swap3A_2412, %swap3A_2413], %swap3A_2416 {strides = array<i32>} : memref<14x128xi32, #tpu.memory_space<vmem>>, vector<1x16xi32>,
    %broadcast_in_dim3A_2417 = arith.constant 0 : i32
    %broadcast_in_dim3A_2418 = vector.broadcast %broadcast_in_dim3A_2417 : i32 to vector<16xi32>
    %add3A_2419 = vector.broadcast %mul3A_171 : i32 to vector<16xi32>
    %add3A_2420 = arith.addi %broadcast_in_dim3A_2418, %add3A_2419 : vector<16xi32>
    %swap3A_2421 = arith.constant 13 : i32
    %swap3A_2422 = arith.index_cast %swap3A_2421 : i32 to index
    %swap3A_2423 = arith.constant 16 : index
    %swap3A_2424 = tpu.vector_load %arg7[%swap3A_2422, %swap3A_2423] {strides = array<i32>} : memref<14x128xi32, #tpu.memory_space<vmem>>, vector<1x16xi32>,
    %swap3A_2425 = vector.shape_cast %swap3A_2424 : vector<1x16xi32> to vector<16xi32>
    %swap3A_2426 = vector.shape_cast %add3A_2420 : vector<16xi32> to vector<1x16xi32>
    tpu.vector_store %arg7[%swap3A_2422, %swap3A_2423], %swap3A_2426 {strides = array<i32>} : memref<14x128xi32, #tpu.memory_space<vmem>>, vector<1x16xi32>,
    %broadcast_in_dim3A_2427 = arith.constant 0 : i32
    %broadcast_in_dim3A_2428 = vector.broadcast %broadcast_in_dim3A_2427 : i32 to vector<16xi32>
    %add3A_2429 = vector.broadcast %mul3A_171 : i32 to vector<16xi32>
    %add3A_2430 = arith.addi %broadcast_in_dim3A_2428, %add3A_2429 : vector<16xi32>
    %swap3A_2431 = arith.constant 13 : i32
    %swap3A_2432 = arith.index_cast %swap3A_2431 : i32 to index
    %swap3A_2433 = arith.constant 32 : index
    %swap3A_2434 = tpu.vector_load %arg7[%swap3A_2432, %swap3A_2433] {strides = array<i32>} : memref<14x128xi32, #tpu.memory_space<vmem>>, vector<1x16xi32>,
    %swap3A_2435 = vector.shape_cast %swap3A_2434 : vector<1x16xi32> to vector<16xi32>
    %swap3A_2436 = vector.shape_cast %add3A_2430 : vector<16xi32> to vector<1x16xi32>
    tpu.vector_store %arg7[%swap3A_2432, %swap3A_2433], %swap3A_2436 {strides = array<i32>} : memref<14x128xi32, #tpu.memory_space<vmem>>, vector<1x16xi32>,
    %broadcast_in_dim3A_2437 = arith.constant 0 : i32
    %broadcast_in_dim3A_2438 = vector.broadcast %broadcast_in_dim3A_2437 : i32 to vector<16xi32>
    %add3A_2439 = vector.broadcast %mul3A_171 : i32 to vector<16xi32>
    %add3A_2440 = arith.addi %broadcast_in_dim3A_2438, %add3A_2439 : vector<16xi32>
    %swap3A_2441 = arith.constant 13 : i32
    %swap3A_2442 = arith.index_cast %swap3A_2441 : i32 to index
    %swap3A_2443 = arith.constant 48 : index
    %swap3A_2444 = tpu.vector_load %arg7[%swap3A_2442, %swap3A_2443] {strides = array<i32>} : memref<14x128xi32, #tpu.memory_space<vmem>>, vector<1x16xi32>,
    %swap3A_2445 = vector.shape_cast %swap3A_2444 : vector<1x16xi32> to vector<16xi32>
    %swap3A_2446 = vector.shape_cast %add3A_2440 : vector<16xi32> to vector<1x16xi32>
    tpu.vector_store %arg7[%swap3A_2442, %swap3A_2443], %swap3A_2446 {strides = array<i32>} : memref<14x128xi32, #tpu.memory_space<vmem>>, vector<1x16xi32>,
    %broadcast_in_dim3A_2447 = arith.constant 0 : i32
    %broadcast_in_dim3A_2448 = vector.broadcast %broadcast_in_dim3A_2447 : i32 to vector<16xi32>
    %add3A_2449 = vector.broadcast %mul3A_171 : i32 to vector<16xi32>
    %add3A_2450 = arith.addi %broadcast_in_dim3A_2448, %add3A_2449 : vector<16xi32>
    %swap3A_2451 = arith.constant 13 : i32
    %swap3A_2452 = arith.index_cast %swap3A_2451 : i32 to index
    %swap3A_2453 = arith.constant 64 : index
    %swap3A_2454 = tpu.vector_load %arg7[%swap3A_2452, %swap3A_2453] {strides = array<i32>} : memref<14x128xi32, #tpu.memory_space<vmem>>, vector<1x16xi32>,
    %swap3A_2455 = vector.shape_cast %swap3A_2454 : vector<1x16xi32> to vector<16xi32>
    %swap3A_2456 = vector.shape_cast %add3A_2450 : vector<16xi32> to vector<1x16xi32>
    tpu.vector_store %arg7[%swap3A_2452, %swap3A_2453], %swap3A_2456 {strides = array<i32>} : memref<14x128xi32, #tpu.memory_space<vmem>>, vector<1x16xi32>,
    %broadcast_in_dim3A_2457 = arith.constant 0 : i32
    %broadcast_in_dim3A_2458 = vector.broadcast %broadcast_in_dim3A_2457 : i32 to vector<16xi32>
    %add3A_2459 = vector.broadcast %mul3A_171 : i32 to vector<16xi32>
    %add3A_2460 = arith.addi %broadcast_in_dim3A_2458, %add3A_2459 : vector<16xi32>
    %swap3A_2461 = arith.constant 13 : i32
    %swap3A_2462 = arith.index_cast %swap3A_2461 : i32 to index
    %swap3A_2463 = arith.constant 80 : index
    %swap3A_2464 = tpu.vector_load %arg7[%swap3A_2462, %swap3A_2463] {strides = array<i32>} : memref<14x128xi32, #tpu.memory_space<vmem>>, vector<1x16xi32>,
    %swap3A_2465 = vector.shape_cast %swap3A_2464 : vector<1x16xi32> to vector<16xi32>
    %swap3A_2466 = vector.shape_cast %add3A_2460 : vector<16xi32> to vector<1x16xi32>
    tpu.vector_store %arg7[%swap3A_2462, %swap3A_2463], %swap3A_2466 {strides = array<i32>} : memref<14x128xi32, #tpu.memory_space<vmem>>, vector<1x16xi32>,
    %broadcast_in_dim3A_2467 = arith.constant 0 : i32
    %broadcast_in_dim3A_2468 = vector.broadcast %broadcast_in_dim3A_2467 : i32 to vector<16xi32>
    %add3A_2469 = vector.broadcast %mul3A_171 : i32 to vector<16xi32>
    %add3A_2470 = arith.addi %broadcast_in_dim3A_2468, %add3A_2469 : vector<16xi32>
    %swap3A_2471 = arith.constant 13 : i32
    %swap3A_2472 = arith.index_cast %swap3A_2471 : i32 to index
    %swap3A_2473 = arith.constant 96 : index
    %swap3A_2474 = tpu.vector_load %arg7[%swap3A_2472, %swap3A_2473] {strides = array<i32>} : memref<14x128xi32, #tpu.memory_space<vmem>>, vector<1x16xi32>,
    %swap3A_2475 = vector.shape_cast %swap3A_2474 : vector<1x16xi32> to vector<16xi32>
    %swap3A_2476 = vector.shape_cast %add3A_2470 : vector<16xi32> to vector<1x16xi32>
    tpu.vector_store %arg7[%swap3A_2472, %swap3A_2473], %swap3A_2476 {strides = array<i32>} : memref<14x128xi32, #tpu.memory_space<vmem>>, vector<1x16xi32>,
    %broadcast_in_dim3A_2477 = arith.constant 0 : i32
    %broadcast_in_dim3A_2478 = vector.broadcast %broadcast_in_dim3A_2477 : i32 to vector<16xi32>
    %add3A_2479 = vector.broadcast %mul3A_171 : i32 to vector<16xi32>
    %add3A_2480 = arith.addi %broadcast_in_dim3A_2478, %add3A_2479 : vector<16xi32>
    %swap3A_2481 = arith.constant 13 : i32
    %swap3A_2482 = arith.index_cast %swap3A_2481 : i32 to index
    %swap3A_2483 = arith.constant 112 : index
    %swap3A_2484 = tpu.vector_load %arg7[%swap3A_2482, %swap3A_2483] {strides = array<i32>} : memref<14x128xi32, #tpu.memory_space<vmem>>, vector<1x16xi32>,
    %swap3A_2485 = vector.shape_cast %swap3A_2484 : vector<1x16xi32> to vector<16xi32>
    %swap3A_2486 = vector.shape_cast %add3A_2480 : vector<16xi32> to vector<1x16xi32>
    tpu.vector_store %arg7[%swap3A_2482, %swap3A_2483], %swap3A_2486 {strides = array<i32>} : memref<14x128xi32, #tpu.memory_space<vmem>>, vector<1x16xi32>,
    %dma_wait3A = tpu.memref_slice %arg4[%add3A_66] : memref<6553600xf32, #tpu.memory_space<hbm>> -> memref<8192xf32, #tpu.memory_space<hbm>>
    %dma_wait3A_2487 = tpu.memref_slice %arg4[%add3A_66] : memref<6553600xf32, #tpu.memory_space<hbm>> -> memref<8192xf32, #tpu.memory_space<hbm>>
    tpu.wait_dma2 semaphore(%arg10 : memref<!tpu.dma_semaphore, #tpu.memory_space<semaphore_mem>>) src(%arg9 : memref<8192xf32, #tpu.memory_space<vmem>>) dst(%dma_wait3A_2487 : memref<8192xf32, #tpu.memory_space<hbm>>)
    %dma_wait3A_2488 = tpu.memref_slice %arg4[%add3A_69] : memref<6553600xf32, #tpu.memory_space<hbm>> -> memref<8192xf32, #tpu.memory_space<hbm>>
    %dma_wait3A_2489 = tpu.memref_slice %arg4[%add3A_69] : memref<6553600xf32, #tpu.memory_space<hbm>> -> memref<8192xf32, #tpu.memory_space<hbm>>
    tpu.wait_dma2 semaphore(%arg10 : memref<!tpu.dma_semaphore, #tpu.memory_space<semaphore_mem>>) src(%arg9 : memref<8192xf32, #tpu.memory_space<vmem>>) dst(%dma_wait3A_2489 : memref<8192xf32, #tpu.memory_space<hbm>>)
    %dma_wait3A_2490 = tpu.memref_slice %arg4[%add3A_73] : memref<6553600xf32, #tpu.memory_space<hbm>> -> memref<8192xf32, #tpu.memory_space<hbm>>
    %dma_wait3A_2491 = tpu.memref_slice %arg4[%add3A_73] : memref<6553600xf32, #tpu.memory_space<hbm>> -> memref<8192xf32, #tpu.memory_space<hbm>>
    tpu.wait_dma2 semaphore(%arg10 : memref<!tpu.dma_semaphore, #tpu.memory_space<semaphore_mem>>) src(%arg9 : memref<8192xf32, #tpu.memory_space<vmem>>) dst(%dma_wait3A_2491 : memref<8192xf32, #tpu.memory_space<hbm>>)
    %dma_wait3A_2492 = tpu.memref_slice %arg4[%add3A_77] : memref<6553600xf32, #tpu.memory_space<hbm>> -> memref<8192xf32, #tpu.memory_space<hbm>>
    %dma_wait3A_2493 = tpu.memref_slice %arg4[%add3A_77] : memref<6553600xf32, #tpu.memory_space<hbm>> -> memref<8192xf32, #tpu.memory_space<hbm>>
    tpu.wait_dma2 semaphore(%arg10 : memref<!tpu.dma_semaphore, #tpu.memory_space<semaphore_mem>>) src(%arg9 : memref<8192xf32, #tpu.memory_space<vmem>>) dst(%dma_wait3A_2493 : memref<8192xf32, #tpu.memory_space<hbm>>)
    %dma_wait3A_2494 = tpu.memref_slice %arg4[%add3A_81] : memref<6553600xf32, #tpu.memory_space<hbm>> -> memref<8192xf32, #tpu.memory_space<hbm>>
    %dma_wait3A_2495 = tpu.memref_slice %arg4[%add3A_81] : memref<6553600xf32, #tpu.memory_space<hbm>> -> memref<8192xf32, #tpu.memory_space<hbm>>
    tpu.wait_dma2 semaphore(%arg10 : memref<!tpu.dma_semaphore, #tpu.memory_space<semaphore_mem>>) src(%arg9 : memref<8192xf32, #tpu.memory_space<vmem>>) dst(%dma_wait3A_2495 : memref<8192xf32, #tpu.memory_space<hbm>>)
    %dma_wait3A_2496 = tpu.memref_slice %arg4[%add3A_85] : memref<6553600xf32, #tpu.memory_space<hbm>> -> memref<8192xf32, #tpu.memory_space<hbm>>
    %dma_wait3A_2497 = tpu.memref_slice %arg4[%add3A_85] : memref<6553600xf32, #tpu.memory_space<hbm>> -> memref<8192xf32, #tpu.memory_space<hbm>>
    tpu.wait_dma2 semaphore(%arg10 : memref<!tpu.dma_semaphore, #tpu.memory_space<semaphore_mem>>) src(%arg9 : memref<8192xf32, #tpu.memory_space<vmem>>) dst(%dma_wait3A_2497 : memref<8192xf32, #tpu.memory_space<hbm>>)
    %dma_wait3A_2498 = tpu.memref_slice %arg4[%add3A_89] : memref<6553600xf32, #tpu.memory_space<hbm>> -> memref<8192xf32, #tpu.memory_space<hbm>>
    %dma_wait3A_2499 = tpu.memref_slice %arg4[%add3A_89] : memref<6553600xf32, #tpu.memory_space<hbm>> -> memref<8192xf32, #tpu.memory_space<hbm>>
    tpu.wait_dma2 semaphore(%arg10 : memref<!tpu.dma_semaphore, #tpu.memory_space<semaphore_mem>>) src(%arg9 : memref<8192xf32, #tpu.memory_space<vmem>>) dst(%dma_wait3A_2499 : memref<8192xf32, #tpu.memory_space<hbm>>)
    %dma_wait3A_2500 = tpu.memref_slice %arg4[%add3A_93] : memref<6553600xf32, #tpu.memory_space<hbm>> -> memref<8192xf32, #tpu.memory_space<hbm>>
    %dma_wait3A_2501 = tpu.memref_slice %arg4[%add3A_93] : memref<6553600xf32, #tpu.memory_space<hbm>> -> memref<8192xf32, #tpu.memory_space<hbm>>
    tpu.wait_dma2 semaphore(%arg10 : memref<!tpu.dma_semaphore, #tpu.memory_space<semaphore_mem>>) src(%arg9 : memref<8192xf32, #tpu.memory_space<vmem>>) dst(%dma_wait3A_2501 : memref<8192xf32, #tpu.memory_space<hbm>>)
    %dma_wait3A_2502 = tpu.memref_slice %arg4[%add3A_97] : memref<6553600xf32, #tpu.memory_space<hbm>> -> memref<8192xf32, #tpu.memory_space<hbm>>
    %dma_wait3A_2503 = tpu.memref_slice %arg4[%add3A_97] : memref<6553600xf32, #tpu.memory_space<hbm>> -> memref<8192xf32, #tpu.memory_space<hbm>>
    tpu.wait_dma2 semaphore(%arg10 : memref<!tpu.dma_semaphore, #tpu.memory_space<semaphore_mem>>) src(%arg9 : memref<8192xf32, #tpu.memory_space<vmem>>) dst(%dma_wait3A_2503 : memref<8192xf32, #tpu.memory_space<hbm>>)
    %dma_wait3A_2504 = tpu.memref_slice %arg4[%add3A_101] : memref<6553600xf32, #tpu.memory_space<hbm>> -> memref<8192xf32, #tpu.memory_space<hbm>>
    %dma_wait3A_2505 = tpu.memref_slice %arg4[%add3A_101] : memref<6553600xf32, #tpu.memory_space<hbm>> -> memref<8192xf32, #tpu.memory_space<hbm>>
    tpu.wait_dma2 semaphore(%arg10 : memref<!tpu.dma_semaphore, #tpu.memory_space<semaphore_mem>>) src(%arg9 : memref<8192xf32, #tpu.memory_space<vmem>>) dst(%dma_wait3A_2505 : memref<8192xf32, #tpu.memory_space<hbm>>)
    %dma_wait3A_2506 = tpu.memref_slice %arg4[%add3A_105] : memref<6553600xf32, #tpu.memory_space<hbm>> -> memref<8192xf32, #tpu.memory_space<hbm>>
    %dma_wait3A_2507 = tpu.memref_slice %arg4[%add3A_105] : memref<6553600xf32, #tpu.memory_space<hbm>> -> memref<8192xf32, #tpu.memory_space<hbm>>
    tpu.wait_dma2 semaphore(%arg10 : memref<!tpu.dma_semaphore, #tpu.memory_space<semaphore_mem>>) src(%arg9 : memref<8192xf32, #tpu.memory_space<vmem>>) dst(%dma_wait3A_2507 : memref<8192xf32, #tpu.memory_space<hbm>>)
    %dma_wait3A_2508 = tpu.memref_slice %arg4[%add3A_109] : memref<6553600xf32, #tpu.memory_space<hbm>> -> memref<8192xf32, #tpu.memory_space<hbm>>
    %dma_wait3A_2509 = tpu.memref_slice %arg4[%add3A_109] : memref<6553600xf32, #tpu.memory_space<hbm>> -> memref<8192xf32, #tpu.memory_space<hbm>>
    tpu.wait_dma2 semaphore(%arg10 : memref<!tpu.dma_semaphore, #tpu.memory_space<semaphore_mem>>) src(%arg9 : memref<8192xf32, #tpu.memory_space<vmem>>) dst(%dma_wait3A_2509 : memref<8192xf32, #tpu.memory_space<hbm>>)
    %dma_wait3A_2510 = tpu.memref_slice %arg4[%add3A_113] : memref<6553600xf32, #tpu.memory_space<hbm>> -> memref<8192xf32, #tpu.memory_space<hbm>>
    %dma_wait3A_2511 = tpu.memref_slice %arg4[%add3A_113] : memref<6553600xf32, #tpu.memory_space<hbm>> -> memref<8192xf32, #tpu.memory_space<hbm>>
    tpu.wait_dma2 semaphore(%arg10 : memref<!tpu.dma_semaphore, #tpu.memory_space<semaphore_mem>>) src(%arg9 : memref<8192xf32, #tpu.memory_space<vmem>>) dst(%dma_wait3A_2511 : memref<8192xf32, #tpu.memory_space<hbm>>)
    %dma_wait3A_2512 = tpu.memref_slice %arg4[%add3A_117] : memref<6553600xf32, #tpu.memory_space<hbm>> -> memref<8192xf32, #tpu.memory_space<hbm>>
    %dma_wait3A_2513 = tpu.memref_slice %arg4[%add3A_117] : memref<6553600xf32, #tpu.memory_space<hbm>> -> memref<8192xf32, #tpu.memory_space<hbm>>
    tpu.wait_dma2 semaphore(%arg10 : memref<!tpu.dma_semaphore, #tpu.memory_space<semaphore_mem>>) src(%arg9 : memref<8192xf32, #tpu.memory_space<vmem>>) dst(%dma_wait3A_2513 : memref<8192xf32, #tpu.memory_space<hbm>>)
    %dma_wait3A_2514 = tpu.memref_slice %arg4[%add3A_121] : memref<6553600xf32, #tpu.memory_space<hbm>> -> memref<8192xf32, #tpu.memory_space<hbm>>
    %dma_wait3A_2515 = tpu.memref_slice %arg4[%add3A_121] : memref<6553600xf32, #tpu.memory_space<hbm>> -> memref<8192xf32, #tpu.memory_space<hbm>>
    tpu.wait_dma2 semaphore(%arg10 : memref<!tpu.dma_semaphore, #tpu.memory_space<semaphore_mem>>) src(%arg9 : memref<8192xf32, #tpu.memory_space<vmem>>) dst(%dma_wait3A_2515 : memref<8192xf32, #tpu.memory_space<hbm>>)
    %dma_wait3A_2516 = tpu.memref_slice %arg4[%add3A_125] : memref<6553600xf32, #tpu.memory_space<hbm>> -> memref<8192xf32, #tpu.memory_space<hbm>>
    %dma_wait3A_2517 = tpu.memref_slice %arg4[%add3A_125] : memref<6553600xf32, #tpu.memory_space<hbm>> -> memref<8192xf32, #tpu.memory_space<hbm>>
    tpu.wait_dma2 semaphore(%arg10 : memref<!tpu.dma_semaphore, #tpu.memory_space<semaphore_mem>>) src(%arg9 : memref<8192xf32, #tpu.memory_space<vmem>>) dst(%dma_wait3A_2517 : memref<8192xf32, #tpu.memory_space<hbm>>)
    %dma_wait3A_2518 = tpu.memref_slice %arg4[%add3A_129] : memref<6553600xf32, #tpu.memory_space<hbm>> -> memref<8192xf32, #tpu.memory_space<hbm>>
    %dma_wait3A_2519 = tpu.memref_slice %arg4[%add3A_129] : memref<6553600xf32, #tpu.memory_space<hbm>> -> memref<8192xf32, #tpu.memory_space<hbm>>
    tpu.wait_dma2 semaphore(%arg10 : memref<!tpu.dma_semaphore, #tpu.memory_space<semaphore_mem>>) src(%arg9 : memref<8192xf32, #tpu.memory_space<vmem>>) dst(%dma_wait3A_2519 : memref<8192xf32, #tpu.memory_space<hbm>>)
    %dma_wait3A_2520 = tpu.memref_slice %arg4[%add3A_133] : memref<6553600xf32, #tpu.memory_space<hbm>> -> memref<8192xf32, #tpu.memory_space<hbm>>
    %dma_wait3A_2521 = tpu.memref_slice %arg4[%add3A_133] : memref<6553600xf32, #tpu.memory_space<hbm>> -> memref<8192xf32, #tpu.memory_space<hbm>>
    tpu.wait_dma2 semaphore(%arg10 : memref<!tpu.dma_semaphore, #tpu.memory_space<semaphore_mem>>) src(%arg9 : memref<8192xf32, #tpu.memory_space<vmem>>) dst(%dma_wait3A_2521 : memref<8192xf32, #tpu.memory_space<hbm>>)
    %dma_wait3A_2522 = tpu.memref_slice %arg4[%add3A_137] : memref<6553600xf32, #tpu.memory_space<hbm>> -> memref<8192xf32, #tpu.memory_space<hbm>>
    %dma_wait3A_2523 = tpu.memref_slice %arg4[%add3A_137] : memref<6553600xf32, #tpu.memory_space<hbm>> -> memref<8192xf32, #tpu.memory_space<hbm>>
    tpu.wait_dma2 semaphore(%arg10 : memref<!tpu.dma_semaphore, #tpu.memory_space<semaphore_mem>>) src(%arg9 : memref<8192xf32, #tpu.memory_space<vmem>>) dst(%dma_wait3A_2523 : memref<8192xf32, #tpu.memory_space<hbm>>)
    %dma_wait3A_2524 = tpu.memref_slice %arg4[%add3A_141] : memref<6553600xf32, #tpu.memory_space<hbm>> -> memref<8192xf32, #tpu.memory_space<hbm>>
    %dma_wait3A_2525 = tpu.memref_slice %arg4[%add3A_141] : memref<6553600xf32, #tpu.memory_space<hbm>> -> memref<8192xf32, #tpu.memory_space<hbm>>
    tpu.wait_dma2 semaphore(%arg10 : memref<!tpu.dma_semaphore, #tpu.memory_space<semaphore_mem>>) src(%arg9 : memref<8192xf32, #tpu.memory_space<vmem>>) dst(%dma_wait3A_2525 : memref<8192xf32, #tpu.memory_space<hbm>>)
    %dma_wait3A_2526 = tpu.memref_slice %arg4[%add3A_145] : memref<6553600xf32, #tpu.memory_space<hbm>> -> memref<8192xf32, #tpu.memory_space<hbm>>
    %dma_wait3A_2527 = tpu.memref_slice %arg4[%add3A_145] : memref<6553600xf32, #tpu.memory_space<hbm>> -> memref<8192xf32, #tpu.memory_space<hbm>>
    tpu.wait_dma2 semaphore(%arg10 : memref<!tpu.dma_semaphore, #tpu.memory_space<semaphore_mem>>) src(%arg9 : memref<8192xf32, #tpu.memory_space<vmem>>) dst(%dma_wait3A_2527 : memref<8192xf32, #tpu.memory_space<hbm>>)
    %dma_wait3A_2528 = tpu.memref_slice %arg4[%add3A_149] : memref<6553600xf32, #tpu.memory_space<hbm>> -> memref<8192xf32, #tpu.memory_space<hbm>>
    %dma_wait3A_2529 = tpu.memref_slice %arg4[%add3A_149] : memref<6553600xf32, #tpu.memory_space<hbm>> -> memref<8192xf32, #tpu.memory_space<hbm>>
    tpu.wait_dma2 semaphore(%arg10 : memref<!tpu.dma_semaphore, #tpu.memory_space<semaphore_mem>>) src(%arg9 : memref<8192xf32, #tpu.memory_space<vmem>>) dst(%dma_wait3A_2529 : memref<8192xf32, #tpu.memory_space<hbm>>)
    %dma_wait3A_2530 = tpu.memref_slice %arg4[%add3A_153] : memref<6553600xf32, #tpu.memory_space<hbm>> -> memref<8192xf32, #tpu.memory_space<hbm>>
    %dma_wait3A_2531 = tpu.memref_slice %arg4[%add3A_153] : memref<6553600xf32, #tpu.memory_space<hbm>> -> memref<8192xf32, #tpu.memory_space<hbm>>
    tpu.wait_dma2 semaphore(%arg10 : memref<!tpu.dma_semaphore, #tpu.memory_space<semaphore_mem>>) src(%arg9 : memref<8192xf32, #tpu.memory_space<vmem>>) dst(%dma_wait3A_2531 : memref<8192xf32, #tpu.memory_space<hbm>>)
    %dma_wait3A_2532 = tpu.memref_slice %arg4[%add3A_157] : memref<6553600xf32, #tpu.memory_space<hbm>> -> memref<8192xf32, #tpu.memory_space<hbm>>
    %dma_wait3A_2533 = tpu.memref_slice %arg4[%add3A_157] : memref<6553600xf32, #tpu.memory_space<hbm>> -> memref<8192xf32, #tpu.memory_space<hbm>>
    tpu.wait_dma2 semaphore(%arg10 : memref<!tpu.dma_semaphore, #tpu.memory_space<semaphore_mem>>) src(%arg9 : memref<8192xf32, #tpu.memory_space<vmem>>) dst(%dma_wait3A_2533 : memref<8192xf32, #tpu.memory_space<hbm>>)
    %dma_wait3A_2534 = tpu.memref_slice %arg4[%add3A_161] : memref<6553600xf32, #tpu.memory_space<hbm>> -> memref<8192xf32, #tpu.memory_space<hbm>>
    %dma_wait3A_2535 = tpu.memref_slice %arg4[%add3A_161] : memref<6553600xf32, #tpu.memory_space<hbm>> -> memref<8192xf32, #tpu.memory_space<hbm>>
    tpu.wait_dma2 semaphore(%arg10 : memref<!tpu.dma_semaphore, #tpu.memory_space<semaphore_mem>>) src(%arg9 : memref<8192xf32, #tpu.memory_space<vmem>>) dst(%dma_wait3A_2535 : memref<8192xf32, #tpu.memory_space<hbm>>)
    %barrier3A = arith.constant 0 : index
    tpu.barrier barrier_id(%barrier3A)
    %dma_start3A_2536 = arith.constant 0 : i32
    %dma_start3A_2537 = arith.constant 0 : i32
    %dma_start3A_2538 = tpu.memref_slice %arg7[%dma_start3A_2536, %dma_start3A_2537] : memref<14x128xi32, #tpu.memory_space<vmem>> -> memref<1x128xi32, #tpu.memory_space<vmem>>
    %dma_start3A_2539 = tpu.memref_squeeze %dma_start3A_2538 : memref<1x128xi32, #tpu.memory_space<vmem>> -> memref<128xi32, #tpu.memory_space<vmem>>
    %dma_start3A_2540 = arith.constant 0 : i32
    %dma_start3A_2541 = tpu.memref_slice %arg4[%dma_start3A_2540] : memref<6553600xf32, #tpu.memory_space<hbm>> -> memref<6553600xf32, #tpu.memory_space<hbm>>
    tpu.enqueue_indirect_dma source(%arg8 : memref<128xf32, #tpu.memory_space<vmem>>) target(%dma_start3A_2541 : memref<6553600xf32, #tpu.memory_space<hbm>>) offsets(%dma_start3A_2539 : memref<128xi32, #tpu.memory_space<vmem>>) semaphore(%arg11 : memref<!tpu.dma_semaphore, #tpu.memory_space<semaphore_mem>>)
    %dma_start3A_2542 = arith.constant 1 : i32
    %dma_start3A_2543 = arith.constant 0 : i32
    %dma_start3A_2544 = tpu.memref_slice %arg7[%dma_start3A_2542, %dma_start3A_2543] : memref<14x128xi32, #tpu.memory_space<vmem>> -> memref<1x128xi32, #tpu.memory_space<vmem>>
    %dma_start3A_2545 = tpu.memref_squeeze %dma_start3A_2544 : memref<1x128xi32, #tpu.memory_space<vmem>> -> memref<128xi32, #tpu.memory_space<vmem>>
    %dma_start3A_2546 = arith.constant 0 : i32
    %dma_start3A_2547 = tpu.memref_slice %arg4[%dma_start3A_2546] : memref<6553600xf32, #tpu.memory_space<hbm>> -> memref<6553600xf32, #tpu.memory_space<hbm>>
    tpu.enqueue_indirect_dma source(%arg8 : memref<128xf32, #tpu.memory_space<vmem>>) target(%dma_start3A_2547 : memref<6553600xf32, #tpu.memory_space<hbm>>) offsets(%dma_start3A_2545 : memref<128xi32, #tpu.memory_space<vmem>>) semaphore(%arg11 : memref<!tpu.dma_semaphore, #tpu.memory_space<semaphore_mem>>)
    %dma_start3A_2548 = arith.constant 2 : i32
    %dma_start3A_2549 = arith.constant 0 : i32
    %dma_start3A_2550 = tpu.memref_slice %arg7[%dma_start3A_2548, %dma_start3A_2549] : memref<14x128xi32, #tpu.memory_space<vmem>> -> memref<1x128xi32, #tpu.memory_space<vmem>>
    %dma_start3A_2551 = tpu.memref_squeeze %dma_start3A_2550 : memref<1x128xi32, #tpu.memory_space<vmem>> -> memref<128xi32, #tpu.memory_space<vmem>>
    %dma_start3A_2552 = arith.constant 0 : i32
    %dma_start3A_2553 = tpu.memref_slice %arg4[%dma_start3A_2552] : memref<6553600xf32, #tpu.memory_space<hbm>> -> memref<6553600xf32, #tpu.memory_space<hbm>>
    tpu.enqueue_indirect_dma source(%arg8 : memref<128xf32, #tpu.memory_space<vmem>>) target(%dma_start3A_2553 : memref<6553600xf32, #tpu.memory_space<hbm>>) offsets(%dma_start3A_2551 : memref<128xi32, #tpu.memory_space<vmem>>) semaphore(%arg11 : memref<!tpu.dma_semaphore, #tpu.memory_space<semaphore_mem>>)
    %dma_start3A_2554 = arith.constant 3 : i32
    %dma_start3A_2555 = arith.constant 0 : i32
    %dma_start3A_2556 = tpu.memref_slice %arg7[%dma_start3A_2554, %dma_start3A_2555] : memref<14x128xi32, #tpu.memory_space<vmem>> -> memref<1x128xi32, #tpu.memory_space<vmem>>
    %dma_start3A_2557 = tpu.memref_squeeze %dma_start3A_2556 : memref<1x128xi32, #tpu.memory_space<vmem>> -> memref<128xi32, #tpu.memory_space<vmem>>
    %dma_start3A_2558 = arith.constant 0 : i32
    %dma_start3A_2559 = tpu.memref_slice %arg4[%dma_start3A_2558] : memref<6553600xf32, #tpu.memory_space<hbm>> -> memref<6553600xf32, #tpu.memory_space<hbm>>
    tpu.enqueue_indirect_dma source(%arg8 : memref<128xf32, #tpu.memory_space<vmem>>) target(%dma_start3A_2559 : memref<6553600xf32, #tpu.memory_space<hbm>>) offsets(%dma_start3A_2557 : memref<128xi32, #tpu.memory_space<vmem>>) semaphore(%arg11 : memref<!tpu.dma_semaphore, #tpu.memory_space<semaphore_mem>>)
    %dma_start3A_2560 = arith.constant 4 : i32
    %dma_start3A_2561 = arith.constant 0 : i32
    %dma_start3A_2562 = tpu.memref_slice %arg7[%dma_start3A_2560, %dma_start3A_2561] : memref<14x128xi32, #tpu.memory_space<vmem>> -> memref<1x128xi32, #tpu.memory_space<vmem>>
    %dma_start3A_2563 = tpu.memref_squeeze %dma_start3A_2562 : memref<1x128xi32, #tpu.memory_space<vmem>> -> memref<128xi32, #tpu.memory_space<vmem>>
    %dma_start3A_2564 = arith.constant 0 : i32
    %dma_start3A_2565 = tpu.memref_slice %arg4[%dma_start3A_2564] : memref<6553600xf32, #tpu.memory_space<hbm>> -> memref<6553600xf32, #tpu.memory_space<hbm>>
    tpu.enqueue_indirect_dma source(%arg8 : memref<128xf32, #tpu.memory_space<vmem>>) target(%dma_start3A_2565 : memref<6553600xf32, #tpu.memory_space<hbm>>) offsets(%dma_start3A_2563 : memref<128xi32, #tpu.memory_space<vmem>>) semaphore(%arg11 : memref<!tpu.dma_semaphore, #tpu.memory_space<semaphore_mem>>)
    %dma_start3A_2566 = arith.constant 5 : i32
    %dma_start3A_2567 = arith.constant 0 : i32
    %dma_start3A_2568 = tpu.memref_slice %arg7[%dma_start3A_2566, %dma_start3A_2567] : memref<14x128xi32, #tpu.memory_space<vmem>> -> memref<1x128xi32, #tpu.memory_space<vmem>>
    %dma_start3A_2569 = tpu.memref_squeeze %dma_start3A_2568 : memref<1x128xi32, #tpu.memory_space<vmem>> -> memref<128xi32, #tpu.memory_space<vmem>>
    %dma_start3A_2570 = arith.constant 0 : i32
    %dma_start3A_2571 = tpu.memref_slice %arg4[%dma_start3A_2570] : memref<6553600xf32, #tpu.memory_space<hbm>> -> memref<6553600xf32, #tpu.memory_space<hbm>>
    tpu.enqueue_indirect_dma source(%arg8 : memref<128xf32, #tpu.memory_space<vmem>>) target(%dma_start3A_2571 : memref<6553600xf32, #tpu.memory_space<hbm>>) offsets(%dma_start3A_2569 : memref<128xi32, #tpu.memory_space<vmem>>) semaphore(%arg11 : memref<!tpu.dma_semaphore, #tpu.memory_space<semaphore_mem>>)
    %dma_start3A_2572 = arith.constant 6 : i32
    %dma_start3A_2573 = arith.constant 0 : i32
    %dma_start3A_2574 = tpu.memref_slice %arg7[%dma_start3A_2572, %dma_start3A_2573] : memref<14x128xi32, #tpu.memory_space<vmem>> -> memref<1x128xi32, #tpu.memory_space<vmem>>
    %dma_start3A_2575 = tpu.memref_squeeze %dma_start3A_2574 : memref<1x128xi32, #tpu.memory_space<vmem>> -> memref<128xi32, #tpu.memory_space<vmem>>
    %dma_start3A_2576 = arith.constant 0 : i32
    %dma_start3A_2577 = tpu.memref_slice %arg4[%dma_start3A_2576] : memref<6553600xf32, #tpu.memory_space<hbm>> -> memref<6553600xf32, #tpu.memory_space<hbm>>
    tpu.enqueue_indirect_dma source(%arg8 : memref<128xf32, #tpu.memory_space<vmem>>) target(%dma_start3A_2577 : memref<6553600xf32, #tpu.memory_space<hbm>>) offsets(%dma_start3A_2575 : memref<128xi32, #tpu.memory_space<vmem>>) semaphore(%arg11 : memref<!tpu.dma_semaphore, #tpu.memory_space<semaphore_mem>>)
    %dma_start3A_2578 = arith.constant 7 : i32
    %dma_start3A_2579 = arith.constant 0 : i32
    %dma_start3A_2580 = tpu.memref_slice %arg7[%dma_start3A_2578, %dma_start3A_2579] : memref<14x128xi32, #tpu.memory_space<vmem>> -> memref<1x128xi32, #tpu.memory_space<vmem>>
    %dma_start3A_2581 = tpu.memref_squeeze %dma_start3A_2580 : memref<1x128xi32, #tpu.memory_space<vmem>> -> memref<128xi32, #tpu.memory_space<vmem>>
    %dma_start3A_2582 = arith.constant 0 : i32
    %dma_start3A_2583 = tpu.memref_slice %arg4[%dma_start3A_2582] : memref<6553600xf32, #tpu.memory_space<hbm>> -> memref<6553600xf32, #tpu.memory_space<hbm>>
    tpu.enqueue_indirect_dma source(%arg8 : memref<128xf32, #tpu.memory_space<vmem>>) target(%dma_start3A_2583 : memref<6553600xf32, #tpu.memory_space<hbm>>) offsets(%dma_start3A_2581 : memref<128xi32, #tpu.memory_space<vmem>>) semaphore(%arg11 : memref<!tpu.dma_semaphore, #tpu.memory_space<semaphore_mem>>)
    %dma_start3A_2584 = arith.constant 8 : i32
    %dma_start3A_2585 = arith.constant 0 : i32
    %dma_start3A_2586 = tpu.memref_slice %arg7[%dma_start3A_2584, %dma_start3A_2585] : memref<14x128xi32, #tpu.memory_space<vmem>> -> memref<1x128xi32, #tpu.memory_space<vmem>>
    %dma_start3A_2587 = tpu.memref_squeeze %dma_start3A_2586 : memref<1x128xi32, #tpu.memory_space<vmem>> -> memref<128xi32, #tpu.memory_space<vmem>>
    %dma_start3A_2588 = arith.constant 0 : i32
    %dma_start3A_2589 = tpu.memref_slice %arg4[%dma_start3A_2588] : memref<6553600xf32, #tpu.memory_space<hbm>> -> memref<6553600xf32, #tpu.memory_space<hbm>>
    tpu.enqueue_indirect_dma source(%arg8 : memref<128xf32, #tpu.memory_space<vmem>>) target(%dma_start3A_2589 : memref<6553600xf32, #tpu.memory_space<hbm>>) offsets(%dma_start3A_2587 : memref<128xi32, #tpu.memory_space<vmem>>) semaphore(%arg11 : memref<!tpu.dma_semaphore, #tpu.memory_space<semaphore_mem>>)
    %dma_start3A_2590 = arith.constant 9 : i32
    %dma_start3A_2591 = arith.constant 0 : i32
    %dma_start3A_2592 = tpu.memref_slice %arg7[%dma_start3A_2590, %dma_start3A_2591] : memref<14x128xi32, #tpu.memory_space<vmem>> -> memref<1x128xi32, #tpu.memory_space<vmem>>
    %dma_start3A_2593 = tpu.memref_squeeze %dma_start3A_2592 : memref<1x128xi32, #tpu.memory_space<vmem>> -> memref<128xi32, #tpu.memory_space<vmem>>
    %dma_start3A_2594 = arith.constant 0 : i32
    %dma_start3A_2595 = tpu.memref_slice %arg4[%dma_start3A_2594] : memref<6553600xf32, #tpu.memory_space<hbm>> -> memref<6553600xf32, #tpu.memory_space<hbm>>
    tpu.enqueue_indirect_dma source(%arg8 : memref<128xf32, #tpu.memory_space<vmem>>) target(%dma_start3A_2595 : memref<6553600xf32, #tpu.memory_space<hbm>>) offsets(%dma_start3A_2593 : memref<128xi32, #tpu.memory_space<vmem>>) semaphore(%arg11 : memref<!tpu.dma_semaphore, #tpu.memory_space<semaphore_mem>>)
    %dma_start3A_2596 = arith.constant 10 : i32
    %dma_start3A_2597 = arith.constant 0 : i32
    %dma_start3A_2598 = tpu.memref_slice %arg7[%dma_start3A_2596, %dma_start3A_2597] : memref<14x128xi32, #tpu.memory_space<vmem>> -> memref<1x128xi32, #tpu.memory_space<vmem>>
    %dma_start3A_2599 = tpu.memref_squeeze %dma_start3A_2598 : memref<1x128xi32, #tpu.memory_space<vmem>> -> memref<128xi32, #tpu.memory_space<vmem>>
    %dma_start3A_2600 = arith.constant 0 : i32
    %dma_start3A_2601 = tpu.memref_slice %arg4[%dma_start3A_2600] : memref<6553600xf32, #tpu.memory_space<hbm>> -> memref<6553600xf32, #tpu.memory_space<hbm>>
    tpu.enqueue_indirect_dma source(%arg8 : memref<128xf32, #tpu.memory_space<vmem>>) target(%dma_start3A_2601 : memref<6553600xf32, #tpu.memory_space<hbm>>) offsets(%dma_start3A_2599 : memref<128xi32, #tpu.memory_space<vmem>>) semaphore(%arg11 : memref<!tpu.dma_semaphore, #tpu.memory_space<semaphore_mem>>)
    %dma_start3A_2602 = arith.constant 11 : i32
    %dma_start3A_2603 = arith.constant 0 : i32
    %dma_start3A_2604 = tpu.memref_slice %arg7[%dma_start3A_2602, %dma_start3A_2603] : memref<14x128xi32, #tpu.memory_space<vmem>> -> memref<1x128xi32, #tpu.memory_space<vmem>>
    %dma_start3A_2605 = tpu.memref_squeeze %dma_start3A_2604 : memref<1x128xi32, #tpu.memory_space<vmem>> -> memref<128xi32, #tpu.memory_space<vmem>>
    %dma_start3A_2606 = arith.constant 0 : i32
    %dma_start3A_2607 = tpu.memref_slice %arg4[%dma_start3A_2606] : memref<6553600xf32, #tpu.memory_space<hbm>> -> memref<6553600xf32, #tpu.memory_space<hbm>>
    tpu.enqueue_indirect_dma source(%arg8 : memref<128xf32, #tpu.memory_space<vmem>>) target(%dma_start3A_2607 : memref<6553600xf32, #tpu.memory_space<hbm>>) offsets(%dma_start3A_2605 : memref<128xi32, #tpu.memory_space<vmem>>) semaphore(%arg11 : memref<!tpu.dma_semaphore, #tpu.memory_space<semaphore_mem>>)
    %dma_start3A_2608 = arith.constant 12 : i32
    %dma_start3A_2609 = arith.constant 0 : i32
    %dma_start3A_2610 = tpu.memref_slice %arg7[%dma_start3A_2608, %dma_start3A_2609] : memref<14x128xi32, #tpu.memory_space<vmem>> -> memref<1x128xi32, #tpu.memory_space<vmem>>
    %dma_start3A_2611 = tpu.memref_squeeze %dma_start3A_2610 : memref<1x128xi32, #tpu.memory_space<vmem>> -> memref<128xi32, #tpu.memory_space<vmem>>
    %dma_start3A_2612 = arith.constant 0 : i32
    %dma_start3A_2613 = tpu.memref_slice %arg4[%dma_start3A_2612] : memref<6553600xf32, #tpu.memory_space<hbm>> -> memref<6553600xf32, #tpu.memory_space<hbm>>
    tpu.enqueue_indirect_dma source(%arg8 : memref<128xf32, #tpu.memory_space<vmem>>) target(%dma_start3A_2613 : memref<6553600xf32, #tpu.memory_space<hbm>>) offsets(%dma_start3A_2611 : memref<128xi32, #tpu.memory_space<vmem>>) semaphore(%arg11 : memref<!tpu.dma_semaphore, #tpu.memory_space<semaphore_mem>>)
    %dma_start3A_2614 = arith.constant 13 : i32
    %dma_start3A_2615 = arith.constant 0 : i32
    %dma_start3A_2616 = tpu.memref_slice %arg7[%dma_start3A_2614, %dma_start3A_2615] : memref<14x128xi32, #tpu.memory_space<vmem>> -> memref<1x128xi32, #tpu.memory_space<vmem>>
    %dma_start3A_2617 = tpu.memref_squeeze %dma_start3A_2616 : memref<1x128xi32, #tpu.memory_space<vmem>> -> memref<128xi32, #tpu.memory_space<vmem>>
    %dma_start3A_2618 = arith.constant 0 : i32
    %dma_start3A_2619 = tpu.memref_slice %arg4[%dma_start3A_2618] : memref<6553600xf32, #tpu.memory_space<hbm>> -> memref<6553600xf32, #tpu.memory_space<hbm>>
    tpu.enqueue_indirect_dma source(%arg8 : memref<128xf32, #tpu.memory_space<vmem>>) target(%dma_start3A_2619 : memref<6553600xf32, #tpu.memory_space<hbm>>) offsets(%dma_start3A_2617 : memref<128xi32, #tpu.memory_space<vmem>>) semaphore(%arg11 : memref<!tpu.dma_semaphore, #tpu.memory_space<semaphore_mem>>)
    %dma_wait3A_2620 = arith.constant 0 : i32
    %dma_wait3A_2621 = arith.constant 0 : i32
    %dma_wait3A_2622 = tpu.memref_slice %arg7[%dma_wait3A_2620, %dma_wait3A_2621] : memref<14x128xi32, #tpu.memory_space<vmem>> -> memref<1x128xi32, #tpu.memory_space<vmem>>
    %dma_wait3A_2623 = tpu.memref_squeeze %dma_wait3A_2622 : memref<1x128xi32, #tpu.memory_space<vmem>> -> memref<128xi32, #tpu.memory_space<vmem>>
    %dma_wait3A_2624 = arith.constant 0 : i32
    %dma_wait3A_2625 = tpu.memref_slice %arg4[%dma_wait3A_2624] : memref<6553600xf32, #tpu.memory_space<hbm>> -> memref<6553600xf32, #tpu.memory_space<hbm>>
    tpu.wait_indirect_dma semaphore(%arg11 : memref<!tpu.dma_semaphore, #tpu.memory_space<semaphore_mem>>) src(%arg8 : memref<128xf32, #tpu.memory_space<vmem>>) dst(%dma_wait3A_2625 : memref<6553600xf32, #tpu.memory_space<hbm>>)
    %dma_wait3A_2626 = arith.constant 1 : i32
    %dma_wait3A_2627 = arith.constant 0 : i32
    %dma_wait3A_2628 = tpu.memref_slice %arg7[%dma_wait3A_2626, %dma_wait3A_2627] : memref<14x128xi32, #tpu.memory_space<vmem>> -> memref<1x128xi32, #tpu.memory_space<vmem>>
    %dma_wait3A_2629 = tpu.memref_squeeze %dma_wait3A_2628 : memref<1x128xi32, #tpu.memory_space<vmem>> -> memref<128xi32, #tpu.memory_space<vmem>>
    %dma_wait3A_2630 = arith.constant 0 : i32
    %dma_wait3A_2631 = tpu.memref_slice %arg4[%dma_wait3A_2630] : memref<6553600xf32, #tpu.memory_space<hbm>> -> memref<6553600xf32, #tpu.memory_space<hbm>>
    tpu.wait_indirect_dma semaphore(%arg11 : memref<!tpu.dma_semaphore, #tpu.memory_space<semaphore_mem>>) src(%arg8 : memref<128xf32, #tpu.memory_space<vmem>>) dst(%dma_wait3A_2631 : memref<6553600xf32, #tpu.memory_space<hbm>>)
    %dma_wait3A_2632 = arith.constant 2 : i32
    %dma_wait3A_2633 = arith.constant 0 : i32
    %dma_wait3A_2634 = tpu.memref_slice %arg7[%dma_wait3A_2632, %dma_wait3A_2633] : memref<14x128xi32, #tpu.memory_space<vmem>> -> memref<1x128xi32, #tpu.memory_space<vmem>>
    %dma_wait3A_2635 = tpu.memref_squeeze %dma_wait3A_2634 : memref<1x128xi32, #tpu.memory_space<vmem>> -> memref<128xi32, #tpu.memory_space<vmem>>
    %dma_wait3A_2636 = arith.constant 0 : i32
    %dma_wait3A_2637 = tpu.memref_slice %arg4[%dma_wait3A_2636] : memref<6553600xf32, #tpu.memory_space<hbm>> -> memref<6553600xf32, #tpu.memory_space<hbm>>
    tpu.wait_indirect_dma semaphore(%arg11 : memref<!tpu.dma_semaphore, #tpu.memory_space<semaphore_mem>>) src(%arg8 : memref<128xf32, #tpu.memory_space<vmem>>) dst(%dma_wait3A_2637 : memref<6553600xf32, #tpu.memory_space<hbm>>)
    %dma_wait3A_2638 = arith.constant 3 : i32
    %dma_wait3A_2639 = arith.constant 0 : i32
    %dma_wait3A_2640 = tpu.memref_slice %arg7[%dma_wait3A_2638, %dma_wait3A_2639] : memref<14x128xi32, #tpu.memory_space<vmem>> -> memref<1x128xi32, #tpu.memory_space<vmem>>
    %dma_wait3A_2641 = tpu.memref_squeeze %dma_wait3A_2640 : memref<1x128xi32, #tpu.memory_space<vmem>> -> memref<128xi32, #tpu.memory_space<vmem>>
    %dma_wait3A_2642 = arith.constant 0 : i32
    %dma_wait3A_2643 = tpu.memref_slice %arg4[%dma_wait3A_2642] : memref<6553600xf32, #tpu.memory_space<hbm>> -> memref<6553600xf32, #tpu.memory_space<hbm>>
    tpu.wait_indirect_dma semaphore(%arg11 : memref<!tpu.dma_semaphore, #tpu.memory_space<semaphore_mem>>) src(%arg8 : memref<128xf32, #tpu.memory_space<vmem>>) dst(%dma_wait3A_2643 : memref<6553600xf32, #tpu.memory_space<hbm>>)
    %dma_wait3A_2644 = arith.constant 4 : i32
    %dma_wait3A_2645 = arith.constant 0 : i32
    %dma_wait3A_2646 = tpu.memref_slice %arg7[%dma_wait3A_2644, %dma_wait3A_2645] : memref<14x128xi32, #tpu.memory_space<vmem>> -> memref<1x128xi32, #tpu.memory_space<vmem>>
    %dma_wait3A_2647 = tpu.memref_squeeze %dma_wait3A_2646 : memref<1x128xi32, #tpu.memory_space<vmem>> -> memref<128xi32, #tpu.memory_space<vmem>>
    %dma_wait3A_2648 = arith.constant 0 : i32
    %dma_wait3A_2649 = tpu.memref_slice %arg4[%dma_wait3A_2648] : memref<6553600xf32, #tpu.memory_space<hbm>> -> memref<6553600xf32, #tpu.memory_space<hbm>>
    tpu.wait_indirect_dma semaphore(%arg11 : memref<!tpu.dma_semaphore, #tpu.memory_space<semaphore_mem>>) src(%arg8 : memref<128xf32, #tpu.memory_space<vmem>>) dst(%dma_wait3A_2649 : memref<6553600xf32, #tpu.memory_space<hbm>>)
    %dma_wait3A_2650 = arith.constant 5 : i32
    %dma_wait3A_2651 = arith.constant 0 : i32
    %dma_wait3A_2652 = tpu.memref_slice %arg7[%dma_wait3A_2650, %dma_wait3A_2651] : memref<14x128xi32, #tpu.memory_space<vmem>> -> memref<1x128xi32, #tpu.memory_space<vmem>>
    %dma_wait3A_2653 = tpu.memref_squeeze %dma_wait3A_2652 : memref<1x128xi32, #tpu.memory_space<vmem>> -> memref<128xi32, #tpu.memory_space<vmem>>
    %dma_wait3A_2654 = arith.constant 0 : i32
    %dma_wait3A_2655 = tpu.memref_slice %arg4[%dma_wait3A_2654] : memref<6553600xf32, #tpu.memory_space<hbm>> -> memref<6553600xf32, #tpu.memory_space<hbm>>
    tpu.wait_indirect_dma semaphore(%arg11 : memref<!tpu.dma_semaphore, #tpu.memory_space<semaphore_mem>>) src(%arg8 : memref<128xf32, #tpu.memory_space<vmem>>) dst(%dma_wait3A_2655 : memref<6553600xf32, #tpu.memory_space<hbm>>)
    %dma_wait3A_2656 = arith.constant 6 : i32
    %dma_wait3A_2657 = arith.constant 0 : i32
    %dma_wait3A_2658 = tpu.memref_slice %arg7[%dma_wait3A_2656, %dma_wait3A_2657] : memref<14x128xi32, #tpu.memory_space<vmem>> -> memref<1x128xi32, #tpu.memory_space<vmem>>
    %dma_wait3A_2659 = tpu.memref_squeeze %dma_wait3A_2658 : memref<1x128xi32, #tpu.memory_space<vmem>> -> memref<128xi32, #tpu.memory_space<vmem>>
    %dma_wait3A_2660 = arith.constant 0 : i32
    %dma_wait3A_2661 = tpu.memref_slice %arg4[%dma_wait3A_2660] : memref<6553600xf32, #tpu.memory_space<hbm>> -> memref<6553600xf32, #tpu.memory_space<hbm>>
    tpu.wait_indirect_dma semaphore(%arg11 : memref<!tpu.dma_semaphore, #tpu.memory_space<semaphore_mem>>) src(%arg8 : memref<128xf32, #tpu.memory_space<vmem>>) dst(%dma_wait3A_2661 : memref<6553600xf32, #tpu.memory_space<hbm>>)
    %dma_wait3A_2662 = arith.constant 7 : i32
    %dma_wait3A_2663 = arith.constant 0 : i32
    %dma_wait3A_2664 = tpu.memref_slice %arg7[%dma_wait3A_2662, %dma_wait3A_2663] : memref<14x128xi32, #tpu.memory_space<vmem>> -> memref<1x128xi32, #tpu.memory_space<vmem>>
    %dma_wait3A_2665 = tpu.memref_squeeze %dma_wait3A_2664 : memref<1x128xi32, #tpu.memory_space<vmem>> -> memref<128xi32, #tpu.memory_space<vmem>>
    %dma_wait3A_2666 = arith.constant 0 : i32
    %dma_wait3A_2667 = tpu.memref_slice %arg4[%dma_wait3A_2666] : memref<6553600xf32, #tpu.memory_space<hbm>> -> memref<6553600xf32, #tpu.memory_space<hbm>>
    tpu.wait_indirect_dma semaphore(%arg11 : memref<!tpu.dma_semaphore, #tpu.memory_space<semaphore_mem>>) src(%arg8 : memref<128xf32, #tpu.memory_space<vmem>>) dst(%dma_wait3A_2667 : memref<6553600xf32, #tpu.memory_space<hbm>>)
    %dma_wait3A_2668 = arith.constant 8 : i32
    %dma_wait3A_2669 = arith.constant 0 : i32
    %dma_wait3A_2670 = tpu.memref_slice %arg7[%dma_wait3A_2668, %dma_wait3A_2669] : memref<14x128xi32, #tpu.memory_space<vmem>> -> memref<1x128xi32, #tpu.memory_space<vmem>>
    %dma_wait3A_2671 = tpu.memref_squeeze %dma_wait3A_2670 : memref<1x128xi32, #tpu.memory_space<vmem>> -> memref<128xi32, #tpu.memory_space<vmem>>
    %dma_wait3A_2672 = arith.constant 0 : i32
    %dma_wait3A_2673 = tpu.memref_slice %arg4[%dma_wait3A_2672] : memref<6553600xf32, #tpu.memory_space<hbm>> -> memref<6553600xf32, #tpu.memory_space<hbm>>
    tpu.wait_indirect_dma semaphore(%arg11 : memref<!tpu.dma_semaphore, #tpu.memory_space<semaphore_mem>>) src(%arg8 : memref<128xf32, #tpu.memory_space<vmem>>) dst(%dma_wait3A_2673 : memref<6553600xf32, #tpu.memory_space<hbm>>)
    %dma_wait3A_2674 = arith.constant 9 : i32
    %dma_wait3A_2675 = arith.constant 0 : i32
    %dma_wait3A_2676 = tpu.memref_slice %arg7[%dma_wait3A_2674, %dma_wait3A_2675] : memref<14x128xi32, #tpu.memory_space<vmem>> -> memref<1x128xi32, #tpu.memory_space<vmem>>
    %dma_wait3A_2677 = tpu.memref_squeeze %dma_wait3A_2676 : memref<1x128xi32, #tpu.memory_space<vmem>> -> memref<128xi32, #tpu.memory_space<vmem>>
    %dma_wait3A_2678 = arith.constant 0 : i32
    %dma_wait3A_2679 = tpu.memref_slice %arg4[%dma_wait3A_2678] : memref<6553600xf32, #tpu.memory_space<hbm>> -> memref<6553600xf32, #tpu.memory_space<hbm>>
    tpu.wait_indirect_dma semaphore(%arg11 : memref<!tpu.dma_semaphore, #tpu.memory_space<semaphore_mem>>) src(%arg8 : memref<128xf32, #tpu.memory_space<vmem>>) dst(%dma_wait3A_2679 : memref<6553600xf32, #tpu.memory_space<hbm>>)
    %dma_wait3A_2680 = arith.constant 10 : i32
    %dma_wait3A_2681 = arith.constant 0 : i32
    %dma_wait3A_2682 = tpu.memref_slice %arg7[%dma_wait3A_2680, %dma_wait3A_2681] : memref<14x128xi32, #tpu.memory_space<vmem>> -> memref<1x128xi32, #tpu.memory_space<vmem>>
    %dma_wait3A_2683 = tpu.memref_squeeze %dma_wait3A_2682 : memref<1x128xi32, #tpu.memory_space<vmem>> -> memref<128xi32, #tpu.memory_space<vmem>>
    %dma_wait3A_2684 = arith.constant 0 : i32
    %dma_wait3A_2685 = tpu.memref_slice %arg4[%dma_wait3A_2684] : memref<6553600xf32, #tpu.memory_space<hbm>> -> memref<6553600xf32, #tpu.memory_space<hbm>>
    tpu.wait_indirect_dma semaphore(%arg11 : memref<!tpu.dma_semaphore, #tpu.memory_space<semaphore_mem>>) src(%arg8 : memref<128xf32, #tpu.memory_space<vmem>>) dst(%dma_wait3A_2685 : memref<6553600xf32, #tpu.memory_space<hbm>>)
    %dma_wait3A_2686 = arith.constant 11 : i32
    %dma_wait3A_2687 = arith.constant 0 : i32
    %dma_wait3A_2688 = tpu.memref_slice %arg7[%dma_wait3A_2686, %dma_wait3A_2687] : memref<14x128xi32, #tpu.memory_space<vmem>> -> memref<1x128xi32, #tpu.memory_space<vmem>>
    %dma_wait3A_2689 = tpu.memref_squeeze %dma_wait3A_2688 : memref<1x128xi32, #tpu.memory_space<vmem>> -> memref<128xi32, #tpu.memory_space<vmem>>
    %dma_wait3A_2690 = arith.constant 0 : i32
    %dma_wait3A_2691 = tpu.memref_slice %arg4[%dma_wait3A_2690] : memref<6553600xf32, #tpu.memory_space<hbm>> -> memref<6553600xf32, #tpu.memory_space<hbm>>
    tpu.wait_indirect_dma semaphore(%arg11 : memref<!tpu.dma_semaphore, #tpu.memory_space<semaphore_mem>>) src(%arg8 : memref<128xf32, #tpu.memory_space<vmem>>) dst(%dma_wait3A_2691 : memref<6553600xf32, #tpu.memory_space<hbm>>)
    %dma_wait3A_2692 = arith.constant 12 : i32
    %dma_wait3A_2693 = arith.constant 0 : i32
    %dma_wait3A_2694 = tpu.memref_slice %arg7[%dma_wait3A_2692, %dma_wait3A_2693] : memref<14x128xi32, #tpu.memory_space<vmem>> -> memref<1x128xi32, #tpu.memory_space<vmem>>
    %dma_wait3A_2695 = tpu.memref_squeeze %dma_wait3A_2694 : memref<1x128xi32, #tpu.memory_space<vmem>> -> memref<128xi32, #tpu.memory_space<vmem>>
    %dma_wait3A_2696 = arith.constant 0 : i32
    %dma_wait3A_2697 = tpu.memref_slice %arg4[%dma_wait3A_2696] : memref<6553600xf32, #tpu.memory_space<hbm>> -> memref<6553600xf32, #tpu.memory_space<hbm>>
    tpu.wait_indirect_dma semaphore(%arg11 : memref<!tpu.dma_semaphore, #tpu.memory_space<semaphore_mem>>) src(%arg8 : memref<128xf32, #tpu.memory_space<vmem>>) dst(%dma_wait3A_2697 : memref<6553600xf32, #tpu.memory_space<hbm>>)
    %dma_wait3A_2698 = arith.constant 13 : i32
    %dma_wait3A_2699 = arith.constant 0 : i32
    %dma_wait3A_2700 = tpu.memref_slice %arg7[%dma_wait3A_2698, %dma_wait3A_2699] : memref<14x128xi32, #tpu.memory_space<vmem>> -> memref<1x128xi32, #tpu.memory_space<vmem>>
    %dma_wait3A_2701 = tpu.memref_squeeze %dma_wait3A_2700 : memref<1x128xi32, #tpu.memory_space<vmem>> -> memref<128xi32, #tpu.memory_space<vmem>>
    %dma_wait3A_2702 = arith.constant 0 : i32
    %dma_wait3A_2703 = tpu.memref_slice %arg4[%dma_wait3A_2702] : memref<6553600xf32, #tpu.memory_space<hbm>> -> memref<6553600xf32, #tpu.memory_space<hbm>>
    tpu.wait_indirect_dma semaphore(%arg11 : memref<!tpu.dma_semaphore, #tpu.memory_space<semaphore_mem>>) src(%arg8 : memref<128xf32, #tpu.memory_space<vmem>>) dst(%dma_wait3A_2703 : memref<6553600xf32, #tpu.memory_space<hbm>>)
    return
  }
}

#map = affine_map<(d0, d1) -> (0)>
#map1 = affine_map<(d0, d1) -> (0, 0)>
module attributes {stable_mosaic.version = 14 : i64} {
  func.func @_sc_gather_body(%arg0: i32, %arg1: i32, %arg2: memref<33280xi32, #tpu.memory_space<hbm>>, %arg3: memref<100000x100xf32, #tpu.memory_space<hbm>>, %arg4: memref<33280x100xf32, #tpu.memory_space<hbm>>, %arg5: memref<1040xi32, #tpu.memory_space<vmem>>, %arg6: memref<1040x100xf32, #tpu.memory_space<vmem>>, %arg7: memref<!tpu.dma_semaphore, #tpu.memory_space<semaphore_mem>>) attributes {dimension_semantics = [#tpu.dimension_semantics<core_parallel>, #tpu.dimension_semantics<subcore_parallel>], iteration_bounds = array<i64: 2, 16>, scalar_prefetch = 0 : i64, scratch_operands = 3 : i64, tpu.core_type = #tpu.core_type<sc_vector_subcore>, window_params = [{transform_indices = #map}, {transform_indices = #map1}, {transform_indices = #map1}]} {
    %mul3A = arith.constant 2 : i32
    %mul3A_0 = arith.muli %arg1, %mul3A : i32
    %add3A = arith.addi %mul3A_0, %arg0 : i32
    %mul3A_1 = arith.constant 1040 : i32
    %mul3A_2 = arith.muli %add3A, %mul3A_1 : i32
    "tpu.region"() ({
      %run_scoped3A = tpu.sem_alloc : memref<!tpu.dma_semaphore, #tpu.memory_space<semaphore_mem>>
      %dma_start3A_145 = tpu.memref_slice %arg2[%mul3A_2] : memref<33280xi32, #tpu.memory_space<hbm>> -> memref<1040xi32, #tpu.memory_space<hbm>>
      %dma_start3A_146 = tpu.memref_slice %arg2[%mul3A_2] : memref<33280xi32, #tpu.memory_space<hbm>> -> memref<1040xi32, #tpu.memory_space<hbm>>
      tpu.enqueue_dma source(%dma_start3A_146 : memref<1040xi32, #tpu.memory_space<hbm>>) target(%arg5 : memref<1040xi32, #tpu.memory_space<vmem>>) target_semaphore(%run_scoped3A : memref<!tpu.dma_semaphore, #tpu.memory_space<semaphore_mem>>)
      %dma_wait3A_147 = tpu.memref_slice %arg2[%mul3A_2] : memref<33280xi32, #tpu.memory_space<hbm>> -> memref<1040xi32, #tpu.memory_space<hbm>>
      %dma_wait3A_148 = tpu.memref_slice %arg2[%mul3A_2] : memref<33280xi32, #tpu.memory_space<hbm>> -> memref<1040xi32, #tpu.memory_space<hbm>>
      tpu.wait_dma2 semaphore(%run_scoped3A : memref<!tpu.dma_semaphore, #tpu.memory_space<semaphore_mem>>) src(%dma_wait3A_148 : memref<1040xi32, #tpu.memory_space<hbm>>) dst(%arg5 : memref<1040xi32, #tpu.memory_space<vmem>>)
      tpu.yield
    }) : () -> ()
    %dma_start3A = arith.constant 0 : i32
    %dma_start3A_3 = arith.constant 0 : i32
    %dma_start3A_4 = tpu.memref_slice %arg6[%dma_start3A, %dma_start3A_3] : memref<1040x100xf32, #tpu.memory_space<vmem>> -> memref<128x100xf32, #tpu.memory_space<vmem>>
    %dma_start3A_5 = arith.constant 0 : i32
    %dma_start3A_6 = tpu.memref_slice %arg5[%dma_start3A_5] : memref<1040xi32, #tpu.memory_space<vmem>> -> memref<128xi32, #tpu.memory_space<vmem>>
    %dma_start3A_7 = arith.constant 0 : i32
    %dma_start3A_8 = arith.constant 0 : i32
    %dma_start3A_9 = tpu.memref_slice %arg3[%dma_start3A_7, %dma_start3A_8] : memref<100000x100xf32, #tpu.memory_space<hbm>> -> memref<100000x100xf32, #tpu.memory_space<hbm>>
    tpu.enqueue_indirect_dma source(%dma_start3A_9 : memref<100000x100xf32, #tpu.memory_space<hbm>>) target(%dma_start3A_4 : memref<128x100xf32, #tpu.memory_space<vmem>>) offsets(%dma_start3A_6 : memref<128xi32, #tpu.memory_space<vmem>>) semaphore(%arg7 : memref<!tpu.dma_semaphore, #tpu.memory_space<semaphore_mem>>)
    %dma_start3A_10 = arith.constant 128 : i32
    %dma_start3A_11 = arith.constant 0 : i32
    %dma_start3A_12 = tpu.memref_slice %arg6[%dma_start3A_10, %dma_start3A_11] : memref<1040x100xf32, #tpu.memory_space<vmem>> -> memref<128x100xf32, #tpu.memory_space<vmem>>
    %dma_start3A_13 = arith.constant 128 : i32
    %dma_start3A_14 = tpu.memref_slice %arg5[%dma_start3A_13] : memref<1040xi32, #tpu.memory_space<vmem>> -> memref<128xi32, #tpu.memory_space<vmem>>
    %dma_start3A_15 = arith.constant 0 : i32
    %dma_start3A_16 = arith.constant 0 : i32
    %dma_start3A_17 = tpu.memref_slice %arg3[%dma_start3A_15, %dma_start3A_16] : memref<100000x100xf32, #tpu.memory_space<hbm>> -> memref<100000x100xf32, #tpu.memory_space<hbm>>
    tpu.enqueue_indirect_dma source(%dma_start3A_17 : memref<100000x100xf32, #tpu.memory_space<hbm>>) target(%dma_start3A_12 : memref<128x100xf32, #tpu.memory_space<vmem>>) offsets(%dma_start3A_14 : memref<128xi32, #tpu.memory_space<vmem>>) semaphore(%arg7 : memref<!tpu.dma_semaphore, #tpu.memory_space<semaphore_mem>>)
    %dma_start3A_18 = arith.constant 256 : i32
    %dma_start3A_19 = arith.constant 0 : i32
    %dma_start3A_20 = tpu.memref_slice %arg6[%dma_start3A_18, %dma_start3A_19] : memref<1040x100xf32, #tpu.memory_space<vmem>> -> memref<128x100xf32, #tpu.memory_space<vmem>>
    %dma_start3A_21 = arith.constant 256 : i32
    %dma_start3A_22 = tpu.memref_slice %arg5[%dma_start3A_21] : memref<1040xi32, #tpu.memory_space<vmem>> -> memref<128xi32, #tpu.memory_space<vmem>>
    %dma_start3A_23 = arith.constant 0 : i32
    %dma_start3A_24 = arith.constant 0 : i32
    %dma_start3A_25 = tpu.memref_slice %arg3[%dma_start3A_23, %dma_start3A_24] : memref<100000x100xf32, #tpu.memory_space<hbm>> -> memref<100000x100xf32, #tpu.memory_space<hbm>>
    tpu.enqueue_indirect_dma source(%dma_start3A_25 : memref<100000x100xf32, #tpu.memory_space<hbm>>) target(%dma_start3A_20 : memref<128x100xf32, #tpu.memory_space<vmem>>) offsets(%dma_start3A_22 : memref<128xi32, #tpu.memory_space<vmem>>) semaphore(%arg7 : memref<!tpu.dma_semaphore, #tpu.memory_space<semaphore_mem>>)
    %dma_start3A_26 = arith.constant 384 : i32
    %dma_start3A_27 = arith.constant 0 : i32
    %dma_start3A_28 = tpu.memref_slice %arg6[%dma_start3A_26, %dma_start3A_27] : memref<1040x100xf32, #tpu.memory_space<vmem>> -> memref<128x100xf32, #tpu.memory_space<vmem>>
    %dma_start3A_29 = arith.constant 384 : i32
    %dma_start3A_30 = tpu.memref_slice %arg5[%dma_start3A_29] : memref<1040xi32, #tpu.memory_space<vmem>> -> memref<128xi32, #tpu.memory_space<vmem>>
    %dma_start3A_31 = arith.constant 0 : i32
    %dma_start3A_32 = arith.constant 0 : i32
    %dma_start3A_33 = tpu.memref_slice %arg3[%dma_start3A_31, %dma_start3A_32] : memref<100000x100xf32, #tpu.memory_space<hbm>> -> memref<100000x100xf32, #tpu.memory_space<hbm>>
    tpu.enqueue_indirect_dma source(%dma_start3A_33 : memref<100000x100xf32, #tpu.memory_space<hbm>>) target(%dma_start3A_28 : memref<128x100xf32, #tpu.memory_space<vmem>>) offsets(%dma_start3A_30 : memref<128xi32, #tpu.memory_space<vmem>>) semaphore(%arg7 : memref<!tpu.dma_semaphore, #tpu.memory_space<semaphore_mem>>)
    %dma_start3A_34 = arith.constant 512 : i32
    %dma_start3A_35 = arith.constant 0 : i32
    %dma_start3A_36 = tpu.memref_slice %arg6[%dma_start3A_34, %dma_start3A_35] : memref<1040x100xf32, #tpu.memory_space<vmem>> -> memref<128x100xf32, #tpu.memory_space<vmem>>
    %dma_start3A_37 = arith.constant 512 : i32
    %dma_start3A_38 = tpu.memref_slice %arg5[%dma_start3A_37] : memref<1040xi32, #tpu.memory_space<vmem>> -> memref<128xi32, #tpu.memory_space<vmem>>
    %dma_start3A_39 = arith.constant 0 : i32
    %dma_start3A_40 = arith.constant 0 : i32
    %dma_start3A_41 = tpu.memref_slice %arg3[%dma_start3A_39, %dma_start3A_40] : memref<100000x100xf32, #tpu.memory_space<hbm>> -> memref<100000x100xf32, #tpu.memory_space<hbm>>
    tpu.enqueue_indirect_dma source(%dma_start3A_41 : memref<100000x100xf32, #tpu.memory_space<hbm>>) target(%dma_start3A_36 : memref<128x100xf32, #tpu.memory_space<vmem>>) offsets(%dma_start3A_38 : memref<128xi32, #tpu.memory_space<vmem>>) semaphore(%arg7 : memref<!tpu.dma_semaphore, #tpu.memory_space<semaphore_mem>>)
    %dma_start3A_42 = arith.constant 640 : i32
    %dma_start3A_43 = arith.constant 0 : i32
    %dma_start3A_44 = tpu.memref_slice %arg6[%dma_start3A_42, %dma_start3A_43] : memref<1040x100xf32, #tpu.memory_space<vmem>> -> memref<128x100xf32, #tpu.memory_space<vmem>>
    %dma_start3A_45 = arith.constant 640 : i32
    %dma_start3A_46 = tpu.memref_slice %arg5[%dma_start3A_45] : memref<1040xi32, #tpu.memory_space<vmem>> -> memref<128xi32, #tpu.memory_space<vmem>>
    %dma_start3A_47 = arith.constant 0 : i32
    %dma_start3A_48 = arith.constant 0 : i32
    %dma_start3A_49 = tpu.memref_slice %arg3[%dma_start3A_47, %dma_start3A_48] : memref<100000x100xf32, #tpu.memory_space<hbm>> -> memref<100000x100xf32, #tpu.memory_space<hbm>>
    tpu.enqueue_indirect_dma source(%dma_start3A_49 : memref<100000x100xf32, #tpu.memory_space<hbm>>) target(%dma_start3A_44 : memref<128x100xf32, #tpu.memory_space<vmem>>) offsets(%dma_start3A_46 : memref<128xi32, #tpu.memory_space<vmem>>) semaphore(%arg7 : memref<!tpu.dma_semaphore, #tpu.memory_space<semaphore_mem>>)
    %dma_start3A_50 = arith.constant 768 : i32
    %dma_start3A_51 = arith.constant 0 : i32
    %dma_start3A_52 = tpu.memref_slice %arg6[%dma_start3A_50, %dma_start3A_51] : memref<1040x100xf32, #tpu.memory_space<vmem>> -> memref<128x100xf32, #tpu.memory_space<vmem>>
    %dma_start3A_53 = arith.constant 768 : i32
    %dma_start3A_54 = tpu.memref_slice %arg5[%dma_start3A_53] : memref<1040xi32, #tpu.memory_space<vmem>> -> memref<128xi32, #tpu.memory_space<vmem>>
    %dma_start3A_55 = arith.constant 0 : i32
    %dma_start3A_56 = arith.constant 0 : i32
    %dma_start3A_57 = tpu.memref_slice %arg3[%dma_start3A_55, %dma_start3A_56] : memref<100000x100xf32, #tpu.memory_space<hbm>> -> memref<100000x100xf32, #tpu.memory_space<hbm>>
    tpu.enqueue_indirect_dma source(%dma_start3A_57 : memref<100000x100xf32, #tpu.memory_space<hbm>>) target(%dma_start3A_52 : memref<128x100xf32, #tpu.memory_space<vmem>>) offsets(%dma_start3A_54 : memref<128xi32, #tpu.memory_space<vmem>>) semaphore(%arg7 : memref<!tpu.dma_semaphore, #tpu.memory_space<semaphore_mem>>)
    %dma_start3A_58 = arith.constant 896 : i32
    %dma_start3A_59 = arith.constant 0 : i32
    %dma_start3A_60 = tpu.memref_slice %arg6[%dma_start3A_58, %dma_start3A_59] : memref<1040x100xf32, #tpu.memory_space<vmem>> -> memref<128x100xf32, #tpu.memory_space<vmem>>
    %dma_start3A_61 = arith.constant 896 : i32
    %dma_start3A_62 = tpu.memref_slice %arg5[%dma_start3A_61] : memref<1040xi32, #tpu.memory_space<vmem>> -> memref<128xi32, #tpu.memory_space<vmem>>
    %dma_start3A_63 = arith.constant 0 : i32
    %dma_start3A_64 = arith.constant 0 : i32
    %dma_start3A_65 = tpu.memref_slice %arg3[%dma_start3A_63, %dma_start3A_64] : memref<100000x100xf32, #tpu.memory_space<hbm>> -> memref<100000x100xf32, #tpu.memory_space<hbm>>
    tpu.enqueue_indirect_dma source(%dma_start3A_65 : memref<100000x100xf32, #tpu.memory_space<hbm>>) target(%dma_start3A_60 : memref<128x100xf32, #tpu.memory_space<vmem>>) offsets(%dma_start3A_62 : memref<128xi32, #tpu.memory_space<vmem>>) semaphore(%arg7 : memref<!tpu.dma_semaphore, #tpu.memory_space<semaphore_mem>>)
    %dma_start3A_66 = arith.constant 1024 : i32
    %dma_start3A_67 = arith.constant 0 : i32
    %dma_start3A_68 = tpu.memref_slice %arg6[%dma_start3A_66, %dma_start3A_67] : memref<1040x100xf32, #tpu.memory_space<vmem>> -> memref<16x100xf32, #tpu.memory_space<vmem>>
    %dma_start3A_69 = arith.constant 1024 : i32
    %dma_start3A_70 = tpu.memref_slice %arg5[%dma_start3A_69] : memref<1040xi32, #tpu.memory_space<vmem>> -> memref<16xi32, #tpu.memory_space<vmem>>
    %dma_start3A_71 = arith.constant 0 : i32
    %dma_start3A_72 = arith.constant 0 : i32
    %dma_start3A_73 = tpu.memref_slice %arg3[%dma_start3A_71, %dma_start3A_72] : memref<100000x100xf32, #tpu.memory_space<hbm>> -> memref<100000x100xf32, #tpu.memory_space<hbm>>
    tpu.enqueue_indirect_dma source(%dma_start3A_73 : memref<100000x100xf32, #tpu.memory_space<hbm>>) target(%dma_start3A_68 : memref<16x100xf32, #tpu.memory_space<vmem>>) offsets(%dma_start3A_70 : memref<16xi32, #tpu.memory_space<vmem>>) semaphore(%arg7 : memref<!tpu.dma_semaphore, #tpu.memory_space<semaphore_mem>>)
    %dma_wait3A = arith.constant 0 : i32
    %dma_wait3A_74 = arith.constant 0 : i32
    %dma_wait3A_75 = tpu.memref_slice %arg6[%dma_wait3A, %dma_wait3A_74] : memref<1040x100xf32, #tpu.memory_space<vmem>> -> memref<128x100xf32, #tpu.memory_space<vmem>>
    %dma_wait3A_76 = arith.constant 0 : i32
    %dma_wait3A_77 = tpu.memref_slice %arg5[%dma_wait3A_76] : memref<1040xi32, #tpu.memory_space<vmem>> -> memref<128xi32, #tpu.memory_space<vmem>>
    %dma_wait3A_78 = arith.constant 0 : i32
    %dma_wait3A_79 = arith.constant 0 : i32
    %dma_wait3A_80 = tpu.memref_slice %arg3[%dma_wait3A_78, %dma_wait3A_79] : memref<100000x100xf32, #tpu.memory_space<hbm>> -> memref<100000x100xf32, #tpu.memory_space<hbm>>
    tpu.wait_indirect_dma semaphore(%arg7 : memref<!tpu.dma_semaphore, #tpu.memory_space<semaphore_mem>>) src(%dma_wait3A_80 : memref<100000x100xf32, #tpu.memory_space<hbm>>) dst(%dma_wait3A_75 : memref<128x100xf32, #tpu.memory_space<vmem>>)
    %dma_wait3A_81 = arith.constant 128 : i32
    %dma_wait3A_82 = arith.constant 0 : i32
    %dma_wait3A_83 = tpu.memref_slice %arg6[%dma_wait3A_81, %dma_wait3A_82] : memref<1040x100xf32, #tpu.memory_space<vmem>> -> memref<128x100xf32, #tpu.memory_space<vmem>>
    %dma_wait3A_84 = arith.constant 128 : i32
    %dma_wait3A_85 = tpu.memref_slice %arg5[%dma_wait3A_84] : memref<1040xi32, #tpu.memory_space<vmem>> -> memref<128xi32, #tpu.memory_space<vmem>>
    %dma_wait3A_86 = arith.constant 0 : i32
    %dma_wait3A_87 = arith.constant 0 : i32
    %dma_wait3A_88 = tpu.memref_slice %arg3[%dma_wait3A_86, %dma_wait3A_87] : memref<100000x100xf32, #tpu.memory_space<hbm>> -> memref<100000x100xf32, #tpu.memory_space<hbm>>
    tpu.wait_indirect_dma semaphore(%arg7 : memref<!tpu.dma_semaphore, #tpu.memory_space<semaphore_mem>>) src(%dma_wait3A_88 : memref<100000x100xf32, #tpu.memory_space<hbm>>) dst(%dma_wait3A_83 : memref<128x100xf32, #tpu.memory_space<vmem>>)
    %dma_wait3A_89 = arith.constant 256 : i32
    %dma_wait3A_90 = arith.constant 0 : i32
    %dma_wait3A_91 = tpu.memref_slice %arg6[%dma_wait3A_89, %dma_wait3A_90] : memref<1040x100xf32, #tpu.memory_space<vmem>> -> memref<128x100xf32, #tpu.memory_space<vmem>>
    %dma_wait3A_92 = arith.constant 256 : i32
    %dma_wait3A_93 = tpu.memref_slice %arg5[%dma_wait3A_92] : memref<1040xi32, #tpu.memory_space<vmem>> -> memref<128xi32, #tpu.memory_space<vmem>>
    %dma_wait3A_94 = arith.constant 0 : i32
    %dma_wait3A_95 = arith.constant 0 : i32
    %dma_wait3A_96 = tpu.memref_slice %arg3[%dma_wait3A_94, %dma_wait3A_95] : memref<100000x100xf32, #tpu.memory_space<hbm>> -> memref<100000x100xf32, #tpu.memory_space<hbm>>
    tpu.wait_indirect_dma semaphore(%arg7 : memref<!tpu.dma_semaphore, #tpu.memory_space<semaphore_mem>>) src(%dma_wait3A_96 : memref<100000x100xf32, #tpu.memory_space<hbm>>) dst(%dma_wait3A_91 : memref<128x100xf32, #tpu.memory_space<vmem>>)
    %dma_wait3A_97 = arith.constant 384 : i32
    %dma_wait3A_98 = arith.constant 0 : i32
    %dma_wait3A_99 = tpu.memref_slice %arg6[%dma_wait3A_97, %dma_wait3A_98] : memref<1040x100xf32, #tpu.memory_space<vmem>> -> memref<128x100xf32, #tpu.memory_space<vmem>>
    %dma_wait3A_100 = arith.constant 384 : i32
    %dma_wait3A_101 = tpu.memref_slice %arg5[%dma_wait3A_100] : memref<1040xi32, #tpu.memory_space<vmem>> -> memref<128xi32, #tpu.memory_space<vmem>>
    %dma_wait3A_102 = arith.constant 0 : i32
    %dma_wait3A_103 = arith.constant 0 : i32
    %dma_wait3A_104 = tpu.memref_slice %arg3[%dma_wait3A_102, %dma_wait3A_103] : memref<100000x100xf32, #tpu.memory_space<hbm>> -> memref<100000x100xf32, #tpu.memory_space<hbm>>
    tpu.wait_indirect_dma semaphore(%arg7 : memref<!tpu.dma_semaphore, #tpu.memory_space<semaphore_mem>>) src(%dma_wait3A_104 : memref<100000x100xf32, #tpu.memory_space<hbm>>) dst(%dma_wait3A_99 : memref<128x100xf32, #tpu.memory_space<vmem>>)
    %dma_wait3A_105 = arith.constant 512 : i32
    %dma_wait3A_106 = arith.constant 0 : i32
    %dma_wait3A_107 = tpu.memref_slice %arg6[%dma_wait3A_105, %dma_wait3A_106] : memref<1040x100xf32, #tpu.memory_space<vmem>> -> memref<128x100xf32, #tpu.memory_space<vmem>>
    %dma_wait3A_108 = arith.constant 512 : i32
    %dma_wait3A_109 = tpu.memref_slice %arg5[%dma_wait3A_108] : memref<1040xi32, #tpu.memory_space<vmem>> -> memref<128xi32, #tpu.memory_space<vmem>>
    %dma_wait3A_110 = arith.constant 0 : i32
    %dma_wait3A_111 = arith.constant 0 : i32
    %dma_wait3A_112 = tpu.memref_slice %arg3[%dma_wait3A_110, %dma_wait3A_111] : memref<100000x100xf32, #tpu.memory_space<hbm>> -> memref<100000x100xf32, #tpu.memory_space<hbm>>
    tpu.wait_indirect_dma semaphore(%arg7 : memref<!tpu.dma_semaphore, #tpu.memory_space<semaphore_mem>>) src(%dma_wait3A_112 : memref<100000x100xf32, #tpu.memory_space<hbm>>) dst(%dma_wait3A_107 : memref<128x100xf32, #tpu.memory_space<vmem>>)
    %dma_wait3A_113 = arith.constant 640 : i32
    %dma_wait3A_114 = arith.constant 0 : i32
    %dma_wait3A_115 = tpu.memref_slice %arg6[%dma_wait3A_113, %dma_wait3A_114] : memref<1040x100xf32, #tpu.memory_space<vmem>> -> memref<128x100xf32, #tpu.memory_space<vmem>>
    %dma_wait3A_116 = arith.constant 640 : i32
    %dma_wait3A_117 = tpu.memref_slice %arg5[%dma_wait3A_116] : memref<1040xi32, #tpu.memory_space<vmem>> -> memref<128xi32, #tpu.memory_space<vmem>>
    %dma_wait3A_118 = arith.constant 0 : i32
    %dma_wait3A_119 = arith.constant 0 : i32
    %dma_wait3A_120 = tpu.memref_slice %arg3[%dma_wait3A_118, %dma_wait3A_119] : memref<100000x100xf32, #tpu.memory_space<hbm>> -> memref<100000x100xf32, #tpu.memory_space<hbm>>
    tpu.wait_indirect_dma semaphore(%arg7 : memref<!tpu.dma_semaphore, #tpu.memory_space<semaphore_mem>>) src(%dma_wait3A_120 : memref<100000x100xf32, #tpu.memory_space<hbm>>) dst(%dma_wait3A_115 : memref<128x100xf32, #tpu.memory_space<vmem>>)
    %dma_wait3A_121 = arith.constant 768 : i32
    %dma_wait3A_122 = arith.constant 0 : i32
    %dma_wait3A_123 = tpu.memref_slice %arg6[%dma_wait3A_121, %dma_wait3A_122] : memref<1040x100xf32, #tpu.memory_space<vmem>> -> memref<128x100xf32, #tpu.memory_space<vmem>>
    %dma_wait3A_124 = arith.constant 768 : i32
    %dma_wait3A_125 = tpu.memref_slice %arg5[%dma_wait3A_124] : memref<1040xi32, #tpu.memory_space<vmem>> -> memref<128xi32, #tpu.memory_space<vmem>>
    %dma_wait3A_126 = arith.constant 0 : i32
    %dma_wait3A_127 = arith.constant 0 : i32
    %dma_wait3A_128 = tpu.memref_slice %arg3[%dma_wait3A_126, %dma_wait3A_127] : memref<100000x100xf32, #tpu.memory_space<hbm>> -> memref<100000x100xf32, #tpu.memory_space<hbm>>
    tpu.wait_indirect_dma semaphore(%arg7 : memref<!tpu.dma_semaphore, #tpu.memory_space<semaphore_mem>>) src(%dma_wait3A_128 : memref<100000x100xf32, #tpu.memory_space<hbm>>) dst(%dma_wait3A_123 : memref<128x100xf32, #tpu.memory_space<vmem>>)
    %dma_wait3A_129 = arith.constant 896 : i32
    %dma_wait3A_130 = arith.constant 0 : i32
    %dma_wait3A_131 = tpu.memref_slice %arg6[%dma_wait3A_129, %dma_wait3A_130] : memref<1040x100xf32, #tpu.memory_space<vmem>> -> memref<128x100xf32, #tpu.memory_space<vmem>>
    %dma_wait3A_132 = arith.constant 896 : i32
    %dma_wait3A_133 = tpu.memref_slice %arg5[%dma_wait3A_132] : memref<1040xi32, #tpu.memory_space<vmem>> -> memref<128xi32, #tpu.memory_space<vmem>>
    %dma_wait3A_134 = arith.constant 0 : i32
    %dma_wait3A_135 = arith.constant 0 : i32
    %dma_wait3A_136 = tpu.memref_slice %arg3[%dma_wait3A_134, %dma_wait3A_135] : memref<100000x100xf32, #tpu.memory_space<hbm>> -> memref<100000x100xf32, #tpu.memory_space<hbm>>
    tpu.wait_indirect_dma semaphore(%arg7 : memref<!tpu.dma_semaphore, #tpu.memory_space<semaphore_mem>>) src(%dma_wait3A_136 : memref<100000x100xf32, #tpu.memory_space<hbm>>) dst(%dma_wait3A_131 : memref<128x100xf32, #tpu.memory_space<vmem>>)
    %dma_wait3A_137 = arith.constant 1024 : i32
    %dma_wait3A_138 = arith.constant 0 : i32
    %dma_wait3A_139 = tpu.memref_slice %arg6[%dma_wait3A_137, %dma_wait3A_138] : memref<1040x100xf32, #tpu.memory_space<vmem>> -> memref<16x100xf32, #tpu.memory_space<vmem>>
    %dma_wait3A_140 = arith.constant 1024 : i32
    %dma_wait3A_141 = tpu.memref_slice %arg5[%dma_wait3A_140] : memref<1040xi32, #tpu.memory_space<vmem>> -> memref<16xi32, #tpu.memory_space<vmem>>
    %dma_wait3A_142 = arith.constant 0 : i32
    %dma_wait3A_143 = arith.constant 0 : i32
    %dma_wait3A_144 = tpu.memref_slice %arg3[%dma_wait3A_142, %dma_wait3A_143] : memref<100000x100xf32, #tpu.memory_space<hbm>> -> memref<100000x100xf32, #tpu.memory_space<hbm>>
    tpu.wait_indirect_dma semaphore(%arg7 : memref<!tpu.dma_semaphore, #tpu.memory_space<semaphore_mem>>) src(%dma_wait3A_144 : memref<100000x100xf32, #tpu.memory_space<hbm>>) dst(%dma_wait3A_139 : memref<16x100xf32, #tpu.memory_space<vmem>>)
    "tpu.region"() ({
      %run_scoped3A = tpu.sem_alloc : memref<!tpu.dma_semaphore, #tpu.memory_space<semaphore_mem>>
      %dma_start3A_145 = arith.constant 0 : i32
      %dma_start3A_146 = tpu.memref_slice %arg4[%mul3A_2, %dma_start3A_145] : memref<33280x100xf32, #tpu.memory_space<hbm>> -> memref<1040x100xf32, #tpu.memory_space<hbm>>
      %dma_start3A_147 = arith.constant 0 : i32
      %dma_start3A_148 = tpu.memref_slice %arg4[%mul3A_2, %dma_start3A_147] : memref<33280x100xf32, #tpu.memory_space<hbm>> -> memref<1040x100xf32, #tpu.memory_space<hbm>>
      tpu.enqueue_dma source(%arg6 : memref<1040x100xf32, #tpu.memory_space<vmem>>) target(%dma_start3A_148 : memref<1040x100xf32, #tpu.memory_space<hbm>>) target_semaphore(%run_scoped3A : memref<!tpu.dma_semaphore, #tpu.memory_space<semaphore_mem>>)
      %dma_wait3A_149 = arith.constant 0 : i32
      %dma_wait3A_150 = tpu.memref_slice %arg4[%mul3A_2, %dma_wait3A_149] : memref<33280x100xf32, #tpu.memory_space<hbm>> -> memref<1040x100xf32, #tpu.memory_space<hbm>>
      %dma_wait3A_151 = arith.constant 0 : i32
      %dma_wait3A_152 = tpu.memref_slice %arg4[%mul3A_2, %dma_wait3A_151] : memref<33280x100xf32, #tpu.memory_space<hbm>> -> memref<1040x100xf32, #tpu.memory_space<hbm>>
      tpu.wait_dma2 semaphore(%run_scoped3A : memref<!tpu.dma_semaphore, #tpu.memory_space<semaphore_mem>>) src(%arg6 : memref<1040x100xf32, #tpu.memory_space<vmem>>) dst(%dma_wait3A_152 : memref<1040x100xf32, #tpu.memory_space<hbm>>)
      tpu.yield
    }) : () -> ()
    return
  }
}

module attributes {stable_mosaic.version = 14 : i64} {
  func.func @_global_body(%arg0: i32, %arg1: memref<16x20xi32, #tpu.memory_space<vmem>>, %arg2: memref<16x20x12xf32, #tpu.memory_space<vmem>>, %arg3: memref<3840x100xf32, #tpu.memory_space<vmem>>, %arg4: memref<320x100xf32, #tpu.memory_space<vmem>>, %arg5: memref<101x101xf32, #tpu.memory_space<vmem>>, %arg6: memref<1x101xf32, #tpu.memory_space<vmem>>, %arg7: memref<101x1xf32, #tpu.memory_space<vmem>>, %arg8: memref<200x100xf32, #tpu.memory_space<vmem>>, %arg9: memref<1x100xf32, #tpu.memory_space<vmem>>, %arg10: memref<320x100xf32, #tpu.memory_space<vmem>>) attributes {dimension_semantics = [#tpu.dimension_semantics<arbitrary>], iteration_bounds = array<i64: 8>, scalar_prefetch = 0 : i64, scratch_operands = 0 : i64, tpu.core_type = #tpu.core_type<tc>, window_params = [{transform_indices = @transform_0, window_bounds = array<i64: 16, 20>}, {transform_indices = @transform_1, window_bounds = array<i64: 16, 20, 12>}, {transform_indices = @transform_2, window_bounds = array<i64: 3840, 100>}, {transform_indices = @transform_3, window_bounds = array<i64: 320, 100>}, {pipeline_mode = #tpu.pipeline_mode<synchronous>, transform_indices = @transform_4, window_bounds = array<i64: 101, 101>}, {pipeline_mode = #tpu.pipeline_mode<synchronous>, transform_indices = @transform_5, window_bounds = array<i64: 1, 101>}, {pipeline_mode = #tpu.pipeline_mode<synchronous>, transform_indices = @transform_6, window_bounds = array<i64: 101, 1>}, {pipeline_mode = #tpu.pipeline_mode<synchronous>, transform_indices = @transform_7, window_bounds = array<i64: 200, 100>}, {pipeline_mode = #tpu.pipeline_mode<synchronous>, transform_indices = @transform_8, window_bounds = array<i64: 1, 100>}, {transform_indices = @transform_9, window_bounds = array<i64: 320, 100>}]} {
    %get3A = arith.constant 0 : index
    %get3A_0 = arith.constant 0 : index
    %get3A_1 = vector.load %arg1[%get3A, %get3A_0] : memref<16x20xi32, #tpu.memory_space<vmem>>, vector<16x20xi32>
    %convert_element_type3A = arith.sitofp %get3A_1 : vector<16x20xi32> to vector<16x20xf32>
    %reduce_sum3A = arith.constant dense<0.000000e+00> : vector<16xf32>
    %reduce_sum3A_2 = vector.multi_reduction <add>, %convert_element_type3A, %reduce_sum3A [1] : vector<16x20xf32> to vector<16xf32>
    %div3A = arith.constant 2.000000e+01 : f32
    %div3A_3 = vector.broadcast %div3A : f32 to vector<16xf32>
    %div3A_4 = arith.divf %reduce_sum3A_2, %div3A_3 : vector<16xf32>
    %get3A_5 = arith.constant 0 : index
    %get3A_6 = arith.constant 0 : index
    %get3A_7 = arith.constant 0 : index
    %get3A_8 = vector.load %arg2[%get3A_5, %get3A_6, %get3A_7] : memref<16x20x12xf32, #tpu.memory_space<vmem>>, vector<16x20x12xf32>
    %reduce_max3A = arith.constant dense<0xFF800000> : vector<16x20xf32>
    %reduce_max3A_9 = vector.multi_reduction <maximumf>, %get3A_8, %reduce_max3A [2] : vector<16x20x12xf32> to vector<16x20xf32>
    %max3A = arith.constant 0xFF800000 : f32
    %max3A_10 = vector.broadcast %max3A : f32 to vector<16x20xf32>
    %max3A_11 = arith.maximumf %max3A_10, %reduce_max3A_9 : vector<16x20xf32>
    %broadcast_in_dim3A = vector.shape_cast %max3A_11 : vector<16x20xf32> to vector<16x20x1xf32>
    %sub3A = vector.broadcast %broadcast_in_dim3A : vector<16x20x1xf32> to vector<16x20x12xf32>
    %sub3A_12 = arith.subf %get3A_8, %sub3A : vector<16x20x12xf32>
    %exp3A = math.exp %sub3A_12 : vector<16x20x12xf32>
    %reduce_sum3A_13 = arith.constant dense<0.000000e+00> : vector<16x20xf32>
    %reduce_sum3A_14 = vector.multi_reduction <add>, %exp3A, %reduce_sum3A_13 [2] : vector<16x20x12xf32> to vector<16x20xf32>
    %broadcast_in_dim3A_15 = vector.shape_cast %reduce_sum3A_14 : vector<16x20xf32> to vector<16x20x1xf32>
    %div3A_16 = vector.broadcast %broadcast_in_dim3A_15 : vector<16x20x1xf32> to vector<16x20x12xf32>
    %div3A_17 = arith.divf %exp3A, %div3A_16 : vector<16x20x12xf32>
    %get3A_18 = arith.constant 0 : index
    %get3A_19 = arith.constant 0 : index
    %get3A_20 = vector.load %arg3[%get3A_18, %get3A_19] : memref<3840x100xf32, #tpu.memory_space<vmem>>, vector<3840x100xf32>
    %reshape3A = vector.shape_cast %get3A_20 : vector<3840x100xf32> to vector<16x20x12x100xf32>
    %broadcast_in_dim3A_21 = vector.shape_cast %div3A_4 : vector<16xf32> to vector<16x1x1x1xf32>
    %mul3A = vector.broadcast %broadcast_in_dim3A_21 : vector<16x1x1x1xf32> to vector<16x20x12x100xf32>
    %mul3A_22 = arith.mulf %mul3A, %reshape3A : vector<16x20x12x100xf32>
    %broadcast_in_dim3A_23 = vector.shape_cast %div3A_17 : vector<16x20x12xf32> to vector<16x20x12x1xf32>
    %concatenate3A = tpu.concatenate %mul3A_22, %broadcast_in_dim3A_23 in 3 : vector<16x20x12x100xf32>, vector<16x20x12x1xf32> -> vector<16x20x12x101xf32>
    %reshape3A_24 = vector.shape_cast %concatenate3A : vector<16x20x12x101xf32> to vector<3840x101xf32>
    %get3A_25 = arith.constant 0 : index
    %get3A_26 = arith.constant 0 : index
    %get3A_27 = vector.load %arg5[%get3A_25, %get3A_26] : memref<101x101xf32, #tpu.memory_space<vmem>>, vector<101x101xf32>
    %dot_general3A = arith.constant dense<0.000000e+00> : vector<3840x101xf32>
    %dot_general3A_28 = tpu.matmul %reshape3A_24, %get3A_27, %dot_general3A {dimension_numbers = #tpu.dot_dimension_numbers<[1], [0], [0], [1], [0, 0, 1, 1], [], []>, transpose_lhs_hint = false} : vector<3840x101xf32>, vector<101x101xf32>, vector<3840x101xf32> -> vector<3840x101xf32>
    %get3A_29 = arith.constant 0 : index
    %get3A_30 = arith.constant 0 : index
    %get3A_31 = vector.load %arg6[%get3A_29, %get3A_30] : memref<1x101xf32, #tpu.memory_space<vmem>>, vector<1x101xf32>
    %add3A = vector.broadcast %get3A_31 : vector<1x101xf32> to vector<3840x101xf32>
    %add3A_32 = arith.addf %dot_general3A_28, %add3A : vector<3840x101xf32>
    %ge3A = arith.constant 0.000000e+00 : f32
    %ge3A_33 = vector.broadcast %ge3A : f32 to vector<3840x101xf32>
    %ge3A_34 = arith.cmpf oge, %add3A_32, %ge3A_33 : vector<3840x101xf32>
    %mul3A_35 = arith.constant 0.00999999977 : f32
    %mul3A_36 = vector.broadcast %mul3A_35 : f32 to vector<3840x101xf32>
    %mul3A_37 = arith.mulf %mul3A_36, %add3A_32 : vector<3840x101xf32>
    %select_n3A = arith.select %ge3A_34, %add3A_32, %mul3A_37 : vector<3840x101xi1>, vector<3840x101xf32>
    %get3A_38 = arith.constant 0 : index
    %get3A_39 = arith.constant 0 : index
    %get3A_40 = vector.load %arg7[%get3A_38, %get3A_39] : memref<101x1xf32, #tpu.memory_space<vmem>>, vector<101x1xf32>
    %dot_general3A_41 = arith.constant dense<0.000000e+00> : vector<3840x1xf32>
    %dot_general3A_42 = tpu.matmul %select_n3A, %get3A_40, %dot_general3A_41 {dimension_numbers = #tpu.dot_dimension_numbers<[1], [0], [0], [1], [0, 0, 1, 1], [], []>, transpose_lhs_hint = false} : vector<3840x101xf32>, vector<101x1xf32>, vector<3840x1xf32> -> vector<3840x1xf32>
    %reshape3A_43 = vector.shape_cast %dot_general3A_42 : vector<3840x1xf32> to vector<16x20x12xf32>
    %reduce_max3A_44 = arith.constant dense<0xFF800000> : vector<16x20xf32>
    %reduce_max3A_45 = vector.multi_reduction <maximumf>, %reshape3A_43, %reduce_max3A_44 [2] : vector<16x20x12xf32> to vector<16x20xf32>
    %max3A_46 = arith.constant 0xFF800000 : f32
    %max3A_47 = vector.broadcast %max3A_46 : f32 to vector<16x20xf32>
    %max3A_48 = arith.maximumf %max3A_47, %reduce_max3A_45 : vector<16x20xf32>
    %broadcast_in_dim3A_49 = vector.shape_cast %max3A_48 : vector<16x20xf32> to vector<16x20x1xf32>
    %sub3A_50 = vector.broadcast %broadcast_in_dim3A_49 : vector<16x20x1xf32> to vector<16x20x12xf32>
    %sub3A_51 = arith.subf %reshape3A_43, %sub3A_50 : vector<16x20x12xf32>
    %exp3A_52 = math.exp %sub3A_51 : vector<16x20x12xf32>
    %reduce_sum3A_53 = arith.constant dense<0.000000e+00> : vector<16x20xf32>
    %reduce_sum3A_54 = vector.multi_reduction <add>, %exp3A_52, %reduce_sum3A_53 [2] : vector<16x20x12xf32> to vector<16x20xf32>
    %broadcast_in_dim3A_55 = vector.shape_cast %reduce_sum3A_54 : vector<16x20xf32> to vector<16x20x1xf32>
    %div3A_56 = vector.broadcast %broadcast_in_dim3A_55 : vector<16x20x1xf32> to vector<16x20x12xf32>
    %div3A_57 = arith.divf %exp3A_52, %div3A_56 : vector<16x20x12xf32>
    %broadcast_in_dim3A_58 = vector.shape_cast %div3A_57 : vector<16x20x12xf32> to vector<16x20x12x1xf32>
    %mul3A_59 = vector.broadcast %broadcast_in_dim3A_58 : vector<16x20x12x1xf32> to vector<16x20x12x100xf32>
    %mul3A_60 = arith.mulf %mul3A_59, %reshape3A : vector<16x20x12x100xf32>
    %reduce_sum3A_61 = arith.constant dense<0.000000e+00> : vector<16x20x100xf32>
    %reduce_sum3A_62 = vector.multi_reduction <add>, %mul3A_60, %reduce_sum3A_61 [2] : vector<16x20x12x100xf32> to vector<16x20x100xf32>
    %get3A_63 = arith.constant 0 : index
    %get3A_64 = arith.constant 0 : index
    %get3A_65 = vector.load %arg4[%get3A_63, %get3A_64] : memref<320x100xf32, #tpu.memory_space<vmem>>, vector<320x100xf32>
    %reshape3A_66 = vector.shape_cast %reduce_sum3A_62 : vector<16x20x100xf32> to vector<320x100xf32>
    %concatenate3A_67 = tpu.concatenate %get3A_65, %reshape3A_66 in 1 : vector<320x100xf32>, vector<320x100xf32> -> vector<320x200xf32>
    %get3A_68 = arith.constant 0 : index
    %get3A_69 = arith.constant 0 : index
    %get3A_70 = vector.load %arg8[%get3A_68, %get3A_69] : memref<200x100xf32, #tpu.memory_space<vmem>>, vector<200x100xf32>
    %dot_general3A_71 = arith.constant dense<0.000000e+00> : vector<320x100xf32>
    %dot_general3A_72 = tpu.matmul %concatenate3A_67, %get3A_70, %dot_general3A_71 {dimension_numbers = #tpu.dot_dimension_numbers<[1], [0], [0], [1], [0, 0, 1, 1], [], []>, transpose_lhs_hint = false} : vector<320x200xf32>, vector<200x100xf32>, vector<320x100xf32> -> vector<320x100xf32>
    %get3A_73 = arith.constant 0 : index
    %get3A_74 = arith.constant 0 : index
    %get3A_75 = vector.load %arg9[%get3A_73, %get3A_74] : memref<1x100xf32, #tpu.memory_space<vmem>>, vector<1x100xf32>
    %add3A_76 = vector.broadcast %get3A_75 : vector<1x100xf32> to vector<320x100xf32>
    %add3A_77 = arith.addf %dot_general3A_72, %add3A_76 : vector<320x100xf32>
    %max3A_78 = arith.constant 0.000000e+00 : f32
    %max3A_79 = vector.broadcast %max3A_78 : f32 to vector<320x100xf32>
    %max3A_80 = arith.maximumf %add3A_77, %max3A_79 : vector<320x100xf32>
    %swap3A = arith.constant 0 : index
    %swap3A_81 = arith.constant 0 : index
    %swap3A_82 = vector.load %arg10[%swap3A, %swap3A_81] : memref<320x100xf32, #tpu.memory_space<vmem>>, vector<320x100xf32>
    tpu.vector_store %arg10[%swap3A, %swap3A_81], %max3A_80 {strides = array<i32>} : memref<320x100xf32, #tpu.memory_space<vmem>>, vector<320x100xf32>,
    return
  }
  func.func @transform_0(%arg0: i32) -> (i32, i32) {
    %c0_i32 = arith.constant 0 : i32
    %c0_i32_0 = arith.constant 0 : i32
    return %arg0, %c0_i32 : i32, i32
  }
  func.func @transform_1(%arg0: i32) -> (i32, i32, i32) {
    %c0_i32 = arith.constant 0 : i32
    %c0_i32_0 = arith.constant 0 : i32
    %c0_i32_1 = arith.constant 0 : i32
    return %arg0, %c0_i32, %c0_i32_0 : i32, i32, i32
  }
  func.func @transform_2(%arg0: i32) -> (i32, i32) {
    %c0_i32 = arith.constant 0 : i32
    %c0_i32_0 = arith.constant 0 : i32
    return %arg0, %c0_i32 : i32, i32
  }
  func.func @transform_3(%arg0: i32) -> (i32, i32) {
    %c0_i32 = arith.constant 0 : i32
    %c0_i32_0 = arith.constant 0 : i32
    return %arg0, %c0_i32 : i32, i32
  }
  func.func @transform_4(%arg0: i32) -> (i32, i32) {
    %c0_i32 = arith.constant 0 : i32
    %c0_i32_0 = arith.constant 0 : i32
    %c0_i32_1 = arith.constant 0 : i32
    return %c0_i32, %c0_i32_0 : i32, i32
  }
  func.func @transform_5(%arg0: i32) -> (i32, i32) {
    %c0_i32 = arith.constant 0 : i32
    %c0_i32_0 = arith.constant 0 : i32
    %c0_i32_1 = arith.constant 0 : i32
    return %c0_i32, %c0_i32_0 : i32, i32
  }
  func.func @transform_6(%arg0: i32) -> (i32, i32) {
    %c0_i32 = arith.constant 0 : i32
    %c0_i32_0 = arith.constant 0 : i32
    %c0_i32_1 = arith.constant 0 : i32
    return %c0_i32, %c0_i32_0 : i32, i32
  }
  func.func @transform_7(%arg0: i32) -> (i32, i32) {
    %c0_i32 = arith.constant 0 : i32
    %c0_i32_0 = arith.constant 0 : i32
    %c0_i32_1 = arith.constant 0 : i32
    return %c0_i32, %c0_i32_0 : i32, i32
  }
  func.func @transform_8(%arg0: i32) -> (i32, i32) {
    %c0_i32 = arith.constant 0 : i32
    %c0_i32_0 = arith.constant 0 : i32
    %c0_i32_1 = arith.constant 0 : i32
    return %c0_i32, %c0_i32_0 : i32, i32
  }
  func.func @transform_9(%arg0: i32) -> (i32, i32) {
    %c0_i32 = arith.constant 0 : i32
    %c0_i32_0 = arith.constant 0 : i32
    return %arg0, %c0_i32 : i32, i32
  }
}

module attributes {stable_mosaic.version = 14 : i64} {
  func.func @_local_body(%arg0: i32, %arg1: memref<2560x100xf32, #tpu.memory_space<vmem>>, %arg2: memref<320x100xf32, #tpu.memory_space<vmem>>, %arg3: memref<320x100xf32, #tpu.memory_space<vmem>>, %arg4: memref<320x2560xf32, #tpu.memory_space<vmem>>, %arg5: memref<1x100xf32, #tpu.memory_space<vmem>>, %arg6: memref<16x100xf32, #tpu.memory_space<vmem>>, %arg7: memref<200x100xf32, #tpu.memory_space<vmem>>, %arg8: memref<1x100xf32, #tpu.memory_space<vmem>>, %arg9: memref<100x100xf32, #tpu.memory_space<vmem>>, %arg10: memref<100x100xf32, #tpu.memory_space<vmem>>, %arg11: memref<1x100xf32, #tpu.memory_space<vmem>>, %arg12: memref<100x1xf32, #tpu.memory_space<vmem>>, %arg13: memref<16x100xf32, #tpu.memory_space<vmem>>) attributes {dimension_semantics = [#tpu.dimension_semantics<arbitrary>], iteration_bounds = array<i64: 8>, scalar_prefetch = 0 : i64, scratch_operands = 0 : i64, tpu.core_type = #tpu.core_type<tc>, window_params = [{pipeline_mode = #tpu.pipeline_mode<synchronous>, transform_indices = @transform_0, window_bounds = array<i64: 2560, 100>}, {transform_indices = @transform_1, window_bounds = array<i64: 320, 100>}, {transform_indices = @transform_2, window_bounds = array<i64: 320, 100>}, {transform_indices = @transform_3, window_bounds = array<i64: 320, 2560>}, {pipeline_mode = #tpu.pipeline_mode<synchronous>, transform_indices = @transform_4, window_bounds = array<i64: 1, 100>}, {transform_indices = @transform_5, window_bounds = array<i64: 16, 100>}, {pipeline_mode = #tpu.pipeline_mode<synchronous>, transform_indices = @transform_6, window_bounds = array<i64: 200, 100>}, {pipeline_mode = #tpu.pipeline_mode<synchronous>, transform_indices = @transform_7, window_bounds = array<i64: 1, 100>}, {pipeline_mode = #tpu.pipeline_mode<synchronous>, transform_indices = @transform_8, window_bounds = array<i64: 100, 100>}, {pipeline_mode = #tpu.pipeline_mode<synchronous>, transform_indices = @transform_9, window_bounds = array<i64: 100, 100>}, {pipeline_mode = #tpu.pipeline_mode<synchronous>, transform_indices = @transform_10, window_bounds = array<i64: 1, 100>}, {pipeline_mode = #tpu.pipeline_mode<synchronous>, transform_indices = @transform_11, window_bounds = array<i64: 100, 1>}, {transform_indices = @transform_12, window_bounds = array<i64: 16, 100>}]} {
    %get3A = arith.constant 0 : index
    %get3A_0 = arith.constant 0 : index
    %get3A_1 = vector.load %arg1[%get3A, %get3A_0] : memref<2560x100xf32, #tpu.memory_space<vmem>>, vector<2560x100xf32>
    %get3A_2 = arith.constant 0 : index
    %get3A_3 = arith.constant 0 : index
    %get3A_4 = vector.load %arg2[%get3A_2, %get3A_3] : memref<320x100xf32, #tpu.memory_space<vmem>>, vector<320x100xf32>
    %get3A_5 = arith.constant 0 : index
    %get3A_6 = arith.constant 0 : index
    %get3A_7 = vector.load %arg5[%get3A_5, %get3A_6] : memref<1x100xf32, #tpu.memory_space<vmem>>, vector<1x100xf32>
    %mul3A = vector.broadcast %get3A_7 : vector<1x100xf32> to vector<320x100xf32>
    %mul3A_8 = arith.mulf %get3A_4, %mul3A : vector<320x100xf32>
    %dot_general3A = arith.constant dense<0.000000e+00> : vector<320x2560xf32>
    %dot_general3A_9 = tpu.matmul %mul3A_8, %get3A_1, %dot_general3A {dimension_numbers = #tpu.dot_dimension_numbers<[1], [1], [0], [0], [0, 0, 1, 0], [], []>, transpose_lhs_hint = false} : vector<320x100xf32>, vector<2560x100xf32>, vector<320x2560xf32> -> vector<320x2560xf32>
    %ge3A = arith.constant 0.000000e+00 : f32
    %ge3A_10 = vector.broadcast %ge3A : f32 to vector<320x2560xf32>
    %ge3A_11 = arith.cmpf oge, %dot_general3A_9, %ge3A_10 : vector<320x2560xf32>
    %mul3A_12 = arith.constant 2.000000e-01 : f32
    %mul3A_13 = vector.broadcast %mul3A_12 : f32 to vector<320x2560xf32>
    %mul3A_14 = arith.mulf %mul3A_13, %dot_general3A_9 : vector<320x2560xf32>
    %select_n3A = arith.select %ge3A_11, %dot_general3A_9, %mul3A_14 : vector<320x2560xi1>, vector<320x2560xf32>
    %get3A_15 = arith.constant 0 : index
    %get3A_16 = arith.constant 0 : index
    %get3A_17 = vector.load %arg4[%get3A_15, %get3A_16] : memref<320x2560xf32, #tpu.memory_space<vmem>>, vector<320x2560xf32>
    %gt3A = arith.constant 0.000000e+00 : f32
    %gt3A_18 = vector.broadcast %gt3A : f32 to vector<320x2560xf32>
    %gt3A_19 = arith.cmpf ogt, %get3A_17, %gt3A_18 : vector<320x2560xf32>
    %jit3A = arith.constant -1.000000e+30 : f32
    %broadcast_in_dim3A = vector.broadcast %jit3A : f32 to vector<320x2560xf32>
    %select_n3A_20 = arith.select %gt3A_19, %select_n3A, %broadcast_in_dim3A : vector<320x2560xi1>, vector<320x2560xf32>
    %reduce_max3A = arith.constant dense<0xFF800000> : vector<320xf32>
    %reduce_max3A_21 = vector.multi_reduction <maximumf>, %select_n3A_20, %reduce_max3A [1] : vector<320x2560xf32> to vector<320xf32>
    %broadcast_in_dim3A_22 = vector.shape_cast %reduce_max3A_21 : vector<320xf32> to vector<320x1xf32>
    %sub3A = vector.broadcast %broadcast_in_dim3A_22 : vector<320x1xf32> to vector<320x2560xf32>
    %sub3A_23 = arith.subf %select_n3A_20, %sub3A : vector<320x2560xf32>
    %exp3A = math.exp %sub3A_23 : vector<320x2560xf32>
    %jit3A_24 = arith.constant 0.000000e+00 : f32
    %broadcast_in_dim3A_25 = vector.broadcast %jit3A_24 : f32 to vector<320x2560xf32>
    %select_n3A_26 = arith.select %gt3A_19, %exp3A, %broadcast_in_dim3A_25 : vector<320x2560xi1>, vector<320x2560xf32>
    %reduce_sum3A = arith.constant dense<0.000000e+00> : vector<320xf32>
    %reduce_sum3A_27 = vector.multi_reduction <add>, %select_n3A_26, %reduce_sum3A [1] : vector<320x2560xf32> to vector<320xf32>
    %broadcast_in_dim3A_28 = vector.shape_cast %reduce_sum3A_27 : vector<320xf32> to vector<320x1xf32>
    %div3A = vector.broadcast %broadcast_in_dim3A_28 : vector<320x1xf32> to vector<320x2560xf32>
    %div3A_29 = arith.divf %select_n3A_26, %div3A : vector<320x2560xf32>
    %dot_general3A_30 = arith.constant dense<0.000000e+00> : vector<320x100xf32>
    %dot_general3A_31 = tpu.matmul %div3A_29, %get3A_1, %dot_general3A_30 {dimension_numbers = #tpu.dot_dimension_numbers<[1], [0], [0], [1], [0, 0, 1, 1], [], []>, transpose_lhs_hint = false} : vector<320x2560xf32>, vector<2560x100xf32>, vector<320x100xf32> -> vector<320x100xf32>
    %get3A_32 = arith.constant 0 : index
    %get3A_33 = arith.constant 0 : index
    %get3A_34 = vector.load %arg3[%get3A_32, %get3A_33] : memref<320x100xf32, #tpu.memory_space<vmem>>, vector<320x100xf32>
    %add3A = arith.addf %dot_general3A_31, %get3A_34 : vector<320x100xf32>
    %get3A_35 = arith.constant 0 : index
    %get3A_36 = arith.constant 0 : index
    %get3A_37 = vector.load %arg6[%get3A_35, %get3A_36] : memref<16x100xf32, #tpu.memory_space<vmem>>, vector<16x100xf32>
    %broadcast_in_dim3A_38 = vector.shape_cast %get3A_37 : vector<16x100xf32> to vector<16x1x100xf32>
    %broadcast_in_dim3A_39 = vector.shape_cast %broadcast_in_dim3A_38 : vector<16x1x100xf32> to vector<16x1x100xf32>
    %broadcast_in_dim3A_40 = vector.broadcast %broadcast_in_dim3A_39 : vector<16x1x100xf32> to vector<16x20x100xf32>
    %reshape3A = vector.shape_cast %broadcast_in_dim3A_40 : vector<16x20x100xf32> to vector<320x100xf32>
    %concatenate3A = tpu.concatenate %add3A, %reshape3A in 1 : vector<320x100xf32>, vector<320x100xf32> -> vector<320x200xf32>
    %get3A_41 = arith.constant 0 : index
    %get3A_42 = arith.constant 0 : index
    %get3A_43 = vector.load %arg7[%get3A_41, %get3A_42] : memref<200x100xf32, #tpu.memory_space<vmem>>, vector<200x100xf32>
    %dot_general3A_44 = arith.constant dense<0.000000e+00> : vector<320x100xf32>
    %dot_general3A_45 = tpu.matmul %concatenate3A, %get3A_43, %dot_general3A_44 {dimension_numbers = #tpu.dot_dimension_numbers<[1], [0], [0], [1], [0, 0, 1, 1], [], []>, transpose_lhs_hint = false} : vector<320x200xf32>, vector<200x100xf32>, vector<320x100xf32> -> vector<320x100xf32>
    %get3A_46 = arith.constant 0 : index
    %get3A_47 = arith.constant 0 : index
    %get3A_48 = vector.load %arg8[%get3A_46, %get3A_47] : memref<1x100xf32, #tpu.memory_space<vmem>>, vector<1x100xf32>
    %add3A_49 = vector.broadcast %get3A_48 : vector<1x100xf32> to vector<320x100xf32>
    %add3A_50 = arith.addf %dot_general3A_45, %add3A_49 : vector<320x100xf32>
    %tanh3A = math.tanh %add3A_50 : vector<320x100xf32>
    %reshape3A_51 = vector.shape_cast %add3A : vector<320x100xf32> to vector<16x20x100xf32>
    %reduce_sum3A_52 = arith.constant dense<0.000000e+00> : vector<16x100xf32>
    %reduce_sum3A_53 = vector.multi_reduction <add>, %reshape3A_51, %reduce_sum3A_52 [1] : vector<16x20x100xf32> to vector<16x100xf32>
    %div3A_54 = arith.constant 2.000000e+01 : f32
    %div3A_55 = vector.broadcast %div3A_54 : f32 to vector<16x100xf32>
    %div3A_56 = arith.divf %reduce_sum3A_53, %div3A_55 : vector<16x100xf32>
    %broadcast_in_dim3A_57 = vector.shape_cast %div3A_56 : vector<16x100xf32> to vector<16x1x100xf32>
    %broadcast_in_dim3A_58 = vector.shape_cast %broadcast_in_dim3A_57 : vector<16x1x100xf32> to vector<16x1x100xf32>
    %broadcast_in_dim3A_59 = vector.broadcast %broadcast_in_dim3A_58 : vector<16x1x100xf32> to vector<16x20x100xf32>
    %reshape3A_60 = vector.shape_cast %broadcast_in_dim3A_59 : vector<16x20x100xf32> to vector<320x100xf32>
    %get3A_61 = arith.constant 0 : index
    %get3A_62 = arith.constant 0 : index
    %get3A_63 = vector.load %arg9[%get3A_61, %get3A_62] : memref<100x100xf32, #tpu.memory_space<vmem>>, vector<100x100xf32>
    %dot_general3A_64 = arith.constant dense<0.000000e+00> : vector<320x100xf32>
    %dot_general3A_65 = tpu.matmul %tanh3A, %get3A_63, %dot_general3A_64 {dimension_numbers = #tpu.dot_dimension_numbers<[1], [0], [0], [1], [0, 0, 1, 1], [], []>, transpose_lhs_hint = false} : vector<320x100xf32>, vector<100x100xf32>, vector<320x100xf32> -> vector<320x100xf32>
    %get3A_66 = arith.constant 0 : index
    %get3A_67 = arith.constant 0 : index
    %get3A_68 = vector.load %arg10[%get3A_66, %get3A_67] : memref<100x100xf32, #tpu.memory_space<vmem>>, vector<100x100xf32>
    %dot_general3A_69 = arith.constant dense<0.000000e+00> : vector<320x100xf32>
    %dot_general3A_70 = tpu.matmul %reshape3A_60, %get3A_68, %dot_general3A_69 {dimension_numbers = #tpu.dot_dimension_numbers<[1], [0], [0], [1], [0, 0, 1, 1], [], []>, transpose_lhs_hint = false} : vector<320x100xf32>, vector<100x100xf32>, vector<320x100xf32> -> vector<320x100xf32>
    %add3A_71 = arith.addf %dot_general3A_65, %dot_general3A_70 : vector<320x100xf32>
    %get3A_72 = arith.constant 0 : index
    %get3A_73 = arith.constant 0 : index
    %get3A_74 = vector.load %arg11[%get3A_72, %get3A_73] : memref<1x100xf32, #tpu.memory_space<vmem>>, vector<1x100xf32>
    %add3A_75 = vector.broadcast %get3A_74 : vector<1x100xf32> to vector<320x100xf32>
    %add3A_76 = arith.addf %add3A_71, %add3A_75 : vector<320x100xf32>
    %logistic3A = arith.negf %add3A_76 : vector<320x100xf32>
    %logistic3A_77 = math.exp %logistic3A : vector<320x100xf32>
    %logistic3A_78 = arith.constant 1.000000e+00 : f32
    %logistic3A_79 = vector.broadcast %logistic3A_78 : f32 to vector<320x100xf32>
    %logistic3A_80 = arith.addf %logistic3A_79, %logistic3A_77 : vector<320x100xf32>
    %logistic3A_81 = arith.divf %logistic3A_79, %logistic3A_80 : vector<320x100xf32>
    %get3A_82 = arith.constant 0 : index
    %get3A_83 = arith.constant 0 : index
    %get3A_84 = vector.load %arg12[%get3A_82, %get3A_83] : memref<100x1xf32, #tpu.memory_space<vmem>>, vector<100x1xf32>
    %dot_general3A_85 = arith.constant dense<0.000000e+00> : vector<320x1xf32>
    %dot_general3A_86 = tpu.matmul %logistic3A_81, %get3A_84, %dot_general3A_85 {dimension_numbers = #tpu.dot_dimension_numbers<[1], [0], [0], [1], [0, 0, 1, 1], [], []>, transpose_lhs_hint = false} : vector<320x100xf32>, vector<100x1xf32>, vector<320x1xf32> -> vector<320x1xf32>
    %mul3A_87 = vector.broadcast %dot_general3A_86 : vector<320x1xf32> to vector<320x100xf32>
    %mul3A_88 = arith.mulf %mul3A_87, %add3A : vector<320x100xf32>
    %reshape3A_89 = vector.shape_cast %mul3A_88 : vector<320x100xf32> to vector<16x20x100xf32>
    %reduce_sum3A_90 = arith.constant dense<0.000000e+00> : vector<16x100xf32>
    %reduce_sum3A_91 = vector.multi_reduction <add>, %reshape3A_89, %reduce_sum3A_90 [1] : vector<16x20x100xf32> to vector<16x100xf32>
    %swap3A = arith.constant 0 : index
    %swap3A_92 = arith.constant 0 : index
    %swap3A_93 = vector.load %arg13[%swap3A, %swap3A_92] : memref<16x100xf32, #tpu.memory_space<vmem>>, vector<16x100xf32>
    tpu.vector_store %arg13[%swap3A, %swap3A_92], %reduce_sum3A_91 {strides = array<i32>} : memref<16x100xf32, #tpu.memory_space<vmem>>, vector<16x100xf32>,
    return
  }
  func.func @transform_0(%arg0: i32) -> (i32, i32) {
    %c0_i32 = arith.constant 0 : i32
    %c0_i32_0 = arith.constant 0 : i32
    %c0_i32_1 = arith.constant 0 : i32
    return %c0_i32, %c0_i32_0 : i32, i32
  }
  func.func @transform_1(%arg0: i32) -> (i32, i32) {
    %c0_i32 = arith.constant 0 : i32
    %c0_i32_0 = arith.constant 0 : i32
    return %arg0, %c0_i32 : i32, i32
  }
  func.func @transform_2(%arg0: i32) -> (i32, i32) {
    %c0_i32 = arith.constant 0 : i32
    %c0_i32_0 = arith.constant 0 : i32
    return %arg0, %c0_i32 : i32, i32
  }
  func.func @transform_3(%arg0: i32) -> (i32, i32) {
    %c0_i32 = arith.constant 0 : i32
    %c0_i32_0 = arith.constant 0 : i32
    return %arg0, %c0_i32 : i32, i32
  }
  func.func @transform_4(%arg0: i32) -> (i32, i32) {
    %c0_i32 = arith.constant 0 : i32
    %c0_i32_0 = arith.constant 0 : i32
    %c0_i32_1 = arith.constant 0 : i32
    return %c0_i32, %c0_i32_0 : i32, i32
  }
  func.func @transform_5(%arg0: i32) -> (i32, i32) {
    %c0_i32 = arith.constant 0 : i32
    %c0_i32_0 = arith.constant 0 : i32
    return %arg0, %c0_i32 : i32, i32
  }
  func.func @transform_6(%arg0: i32) -> (i32, i32) {
    %c0_i32 = arith.constant 0 : i32
    %c0_i32_0 = arith.constant 0 : i32
    %c0_i32_1 = arith.constant 0 : i32
    return %c0_i32, %c0_i32_0 : i32, i32
  }
  func.func @transform_7(%arg0: i32) -> (i32, i32) {
    %c0_i32 = arith.constant 0 : i32
    %c0_i32_0 = arith.constant 0 : i32
    %c0_i32_1 = arith.constant 0 : i32
    return %c0_i32, %c0_i32_0 : i32, i32
  }
  func.func @transform_8(%arg0: i32) -> (i32, i32) {
    %c0_i32 = arith.constant 0 : i32
    %c0_i32_0 = arith.constant 0 : i32
    %c0_i32_1 = arith.constant 0 : i32
    return %c0_i32, %c0_i32_0 : i32, i32
  }
  func.func @transform_9(%arg0: i32) -> (i32, i32) {
    %c0_i32 = arith.constant 0 : i32
    %c0_i32_0 = arith.constant 0 : i32
    %c0_i32_1 = arith.constant 0 : i32
    return %c0_i32, %c0_i32_0 : i32, i32
  }
  func.func @transform_10(%arg0: i32) -> (i32, i32) {
    %c0_i32 = arith.constant 0 : i32
    %c0_i32_0 = arith.constant 0 : i32
    %c0_i32_1 = arith.constant 0 : i32
    return %c0_i32, %c0_i32_0 : i32, i32
  }
  func.func @transform_11(%arg0: i32) -> (i32, i32) {
    %c0_i32 = arith.constant 0 : i32
    %c0_i32_0 = arith.constant 0 : i32
    %c0_i32_1 = arith.constant 0 : i32
    return %c0_i32, %c0_i32_0 : i32, i32
  }
  func.func @transform_12(%arg0: i32) -> (i32, i32) {
    %c0_i32 = arith.constant 0 : i32
    %c0_i32_0 = arith.constant 0 : i32
    return %arg0, %c0_i32 : i32, i32
  }
}

module attributes {stable_mosaic.version = 14 : i64} {
  func.func @_scores_body(%arg0: i32, %arg1: memref<128x100xf32, #tpu.memory_space<vmem>>, %arg2: memref<2048x100xf32, #tpu.memory_space<vmem>>, %arg3: memref<128x2048xf32, #tpu.memory_space<vmem>>) attributes {dimension_semantics = [#tpu.dimension_semantics<arbitrary>], iteration_bounds = array<i64: 49>, scalar_prefetch = 0 : i64, scratch_operands = 0 : i64, tpu.core_type = #tpu.core_type<tc>, window_params = [{pipeline_mode = #tpu.pipeline_mode<synchronous>, transform_indices = @transform_0, window_bounds = array<i64: 128, 100>}, {transform_indices = @transform_1, window_bounds = array<i64: 2048, 100>}, {transform_indices = @transform_2, window_bounds = array<i64: 128, 2048>}]} {
    %get3A = arith.constant 0 : index
    %get3A_0 = arith.constant 0 : index
    %get3A_1 = vector.load %arg1[%get3A, %get3A_0] : memref<128x100xf32, #tpu.memory_space<vmem>>, vector<128x100xf32>
    %get3A_2 = arith.constant 0 : index
    %get3A_3 = arith.constant 0 : index
    %get3A_4 = vector.load %arg2[%get3A_2, %get3A_3] : memref<2048x100xf32, #tpu.memory_space<vmem>>, vector<2048x100xf32>
    %dot_general3A = arith.constant dense<0.000000e+00> : vector<128x2048xf32>
    %dot_general3A_5 = tpu.matmul %get3A_1, %get3A_4, %dot_general3A {dimension_numbers = #tpu.dot_dimension_numbers<[1], [1], [0], [0], [0, 0, 1, 0], [], []>, transpose_lhs_hint = false} : vector<128x100xf32>, vector<2048x100xf32>, vector<128x2048xf32> -> vector<128x2048xf32>
    %swap3A = arith.constant 0 : index
    %swap3A_6 = arith.constant 0 : index
    %swap3A_7 = vector.load %arg3[%swap3A, %swap3A_6] : memref<128x2048xf32, #tpu.memory_space<vmem>>, vector<128x2048xf32>
    tpu.vector_store %arg3[%swap3A, %swap3A_6], %dot_general3A_5 {strides = array<i32>} : memref<128x2048xf32, #tpu.memory_space<vmem>>, vector<128x2048xf32>,
    return
  }
  func.func @transform_0(%arg0: i32) -> (i32, i32) {
    %c0_i32 = arith.constant 0 : i32
    %c0_i32_0 = arith.constant 0 : i32
    %c0_i32_1 = arith.constant 0 : i32
    return %c0_i32, %c0_i32_0 : i32, i32
  }
  func.func @transform_1(%arg0: i32) -> (i32, i32) {
    %c0_i32 = arith.constant 0 : i32
    %c0_i32_0 = arith.constant 0 : i32
    return %arg0, %c0_i32 : i32, i32
  }
  func.func @transform_2(%arg0: i32) -> (i32, i32) {
    %c0_i32 = arith.constant 0 : i32
    %c0_i32_0 = arith.constant 0 : i32
    return %c0_i32, %arg0 : i32, i32
  }
}

</mosaic_0001>

<sc_bundles>
// kernel: kernel.10.cloned.1.call-start
scs
__scs_entry_jumppad:
0x0: {  	(pc) =	sbr.rel $0x88, $3  }
0x1: {  	(tag) =	ssettag $0x0;
	lr =	simm.s32 $0x1  }
0x2: {  	[smem:$0x3F8F] =	sst lr;
	_ =	strace $0xD0000000  }
0x3: {  	_ = 	snop  }
0x4: {  	_ = 	snop  }
0x5: {  	_ = 	snop  }
0x6: {  	_ = 	snop  }
0x7: {  	_ = 	snop  }
__scs_overlays_trampoline_lowered:
0x8: {  	[smem:$0x3F9E] =	sst s0  }
0x9: {  	[smem:$0x3F9F] =	sst s1  }
0xa: {  	[smem:$0x3FA0] =	sst s2  }
0xb: {  	[smem:$0x3FA1] =	sst s3  }
0xc: {  	[smem:$0x3FA2] =	sst s4  }
0xd: {  	[smem:$0x3FA3] =	sst s5  }
0xe: {  	[smem:$0x3FA4] =	sst s6  }
0xf: {  	[smem:$0x3FA5] =	sst s7  }
0x10: {  	[smem:$0x3FA6] =	sst s8  }
0x11: {  	[smem:$0x3FA7] =	sst s9;
	s0 =	simm.s32 @!p0 $0x0  }
0x12: {  	s1 =	sld [smem:$0x3F8D];
	s0 =	simm.s32 @p0 $0x1  }
0x13: {  	[smem:$0x3FA8] =	sst s0;
	s0 =	simm.s32 @!p1 $0x0  }
0x14: {  	s2 =	sld [smem:$0x3F8C];
	s0 =	simm.s32 @p1 $0x1  }
0x15: {  	[smem:$0x3FA9] =	sst s0;
	s0 =	simm.s32 @!p2 $0x0  }
0x16: {  	s3 =	sld [smem:$0x3FDB];
	s0 =	simm.s32 @p2 $0x1  }
0x17: {  	s4 =	simm.s32 $0x1BF5;
	[smem:$0x3FAB] =	sst s0  }
0x18: {  	s0 =	sld [smem:$0x3F8E];
	_ =	swait.ge [sflag:s4], $0x0  }
0x19: {  	s7 =	sld [smem:$0x3F8F]  }
0x1a: {  	s8 =	sadd.s32 $0xFFFFE003, lr  }
0x1b: {  	s9 =	sadd.s32 $0xFFFFFEF7, lr;
	s5 =	simm.s32 $0xFFFFFFFF;
	p2 =	slt.u32 s8, $0xFFFFF086  }
0x1c: {  	p1 =	slt.u32 s9, $0xF7A;
	s5 =	simm.s32 @!p2 $0x0  }
0x1d: {  	s5 =	simm.s32 @p1 $0x1;
	p0 =	seq.s32 s7, s2  }
0x1e: {  	s7 =	smul.u32 @!p0 $0xF7A, s2;
	p2 =	seq.s32 @!p0 s5, $0x0  }
0x1f: {  	s9 =	smul.u32 $0xF7A, s1;
	s8 =	simm.s32 @!p0 $0x1BF5;
	p2 =	por !p2, p0  }
0x20: {  	[sflag:s8] =	ssyncset.s32 @!p0 $0xFFFFF086;
	s6 =	sadd.s32 @!p0 s3, s7;
	s7 =	simm.s32 @!p0 $0x108  }
0x21: {  	s3 =	sadd.s32 s3, s9;
	s6 =	sadd.s32 @!p0 $0x88, s6;
	s7 =	simm.s32 @p2 $0x1082  }
0x22: {  	[simem:s7], [sflag:s8] =	dma.local @!p0 [hbm:s6], $0xF7A  }
0x23: {  	s9 =	sor.u32 $0xD0000000, s2;
	s6 =	simm.s32 $0x108;
	_ =	swait.ge @!p0 [sflag:s8], $0x0  }
0x24: {  	s3 =	sadd.s32 $0x88, s3;
	s6 =	simm.s32 @!p1 $0x1082;
	[sflag:s4] =	ssyncset.s32 $0xFFFFF086  }
0x25: {  	[simem:s6], [sflag:s4] =	dma.local [hbm:s3], $0xF7A  }
0x26: {  	[smem:$0x3F8F] =	sst s1;
	(tag) =	ssettag s2;
	_ =	strace s9  }
0x27: {  	s1 =	sld [smem:$0x3F9F]  }
0x28: {  	s2 =	sld [smem:$0x3FA0]  }
0x29: {  	s4 =	sld [smem:$0x3FA2]  }
0x2a: {  	p0 =	seq.s32 s5, $0x0;
	s5 =	sld [smem:$0x3FA3]  }
0x2b: {  	s6 =	sld [smem:$0x3FA4]  }
0x2c: {  	s7 =	sld [smem:$0x3FA5]  }
0x2d: {  	s3 =	simm.s32 $0x108;
	s8 =	sld [smem:$0x3FA6]  }
0x2e: {  	s3 =	simm.s32 @!p0 $0x1082;
	s9 =	sld [smem:$0x3FA7]  }
0x2f: {  	lr =	sadd.s32 s0, s3;
	s0 =	sld [smem:$0x3F9E]  }
0x30: {  	s3 =	sld [smem:$0x3FA1]  }
0x31: {  	[smem:$0x3FAA] =	sst s10  }
0x32: {  	s10 =	sld [smem:$0x3FA8];
	_ =	sdelay $0x3  }
0x33: {  	p0 =	seq.s32 s10, $0x1;
	s10 =	sld [smem:$0x3FAA];
	_ =	sdelay $0x3  }
0x34: {  	[smem:$0x3FAA] =	sst s10  }
0x35: {  	s10 =	sld [smem:$0x3FA9];
	_ =	sdelay $0x3  }
0x36: {  	p1 =	seq.s32 s10, $0x1;
	s10 =	sld [smem:$0x3FAA];
	_ =	sdelay $0x3  }
0x37: {  	[smem:$0x3FAA] =	sst s10  }
0x38: {  	s10 =	sld [smem:$0x3FAB]  }
0x39: {  	_ = 	snop;
	(pc) =	sbr.ind lr, $3  }
0x3a: {  	_ = 	snop  }
0x3b: {  	_ = 	snop  }
0x3c: {  	p2 =	seq.s32 s10, $0x1;
	s10 =	sld [smem:$0x3FAA]  }
0x3d: {  	_ =	shalt  }
0x3e: {  	_ =	shalt  }
0x3f: {  	_ =	shalt  }
0x40: {  	_ =	shalt  }
0x41: {  	_ =	shalt  }
0x42: {  	_ =	shalt  }
0x43: {  	_ =	shalt  }
0x44: {  	_ =	shalt  }
0x45: {  	_ =	shalt  }
0x46: {  	_ =	shalt  }
0x47: {  	_ =	shalt  }
0x48: {  	_ =	shalt  }
0x49: {  	_ =	shalt  }
0x4a: {  	_ =	shalt  }
0x4b: {  	_ =	shalt  }
0x4c: {  	_ =	shalt  }
0x4d: {  	_ =	shalt  }
0x4e: {  	_ =	shalt  }
0x4f: {  	_ =	shalt  }
0x50: {  	_ =	shalt  }
0x51: {  	_ =	shalt  }
0x52: {  	_ =	shalt  }
0x53: {  	_ =	shalt  }
0x54: {  	_ =	shalt  }
0x55: {  	_ =	shalt  }
0x56: {  	_ =	shalt  }
0x57: {  	_ =	shalt  }
0x58: {  	_ =	shalt  }
0x59: {  	_ =	shalt  }
0x5a: {  	_ =	shalt  }
0x5b: {  	_ =	shalt  }
0x5c: {  	_ =	shalt  }
0x5d: {  	_ =	shalt  }
0x5e: {  	_ =	shalt  }
0x5f: {  	_ =	shalt  }
0x60: {  	_ =	shalt  }
0x61: {  	_ =	shalt  }
0x62: {  	_ =	shalt  }
0x63: {  	_ =	shalt  }
0x64: {  	_ =	shalt  }
0x65: {  	_ =	shalt  }
0x66: {  	_ =	shalt  }
0x67: {  	_ =	shalt  }
0x68: {  	_ =	shalt  }
0x69: {  	_ =	shalt  }
0x6a: {  	_ =	shalt  }
0x6b: {  	_ =	shalt  }
0x6c: {  	_ =	shalt  }
0x6d: {  	_ =	shalt  }
0x6e: {  	_ =	shalt  }
0x6f: {  	_ =	shalt  }
0x70: {  	_ =	shalt  }
0x71: {  	_ =	shalt  }
0x72: {  	_ =	shalt  }
0x73: {  	_ =	shalt  }
0x74: {  	_ =	shalt  }
0x75: {  	_ =	shalt  }
0x76: {  	_ =	shalt  }
0x77: {  	_ =	shalt  }
0x78: {  	_ =	shalt  }
0x79: {  	_ =	shalt  }
0x7a: {  	_ =	shalt  }
0x7b: {  	_ =	shalt  }
0x7c: {  	_ =	shalt  }
0x7d: {  	_ =	shalt  }
0x7e: {  	_ =	shalt  }
0x7f: {  	_ =	shalt  }
0x80: {  	_ =	shalt  }
0x81: {  	_ =	shalt  }
0x82: {  	_ =	shalt  }
0x83: {  	_ =	shalt  }
0x84: {  	_ =	shalt  }
0x85: {  	_ =	shalt  }
0x86: {  	_ =	shalt  }
0x87: {  	_ =	shalt  }
.Lfunc_end0:
.L_simem_size_0:
called_computation.1_lowered:
.L_overlay_start_0:
0x88: {  	s2 =	sld [smem:$0x3FD9]  }
0x89: {  	s3 =	sld [smem:$0x3FFE];
	_ =	sdelay $0x1  }
0x8a: {  	s1 =	srdreg.scid  }
0x8b: {  	s0 =	sand.u32 $0x1, s1  }
0x8c: {  	s17 =	sshll.u32 s0, $0xA;
	s2 =	sadd.s32 s3, s2  }
0x8d: {  	s2 =	sadd.s32 s2, s17  }
0x8e: {  	[smem:$0x3FB6] =	sst s2  }
0x8f: {  	_ = 	snop  }
0x90: {  	(tm) =	ssettm $0x1  }
0x91: {  	s18 =	sld [smem:$0x3FFB];
	_ =	sdelay $0x3  }
0x92: {  	_ =	strace s18  }
0x93: {  	s2 =	sld [smem:$0x3FFC];
	_ =	sdelay $0x3  }
0x94: {  	_ =	strace s2  }
0x95: {  	s2 =	sld [smem:$0x3FFD];
	_ =	sdelay $0x3  }
0x96: {  	_ =	strace s2  }
0x97: {  	_ =	strace $0x8FFFFFFF  }
0x98: {  	s19 =	sld [smem:$0x3FDB];
	_ =	sdelay $0x1  }
0x99: {  	s20 =	simm.s32 $_scs_section_size  }
0x9a: {  	s4 =	simm.s32 $_size__tile_overlayer_lowered;
	s5 =	simm.s32 $_tile_overlayer_lowered  }
0x9b: {  	s6 =	simm.s32 $0x1BFF;
	s21 =	sshll.u32 s5, $0x1;
	s3 =	sadd.s32 s20, s19  }
0x9c: {  	s22 =	simm.s32 $0x0;
	s4 =	sshll.u32 s4, $0x1;
	s5 =	sadd.s32 s21, s3  }
0x9d: {  	[timem:s22], [sflag:s6] =	dma.local [hbm:s5], s4  }
0x9e: {  	_ =	swait.ge [sflag:s6], s4  }
0x9f: {  	s4 =	ssub.s32 $0x0, s4;
	[sflag:s6] =	ssyncset.done $0x0  }
0xa0: {  	[sflag:s6] =	ssyncadd.s32 s4;
	_ =	sdelay $0x1  }
0xa1: {  	s23 =	simm.s32 $0x1B8B  }
0xa2: {  	_ =	swait.ge [sflag:s23], $0x1  }
0xa3: {  	[sflag:s23] =	ssyncset.done $0x0  }
0xa4: {  	[sflag:s23] =	ssyncadd.s32 $0xFFFFFFFF  }
0xa5: {  	s4 =	sld [smem:$0x0]  }
0xa6: {  	s5 =	sand.u32 $0xFFFFFFFE, s1  }
0xa7: {  	p0 =	sne.s32 s1, s5  }
0xa8: {  	s5 =	sshll.u32 @p0 s5, $0xE  }
0xa9: {  	s5 =	sadd.s32 @p0 $0x11B8D, s5;
	s6 =	sshll.u32 @p0 s4, $0x11  }
0xaa: {  	s5 =	sor.u32 @p0 s6, s5  }
0xab: {  	[sflag:s5] =	ssyncadd.remote.s32 @p0 $0x1;
	_ =	sdelay $0x1  }
0xac: {  	s5 =	simm.s32 @p0 $0x1B8D  }
0xad: {  	_ =	swait.eq @p0 [sflag:s5], $0x1  }
0xae: {  	[sflag:s5] =	ssyncadd.s32 @p0 $0xFFFFFFFF  }
0xaf: {  	s6 =	sshll.u32 @!p0 s1, $0xE  }
0xb0: {  	s6 =	sor.u32 @!p0 $0x4000, s6;
	s5 =	simm.s32 @!p0 $0x1B8D  }
0xb1: {  	s4 =	sshll.u32 @!p0 s4, $0x11;
	s6 =	sadd.s32 @!p0 $0x11B8D, s6;
	_ =	swait.eq @!p0 [sflag:s5], $0x1  }
0xb2: {  	s4 =	sor.u32 @!p0 s4, s6;
	[sflag:s5] =	ssyncadd.s32 @!p0 $0xFFFFFFFF  }
0xb3: {  	s25 =	simm.s32 $0x1B8E;
	s24 =	sld [smem:$0x3FFE];
	[sflag:s4] =	ssyncadd.remote.s32 @!p0 $0x1  }
0xb4: {  	s26 =	simm.s32 $execute0_lowered;
	[smem:$0x3FD2] =	sst s25  }
0xb5: {  	s5 =	sshll.u32 s26, $0x1;
	_ =	strace $0x80000049;
	[dreg:$0x1] =	wrdreg $0xFFFFFFFF  }
0xb6: {  	s28 =	simm.s32 $_size_execute0_lowered;
	s3 =	sadd.s32 s3, s5;
	[dreg:$0x0] =	wrdreg $0x0  }
0xb7: {  	s5 =	sshll.u32 s28, $0x1;
	[dreg:$0x2] =	wrdreg s3  }
0xb8: {  	[dreg:$0x3] =	wrdreg s5  }
0xb9: {  	[dreg:$0x4] =	wrdreg $0xC0  }
0xba: {  	_ =	task [dreg:s22], $0x5FFFF  }
0xbb: {  	[dreg:$0x1] =	wrdreg $0xFFFFFFFF  }
0xbc: {  	[dreg:$0x0] =	wrdreg $0x60  }
0xbd: {  	[dreg:$0x2] =	wrdreg s24  }
0xbe: {  	[dreg:$0x3] =	wrdreg $0xA  }
0xbf: {  	_ =	task.clear_ibuf [dreg:s22], $0x4FFFF;
	_ =	strace $0x90000049  }
0xc0: {  	s29 =	simm.s32 $0xA;
	_ =	strace $0x8000004B  }
0xc1: {  	_ =	swait.ge [sflag:s29], $0x1  }
0xc2: {  	[sflag:s29] =	ssyncadd.s32 $0xFFFFFFFF  }
0xc3: {  	_ =	strace $0x9000004B  }
0xc4: {  	_ =	sfence  }
0xc5: {  	s30 =	sld [smem:$0x0];
	_ =	sdelay $0x2  }
0xc6: {  	s31 =	sshll.u32 s1, $0xD;
	s1 =	sshrl.u32 s1, $0x2  }
0xc7: {  	s4 =	sand.u32 $0x4000, s31;
	s1 =	sadd.s32 s1, s30  }
0xc8: {  	s0 =	sor.u32 s4, s0;
	s1 =	sshll.u32 s1, $0x11  }
0xc9: {  	s0 =	sor.u32 s1, s0  }
0xca: {  	s0 =	sadd.s32 $0x8F2B, s0  }
0xcb: {  	[sflag:s0] =	ssyncadd.remote.s32 $0x1  }
0xcc: {  	_ =	sfence.sel $0xFFFF  }
0xcd: {  	[dreg:$0x0] =	wrdreg $0xFFFFFFFF;
	(pc) =	sbr.abs _section_cstart, $3  }
0xce: {  	[dreg:$0x1] =	wrdreg $0xFFFFFFFF  }
0xcf: {  	_ =	task.clear_ibuf [dreg:s22], $0x2FFFF;
	_ =	strace $0x9FFFFFFF  }
0xd0: {  	(tm) =	ssettm $0x7FFFFFFF  }
0xd1: {  	_ =	shalt  }
tec
execute0_lowered:
.L_overlay_start_1:
0x0: {  	(tag) =	ssettag $0x1  }
0x1: {  	s0 =	rddreg [dreg:$0x0];
	s4 =	stileid.u32  }
0x2: {  	s1 =	srdreg.scid;
	s2 =	simm.s32 $0x0;
	s3 =	smul.u32 $0x32000, s4  }
0x3: {  	s1 =	sand.u32 $0x1, s1;
	[smem:$0x7FF] =	sst s2;
	s4 =	smul.u32 $0x64, s4  }
0x4: {  	s8 =	simm.s32 $0xF00;
	s9 =	smul.u32 $0x320000, s1;
	_ =	strace $0x8000004A  }
0x5: {  	s5 =	ssub.s32 $0x2, s1;
	s10 =	smul.u32 $0x320500, s1;
	s1 =	simm.s32 $0xF80  }
0x6: {  	s7 =	sshrl.u32 s5, $0x1;
	s6 =	sadd.s32 s3, s9;
	s3 =	sadd.s32 $0x6E000, s0  }
0x7: {  	s0 =	sadd.s32 s4, s0;
	s5 =	ssub.s32 s5, s7;
	s6 =	sshrl.u32 s6, $0x3  }
0x8: {  	s11 =	sadd.s32 $0x320000, s9;
	s7 =	simm.s32 $0x80;
	s4 =	sadd.s32 s3, s6  }
0x9: {  	v0 =	vmov s9;
	v2 =	vmov s10;
	s9 =	simm.s32 $0x2;
	s10 =	simm.s32 $0x0;
	s6 =	sadd.s32 $0x400, s4  }
0xa: {  	s20 =	sadd.s32 $0x800, s4;
	s21 =	sadd.s32 $0xC00, s4;
	s22 =	sadd.s32 $0x1000, s4  }
0xb: {  	s23 =	sadd.s32 $0x1400, s4;
	s24 =	sadd.s32 $0x1800, s4;
	[dreg:$0x2] =	wrdreg s6  }
0xc: {  	s25 =	sadd.s32 $0x1C00, s4;
	s26 =	sadd.s32 $0x2000, s4;
	[dreg:$0x3] =	wrdreg s20  }
0xd: {  	s13 =	sadd.s32 $0x2400, s4;
	s14 =	sadd.s32 $0x2800, s4;
	[dreg:$0x4] =	wrdreg s21  }
0xe: {  	s15 =	sadd.s32 $0x2C00, s4;
	s16 =	sadd.s32 $0x3000, s4;
	[dreg:$0x5] =	wrdreg s22  }
0xf: {  	s17 =	sadd.s32 $0x3400, s4;
	s18 =	sadd.s32 $0x3800, s4;
	[dreg:$0x6] =	wrdreg s23  }
0x10: {  	s19 =	sadd.s32 $0x3C00, s4;
	s28 =	sadd.s32 $0x5000, s4;
	[dreg:$0x7] =	wrdreg s24  }
0x11: {  	s29 =	sadd.s32 $0x5400, s4;
	s30 =	sadd.s32 $0x5800, s4;
	[dreg:$0x8] =	wrdreg s25  }
0x12: {  	s31 =	sadd.s32 $0x5C00, s4;
	[dreg:$0x9] =	wrdreg s26;
	s20 =	sadd.s32 $0x4000, s4  }
0x13: {  	s21 =	sadd.s32 $0x6D800, s0;
	s22 =	sadd.s32 $0x6D000, s0;
	s23 =	smax.u32 s5, $0x1  }
0x14: {  	s24 =	sadd.s32 $0x4400, s4;
	s25 =	sadd.s32 $0x4800, s4;
	s26 =	sadd.s32 $0x4C00, s4  }
0x15: {  	v3 =	vimm.f32 $0.0e+00;
	v4 =	vimm.f32 $1.000000000e+00;
	v1 =	vmov s11;
	s0 =	sadd.s32 $0x6000, s4;
	s5 =	simm.s32 $0x3;
	s6 =	simm.s32 $0x1  }
.LBB2_1:
0x16: {  	s11 =	simm.s32 $0x40;
	s12 =	simm.s32 $0x0  }
.LBB2_2:
0x17: {  	p0 =	sne.s32 s11, $0x7FC0;
	[tilespmem:s12+$0xF80] =	vst v3;
	s12 =	smov.u32 s11;
	s11 =	sadd.s32 $0x40, s11  }
.Ltmp0:
0x18: {  	(pc) =	sbr.rel @p0 .LBB2_2-.Ltmp0, $2  }
0x19: {  	_ =	sdelay $0x2  }
0x1a: {  	s12 =	sshra.s32 s12, $0x2  }
0x1b: {  	[tilespmem:s12+$0xF80] =	vst v3  }
0x1c: {  	[tilespmem:$0xF00] =	vst v4  }
0x1d: {  	[tilespmem:$0xF10] =	vst v4  }
0x1e: {  	[tilespmem:$0xF20] =	vst v4  }
0x1f: {  	[tilespmem:$0xF30] =	vst v4  }
0x20: {  	[tilespmem:$0xF40] =	vst v4  }
0x21: {  	[tilespmem:$0xF50] =	vst v4  }
0x22: {  	[tilespmem:$0xF60] =	vst v4  }
0x23: {  	[tilespmem:$0xF70] =	vst v4  }
0x24: {  	[hbm4b:s4+s2] =	stream.linear.scatter [tilespmem:s1], [sflag:$0x1], $0x2000, $0x38;
	[tilespmem:$0x2F80] =	vst v63  }
0x25: {  	s11 =	rddreg [dreg:$0x2]  }
0x26: {  	[hbm4b:s11+s2] =	stream.linear.scatter [tilespmem:s1], [sflag:$0x1], $0x2000, $0x38;
	[tilespmem:$0x2F80] =	vst v63  }
0x27: {  	s12 =	rddreg [dreg:$0x3]  }
0x28: {  	[hbm4b:s12+s2] =	stream.linear.scatter [tilespmem:s1], [sflag:$0x1], $0x2000, $0x38;
	[tilespmem:$0x2F80] =	vst v63  }
0x29: {  	s12 =	rddreg [dreg:$0x4]  }
0x2a: {  	[hbm4b:s12+s2] =	stream.linear.scatter [tilespmem:s1], [sflag:$0x1], $0x2000, $0x38;
	[tilespmem:$0x2F80] =	vst v63  }
0x2b: {  	s12 =	rddreg [dreg:$0x5]  }
0x2c: {  	[hbm4b:s12+s2] =	stream.linear.scatter [tilespmem:s1], [sflag:$0x1], $0x2000, $0x38;
	[tilespmem:$0x2F80] =	vst v63  }
0x2d: {  	s12 =	rddreg [dreg:$0x6]  }
0x2e: {  	[hbm4b:s12+s2] =	stream.linear.scatter [tilespmem:s1], [sflag:$0x1], $0x2000, $0x38;
	[tilespmem:$0x2F80] =	vst v63  }
0x2f: {  	s12 =	rddreg [dreg:$0x7]  }
0x30: {  	[hbm4b:s12+s2] =	stream.linear.scatter [tilespmem:s1], [sflag:$0x1], $0x2000, $0x38;
	[tilespmem:$0x2F80] =	vst v63  }
0x31: {  	s12 =	rddreg [dreg:$0x8]  }
0x32: {  	[hbm4b:s12+s2] =	stream.linear.scatter [tilespmem:s1], [sflag:$0x1], $0x2000, $0x38;
	[tilespmem:$0x2F80] =	vst v63  }
0x33: {  	s12 =	rddreg [dreg:$0x9]  }
0x34: {  	[hbm4b:s12+s2] =	stream.linear.scatter [tilespmem:s1], [sflag:$0x1], $0x2000, $0x38;
	[tilespmem:$0x2F80] =	vst v63  }
0x35: {  	_ = 	snop  }
0x36: {  	[hbm4b:s13+s2] =	stream.linear.scatter [tilespmem:s1], [sflag:$0x1], $0x2000, $0x38;
	[tilespmem:$0x2F80] =	vst v63  }
0x37: {  	_ = 	snop  }
0x38: {  	[hbm4b:s14+s2] =	stream.linear.scatter [tilespmem:s1], [sflag:$0x1], $0x2000, $0x38;
	[tilespmem:$0x2F80] =	vst v63  }
0x39: {  	_ = 	snop  }
0x3a: {  	[hbm4b:s15+s2] =	stream.linear.scatter [tilespmem:s1], [sflag:$0x1], $0x2000, $0x38;
	[tilespmem:$0x2F80] =	vst v63  }
0x3b: {  	_ = 	snop  }
0x3c: {  	[hbm4b:s16+s2] =	stream.linear.scatter [tilespmem:s1], [sflag:$0x1], $0x2000, $0x38;
	[tilespmem:$0x2F80] =	vst v63  }
0x3d: {  	_ = 	snop  }
0x3e: {  	[hbm4b:s17+s2] =	stream.linear.scatter [tilespmem:s1], [sflag:$0x1], $0x2000, $0x38;
	[tilespmem:$0x2F80] =	vst v63  }
0x3f: {  	_ = 	snop  }
0x40: {  	[hbm4b:s18+s2] =	stream.linear.scatter [tilespmem:s1], [sflag:$0x1], $0x2000, $0x38;
	[tilespmem:$0x2F80] =	vst v63  }
0x41: {  	_ = 	snop  }
0x42: {  	[hbm4b:s19+s2] =	stream.linear.scatter [tilespmem:s1], [sflag:$0x1], $0x2000, $0x38;
	[tilespmem:$0x2F80] =	vst v63  }
0x43: {  	_ = 	snop  }
0x44: {  	[hbm4b:s20+s2] =	stream.linear.scatter [tilespmem:s1], [sflag:$0x1], $0x2000, $0x38;
	[tilespmem:$0x2F80] =	vst v63  }
0x45: {  	_ = 	snop  }
0x46: {  	[hbm4b:s24+s2] =	stream.linear.scatter [tilespmem:s1], [sflag:$0x1], $0x2000, $0x38;
	[tilespmem:$0x2F80] =	vst v63  }
0x47: {  	_ = 	snop  }
0x48: {  	[hbm4b:s25+s2] =	stream.linear.scatter [tilespmem:s1], [sflag:$0x1], $0x2000, $0x38;
	[tilespmem:$0x2F80] =	vst v63  }
0x49: {  	_ = 	snop  }
0x4a: {  	[hbm4b:s26+s2] =	stream.linear.scatter [tilespmem:s1], [sflag:$0x1], $0x2000, $0x38;
	[tilespmem:$0x2F80] =	vst v63  }
0x4b: {  	_ = 	snop  }
0x4c: {  	[hbm4b:s28+s2] =	stream.linear.scatter [tilespmem:s1], [sflag:$0x1], $0x2000, $0x38;
	[tilespmem:$0x2F80] =	vst v63  }
0x4d: {  	_ = 	snop  }
0x4e: {  	[hbm4b:s29+s2] =	stream.linear.scatter [tilespmem:s1], [sflag:$0x1], $0x2000, $0x38;
	[tilespmem:$0x2F80] =	vst v63  }
0x4f: {  	_ = 	snop  }
0x50: {  	[hbm4b:s30+s2] =	stream.linear.scatter [tilespmem:s1], [sflag:$0x1], $0x2000, $0x38;
	[tilespmem:$0x2F80] =	vst v63  }
0x51: {  	_ = 	snop  }
0x52: {  	[hbm4b:s31+s2] =	stream.linear.scatter [tilespmem:s1], [sflag:$0x1], $0x2000, $0x38;
	[tilespmem:$0x2F80] =	vst v63  }
0x53: {  	_ = 	snop  }
0x54: {  	[hbm4b:s0+s2] =	stream.linear.scatter [tilespmem:s1], [sflag:$0x1], $0x2000, $0x38;
	[tilespmem:$0x2F80] =	vst v63  }
0x55: {  	_ = 	snop  }
0x56: {  	[tilespmem:s2], [sflag:$0x3] =	stream.linear.gather [hbm4b:s21+s2], $0x320, $0x38;
	[tilespmem:$0x2F80] =	vst v63  }
0x57: {  	_ =	swait.ge [sflag:s5], $0x320  }
0x58: {  	[sflag:s5] =	ssyncset.done $0x0  }
0x59: {  	s12 =	simm.s32 $0x380;
	[sflag:s5] =	ssyncadd.s32 $0xFFFFFCE0  }
0x5a: {  	[tilespmem:s12], [sflag:$0x3] =	stream.linear.gather [hbm4b:s22+s2], $0x320, $0x38;
	[tilespmem:$0x2F80] =	vst v63  }
0x5b: {  	_ =	swait.ge [sflag:s5], $0x320  }
0x5c: {  	[sflag:s5] =	ssyncset.done $0x0  }
0x5d: {  	[sflag:s5] =	ssyncadd.s32 $0xFFFFFCE0  }
0x5e: {  	v5 =	vld [tilespmem:$0x0]  }
0x5f: {  	v6 =	vld [tilespmem:$0x380]  }
0x60: {  	v7 =	vld [tilespmem:$0x10]  }
0x61: {  	v9 =	vld [tilespmem:$0x390]  }
0x62: {  	v48 =	vld [tilespmem:$0x20]  }
0x63: {  	v11 =	vld [tilespmem:$0x3A0]  }
0x64: {  	v50 =	vld [tilespmem:$0x30]  }
0x65: {  	v13 =	vld [tilespmem:$0x3B0]  }
0x66: {  	v53 =	vld [tilespmem:$0x40]  }
0x67: {  	v16 =	vld [tilespmem:$0x3C0]  }
0x68: {  	v56 =	vld [tilespmem:$0x50]  }
0x69: {  	v18 =	vld [tilespmem:$0x3D0]  }
0x6a: {  	v60 =	vld [tilespmem:$0x60]  }
0x6b: {  	v20 =	vld [tilespmem:$0x3E0]  }
0x6c: {  	v63 =	vld [tilespmem:$0x70]  }
0x6d: {  	v29 =	vld [tilespmem:$0x3F0]  }
0x6e: {  	v30 =	vld [tilespmem:$0x80]  }
0x6f: {  	v23 =	vld [tilespmem:$0x400]  }
0x70: {  	v32 =	vld [tilespmem:$0x90]  }
0x71: {  	v35 =	vld [tilespmem:$0xA0];
	v8 =	vmul.u32 $0xA00, v5;
	v10 =	vmul.u32 $0xA00, v6;
	v49 =	vmul.u32 $0xA00, v7  }
0x72: {  	v38 =	vld [tilespmem:$0xB0];
	v12 =	vmul.u32 $0xA00, v9;
	v51 =	vmul.u32 $0xA00, v48;
	v14 =	vmul.u32 $0xA00, v11  }
0x73: {  	v42 =	vld [tilespmem:$0xC0];
	v15 =	vmul.u32 $0xA00, v50;
	v17 =	vmul.u32 $0xA00, v13;
	v57 =	vmul.u32 $0xA00, v53  }
0x74: {  	v19 =	vmul.u32 $0xA00, v16;
	v61 =	vmul.u32 $0xA00, v56;
	v21 =	vmul.u32 $0xA00, v18  }
0x75: {  	v28 =	vmul.u32 $0xA00, v60;
	v22 =	vmul.u32 $0xA00, v20;
	v31 =	vmul.u32 $0xA00, v63  }
0x76: {  	v24 =	vmul.u32 $0xA00, v29;
	v33 =	vmul.u32 $0xA00, v30;
	v26 =	vmul.u32 $0xA00, v23  }
0x77: {  	v27 =	vmul.u32 $0xA00, v32;
	v39 =	vmul.u32 $0xA00, v35;
	v43 =	vmul.u32 $0xA00, v38  }
0x78: {  	v46 =	vmul.u32 $0xA00, v42;
	v6 =	vadd.s32 v6, v8;
	v5 =	vadd.s32 v5, v10  }
0x79: {  	v25 =	vld [tilespmem:$0x410];
	v8 =	vadd.s32 v9, v49;
	v7 =	vadd.s32 v7, v12;
	v9 =	vadd.s32 v11, v51  }
0x7a: {  	v45 =	vld [tilespmem:$0xD0];
	v52 =	vadd.s32 v48, v14;
	v54 =	vadd.s32 v13, v15;
	v55 =	vadd.s32 v50, v17  }
0x7b: {  	v58 =	vadd.s32 v16, v57;
	v59 =	vadd.s32 v53, v19;
	v62 =	vadd.s32 v18, v61  }
0x7c: {  	v15 =	vadd.s32 v56, v21;
	v18 =	vadd.s32 v20, v28;
	v17 =	vadd.s32 v60, v22  }
0x7d: {  	v20 =	vadd.s32 v29, v31;
	v19 =	vadd.s32 v63, v24;
	v21 =	vadd.s32 v23, v33  }
0x7e: {  	v34 =	vadd.s32 v30, v26;
	v29 =	vmul.u32 $0xA00, v25;
	v36 =	vadd.s32 v25, v27  }
0x7f: {  	v49 =	vmul.u32 $0xA00, v45;
	vm0 =	vge.s32 v6, v0;
	vm1 =	vlt.s32 v6, v1  }
0x80: {  	vm2 =	vge.s32 v5, v0;
	vm3 =	vlt.s32 v5, v1;
	vm9 =	vge.s32 v8, v0  }
0x81: {  	vm10 =	vlt.s32 v8, v1;
	vm11 =	vge.s32 v7, v0;
	vm12 =	vlt.s32 v7, v1  }
0x82: {  	vm14 =	vge.s32 v9, v0;
	vm15 =	vlt.s32 v9, v1;
	vm6 =	vge.s32 v52, v0  }
0x83: {  	vm7 =	vlt.s32 v52, v1;
	vm0 =	vmand vm0, vm1;
	vm8 =	vmand vm2, vm3  }
0x84: {  	vm13 =	vmand vm11, vm12;
	vm11 =	vge.s32 v55, v0;
	vm12 =	vlt.s32 v55, v1  }
0x85: {  	v37 =	vadd.s32 v32, v29;
	v6 =	vsel vm0, v6, v2;
	v5 =	vsel vm8, v5, v2  }
0x86: {  	vm0 =	vmand vm9, vm10;
	v7 =	vsel vm13, v7, v2;
	vm8 =	vmand vm6, vm7  }
0x87: {  	vm9 =	vge.s32 v54, v0;
	vm10 =	vlt.s32 v54, v1;
	vm13 =	vmand vm11, vm12  }
0x88: {  	v28 =	vld [tilespmem:$0x420];
	vm6 =	vge.s32 v59, v0;
	vm7 =	vlt.s32 v59, v1;
	vm11 =	vge.s32 v15, v0  }
0x89: {  	v30 =	vld [tilespmem:$0x430];
	vm12 =	vlt.s32 v15, v1;
	v8 =	vsel vm0, v8, v2;
	vm0 =	vmand vm14, vm15  }
0x8a: {  	v48 =	vld [tilespmem:$0xE0];
	v11 =	vsel vm13, v55, v2;
	vm14 =	vge.s32 v58, v0;
	vm15 =	vlt.s32 v58, v1  }
0x8b: {  	v50 =	vld [tilespmem:$0xF0];
	vm13 =	vmand vm11, vm12;
	vm11 =	vge.s32 v19, v0;
	vm12 =	vlt.s32 v19, v1  }
0x8c: {  	v53 =	vld [tilespmem:$0x100];
	v10 =	vsel vm0, v9, v2;
	v9 =	vsel vm8, v52, v2;
	vm0 =	vmand vm9, vm10  }
0x8d: {  	v56 =	vld [tilespmem:$0x110];
	vm8 =	vmand vm6, vm7;
	vm9 =	vge.s32 v62, v0;
	vm10 =	vlt.s32 v62, v1  }
0x8e: {  	v15 =	vsel vm13, v15, v2;
	vm6 =	vge.s32 v17, v0;
	vm7 =	vlt.s32 v17, v1  }
0x8f: {  	vm13 =	vmand vm11, vm12;
	vm11 =	vge.s32 v37, v0;
	vm12 =	vlt.s32 v37, v1  }
0x90: {  	v31 =	vmul.u32 $0xA00, v28;
	v40 =	vadd.s32 v28, v39;
	v33 =	vmul.u32 $0xA00, v30  }
0x91: {  	v44 =	vadd.s32 v30, v43;
	v51 =	vmul.u32 $0xA00, v48;
	v39 =	vmul.u32 $0xA00, v50  }
0x92: {  	v57 =	vmul.u32 $0xA00, v53;
	v61 =	vmul.u32 $0xA00, v56;
	v12 =	vsel vm0, v54, v2  }
0x93: {  	vm0 =	vmand vm14, vm15;
	v13 =	vsel vm8, v59, v2;
	vm14 =	vge.s32 v18, v0  }
0x94: {  	v32 =	vld [tilespmem:$0x440];
	vm15 =	vlt.s32 v18, v1;
	vm8 =	vmand vm6, vm7;
	v19 =	vsel vm13, v19, v2  }
0x95: {  	vm6 =	vge.s32 v34, v0;
	vm7 =	vlt.s32 v34, v1;
	vm13 =	vmand vm11, vm12  }
0x96: {  	v14 =	vsel vm0, v58, v2;
	vm0 =	vmand vm9, vm10;
	v17 =	vsel vm8, v17, v2  }
0x97: {  	vm9 =	vge.s32 v20, v0;
	vm10 =	vlt.s32 v20, v1;
	vm8 =	vmand vm6, vm7  }
0x98: {  	v23 =	vsel vm13, v37, v2;
	v41 =	vadd.s32 v35, v31;
	v27 =	vadd.s32 v38, v33  }
0x99: {  	v30 =	vadd.s32 v32, v46;
	v16 =	vsel vm0, v62, v2;
	vm0 =	vmand vm14, vm15  }
0x9a: {  	vm14 =	vge.s32 v21, v0;
	vm15 =	vlt.s32 v21, v1;
	vm6 =	vge.s32 v41, v0  }
0x9b: {  	vm7 =	vlt.s32 v41, v1;
	vm11 =	vge.s32 v27, v0;
	vm12 =	vlt.s32 v27, v1  }
0x9c: {  	v47 =	vld [tilespmem:$0x450];
	v18 =	vsel vm0, v18, v2;
	vm0 =	vmand vm9, vm10;
	vm9 =	vge.s32 v36, v0  }
0x9d: {  	vm10 =	vlt.s32 v36, v1;
	vm13 =	vmand vm11, vm12;
	v20 =	vsel vm0, v20, v2  }
0x9e: {  	v35 =	vld [tilespmem:$0x460];
	vm0 =	vmand vm14, vm15;
	vm14 =	vge.s32 v40, v0;
	vm15 =	vlt.s32 v40, v1  }
0x9f: {  	v37 =	vld [tilespmem:$0x470];
	v27 =	vsel vm13, v27, v2;
	v22 =	vsel vm0, v21, v2;
	v21 =	vsel vm8, v34, v2  }
0xa0: {  	vm0 =	vmand vm9, vm10;
	vm8 =	vmand vm6, vm7;
	vm9 =	vge.s32 v44, v0  }
0xa1: {  	vm10 =	vlt.s32 v44, v1;
	v34 =	vmul.u32 $0xA00, v32;
	v32 =	vadd.s32 v47, v49  }
0xa2: {  	v24 =	vsel vm0, v36, v2;
	vm0 =	vmand vm14, vm15;
	v25 =	vsel vm8, v41, v2  }
0xa3: {  	vm14 =	vge.s32 v30, v0;
	vm15 =	vlt.s32 v30, v1;
	v36 =	vmul.u32 $0xA00, v47  }
0xa4: {  	v38 =	vmul.u32 $0xA00, v35;
	v33 =	vadd.s32 v35, v51;
	v41 =	vmul.u32 $0xA00, v37  }
0xa5: {  	v54 =	vadd.s32 v37, v39;
	v26 =	vsel vm0, v40, v2;
	vm0 =	vmand vm9, vm10  }
0xa6: {  	v29 =	vadd.s32 v42, v34;
	vm9 =	vge.s32 v32, v0;
	vm10 =	vlt.s32 v32, v1  }
0xa7: {  	v28 =	vsel vm0, v44, v2;
	vm6 =	vge.s32 v29, v0;
	vm7 =	vlt.s32 v29, v1  }
0xa8: {  	vm0 =	vmand vm14, vm15;
	v31 =	vadd.s32 v45, v36;
	v52 =	vadd.s32 v48, v38  }
0xa9: {  	vm14 =	vge.s32 v33, v0;
	vm15 =	vlt.s32 v33, v1;
	v55 =	vadd.s32 v50, v41  }
0xaa: {  	v60 =	vld [tilespmem:$0x120];
	vm8 =	vmand vm6, vm7;
	v30 =	vsel vm0, v30, v2;
	vm11 =	vge.s32 v31, v0  }
0xab: {  	v47 =	vld [tilespmem:$0x4C0];
	vm12 =	vlt.s32 v31, v1;
	vm0 =	vmand vm9, vm10;
	vm6 =	vge.s32 v52, v0  }
0xac: {  	v40 =	vld [tilespmem:$0x480];
	vm7 =	vlt.s32 v52, v1;
	vm9 =	vge.s32 v54, v0;
	vm10 =	vlt.s32 v54, v1  }
0xad: {  	v63 =	vld [tilespmem:$0x130];
	v29 =	vsel vm8, v29, v2;
	vm13 =	vmand vm11, vm12;
	v32 =	vsel vm0, v32, v2  }
0xae: {  	v42 =	vld [tilespmem:$0x490];
	vm0 =	vmand vm14, vm15;
	vm8 =	vmand vm6, vm7;
	vm11 =	vge.s32 v55, v0  }
0xaf: {  	vm12 =	vlt.s32 v55, v1;
	v31 =	vsel vm13, v31, v2;
	v34 =	vsel vm0, v33, v2  }
0xb0: {  	v44 =	vld [tilespmem:$0x4A0];
	v33 =	vsel vm8, v52, v2;
	vm0 =	vmand vm9, vm10;
	vm13 =	vmand vm11, vm12  }
0xb1: {  	v52 =	vmul.u32 $0xA00, v60;
	v50 =	vmul.u32 $0xA00, v47;
	v43 =	vmul.u32 $0xA00, v40  }
0xb2: {  	v36 =	vsel vm0, v54, v2;
	v35 =	vsel vm13, v55, v2;
	v58 =	vadd.s32 v40, v57  }
0xb3: {  	v45 =	vmul.u32 $0xA00, v42;
	v62 =	vadd.s32 v42, v61;
	v55 =	vmul.u32 $0xA00, v63  }
0xb4: {  	vm14 =	vge.s32 v58, v0;
	vm15 =	vlt.s32 v58, v1;
	vm9 =	vge.s32 v62, v0  }
0xb5: {  	vm10 =	vlt.s32 v62, v1;
	v46 =	vmul.u32 $0xA00, v44;
	v42 =	vadd.s32 v44, v52  }
0xb6: {  	v59 =	vadd.s32 v53, v43;
	vm0 =	vmand vm14, vm15;
	v39 =	vadd.s32 v56, v45  }
0xb7: {  	vm14 =	vge.s32 v42, v0;
	vm15 =	vlt.s32 v42, v1;
	vm6 =	vge.s32 v59, v0  }
0xb8: {  	v54 =	vld [tilespmem:$0x140];
	vm7 =	vlt.s32 v59, v1;
	v38 =	vsel vm0, v58, v2;
	vm11 =	vge.s32 v39, v0  }
0xb9: {  	v49 =	vld [tilespmem:$0x4D0];
	vm12 =	vlt.s32 v39, v1;
	vm0 =	vmand vm9, vm10;
	v41 =	vadd.s32 v60, v46  }
0xba: {  	v53 =	vld [tilespmem:$0x4B0];
	vm8 =	vmand vm6, vm7;
	vm13 =	vmand vm11, vm12;
	v40 =	vsel vm0, v62, v2  }
0xbb: {  	v56 =	vld [tilespmem:$0x150];
	vm6 =	vge.s32 v41, v0;
	vm7 =	vlt.s32 v41, v1;
	vm0 =	vmand vm14, vm15  }
0xbc: {  	v52 =	vld [tilespmem:$0x4E0];
	v37 =	vsel vm8, v59, v2;
	v39 =	vsel vm13, v39, v2;
	vm8 =	vmand vm6, vm7  }
0xbd: {  	v42 =	vsel vm0, v42, v2;
	v57 =	vmul.u32 $0xA00, v54;
	v58 =	vadd.s32 v54, v50  }
0xbe: {  	v41 =	vsel vm8, v41, v2;
	vm6 =	vge.s32 v58, v0;
	vm7 =	vlt.s32 v58, v1  }
0xbf: {  	v48 =	vmul.u32 $0xA00, v53;
	v44 =	vadd.s32 v53, v55;
	v45 =	vadd.s32 v47, v57  }
0xc0: {  	v59 =	vld [tilespmem:$0x160];
	v51 =	vmul.u32 $0xA00, v56;
	vm8 =	vmand vm6, vm7;
	v53 =	vmul.u32 $0xA00, v49  }
0xc1: {  	v54 =	vld [tilespmem:$0x4F0];
	v55 =	vmul.u32 $0xA00, v52;
	vm9 =	vge.s32 v44, v0;
	vm10 =	vlt.s32 v44, v1  }
0xc2: {  	vm14 =	vge.s32 v45, v0;
	vm15 =	vlt.s32 v45, v1;
	v43 =	vadd.s32 v63, v48  }
0xc3: {  	[tilespmem:$0x800] =	vst v38;
	v38 =	vld [tilespmem:$0x250];
	vm0 =	vmand vm9, vm10;
	v60 =	vadd.s32 v49, v51;
	v61 =	vadd.s32 v56, v53  }
0xc4: {  	vm11 =	vge.s32 v43, v0;
	vm12 =	vlt.s32 v43, v1;
	v44 =	vsel vm0, v44, v2  }
0xc5: {  	[tilespmem:$0x810] =	vst v40;
	v40 =	vld [tilespmem:$0x5D0];
	vm0 =	vmand vm14, vm15;
	vm9 =	vge.s32 v60, v0;
	vm10 =	vlt.s32 v60, v1  }
0xc6: {  	[tilespmem:$0x820] =	vst v42;
	v42 =	vld [tilespmem:$0x260];
	v62 =	vmul.u32 $0xA00, v59;
	v57 =	vmul.u32 $0xA00, v54;
	vm13 =	vmand vm11, vm12  }
0xc7: {  	v51 =	vld [tilespmem:$0x170];
	v46 =	vsel vm0, v45, v2;
	v45 =	vsel vm8, v58, v2;
	vm11 =	vge.s32 v61, v0  }
0xc8: {  	vm12 =	vlt.s32 v61, v1;
	vm0 =	vmand vm9, vm10;
	[tilespmem:$0x830] =	vst v44;
	v44 =	vmul.u32 $0xA00, v38  }
0xc9: {  	v43 =	vsel vm13, v43, v2;
	vm13 =	vmand vm11, vm12;
	v48 =	vsel vm0, v60, v2  }
0xca: {  	v63 =	vadd.s32 v52, v62;
	v52 =	vld [tilespmem:$0x180];
	v60 =	vadd.s32 v59, v55;
	[tilespmem:$0xE80] =	vst v45;
	v45 =	vmul.u32 $0xA00, v40  }
0xcb: {  	v55 =	vld [tilespmem:$0x500];
	[tilespmem:$0x840] =	vst v46;
	v46 =	vmul.u32 $0xA00, v42;
	vm14 =	vge.s32 v63, v0;
	vm15 =	vlt.s32 v63, v1  }
0xcc: {  	vm6 =	vge.s32 v60, v0;
	vm7 =	vlt.s32 v60, v1;
	v56 =	vmul.u32 $0xA00, v51  }
0xcd: {  	v47 =	vsel vm13, v61, v2;
	[tilespmem:$0xE70] =	vst v43;
	v43 =	vld [tilespmem:$0x5E0];
	vm0 =	vmand vm14, vm15;
	vm8 =	vmand vm6, vm7  }
0xce: {  	[tilespmem:$0x7C0] =	vst v30;
	v30 =	vadd.s32 v38, v45;
	v50 =	vsel vm0, v63, v2;
	v61 =	vadd.s32 v54, v56  }
0xcf: {  	v49 =	vsel vm8, v60, v2;
	v63 =	vld [tilespmem:$0x540];
	v56 =	vadd.s32 v51, v57;
	vm9 =	vge.s32 v61, v0  }
0xd0: {  	[tilespmem:$0xE00] =	vst v29;
	v54 =	vld [tilespmem:$0x190];
	vm10 =	vlt.s32 v61, v1;
	v58 =	vmul.u32 $0xA00, v52;
	v59 =	vmul.u32 $0xA00, v55  }
0xd1: {  	[tilespmem:$0xE20] =	vst v33;
	v57 =	vld [tilespmem:$0x510];
	vm11 =	vge.s32 v56, v0;
	vm12 =	vlt.s32 v56, v1;
	vm0 =	vmand vm9, vm10  }
0xd2: {  	[tilespmem:$0xEA0] =	vst v49;
	v49 =	vld [tilespmem:$0x280];
	v33 =	vadd.s32 v43, v46;
	v29 =	vmul.u32 $0xA00, v43;
	v51 =	vsel vm0, v61, v2  }
0xd3: {  	[tilespmem:$0x850] =	vst v48;
	v48 =	vld [tilespmem:$0x5F0];
	vm0 =	vmand vm11, vm12;
	v55 =	vadd.s32 v55, v58;
	v52 =	vadd.s32 v52, v59  }
0xd4: {  	v60 =	vld [tilespmem:$0x1A0];
	vm13 =	vge.s32 v55, v0;
	vm14 =	vlt.s32 v55, v1;
	vm15 =	vge.s32 v52, v0  }
0xd5: {  	[tilespmem:$0x720] =	vst v10;
	v58 =	vld [tilespmem:$0x520];
	vm4 =	vlt.s32 v52, v1;
	v53 =	vsel vm0, v56, v2;
	v10 =	vmul.u32 $0xA00, v63  }
0xd6: {  	v29 =	vadd.s32 v42, v29;
	v59 =	vmul.u32 $0xA00, v54;
	v61 =	vmul.u32 $0xA00, v57  }
0xd7: {  	v42 =	vld [tilespmem:$0x650];
	vm6 =	vmand vm13, vm14;
	vm7 =	vmand vm15, vm4;
	[tilespmem:$0xEB0] =	vst v53;
	v53 =	vmul.u32 $0xA00, v49  }
0xd8: {  	[tilespmem:$0xE90] =	vst v47;
	v52 =	vsel vm7, v52, v2;
	v56 =	vadd.s32 v57, v59;
	v57 =	vadd.s32 v54, v61  }
0xd9: {  	v47 =	vld [tilespmem:$0x270];
	v59 =	vmul.u32 $0xA00, v60;
	v54 =	vsel vm6, v55, v2;
	[tilespmem:$0xEC0] =	vst v52;
	v52 =	vmul.u32 $0xA00, v48  }
0xda: {  	[tilespmem:$0x700] =	vst v6;
	v43 =	vld [tilespmem:$0x2E0];
	vm8 =	vge.s32 v56, v0;
	vm9 =	vlt.s32 v56, v1;
	v6 =	vmul.u32 $0xA00, v58  }
0xdb: {  	v61 =	vld [tilespmem:$0x1B0];
	vm10 =	vge.s32 v57, v0;
	vm11 =	vlt.s32 v57, v1;
	v55 =	vadd.s32 v58, v59  }
0xdc: {  	[tilespmem:$0x870] =	vst v51;
	v51 =	vld [tilespmem:$0x600];
	vm0 =	vmand vm8, vm9;
	vm12 =	vmand vm10, vm11;
	v46 =	vmul.u32 $0xA00, v42  }
0xdd: {  	[tilespmem:$0xD40] =	vst v5;
	v58 =	vld [tilespmem:$0x530];
	v5 =	vsel vm0, v56, v2;
	vm13 =	vge.s32 v55, v0;
	vm14 =	vlt.s32 v55, v1  }
0xde: {  	[tilespmem:$0xD50] =	vst v7;
	v62 =	vadd.s32 v60, v6;
	v56 =	vld [tilespmem:$0x1C0];
	v6 =	vsel vm12, v57, v2;
	vm15 =	vmand vm13, vm14  }
0xdf: {  	vm5 =	vge.s32 v62, v0;
	vm6 =	vlt.s32 v62, v1;
	[tilespmem:$0xED0] =	vst v6;
	v6 =	vmul.u32 $0xA00, v47  }
0xe0: {  	[tilespmem:$0xD60] =	vst v9;
	v57 =	vld [tilespmem:$0x1D0];
	v7 =	vmul.u32 $0xA00, v61;
	vm1 =	vmand vm5, vm6;
	v9 =	vsel vm15, v55, v2  }
0xe1: {  	[tilespmem:$0x710] =	vst v8;
	v8 =	vsel vm1, v62, v2;
	v6 =	vadd.s32 v48, v6;
	v48 =	vmul.u32 $0xA00, v43  }
0xe2: {  	v7 =	vadd.s32 v58, v7;
	v59 =	vmul.u32 $0xA00, v58;
	[tilespmem:$0xEE0] =	vst v8;
	v8 =	vadd.s32 v51, v53  }
0xe3: {  	[tilespmem:$0x750] =	vst v16;
	v16 =	vld [tilespmem:$0x1E0];
	vm7 =	vge.s32 v7, v0;
	vm8 =	vlt.s32 v7, v1;
	v10 =	vadd.s32 v56, v10  }
0xe4: {  	[tilespmem:$0xD70] =	vst v11;
	v60 =	vadd.s32 v61, v59;
	vm2 =	vmand vm7, vm8;
	v61 =	vmul.u32 $0xA00, v56  }
0xe5: {  	[tilespmem:$0xD40] =	vst v2;
	v55 =	vld [tilespmem:$0x560];
	vm14 =	vge.s32 v10, v0;
	vm15 =	vlt.s32 v10, v1;
	v56 =	vmul.u32 $0xA00, v57  }
0xe6: {  	[tilespmem:$0xD50] =	vst v2;
	v45 =	vld [tilespmem:$0x660];
	vm9 =	vge.s32 v60, v0;
	vm10 =	vlt.s32 v60, v1;
	v62 =	vadd.s32 v63, v61  }
0xe7: {  	[tilespmem:$0xD90] =	vst v15;
	vm6 =	vmand vm14, vm15;
	v63 =	vld [tilespmem:$0x550];
	vm0 =	vmand vm9, vm10;
	vm11 =	vge.s32 v62, v0  }
0xe8: {  	[tilespmem:$0x730] =	vst v12;
	v59 =	vld [tilespmem:$0x1F0];
	vm12 =	vlt.s32 v62, v1;
	v12 =	vsel vm0, v60, v2;
	v60 =	vmul.u32 $0xA00, v16  }
0xe9: {  	[tilespmem:$0xD70] =	vst v2;
	v7 =	vsel vm2, v7, v2;
	v10 =	vsel vm6, v10, v2;
	vm13 =	vmand vm11, vm12  }
0xea: {  	[tilespmem:$0x8B0] =	vst v7;
	v7 =	vadd.s32 v47, v52;
	v11 =	vsel vm13, v62, v2;
	v15 =	vadd.s32 v55, v60  }
0xeb: {  	[tilespmem:$0x740] =	vst v14;
	v61 =	vld [tilespmem:$0x570];
	v62 =	vmul.u32 $0xA00, v55;
	vm12 =	vge.s32 v15, v0;
	vm13 =	vlt.s32 v15, v1  }
0xec: {  	[tilespmem:$0x8C0] =	vst v11;
	v11 =	vmul.u32 $0xA00, v45;
	v58 =	vadd.s32 v63, v56;
	v14 =	vmul.u32 $0xA00, v63  }
0xed: {  	[tilespmem:$0x770] =	vst v20;
	v20 =	vadd.s32 v16, v62;
	v56 =	vmul.u32 $0xA00, v59;
	vm6 =	vmand vm12, vm13  }
0xee: {  	[tilespmem:$0xD80] =	vst v13;
	v55 =	vld [tilespmem:$0x580];
	vm7 =	vge.s32 v58, v0;
	vm8 =	vlt.s32 v58, v1;
	vm14 =	vge.s32 v20, v0  }
0xef: {  	[tilespmem:$0xDB0] =	vst v19;
	vm15 =	vlt.s32 v20, v1;
	v16 =	vsel vm6, v15, v2;
	v11 =	vadd.s32 v43, v11  }
0xf0: {  	[tilespmem:$0xD60] =	vst v2;
	v63 =	vld [tilespmem:$0x200];
	v14 =	vadd.s32 v57, v14;
	vm0 =	vmand vm7, vm8;
	v57 =	vmul.u32 $0xA00, v61  }
0xf1: {  	[tilespmem:$0xD90] =	vst v2;
	vm7 =	vmand vm14, vm15;
	v19 =	vadd.s32 v61, v56;
	vm9 =	vge.s32 v14, v0  }
0xf2: {  	[tilespmem:$0xDA0] =	vst v17;
	vm10 =	vlt.s32 v14, v1;
	v13 =	vsel vm0, v58, v2;
	v15 =	vsel vm7, v20, v2  }
0xf3: {  	[tilespmem:$0xDC0] =	vst v21;
	v61 =	vld [tilespmem:$0x590];
	vm8 =	vge.s32 v19, v0;
	v21 =	vmul.u32 $0xA00, v55;
	vm11 =	vmand vm9, vm10  }
0xf4: {  	[tilespmem:$0x780] =	vst v22;
	v22 =	vadd.s32 v59, v57;
	vm9 =	vlt.s32 v19, v1;
	v14 =	vsel vm11, v14, v2  }
0xf5: {  	[tilespmem:$0xDD0] =	vst v23;
	v59 =	vld [tilespmem:$0x210];
	v58 =	vmul.u32 $0xA00, v63;
	vm0 =	vmand vm8, vm9;
	vm10 =	vge.s32 v22, v0  }
0xf6: {  	[tilespmem:$0xD80] =	vst v2;
	vm11 =	vlt.s32 v22, v1;
	v62 =	vadd.s32 v63, v21;
	v63 =	vld [tilespmem:$0x220];
	v17 =	vsel vm0, v19, v2  }
0xf7: {  	[tilespmem:$0xDB0] =	vst v2;
	vm12 =	vmand vm10, vm11;
	vm5 =	vge.s32 v62, v0;
	vm6 =	vlt.s32 v62, v1  }
0xf8: {  	[tilespmem:$0x760] =	vst v18;
	v60 =	vadd.s32 v55, v58;
	v18 =	vsel vm12, v22, v2;
	v57 =	vmul.u32 $0xA00, v61  }
0xf9: {  	[tilespmem:$0xDA0] =	vst v2;
	v55 =	vld [tilespmem:$0x5A0];
	vm1 =	vmand vm5, vm6;
	vm5 =	vge.s32 v29, v0;
	vm13 =	vge.s32 v60, v0  }
0xfa: {  	[tilespmem:$0x7D0] =	vst v32;
	vm14 =	vlt.s32 v60, v1;
	v20 =	vsel vm1, v62, v2;
	v32 =	vmul.u32 $0xA00, v59  }
0xfb: {  	[tilespmem:$0xDD0] =	vst v2;
	v62 =	vld [tilespmem:$0x240];
	vm15 =	vmand vm13, vm14;
	v23 =	vadd.s32 v59, v57;
	v58 =	vmul.u32 $0xA00, v63  }
0xfc: {  	[tilespmem:$0xDF0] =	vst v27;
	v21 =	vsel vm15, v60, v2;
	vm9 =	vge.s32 v23, v0;
	vm10 =	vlt.s32 v23, v1  }
0xfd: {  	[tilespmem:$0xDF0] =	vst v2;
	v59 =	vld [tilespmem:$0x230];
	v56 =	vadd.s32 v61, v32;
	vm0 =	vmand vm9, vm10;
	v32 =	vadd.s32 v40, v44  }
0xfe: {  	[tilespmem:$0x880] =	vst v54;
	v54 =	vld [tilespmem:$0x290];
	vm7 =	vge.s32 v56, v0;
	vm8 =	vlt.s32 v56, v1;
	v60 =	vadd.s32 v55, v58  }
0xff: {  	[tilespmem:$0x790] =	vst v24;
	v61 =	vld [tilespmem:$0x5B0];
	v22 =	vmul.u32 $0xA00, v55;
	v24 =	vsel vm0, v23, v2;
	vm2 =	vmand vm7, vm8  }
0x100: {  	[tilespmem:$0xE50] =	vst v39;
	vm11 =	vge.s32 v60, v0;
	vm12 =	vlt.s32 v60, v1;
	v39 =	vmul.u32 $0xA00, v62  }
0x101: {  	[tilespmem:$0x7B0] =	vst v28;
	v57 =	vld [tilespmem:$0x610];
	v19 =	vsel vm2, v56, v2;
	v22 =	vadd.s32 v63, v22;
	vm13 =	vmand vm11, vm12  }
0x102: {  	[tilespmem:$0x7F0] =	vst v36;
	v36 =	vmul.u32 $0xA00, v59;
	v56 =	vmul.u32 $0xA00, v51;
	v51 =	vadd.s32 v45, v48  }
0x103: {  	[tilespmem:$0x7E0] =	vst v34;
	v63 =	vld [tilespmem:$0x5C0];
	vm14 =	vge.s32 v22, v0;
	vm15 =	vlt.s32 v22, v1;
	v23 =	vsel vm13, v60, v2  }
0x104: {  	v34 =	vld [tilespmem:$0x630];
	[tilespmem:$0xE40] =	vst v37;
	v60 =	vmul.u32 $0xA00, v54;
	vm6 =	vmand vm14, vm15;
	v37 =	vadd.s32 v61, v36  }
0x105: {  	[tilespmem:$0xF00] =	vst v10;
	v28 =	vmul.u32 $0xA00, v61;
	v10 =	vadd.s32 v49, v56;
	v22 =	vsel vm6, v22, v2  }
0x106: {  	[tilespmem:$0xDE0] =	vst v25;
	vm7 =	vge.s32 v37, v0;
	vm8 =	vlt.s32 v37, v1;
	v61 =	vadd.s32 v57, v60  }
0x107: {  	[tilespmem:$0xDC0] =	vst v2;
	v27 =	vadd.s32 v59, v28;
	vm0 =	vmand vm7, vm8;
	vm8 =	vge.s32 v32, v0  }
0x108: {  	[tilespmem:$0xE60] =	vst v41;
	v41 =	vmul.u32 $0xA00, v63;
	vm9 =	vge.s32 v27, v0;
	vm10 =	vlt.s32 v27, v1  }
0x109: {  	[tilespmem:$0x7A0] =	vst v26;
	v36 =	vld [tilespmem:$0x2C0];
	v25 =	vadd.s32 v63, v39;
	v26 =	vsel vm0, v37, v2;
	v39 =	vmul.u32 $0xA00, v34  }
0x10a: {  	[tilespmem:$0xDE0] =	vst v2;
	v52 =	vld [tilespmem:$0x300];
	vm11 =	vmand vm9, vm10;
	vm12 =	vge.s32 v25, v0;
	vm13 =	vlt.s32 v25, v1  }
0x10b: {  	[tilespmem:$0xE10] =	vst v31;
	vm9 =	vlt.s32 v32, v1;
	vm10 =	vge.s32 v30, v0;
	v28 =	vadd.s32 v62, v41  }
0x10c: {  	[tilespmem:$0xE30] =	vst v35;
	v27 =	vsel vm11, v27, v2;
	vm6 =	vmand vm12, vm13;
	vm0 =	vmand vm8, vm9  }
0x10d: {  	[tilespmem:$0x860] =	vst v50;
	vm11 =	vlt.s32 v30, v1;
	vm13 =	vge.s32 v33, v0;
	vm8 =	vlt.s32 v6, v1  }
0x10e: {  	[tilespmem:$0x890] =	vst v5;
	vm9 =	vge.s32 v7, v0;
	v62 =	vmul.u32 $0xA00, v57;
	v40 =	vmul.u32 $0xA00, v36  }
0x10f: {  	[tilespmem:$0x8A0] =	vst v9;
	v59 =	vld [tilespmem:$0x620];
	v57 =	vmul.u32 $0xA00, v52;
	vm14 =	vge.s32 v28, v0;
	vm15 =	vlt.s32 v28, v1  }
0x110: {  	[tilespmem:$0xEF0] =	vst v12;
	v49 =	vld [tilespmem:$0x2F0];
	v25 =	vsel vm6, v25, v2;
	v5 =	vsel vm0, v32, v2;
	vm12 =	vmand vm10, vm11  }
0x111: {  	[tilespmem:$0x8E0] =	vst v16;
	vm6 =	vlt.s32 v29, v1;
	vm10 =	vlt.s32 v7, v1;
	vm11 =	vge.s32 v8, v0  }
0x112: {  	[tilespmem:$0x8D0] =	vst v13;
	v63 =	vld [tilespmem:$0x2B0];
	vm7 =	vmand vm14, vm15;
	vm14 =	vlt.s32 v33, v1;
	v50 =	vsel vm12, v30, v2  }
0x113: {  	[tilespmem:$0xF20] =	vst v15;
	v37 =	vld [tilespmem:$0x640];
	vm1 =	vmand vm5, vm6;
	vm12 =	vlt.s32 v8, v1;
	vm0 =	vmand vm9, vm10  }
0x114: {  	[tilespmem:$0xF10] =	vst v14;
	vm6 =	vge.s32 v61, v0;
	v12 =	vadd.s32 v54, v62;
	v35 =	vmul.u32 $0xA00, v59  }
0x115: {  	[tilespmem:$0x8F0] =	vst v17;
	v54 =	vmul.u32 $0xA00, v49;
	v28 =	vsel vm7, v28, v2;
	vm15 =	vmand vm13, vm14  }
0x116: {  	[tilespmem:$0xF30] =	vst v18;
	v58 =	vld [tilespmem:$0x2A0];
	vm7 =	vge.s32 v6, v0;
	v29 =	vsel vm1, v29, v2;
	vm13 =	vmand vm11, vm12  }
0x117: {  	[tilespmem:$0xF40] =	vst v20;
	vm14 =	vge.s32 v10, v0;
	v7 =	vsel vm0, v7, v2;
	vm9 =	vlt.s32 v12, v1  }
0x118: {  	[tilespmem:$0x900] =	vst v21;
	v38 =	vmul.u32 $0xA00, v63;
	v17 =	vadd.s32 v63, v39;
	v20 =	vadd.s32 v37, v40  }
0x119: {  	[tilespmem:$0xF50] =	vst v24;
	v16 =	vmul.u32 $0xA00, v37;
	vm2 =	vmand vm7, vm8;
	v55 =	vsel vm15, v33, v2  }
0x11a: {  	[tilespmem:$0x910] =	vst v19;
	v41 =	vld [tilespmem:$0x2D0];
	vm15 =	vlt.s32 v10, v1;
	v8 =	vsel vm13, v8, v2;
	vm7 =	vlt.s32 v61, v1  }
0x11b: {  	v53 =	vld [tilespmem:$0x680];
	[tilespmem:$0x920] =	vst v23;
	v33 =	vmul.u32 $0xA00, v58;
	vm8 =	vge.s32 v12, v0;
	v13 =	vadd.s32 v58, v35  }
0x11c: {  	[tilespmem:$0xF60] =	vst v22;
	v6 =	vsel vm2, v6, v2;
	vm5 =	vmand vm14, vm15;
	vm0 =	vmand vm6, vm7  }
0x11d: {  	[tilespmem:$0x930] =	vst v26;
	vm10 =	vmand vm8, vm9;
	vm13 =	vge.s32 v13, v0;
	vm14 =	vlt.s32 v13, v1  }
0x11e: {  	[tilespmem:$0xF70] =	vst v27;
	v19 =	vadd.s32 v34, v38;
	vm7 =	vge.s32 v17, v0;
	vm8 =	vlt.s32 v17, v1  }
0x11f: {  	v56 =	vld [tilespmem:$0x310];
	[tilespmem:$0xFB0] =	vst v7;
	v16 =	vadd.s32 v36, v16;
	v44 =	vmul.u32 $0xA00, v41;
	v7 =	vadd.s32 v41, v46  }
0x120: {  	[tilespmem:$0x980] =	vst v8;
	v8 =	vadd.s32 v53, v57;
	v10 =	vsel vm5, v10, v2;
	v14 =	vadd.s32 v59, v33  }
0x121: {  	[tilespmem:$0x940] =	vst v25;
	v15 =	vsel vm0, v61, v2;
	v12 =	vsel vm10, v12, v2;
	vm4 =	vmand vm13, vm14  }
0x122: {  	[tilespmem:$0x950] =	vst v5;
	vm5 =	vge.s32 v19, v0;
	vm6 =	vlt.s32 v19, v1;
	vm9 =	vmand vm7, vm8  }
0x123: {  	[tilespmem:$0xF90] =	vst v50;
	vm10 =	vge.s32 v20, v0;
	vm13 =	vlt.s32 v16, v1;
	vm7 =	vlt.s32 v7, v1  }
0x124: {  	v50 =	vld [tilespmem:$0x670];
	[tilespmem:$0xF80] =	vst v28;
	v61 =	vmul.u32 $0xA00, v56;
	vm11 =	vge.s32 v14, v0;
	vm12 =	vlt.s32 v14, v1  }
0x125: {  	[tilespmem:$0xFA0] =	vst v29;
	v13 =	vsel vm4, v13, v2;
	vm0 =	vmand vm5, vm6;
	v9 =	vadd.s32 v42, v44  }
0x126: {  	[tilespmem:$0x970] =	vst v6;
	v6 =	vsel vm9, v17, v2;
	vm6 =	vge.s32 v7, v0;
	vm9 =	vge.s32 v51, v0  }
0x127: {  	[tilespmem:$0xFD0] =	vst v12;
	v12 =	vmul.u32 $0xA00, v53;
	vm15 =	vmand vm11, vm12;
	v5 =	vsel vm0, v19, v2  }
0x128: {  	[tilespmem:$0x960] =	vst v55;
	vm11 =	vlt.s32 v20, v1;
	vm12 =	vge.s32 v16, v0;
	vm14 =	vge.s32 v9, v0  }
0x129: {  	[tilespmem:$0xFC0] =	vst v10;
	vm8 =	vmand vm6, vm7;
	v55 =	vmul.u32 $0xA00, v50;
	vm6 =	vge.s32 v8, v0  }
0x12a: {  	[tilespmem:$0x990] =	vst v15;
	vm7 =	vlt.s32 v8, v1;
	v14 =	vsel vm15, v14, v2;
	vm1 =	vmand vm10, vm11  }
0x12b: {  	[tilespmem:$0xFE0] =	vst v13;
	vm2 =	vmand vm12, vm13;
	vm15 =	vlt.s32 v9, v1;
	vm10 =	vlt.s32 v51, v1  }
0x12c: {  	[tilespmem:$0xFF0] =	vst v6;
	v7 =	vsel vm8, v7, v2;
	vm12 =	vge.s32 v11, v0;
	vm13 =	vlt.s32 v11, v1  }
0x12d: {  	v59 =	vld [tilespmem:$0x690];
	[tilespmem:$0x9B0] =	vst v5;
	v5 =	vadd.s32 v50, v54;
	v60 =	vadd.s32 v52, v12;
	v47 =	vsel vm1, v20, v2  }
0x12e: {  	v16 =	vsel vm2, v16, v2;
	vm0 =	vmand vm14, vm15;
	vm11 =	vmand vm9, vm10;
	[tilespmem:$0x9A0] =	vst v14  }
0x12f: {  	v58 =	vadd.s32 v49, v55;
	vm14 =	vge.s32 v5, v0;
	vm15 =	vlt.s32 v5, v1;
	[tilespmem:$0x1010] =	vst v7  }
0x130: {  	vm8 =	vge.s32 v60, v0;
	vm9 =	vlt.s32 v60, v1;
	v9 =	vsel vm0, v9, v2;
	[tilespmem:$0x9C0] =	vst v47  }
0x131: {  	v10 =	vsel vm11, v51, v2;
	vm0 =	vmand vm12, vm13;
	[tilespmem:$0x1000] =	vst v16;
	vm4 =	vge.s32 v58, v0  }
0x132: {  	vm5 =	vlt.s32 v58, v1;
	v62 =	vadd.s32 v59, v61;
	v63 =	vmul.u32 $0xA00, v59;
	[tilespmem:$0x9D0] =	vst v9  }
0x133: {  	vm10 =	vmand vm8, vm9;
	v6 =	vsel vm0, v11, v2;
	vm0 =	vmand vm14, vm15;
	[tilespmem:$0x9E0] =	vst v10  }
0x134: {  	vm1 =	vmand vm4, vm5;
	vm11 =	vge.s32 v62, v0;
	v5 =	vsel vm0, v5, v2;
	[tilespmem:$0x1020] =	vst v6  }
0x135: {  	vm12 =	vlt.s32 v62, v1;
	v7 =	vsel vm1, v58, v2;
	vm0 =	vmand vm6, vm7;
	[tilespmem:$0x9F0] =	vst v5  }
0x136: {  	v5 =	vadd.s32 v56, v63;
	v6 =	vsel vm0, v8, v2;
	[tilespmem:$0x1030] =	vst v7;
	v7 =	vsel vm10, v60, v2  }
0x137: {  	vm0 =	vmand vm11, vm12;
	[tilespmem:$0xA00] =	vst v6;
	vm13 =	vge.s32 v5, v0;
	vm14 =	vlt.s32 v5, v1  }
0x138: {  	v6 =	vsel vm0, v62, v2;
	[tilespmem:$0x1040] =	vst v7;
	vm15 =	vmand vm13, vm14  }
0x139: {  	[tilespmem:$0xA10] =	vst v6;
	v5 =	vsel vm15, v5, v2  }
0x13a: {  	[tilespmem:$0x1050] =	vst v5  }
0x13b: {  	_ =	swait.ge [sflag:s6], $0x2000  }
0x13c: {  	[sflag:s6] =	ssyncset.done $0x0  }
0x13d: {  	[sflag:s6] =	ssyncadd.s32 $0xFFFFE000  }
0x13e: {  	_ =	swait.ge [sflag:s6], $0x2000  }
0x13f: {  	[sflag:s6] =	ssyncset.done $0x0  }
0x140: {  	[sflag:s6] =	ssyncadd.s32 $0xFFFFE000  }
0x141: {  	_ =	swait.ge [sflag:s6], $0x2000  }
0x142: {  	[sflag:s6] =	ssyncset.done $0x0  }
0x143: {  	[sflag:s6] =	ssyncadd.s32 $0xFFFFE000  }
0x144: {  	_ =	swait.ge [sflag:s6], $0x2000  }
0x145: {  	[sflag:s6] =	ssyncset.done $0x0  }
0x146: {  	[sflag:s6] =	ssyncadd.s32 $0xFFFFE000  }
0x147: {  	_ =	swait.ge [sflag:s6], $0x2000  }
0x148: {  	[sflag:s6] =	ssyncset.done $0x0  }
0x149: {  	[sflag:s6] =	ssyncadd.s32 $0xFFFFE000  }
0x14a: {  	_ =	swait.ge [sflag:s6], $0x2000  }
0x14b: {  	[sflag:s6] =	ssyncset.done $0x0  }
0x14c: {  	[sflag:s6] =	ssyncadd.s32 $0xFFFFE000  }
0x14d: {  	_ =	swait.ge [sflag:s6], $0x2000  }
0x14e: {  	[sflag:s6] =	ssyncset.done $0x0  }
0x14f: {  	[sflag:s6] =	ssyncadd.s32 $0xFFFFE000  }
0x150: {  	_ =	swait.ge [sflag:s6], $0x2000  }
0x151: {  	[sflag:s6] =	ssyncset.done $0x0  }
0x152: {  	[sflag:s6] =	ssyncadd.s32 $0xFFFFE000  }
0x153: {  	_ =	swait.ge [sflag:s6], $0x2000  }
0x154: {  	[sflag:s6] =	ssyncset.done $0x0  }
0x155: {  	[sflag:s6] =	ssyncadd.s32 $0xFFFFE000  }
0x156: {  	_ =	swait.ge [sflag:s6], $0x2000  }
0x157: {  	[sflag:s6] =	ssyncset.done $0x0  }
0x158: {  	[sflag:s6] =	ssyncadd.s32 $0xFFFFE000  }
0x159: {  	_ =	swait.ge [sflag:s6], $0x2000  }
0x15a: {  	[sflag:s6] =	ssyncset.done $0x0  }
0x15b: {  	[sflag:s6] =	ssyncadd.s32 $0xFFFFE000  }
0x15c: {  	_ =	swait.ge [sflag:s6], $0x2000  }
0x15d: {  	[sflag:s6] =	ssyncset.done $0x0  }
0x15e: {  	[sflag:s6] =	ssyncadd.s32 $0xFFFFE000  }
0x15f: {  	_ =	swait.ge [sflag:s6], $0x2000  }
0x160: {  	[sflag:s6] =	ssyncset.done $0x0  }
0x161: {  	[sflag:s6] =	ssyncadd.s32 $0xFFFFE000  }
0x162: {  	_ =	swait.ge [sflag:s6], $0x2000  }
0x163: {  	[sflag:s6] =	ssyncset.done $0x0  }
0x164: {  	[sflag:s6] =	ssyncadd.s32 $0xFFFFE000  }
0x165: {  	_ =	swait.ge [sflag:s6], $0x2000  }
0x166: {  	[sflag:s6] =	ssyncset.done $0x0  }
0x167: {  	[sflag:s6] =	ssyncadd.s32 $0xFFFFE000  }
0x168: {  	_ =	swait.ge [sflag:s6], $0x2000  }
0x169: {  	[sflag:s6] =	ssyncset.done $0x0  }
0x16a: {  	[sflag:s6] =	ssyncadd.s32 $0xFFFFE000  }
0x16b: {  	_ =	swait.ge [sflag:s6], $0x2000  }
0x16c: {  	[sflag:s6] =	ssyncset.done $0x0  }
0x16d: {  	[sflag:s6] =	ssyncadd.s32 $0xFFFFE000  }
0x16e: {  	_ =	swait.ge [sflag:s6], $0x2000  }
0x16f: {  	[sflag:s6] =	ssyncset.done $0x0  }
0x170: {  	[sflag:s6] =	ssyncadd.s32 $0xFFFFE000  }
0x171: {  	_ =	swait.ge [sflag:s6], $0x2000  }
0x172: {  	[sflag:s6] =	ssyncset.done $0x0  }
0x173: {  	[sflag:s6] =	ssyncadd.s32 $0xFFFFE000  }
0x174: {  	_ =	swait.ge [sflag:s6], $0x2000  }
0x175: {  	[sflag:s6] =	ssyncset.done $0x0  }
0x176: {  	[sflag:s6] =	ssyncadd.s32 $0xFFFFE000  }
0x177: {  	_ =	swait.ge [sflag:s6], $0x2000  }
0x178: {  	[sflag:s6] =	ssyncset.done $0x0  }
0x179: {  	[sflag:s6] =	ssyncadd.s32 $0xFFFFE000  }
0x17a: {  	_ =	swait.ge [sflag:s6], $0x2000  }
0x17b: {  	[sflag:s6] =	ssyncset.done $0x0  }
0x17c: {  	[sflag:s6] =	ssyncadd.s32 $0xFFFFE000  }
0x17d: {  	_ =	swait.ge [sflag:s6], $0x2000  }
0x17e: {  	[sflag:s6] =	ssyncset.done $0x0  }
0x17f: {  	[sflag:s6] =	ssyncadd.s32 $0xFFFFE000  }
0x180: {  	_ =	swait.ge [sflag:s6], $0x2000  }
0x181: {  	[sflag:s6] =	ssyncset.done $0x0  }
0x182: {  	[sflag:s6] =	ssyncadd.s32 $0xFFFFE000  }
0x183: {  	_ =	swait.ge [sflag:s6], $0x2000  }
0x184: {  	[sflag:s6] =	ssyncset.done $0x0  }
0x185: {  	[sflag:s6] =	ssyncadd.s32 $0xFFFFE000  }
0x186: {  	s12 =	simm.s32 $0x700;
	[bflag:$0x0] =	sbarrier.arrive $0xFFFF  }
0x187: {  	[hbm4b:s3+s7] =	stream.indirect.scatter [tilespmem:s8], [sflag:$0x2], $0x1, s12, s7, $0xb8;
	[tilespmem:$0x2F80] =	vst v63  }
0x188: {  	s12 =	simm.s32 $0x780  }
0x189: {  	[hbm4b:s3+s7] =	stream.indirect.scatter [tilespmem:s8], [sflag:$0x2], $0x1, s12, s7, $0xb8;
	[tilespmem:$0x2F80] =	vst v63  }
0x18a: {  	s12 =	simm.s32 $0x800  }
0x18b: {  	[hbm4b:s3+s7] =	stream.indirect.scatter [tilespmem:s8], [sflag:$0x2], $0x1, s12, s7, $0xb8;
	[tilespmem:$0x2F80] =	vst v63  }
0x18c: {  	s12 =	simm.s32 $0x880  }
0x18d: {  	[hbm4b:s3+s7] =	stream.indirect.scatter [tilespmem:s8], [sflag:$0x2], $0x1, s12, s7, $0xb8;
	[tilespmem:$0x2F80] =	vst v63  }
0x18e: {  	s12 =	simm.s32 $0x900  }
0x18f: {  	[hbm4b:s3+s7] =	stream.indirect.scatter [tilespmem:s8], [sflag:$0x2], $0x1, s12, s7, $0xb8;
	[tilespmem:$0x2F80] =	vst v63  }
0x190: {  	s12 =	simm.s32 $0x980  }
0x191: {  	[hbm4b:s3+s7] =	stream.indirect.scatter [tilespmem:s8], [sflag:$0x2], $0x1, s12, s7, $0xb8;
	[tilespmem:$0x2F80] =	vst v63  }
0x192: {  	s12 =	simm.s32 $0xA00  }
0x193: {  	[hbm4b:s3+s7] =	stream.indirect.scatter [tilespmem:s8], [sflag:$0x2], $0x1, s12, s7, $0xb8;
	[tilespmem:$0x2F80] =	vst v63  }
0x194: {  	s12 =	simm.s32 $0xA80  }
0x195: {  	[hbm4b:s3+s7] =	stream.indirect.scatter [tilespmem:s8], [sflag:$0x2], $0x1, s12, s7, $0xb8;
	[tilespmem:$0x2F80] =	vst v63  }
0x196: {  	s12 =	simm.s32 $0xB00  }
0x197: {  	[hbm4b:s3+s7] =	stream.indirect.scatter [tilespmem:s8], [sflag:$0x2], $0x1, s12, s7, $0xb8;
	[tilespmem:$0x2F80] =	vst v63  }
0x198: {  	s12 =	simm.s32 $0xB80  }
0x199: {  	[hbm4b:s3+s7] =	stream.indirect.scatter [tilespmem:s8], [sflag:$0x2], $0x1, s12, s7, $0xb8;
	[tilespmem:$0x2F80] =	vst v63  }
0x19a: {  	s12 =	simm.s32 $0xC00  }
0x19b: {  	[hbm4b:s3+s7] =	stream.indirect.scatter [tilespmem:s8], [sflag:$0x2], $0x1, s12, s7, $0xb8;
	[tilespmem:$0x2F80] =	vst v63  }
0x19c: {  	s12 =	simm.s32 $0xC80  }
0x19d: {  	[hbm4b:s3+s7] =	stream.indirect.scatter [tilespmem:s8], [sflag:$0x2], $0x1, s12, s7, $0xb8;
	[tilespmem:$0x2F80] =	vst v63  }
0x19e: {  	s12 =	simm.s32 $0xD00  }
0x19f: {  	[hbm4b:s3+s7] =	stream.indirect.scatter [tilespmem:s8], [sflag:$0x2], $0x1, s12, s7, $0xb8;
	[tilespmem:$0x2F80] =	vst v63  }
0x1a0: {  	s12 =	simm.s32 $0xD80  }
0x1a1: {  	[hbm4b:s3+s7] =	stream.indirect.scatter [tilespmem:s8], [sflag:$0x2], $0x1, s12, s7, $0xb8;
	[tilespmem:$0x2F80] =	vst v63  }
0x1a2: {  	_ =	swait.ge [sflag:s9], $0x80  }
0x1a3: {  	[sflag:s9] =	ssyncset.done $0x0  }
0x1a4: {  	[sflag:s9] =	ssyncadd.s32 $0xFFFFFF80  }
0x1a5: {  	_ =	swait.ge [sflag:s9], $0x80  }
0x1a6: {  	[sflag:s9] =	ssyncset.done $0x0  }
0x1a7: {  	[sflag:s9] =	ssyncadd.s32 $0xFFFFFF80  }
0x1a8: {  	_ =	swait.ge [sflag:s9], $0x80  }
0x1a9: {  	[sflag:s9] =	ssyncset.done $0x0  }
0x1aa: {  	[sflag:s9] =	ssyncadd.s32 $0xFFFFFF80  }
0x1ab: {  	_ =	swait.ge [sflag:s9], $0x80  }
0x1ac: {  	[sflag:s9] =	ssyncset.done $0x0  }
0x1ad: {  	[sflag:s9] =	ssyncadd.s32 $0xFFFFFF80  }
0x1ae: {  	_ =	swait.ge [sflag:s9], $0x80  }
0x1af: {  	[sflag:s9] =	ssyncset.done $0x0  }
0x1b0: {  	[sflag:s9] =	ssyncadd.s32 $0xFFFFFF80  }
0x1b1: {  	_ =	swait.ge [sflag:s9], $0x80  }
0x1b2: {  	[sflag:s9] =	ssyncset.done $0x0  }
0x1b3: {  	[sflag:s9] =	ssyncadd.s32 $0xFFFFFF80  }
0x1b4: {  	_ =	swait.ge [sflag:s9], $0x80  }
0x1b5: {  	[sflag:s9] =	ssyncset.done $0x0  }
0x1b6: {  	[sflag:s9] =	ssyncadd.s32 $0xFFFFFF80  }
0x1b7: {  	_ =	swait.ge [sflag:s9], $0x80  }
0x1b8: {  	[sflag:s9] =	ssyncset.done $0x0  }
0x1b9: {  	[sflag:s9] =	ssyncadd.s32 $0xFFFFFF80  }
0x1ba: {  	_ =	swait.ge [sflag:s9], $0x80  }
0x1bb: {  	[sflag:s9] =	ssyncset.done $0x0  }
0x1bc: {  	[sflag:s9] =	ssyncadd.s32 $0xFFFFFF80  }
0x1bd: {  	_ =	swait.ge [sflag:s9], $0x80  }
0x1be: {  	[sflag:s9] =	ssyncset.done $0x0  }
0x1bf: {  	[sflag:s9] =	ssyncadd.s32 $0xFFFFFF80  }
0x1c0: {  	_ =	swait.ge [sflag:s9], $0x80  }
0x1c1: {  	[sflag:s9] =	ssyncset.done $0x0  }
0x1c2: {  	[sflag:s9] =	ssyncadd.s32 $0xFFFFFF80  }
0x1c3: {  	_ =	swait.ge [sflag:s9], $0x80  }
0x1c4: {  	[sflag:s9] =	ssyncset.done $0x0  }
0x1c5: {  	s10 =	sadd.s32 $0x1, s10;
	[sflag:s9] =	ssyncadd.s32 $0xFFFFFF80  }
0x1c6: {  	p0 =	sne.s32 s10, s23;
	_ =	swait.ge [sflag:s9], $0x80  }
.Ltmp1:
0x1c7: {  	[sflag:s9] =	ssyncset.done $0x0;
	(pc) =	sbr.rel @p0 .LBB2_1-.Ltmp1, $4  }
0x1c8: {  	[sflag:s9] =	ssyncadd.s32 $0xFFFFFF80  }
0x1c9: {  	_ =	swait.ge [sflag:s9], $0x80  }
0x1ca: {  	[sflag:s9] =	ssyncset.done $0x0  }
0x1cb: {  	[sflag:s9] =	ssyncadd.s32 $0xFFFFFF80  }
0x1cc: {  	_ =	sfence.sel $0x180000  }
0x1cd: {  	[bflag:$0x0] =	sbarrier.arrive $0xFFFF  }
0x1ce: {  	_ =	strace $0x9000004A  }
0x1cf: {  	s0 =	stileid.u32;
	[bflag:$0x2] =	sbarrier.arrive $0xFFFF  }
0x1d0: {  	p0 =	sne.s32 s0, $0x0;
	s0 =	rddreg [dreg:$0x1]  }
0x1d1: {  	s0 =	sadd.s32 @!p0 $0x100000, s0  }
0x1d2: {  	[sflag:s0] =	ssyncadd.tile.s32 @!p0 $0x1;
	_ =	shalt  }
.Lfunc_end2:
_tile_overlayer_lowered:
.L_overlay_start_2:
0x1d3: {  	(tag) =	ssettag $0x2  }
0x1d4: {  	s0 =	rddreg [dreg:$0x0];
	s2 =	stileid.u32  }
0x1d5: {  	s1 =	rddreg [dreg:$0x1];
	p0 =	sne.s32 s2, $0x0  }
0x1d6: {  	s3 =	rddreg [dreg:$0x2];
	[bflag:$0x3] =	sbarrier.arrive $0xFFFF;
	s2 =	simm.s32 @!p0 $0x1C03  }
0x1d7: {  	[timem:s3], [sflag:s2] =	dma.local @!p0 [hbm:s0], s1  }
0x1d8: {  	s0 =	simm.s32 @!p0 $0x3  }
0x1d9: {  	_ =	swait.ge @!p0 [sflag:s0], s1  }
0x1da: {  	s1 =	ssub.s32 @!p0 $0x0, s1;
	[sflag:s0] =	ssyncset.done @!p0 $0x0  }
0x1db: {  	[sflag:s0] =	ssyncadd.s32 @!p0 s1  }
0x1dc: {  	[bflag:$0x3] =	sbarrier.arrive $0xFFFF  }
0x1dd: {  	_ =	shalt  }

// kernel: kernel.7.cloned.1.call-start
scs
__scs_entry_jumppad:
0x0: {  	(pc) =	sbr.rel $0x88, $3  }
0x1: {  	(tag) =	ssettag $0x0;
	lr =	simm.s32 $0x1  }
0x2: {  	[smem:$0x3F8F] =	sst lr;
	_ =	strace $0xD0000000  }
0x3: {  	_ = 	snop  }
0x4: {  	_ = 	snop  }
0x5: {  	_ = 	snop  }
0x6: {  	_ = 	snop  }
0x7: {  	_ = 	snop  }
__scs_overlays_trampoline_lowered:
0x8: {  	[smem:$0x3F9E] =	sst s0  }
0x9: {  	[smem:$0x3F9F] =	sst s1  }
0xa: {  	[smem:$0x3FA0] =	sst s2  }
0xb: {  	[smem:$0x3FA1] =	sst s3  }
0xc: {  	[smem:$0x3FA2] =	sst s4  }
0xd: {  	[smem:$0x3FA3] =	sst s5  }
0xe: {  	[smem:$0x3FA4] =	sst s6  }
0xf: {  	[smem:$0x3FA5] =	sst s7  }
0x10: {  	[smem:$0x3FA6] =	sst s8  }
0x11: {  	[smem:$0x3FA7] =	sst s9;
	s0 =	simm.s32 @!p0 $0x0  }
0x12: {  	s1 =	sld [smem:$0x3F8D];
	s0 =	simm.s32 @p0 $0x1  }
0x13: {  	[smem:$0x3FA8] =	sst s0;
	s0 =	simm.s32 @!p1 $0x0  }
0x14: {  	s2 =	sld [smem:$0x3F8C];
	s0 =	simm.s32 @p1 $0x1  }
0x15: {  	[smem:$0x3FA9] =	sst s0;
	s0 =	simm.s32 @!p2 $0x0  }
0x16: {  	s3 =	sld [smem:$0x3FDB];
	s0 =	simm.s32 @p2 $0x1  }
0x17: {  	s4 =	simm.s32 $0x1BF5;
	[smem:$0x3FAB] =	sst s0  }
0x18: {  	s0 =	sld [smem:$0x3F8E];
	_ =	swait.ge [sflag:s4], $0x0  }
0x19: {  	s7 =	sld [smem:$0x3F8F]  }
0x1a: {  	s8 =	sadd.s32 $0xFFFFE003, lr  }
0x1b: {  	s9 =	sadd.s32 $0xFFFFFEF7, lr;
	s5 =	simm.s32 $0xFFFFFFFF;
	p2 =	slt.u32 s8, $0xFFFFF086  }
0x1c: {  	p1 =	slt.u32 s9, $0xF7A;
	s5 =	simm.s32 @!p2 $0x0  }
0x1d: {  	s5 =	simm.s32 @p1 $0x1;
	p0 =	seq.s32 s7, s2  }
0x1e: {  	s7 =	smul.u32 @!p0 $0xF7A, s2;
	p2 =	seq.s32 @!p0 s5, $0x0  }
0x1f: {  	s9 =	smul.u32 $0xF7A, s1;
	s8 =	simm.s32 @!p0 $0x1BF5;
	p2 =	por !p2, p0  }
0x20: {  	[sflag:s8] =	ssyncset.s32 @!p0 $0xFFFFF086;
	s6 =	sadd.s32 @!p0 s3, s7;
	s7 =	simm.s32 @!p0 $0x108  }
0x21: {  	s3 =	sadd.s32 s3, s9;
	s6 =	sadd.s32 @!p0 $0x88, s6;
	s7 =	simm.s32 @p2 $0x1082  }
0x22: {  	[simem:s7], [sflag:s8] =	dma.local @!p0 [hbm:s6], $0xF7A  }
0x23: {  	s9 =	sor.u32 $0xD0000000, s2;
	s6 =	simm.s32 $0x108;
	_ =	swait.ge @!p0 [sflag:s8], $0x0  }
0x24: {  	s3 =	sadd.s32 $0x88, s3;
	s6 =	simm.s32 @!p1 $0x1082;
	[sflag:s4] =	ssyncset.s32 $0xFFFFF086  }
0x25: {  	[simem:s6], [sflag:s4] =	dma.local [hbm:s3], $0xF7A  }
0x26: {  	[smem:$0x3F8F] =	sst s1;
	(tag) =	ssettag s2;
	_ =	strace s9  }
0x27: {  	s1 =	sld [smem:$0x3F9F]  }
0x28: {  	s2 =	sld [smem:$0x3FA0]  }
0x29: {  	s4 =	sld [smem:$0x3FA2]  }
0x2a: {  	p0 =	seq.s32 s5, $0x0;
	s5 =	sld [smem:$0x3FA3]  }
0x2b: {  	s6 =	sld [smem:$0x3FA4]  }
0x2c: {  	s7 =	sld [smem:$0x3FA5]  }
0x2d: {  	s3 =	simm.s32 $0x108;
	s8 =	sld [smem:$0x3FA6]  }
0x2e: {  	s3 =	simm.s32 @!p0 $0x1082;
	s9 =	sld [smem:$0x3FA7]  }
0x2f: {  	lr =	sadd.s32 s0, s3;
	s0 =	sld [smem:$0x3F9E]  }
0x30: {  	s3 =	sld [smem:$0x3FA1]  }
0x31: {  	[smem:$0x3FAA] =	sst s10  }
0x32: {  	s10 =	sld [smem:$0x3FA8];
	_ =	sdelay $0x3  }
0x33: {  	p0 =	seq.s32 s10, $0x1;
	s10 =	sld [smem:$0x3FAA];
	_ =	sdelay $0x3  }
0x34: {  	[smem:$0x3FAA] =	sst s10  }
0x35: {  	s10 =	sld [smem:$0x3FA9];
	_ =	sdelay $0x3  }
0x36: {  	p1 =	seq.s32 s10, $0x1;
	s10 =	sld [smem:$0x3FAA];
	_ =	sdelay $0x3  }
0x37: {  	[smem:$0x3FAA] =	sst s10  }
0x38: {  	s10 =	sld [smem:$0x3FAB]  }
0x39: {  	_ = 	snop;
	(pc) =	sbr.ind lr, $3  }
0x3a: {  	_ = 	snop  }
0x3b: {  	_ = 	snop  }
0x3c: {  	p2 =	seq.s32 s10, $0x1;
	s10 =	sld [smem:$0x3FAA]  }
0x3d: {  	_ =	shalt  }
0x3e: {  	_ =	shalt  }
0x3f: {  	_ =	shalt  }
0x40: {  	_ =	shalt  }
0x41: {  	_ =	shalt  }
0x42: {  	_ =	shalt  }
0x43: {  	_ =	shalt  }
0x44: {  	_ =	shalt  }
0x45: {  	_ =	shalt  }
0x46: {  	_ =	shalt  }
0x47: {  	_ =	shalt  }
0x48: {  	_ =	shalt  }
0x49: {  	_ =	shalt  }
0x4a: {  	_ =	shalt  }
0x4b: {  	_ =	shalt  }
0x4c: {  	_ =	shalt  }
0x4d: {  	_ =	shalt  }
0x4e: {  	_ =	shalt  }
0x4f: {  	_ =	shalt  }
0x50: {  	_ =	shalt  }
0x51: {  	_ =	shalt  }
0x52: {  	_ =	shalt  }
0x53: {  	_ =	shalt  }
0x54: {  	_ =	shalt  }
0x55: {  	_ =	shalt  }
0x56: {  	_ =	shalt  }
0x57: {  	_ =	shalt  }
0x58: {  	_ =	shalt  }
0x59: {  	_ =	shalt  }
0x5a: {  	_ =	shalt  }
0x5b: {  	_ =	shalt  }
0x5c: {  	_ =	shalt  }
0x5d: {  	_ =	shalt  }
0x5e: {  	_ =	shalt  }
0x5f: {  	_ =	shalt  }
0x60: {  	_ =	shalt  }
0x61: {  	_ =	shalt  }
0x62: {  	_ =	shalt  }
0x63: {  	_ =	shalt  }
0x64: {  	_ =	shalt  }
0x65: {  	_ =	shalt  }
0x66: {  	_ =	shalt  }
0x67: {  	_ =	shalt  }
0x68: {  	_ =	shalt  }
0x69: {  	_ =	shalt  }
0x6a: {  	_ =	shalt  }
0x6b: {  	_ =	shalt  }
0x6c: {  	_ =	shalt  }
0x6d: {  	_ =	shalt  }
0x6e: {  	_ =	shalt  }
0x6f: {  	_ =	shalt  }
0x70: {  	_ =	shalt  }
0x71: {  	_ =	shalt  }
0x72: {  	_ =	shalt  }
0x73: {  	_ =	shalt  }
0x74: {  	_ =	shalt  }
0x75: {  	_ =	shalt  }
0x76: {  	_ =	shalt  }
0x77: {  	_ =	shalt  }
0x78: {  	_ =	shalt  }
0x79: {  	_ =	shalt  }
0x7a: {  	_ =	shalt  }
0x7b: {  	_ =	shalt  }
0x7c: {  	_ =	shalt  }
0x7d: {  	_ =	shalt  }
0x7e: {  	_ =	shalt  }
0x7f: {  	_ =	shalt  }
0x80: {  	_ =	shalt  }
0x81: {  	_ =	shalt  }
0x82: {  	_ =	shalt  }
0x83: {  	_ =	shalt  }
0x84: {  	_ =	shalt  }
0x85: {  	_ =	shalt  }
0x86: {  	_ =	shalt  }
0x87: {  	_ =	shalt  }
.Lfunc_end0:
.L_simem_size_0:
called_computation_lowered:
.L_overlay_start_0:
0x88: {  	s2 =	sld [smem:$0x3FD9]  }
0x89: {  	s3 =	sld [smem:$0x3FFE];
	_ =	sdelay $0x1  }
0x8a: {  	s1 =	srdreg.scid  }
0x8b: {  	s0 =	sand.u32 $0x1, s1  }
0x8c: {  	s16 =	sshll.u32 s0, $0xA;
	s2 =	sadd.s32 s3, s2  }
0x8d: {  	s2 =	sadd.s32 s2, s16  }
0x8e: {  	[smem:$0x3FB6] =	sst s2  }
0x8f: {  	_ = 	snop  }
0x90: {  	(tm) =	ssettm $0x1  }
0x91: {  	s17 =	sld [smem:$0x3FFB];
	_ =	sdelay $0x3  }
0x92: {  	_ =	strace s17  }
0x93: {  	s2 =	sld [smem:$0x3FFC];
	_ =	sdelay $0x3  }
0x94: {  	_ =	strace s2  }
0x95: {  	s2 =	sld [smem:$0x3FFD];
	_ =	sdelay $0x3  }
0x96: {  	_ =	strace s2  }
0x97: {  	_ =	strace $0x8FFFFFFF  }
0x98: {  	s18 =	sld [smem:$0x3FDB];
	_ =	sdelay $0x1  }
0x99: {  	s19 =	simm.s32 $_scs_section_size  }
0x9a: {  	s4 =	simm.s32 $_size__tile_overlayer_lowered;
	s5 =	simm.s32 $_tile_overlayer_lowered  }
0x9b: {  	s22 =	simm.s32 $0x1BFF;
	s21 =	sshll.u32 s5, $0x1;
	s2 =	sadd.s32 s19, s18  }
0x9c: {  	s6 =	simm.s32 $0x0;
	s20 =	sshll.u32 s4, $0x1;
	s4 =	sadd.s32 s21, s2  }
0x9d: {  	[timem:s6], [sflag:s22] =	dma.local [hbm:s4], s20  }
0x9e: {  	_ =	swait.ge [sflag:s22], s20  }
0x9f: {  	s3 =	ssub.s32 $0x0, s20;
	[sflag:s22] =	ssyncset.done $0x0  }
0xa0: {  	[sflag:s22] =	ssyncadd.s32 s3;
	_ =	sdelay $0x1  }
0xa1: {  	s23 =	simm.s32 $0x1B8B  }
0xa2: {  	_ =	swait.ge [sflag:s23], $0x1  }
0xa3: {  	[sflag:s23] =	ssyncset.done $0x0  }
0xa4: {  	s25 =	simm.s32 $0x1B8E;
	s24 =	sld [smem:$0x3FFE];
	[sflag:s23] =	ssyncadd.s32 $0xFFFFFFFF  }
0xa5: {  	s26 =	simm.s32 $execute0_lowered;
	[smem:$0x3FD2] =	sst s25  }
0xa6: {  	s4 =	sshll.u32 s26, $0x1;
	_ =	strace $0x80000046;
	[dreg:$0x1] =	wrdreg $0xFFFFFFFF  }
0xa7: {  	s28 =	simm.s32 $_size_execute0_lowered;
	s2 =	sadd.s32 s2, s4;
	[dreg:$0x0] =	wrdreg $0x0  }
0xa8: {  	s4 =	sshll.u32 s28, $0x1;
	[dreg:$0x2] =	wrdreg s2  }
0xa9: {  	[dreg:$0x3] =	wrdreg s4  }
0xaa: {  	[dreg:$0x4] =	wrdreg $0xC0  }
0xab: {  	_ =	task [dreg:s6], $0x5FFFF  }
0xac: {  	[dreg:$0x1] =	wrdreg $0xFFFFFFFF  }
0xad: {  	[dreg:$0x0] =	wrdreg $0x60  }
0xae: {  	[dreg:$0x2] =	wrdreg s24  }
0xaf: {  	[dreg:$0x3] =	wrdreg $0x9  }
0xb0: {  	_ =	task.clear_ibuf [dreg:s6], $0x4FFFF;
	_ =	strace $0x90000046  }
0xb1: {  	s29 =	simm.s32 $0x9;
	_ =	strace $0x80000048  }
0xb2: {  	_ =	swait.ge [sflag:s29], $0x1  }
0xb3: {  	[sflag:s29] =	ssyncadd.s32 $0xFFFFFFFF  }
0xb4: {  	_ =	strace $0x90000048  }
0xb5: {  	_ =	sfence  }
0xb6: {  	s30 =	sld [smem:$0x0];
	_ =	sdelay $0x2  }
0xb7: {  	s31 =	sshll.u32 s1, $0xD;
	s1 =	sshrl.u32 s1, $0x2  }
0xb8: {  	s3 =	sand.u32 $0x4000, s31;
	s1 =	sadd.s32 s1, s30  }
0xb9: {  	s0 =	sor.u32 s3, s0;
	s1 =	sshll.u32 s1, $0x11  }
0xba: {  	s0 =	sor.u32 s1, s0  }
0xbb: {  	s0 =	sadd.s32 $0x8F2B, s0  }
0xbc: {  	[sflag:s0] =	ssyncadd.remote.s32 $0x1  }
0xbd: {  	_ =	sfence.sel $0xFFFF  }
0xbe: {  	[dreg:$0x0] =	wrdreg $0xFFFFFFFF;
	(pc) =	sbr.abs _section_cstart, $3  }
0xbf: {  	[dreg:$0x1] =	wrdreg $0xFFFFFFFF  }
0xc0: {  	_ =	task.clear_ibuf [dreg:s6], $0x2FFFF;
	_ =	strace $0x9FFFFFFF  }
0xc1: {  	(tm) =	ssettm $0x7FFFFFFF  }
tec
execute0_lowered:
.L_overlay_start_1:
0x0: {  	(tag) =	ssettag $0x1  }
0x1: {  	s1 =	srdreg.scid;
	s0 =	stileid.u32  }
0x2: {  	s26 =	sand.u32 $0x1, s1;
	s31 =	sshll.u32 s0, $0x1  }
0x3: {  	s28 =	sor.u32 s26, s31  }
0x4: {  	s25 =	rddreg [dreg:$0x0];
	s3 =	smul.u32 $0x82, s28  }
0x5: {  	s2 =	simm.s32 $0x0;
	s1 =	rddreg [dreg:$0x1]  }
0x6: {  	[smem:$0x7FF] =	sst s2;
	s3 =	sadd.s32 s3, s25  }
0x7: {  	_ =	strace $0x80000047;
	s4 =	sadd.s32 $0x2400, s3;
	s3 =	simm.s32 $0x2  }
0x8: {  	[tilespmem:s2], [sflag:$0x2] =	stream.linear.gather [hbm4b:s4+s2], $0x410, $0x38;
	[tilespmem:$0x1AA90] =	vst v63  }
0x9: {  	_ =	swait.ge [sflag:s3], $0x410  }
0xa: {  	s6 =	simm.s32 $0x80;
	[sflag:s3] =	ssyncset.done $0x0  }
0xb: {  	s7 =	simm.s32 $0x410;
	s5 =	sadd.s32 $0x188E00, s25;
	[sflag:s3] =	ssyncadd.s32 $0xFFFFFBF0  }
0xc: {  	[tilespmem:s7], [sflag:$0x1] =	stream.indirect.gather [hbm4b:s5+s6], $0x64, s2, s6, $0xb8;
	[tilespmem:$0x1AA90] =	vst v63  }
0xd: {  	s8 =	simm.s32 $0x3810  }
0xe: {  	[tilespmem:s8], [sflag:$0x1] =	stream.indirect.gather [hbm4b:s5+s6], $0x64, s6, s6, $0xb8;
	[tilespmem:$0x1AA90] =	vst v63  }
0xf: {  	s9 =	simm.s32 $0x100;
	s10 =	simm.s32 $0x6C10  }
0x10: {  	[tilespmem:s10], [sflag:$0x1] =	stream.indirect.gather [hbm4b:s5+s6], $0x64, s9, s6, $0xb8;
	[tilespmem:$0x1AA90] =	vst v63  }
0x11: {  	s11 =	simm.s32 $0x180;
	s12 =	simm.s32 $0xA010  }
0x12: {  	[tilespmem:s12], [sflag:$0x1] =	stream.indirect.gather [hbm4b:s5+s6], $0x64, s11, s6, $0xb8;
	[tilespmem:$0x1AA90] =	vst v63  }
0x13: {  	s13 =	simm.s32 $0x200;
	s14 =	simm.s32 $0xD410  }
0x14: {  	[tilespmem:s14], [sflag:$0x1] =	stream.indirect.gather [hbm4b:s5+s6], $0x64, s13, s6, $0xb8;
	[tilespmem:$0x1AA90] =	vst v63  }
0x15: {  	s15 =	simm.s32 $0x280;
	s16 =	simm.s32 $0x10810  }
0x16: {  	[tilespmem:s16], [sflag:$0x1] =	stream.indirect.gather [hbm4b:s5+s6], $0x64, s15, s6, $0xb8;
	[tilespmem:$0x1AA90] =	vst v63  }
0x17: {  	s17 =	simm.s32 $0x300;
	s18 =	simm.s32 $0x13C10  }
0x18: {  	[tilespmem:s18], [sflag:$0x1] =	stream.indirect.gather [hbm4b:s5+s6], $0x64, s17, s6, $0xb8;
	[tilespmem:$0x1AA90] =	vst v63  }
0x19: {  	s19 =	simm.s32 $0x380;
	s20 =	simm.s32 $0x17010;
	s21 =	simm.s32 $0x10  }
0x1a: {  	[tilespmem:s20], [sflag:$0x1] =	stream.indirect.gather [hbm4b:s5+s6], $0x64, s19, s6, $0xb8;
	[tilespmem:$0x1AA90] =	vst v63  }
0x1b: {  	s22 =	simm.s32 $0x400;
	s23 =	simm.s32 $0x1A410;
	s24 =	simm.s32 $0x1  }
0x1c: {  	[tilespmem:s23], [sflag:$0x1] =	stream.indirect.gather [hbm4b:s5+s21], $0x64, s22, s21, $0xb8;
	[tilespmem:$0x1AA90] =	vst v63  }
0x1d: {  	_ =	swait.ge [sflag:s24], $0x3200  }
0x1e: {  	[sflag:s24] =	ssyncset.done $0x0  }
0x1f: {  	[sflag:s24] =	ssyncadd.s32 $0xFFFFCE00  }
0x20: {  	_ =	swait.ge [sflag:s24], $0x3200  }
0x21: {  	[sflag:s24] =	ssyncset.done $0x0  }
0x22: {  	[sflag:s24] =	ssyncadd.s32 $0xFFFFCE00  }
0x23: {  	_ =	swait.ge [sflag:s24], $0x3200  }
0x24: {  	[sflag:s24] =	ssyncset.done $0x0  }
0x25: {  	[sflag:s24] =	ssyncadd.s32 $0xFFFFCE00  }
0x26: {  	_ =	swait.ge [sflag:s24], $0x3200  }
0x27: {  	[sflag:s24] =	ssyncset.done $0x0  }
0x28: {  	[sflag:s24] =	ssyncadd.s32 $0xFFFFCE00  }
0x29: {  	_ =	swait.ge [sflag:s24], $0x3200  }
0x2a: {  	[sflag:s24] =	ssyncset.done $0x0  }
0x2b: {  	[sflag:s24] =	ssyncadd.s32 $0xFFFFCE00  }
0x2c: {  	_ =	swait.ge [sflag:s24], $0x3200  }
0x2d: {  	[sflag:s24] =	ssyncset.done $0x0  }
0x2e: {  	[sflag:s24] =	ssyncadd.s32 $0xFFFFCE00  }
0x2f: {  	_ =	swait.ge [sflag:s24], $0x3200  }
0x30: {  	[sflag:s24] =	ssyncset.done $0x0  }
0x31: {  	s26 =	ssub.s32 $0x2, s26;
	[sflag:s24] =	ssyncadd.s32 $0xFFFFCE00  }
0x32: {  	s29 =	sshrl.u32 s26, $0x1;
	_ =	swait.ge [sflag:s24], $0x3200  }
0x33: {  	s26 =	ssub.s32 s26, s29;
	[sflag:s24] =	ssyncset.done $0x0  }
0x34: {  	s28 =	smul.u32 $0x34D0, s28;
	s26 =	smax.u32 s26, $0x1;
	[sflag:s24] =	ssyncadd.s32 $0xFFFFCE00  }
0x35: {  	p0 =	sne.s32 s26, $0x1;
	_ =	swait.ge [sflag:s24], $0x640  }
.Ltmp0:
0x36: {  	s25 =	sadd.s32 s28, s25;
	[sflag:s24] =	ssyncset.done $0x0;
	(pc) =	sbr.rel @!p0 .LBB2_2-.Ltmp0, $4  }
0x37: {  	s25 =	sadd.s32 $0x3600, s25;
	[sflag:s24] =	ssyncadd.s32 $0xFFFFF9C0  }
0x38: {  	[hbm4b:s25+s2] =	stream.linear.scatter [tilespmem:s7], [sflag:$0x2], $0x1A680, $0x38;
	[tilespmem:$0x1AA90] =	vst v63  }
0x39: {  	_ =	swait.ge [sflag:s3], $0x1A680  }
0x3a: {  	s26 =	sadd.s32 $0xFFFFFFFF, s26;
	[sflag:s3] =	ssyncset.done $0x0  }
.LBB2_1:
0x3b: {  	p0 =	sne.s32 s26, $0x1;
	s26 =	sadd.s32 $0xFFFFFFFF, s26;
	[sflag:s3] =	ssyncadd.s32 $0xFFFE5980  }
0x3c: {  	[tilespmem:s2], [sflag:$0x2] =	stream.linear.gather [hbm4b:s4+s2], $0x410, $0x38;
	[tilespmem:$0x1AA90] =	vst v63  }
0x3d: {  	_ =	swait.ge [sflag:s3], $0x410  }
0x3e: {  	[sflag:s3] =	ssyncset.done $0x0  }
0x3f: {  	[sflag:s3] =	ssyncadd.s32 $0xFFFFFBF0  }
0x40: {  	[tilespmem:s7], [sflag:$0x1] =	stream.indirect.gather [hbm4b:s5+s6], $0x64, s2, s6, $0xb8;
	[tilespmem:$0x1AA90] =	vst v63  }
0x41: {  	_ = 	snop  }
0x42: {  	[tilespmem:s8], [sflag:$0x1] =	stream.indirect.gather [hbm4b:s5+s6], $0x64, s6, s6, $0xb8;
	[tilespmem:$0x1AA90] =	vst v63  }
0x43: {  	_ = 	snop  }
0x44: {  	[tilespmem:s10], [sflag:$0x1] =	stream.indirect.gather [hbm4b:s5+s6], $0x64, s9, s6, $0xb8;
	[tilespmem:$0x1AA90] =	vst v63  }
0x45: {  	_ = 	snop  }
0x46: {  	[tilespmem:s12], [sflag:$0x1] =	stream.indirect.gather [hbm4b:s5+s6], $0x64, s11, s6, $0xb8;
	[tilespmem:$0x1AA90] =	vst v63  }
0x47: {  	_ = 	snop  }
0x48: {  	[tilespmem:s14], [sflag:$0x1] =	stream.indirect.gather [hbm4b:s5+s6], $0x64, s13, s6, $0xb8;
	[tilespmem:$0x1AA90] =	vst v63  }
0x49: {  	_ = 	snop  }
0x4a: {  	[tilespmem:s16], [sflag:$0x1] =	stream.indirect.gather [hbm4b:s5+s6], $0x64, s15, s6, $0xb8;
	[tilespmem:$0x1AA90] =	vst v63  }
0x4b: {  	_ = 	snop  }
0x4c: {  	[tilespmem:s18], [sflag:$0x1] =	stream.indirect.gather [hbm4b:s5+s6], $0x64, s17, s6, $0xb8;
	[tilespmem:$0x1AA90] =	vst v63  }
0x4d: {  	_ = 	snop  }
0x4e: {  	[tilespmem:s20], [sflag:$0x1] =	stream.indirect.gather [hbm4b:s5+s6], $0x64, s19, s6, $0xb8;
	[tilespmem:$0x1AA90] =	vst v63  }
0x4f: {  	_ = 	snop  }
0x50: {  	[tilespmem:s23], [sflag:$0x1] =	stream.indirect.gather [hbm4b:s5+s21], $0x64, s22, s21, $0xb8;
	[tilespmem:$0x1AA90] =	vst v63  }
0x51: {  	_ =	swait.ge [sflag:s24], $0x3200  }
0x52: {  	[sflag:s24] =	ssyncset.done $0x0  }
0x53: {  	[sflag:s24] =	ssyncadd.s32 $0xFFFFCE00  }
0x54: {  	_ =	swait.ge [sflag:s24], $0x3200  }
0x55: {  	[sflag:s24] =	ssyncset.done $0x0  }
0x56: {  	[sflag:s24] =	ssyncadd.s32 $0xFFFFCE00  }
0x57: {  	_ =	swait.ge [sflag:s24], $0x3200  }
0x58: {  	[sflag:s24] =	ssyncset.done $0x0  }
0x59: {  	[sflag:s24] =	ssyncadd.s32 $0xFFFFCE00  }
0x5a: {  	_ =	swait.ge [sflag:s24], $0x3200  }
0x5b: {  	[sflag:s24] =	ssyncset.done $0x0  }
0x5c: {  	[sflag:s24] =	ssyncadd.s32 $0xFFFFCE00  }
0x5d: {  	_ =	swait.ge [sflag:s24], $0x3200  }
0x5e: {  	[sflag:s24] =	ssyncset.done $0x0  }
0x5f: {  	[sflag:s24] =	ssyncadd.s32 $0xFFFFCE00  }
0x60: {  	_ =	swait.ge [sflag:s24], $0x3200  }
0x61: {  	[sflag:s24] =	ssyncset.done $0x0  }
0x62: {  	[sflag:s24] =	ssyncadd.s32 $0xFFFFCE00  }
0x63: {  	_ =	swait.ge [sflag:s24], $0x3200  }
0x64: {  	[sflag:s24] =	ssyncset.done $0x0  }
0x65: {  	[sflag:s24] =	ssyncadd.s32 $0xFFFFCE00  }
0x66: {  	_ =	swait.ge [sflag:s24], $0x3200  }
0x67: {  	[sflag:s24] =	ssyncset.done $0x0  }
0x68: {  	[sflag:s24] =	ssyncadd.s32 $0xFFFFCE00  }
0x69: {  	_ =	swait.ge [sflag:s24], $0x640  }
.Ltmp1:
0x6a: {  	[sflag:s24] =	ssyncset.done $0x0;
	(pc) =	sbr.rel @p0 .LBB2_1-.Ltmp1, $4  }
0x6b: {  	[sflag:s24] =	ssyncadd.s32 $0xFFFFF9C0  }
0x6c: {  	[hbm4b:s25+s2] =	stream.linear.scatter [tilespmem:s7], [sflag:$0x2], $0x1A680, $0x38;
	[tilespmem:$0x1AA90] =	vst v63  }
0x6d: {  	_ =	swait.ge [sflag:s3], $0x1A680  }
0x6e: {  	[sflag:s3] =	ssyncset.done $0x0  }
.LBB2_2:
0x6f: {  	[sflag:s3] =	ssyncadd.s32 $0xFFFE5980  }
0x70: {  	_ =	sfence.sel $0x180000  }
0x71: {  	[bflag:$0x0] =	sbarrier.arrive $0xFFFF  }
0x72: {  	p0 =	sne.s32 s0, $0x0;
	_ =	strace $0x90000047  }
0x73: {  	s0 =	sadd.s32 @!p0 $0x100000, s1;
	[bflag:$0x2] =	sbarrier.arrive $0xFFFF  }
0x74: {  	[sflag:s0] =	ssyncadd.tile.s32 @!p0 $0x1;
	_ =	shalt  }
.Lfunc_end2:
_tile_overlayer_lowered:
.L_overlay_start_2:
0x75: {  	(tag) =	ssettag $0x2  }
0x76: {  	s0 =	rddreg [dreg:$0x0];
	s2 =	stileid.u32  }
0x77: {  	s1 =	rddreg [dreg:$0x1];
	p0 =	sne.s32 s2, $0x0  }
0x78: {  	s3 =	rddreg [dreg:$0x2];
	[bflag:$0x3] =	sbarrier.arrive $0xFFFF;
	s2 =	simm.s32 @!p0 $0x1C02  }
0x79: {  	[timem:s3], [sflag:s2] =	dma.local @!p0 [hbm:s0], s1  }
0x7a: {  	s0 =	simm.s32 @!p0 $0x2  }
0x7b: {  	_ =	swait.ge @!p0 [sflag:s0], s1  }
0x7c: {  	s1 =	ssub.s32 @!p0 $0x0, s1;
	[sflag:s0] =	ssyncset.done @!p0 $0x0  }
0x7d: {  	[sflag:s0] =	ssyncadd.s32 @!p0 s1  }
0x7e: {  	[bflag:$0x3] =	sbarrier.arrive $0xFFFF  }
0x7f: {  	_ =	shalt  }

</sc_bundles>
